<compile_context>
chip_gen: v7x
topology: tpu7x:2x2x1
jax: 0.10.2.dev20260603
libtpu: 0.0.44.dev20260713+nightly
codegen_flags: <defaults>
</compile_context>

<pallas_src>
import functools

import jax
import jax.numpy as jnp
from jax import lax
from jax.experimental import pallas as pl
from jax.experimental.pallas import tpu as pltpu
from jax.experimental.pallas import tpu_sc as plsc

N = 10000
E = 320000
D = 128
DE = 16
DH = 256
EPS = 1e-7
H = 64
CH = 40
ROWS = E // CH
NTILES = 16
RP = 8192
RPT = RP // NTILES
SUP = 32
NSUP = RPT // SUP
NP = 10112
NPT = NP // NTILES


_EB = 2000


def _edge_mm_body(ea_ref, w_ref, out_ref):
    out_ref[...] = jnp.dot(ea_ref[...], w_ref[0],
                           preferred_element_type=jnp.float32)


def _edge_mm(edge_attr, w_split):
    nblk = E // _EB
    return pl.pallas_call(
        _edge_mm_body,
        grid=(2, nblk),
        in_specs=[
            pl.BlockSpec((_EB, DE), lambda h, i: (i, 0)),
            pl.BlockSpec((1, DE, H), lambda h, i: (h, 0, 0)),
        ],
        out_specs=pl.BlockSpec((_EB, H), lambda h, i: (h * nblk + i, 0)),
        out_shape=jax.ShapeDtypeStruct((2 * E, H), jnp.float32),
    )(edge_attr, w_split)




def _sc_body(x, e2, srcm, dstm, out, acc, src_v, dst_v, xg_v, e_v,
             stage_v, isem0, isem1, gsem0, gsem1, ssem0, ssem1):
    cid = lax.axis_index("c")
    sid = lax.axis_index("s")
    isems = (isem0, isem1)
    gsems = (gsem0, gsem1)
    ssems = (ssem0, ssem1)
    foff = cid * H

    def _z_body(i, _):
        def _zrow(j, _):
            stage_v[0, j, pl.ds(i * 16, 16)] = jnp.zeros((16,), jnp.float32)
            stage_v[1, j, pl.ds(i * 16, 16)] = jnp.zeros((16,), jnp.float32)
            return _
        return lax.fori_loop(0, CH, _zrow, _, unroll=8)
    lax.fori_loop(0, 8, _z_body, None)
    zoff = 0
    while zoff < NPT:
        step = min(CH, NPT - zoff)
        pltpu.sync_copy(stage_v.at[0, pl.ds(0, step)],
                        acc.at[pl.ds(sid * NPT + zoff, step)])
        zoff += step
    plsc.subcore_barrier()

    start = sid * RPT

    def _idx_start(slot, sp):
        r0 = sid * RPT + sp * SUP
        pltpu.make_async_copy(srcm.at[pl.ds(r0, SUP)], src_v.at[slot],
                              isems[slot]).start()
        pltpu.make_async_copy(dstm.at[pl.ds(r0, SUP)], dst_v.at[slot],
                              isems[slot]).start()

    def _idx_wait(slot):
        pltpu.make_async_copy(srcm.at[pl.ds(0, SUP)], src_v.at[slot],
                              isems[slot]).wait()
        pltpu.make_async_copy(dstm.at[pl.ds(0, SUP)], dst_v.at[slot],
                              isems[slot]).wait()

    def _fetch(slot, islot, lr, r):
        re = jnp.minimum(r, ROWS - 1)
        pltpu.make_async_copy(x.at[src_v.at[islot, lr]], xg_v.at[slot],
                              gsems[slot]).start()
        pltpu.make_async_copy(e2.at[pl.ds(cid * E + re * CH, CH)],
                              e_v.at[slot], gsems[slot]).start()

    def _wait_fetch(slot, islot, lr, r):
        re = jnp.minimum(r, ROWS - 1)
        pltpu.make_async_copy(x.at[src_v.at[islot, lr]], xg_v.at[slot],
                              gsems[slot]).wait()
        pltpu.make_async_copy(e2.at[pl.ds(cid * E + re * CH, CH)],
                              e_v.at[slot], gsems[slot]).wait()

    def _process(slot, islot, lr):
        def _edge(eid, _):
            for g in range(4):
                xr = xg_v[slot, eid, pl.ds(foff + g * 16, 16)]
                er = e_v[slot, eid, pl.ds(g * 16, 16)]
                msg = jnp.maximum(xr + er, 0.0) + EPS
                w = jnp.exp(msg)
                stage_v[slot, eid, pl.ds(g * 16, 16)] = w
                stage_v[slot, eid, pl.ds(H + g * 16, 16)] = w * msg
            return _
        lax.fori_loop(0, CH, _edge, None, unroll=2)
        pltpu.make_async_copy(stage_v.at[slot], acc.at[dst_v.at[islot, lr]],
                              ssems[slot]).start(add=True)

    def _wait_scatter(slot, islot):
        pltpu.make_async_copy(stage_v.at[slot], acc.at[dst_v.at[islot, 0]],
                              ssems[slot]).wait()

    _idx_start(0, 0)

    def _super(sp, islot):
        r0 = start + sp * SUP
        _idx_wait(islot)

        @pl.when(sp + 1 < NSUP)
        def _():
            _idx_start(1 - islot, sp + 1)
        _fetch(0, islot, 0, r0)

        def _pair(i, _):
            lr = 2 * i
            r = r0 + lr
            _fetch(1, islot, lr + 1, r + 1)
            _wait_fetch(0, islot, lr, r)

            @pl.when(i > 0)
            def _():
                _wait_scatter(0, islot)
            _process(0, islot, lr)

            @pl.when(i + 1 < SUP // 2)
            def _():
                _fetch(0, islot, lr + 2, r + 2)
            _wait_fetch(1, islot, lr + 1, r + 1)

            @pl.when(i > 0)
            def _():
                _wait_scatter(1, islot)
            _process(1, islot, lr + 1)
            return _

        lax.fori_loop(0, SUP // 2, _pair, None)
        _wait_scatter(0, islot)
        _wait_scatter(1, islot)

    def _superpair(k, _):
        _super(2 * k, 0)
        _super(2 * k + 1, 1)
        return _

    lax.fori_loop(0, NSUP // 2, _superpair, None)
    plsc.subcore_barrier()

    pltpu.sync_copy(acc.at[pl.ds(sid * NPT, NPT)],
                    out.at[pl.ds(cid * NP + sid * NPT, NPT)])


def _sc_aggregate(x, e2, srcm, dstm):
    mesh = plsc.VectorSubcoreMesh(core_axis_name="c", subcore_axis_name="s")
    kern = pl.kernel(
        _sc_body,
        out_type=jax.ShapeDtypeStruct((2 * NP, 2 * H), jnp.float32),
        mesh=mesh,
        scratch_types=[
            pltpu.VMEM_SHARED((NP, 2 * H), jnp.float32),
            pltpu.VMEM((2, SUP, CH), jnp.int32),
            pltpu.VMEM((2, SUP, CH), jnp.int32),
            pltpu.VMEM((2, CH, D), jnp.float32),
            pltpu.VMEM((2, CH, H), jnp.float32),
            pltpu.VMEM((2, CH, D), jnp.float32),
            pltpu.SemaphoreType.DMA,
            pltpu.SemaphoreType.DMA,
            pltpu.SemaphoreType.DMA,
            pltpu.SemaphoreType.DMA,
            pltpu.SemaphoreType.DMA,
            pltpu.SemaphoreType.DMA,
        ],
    )
    return kern(x, e2, srcm, dstm)



_NB = 1000


def _mlp_body(x_ref, s_ref, t_ref, w1_ref, b1_ref, w2_ref, b2_ref,
              hr_ref, ps_ref):
    aggr = t_ref[...] / (s_ref[...] + 1e-16)
    h0 = x_ref[...] + aggr
    z = jnp.maximum(jnp.dot(h0, w1_ref[...],
                            preferred_element_type=jnp.float32) + b1_ref[...],
                    0.0)
    z2 = jnp.dot(z, w2_ref[...], preferred_element_type=jnp.float32) + b2_ref[...]
    hr = jnp.maximum(z2, 0.0)
    hr_ref[...] = hr
    su = jnp.sum(hr, axis=0, keepdims=True)
    sq = jnp.sum(hr * hr, axis=0, keepdims=True)
    part = jnp.concatenate([su, sq, jnp.zeros((6, D), jnp.float32)], axis=0)

    @pl.when(pl.program_id(0) == 0)
    def _():
        ps_ref[...] = part

    @pl.when(pl.program_id(0) != 0)
    def _():
        ps_ref[...] = ps_ref[...] + part


def _mlp(x, s, t, W1, b1, W2, b2):
    nblk = N // _NB
    return pl.pallas_call(
        _mlp_body,
        grid=(nblk,),
        in_specs=[
            pl.BlockSpec((_NB, D), lambda i: (i, 0)),
            pl.BlockSpec((_NB, D), lambda i: (i, 0)),
            pl.BlockSpec((_NB, D), lambda i: (i, 0)),
            pl.BlockSpec((D, DH), lambda i: (0, 0)),
            pl.BlockSpec((1, DH), lambda i: (0, 0)),
            pl.BlockSpec((DH, D), lambda i: (0, 0)),
            pl.BlockSpec((1, D), lambda i: (0, 0)),
        ],
        out_specs=[
            pl.BlockSpec((_NB, D), lambda i: (i, 0)),
            pl.BlockSpec((8, D), lambda i: (0, 0)),
        ],
        out_shape=[
            jax.ShapeDtypeStruct((N, D), jnp.float32),
            jax.ShapeDtypeStruct((8, D), jnp.float32),
        ],
    )(x, s, t, W1, b1, W2, b2)




def _bn_body(hr_ref, ps_ref, x_ref, g_ref, b_ref, out_ref):
    mu = ps_ref[0:1, :] / N
    ex2 = ps_ref[1:2, :] / N
    var = ex2 - mu * mu
    inv = lax.rsqrt(var + 1e-5)
    h = (hr_ref[...] - mu) * inv * g_ref[...] + b_ref[...]
    out_ref[...] = x_ref[...] + h


def _bn(hr, ps, x, gamma, beta):
    nblk = N // _NB
    return pl.pallas_call(
        _bn_body,
        grid=(nblk,),
        in_specs=[
            pl.BlockSpec((_NB, D), lambda i: (i, 0)),
            pl.BlockSpec((8, D), lambda i: (0, 0)),
            pl.BlockSpec((_NB, D), lambda i: (i, 0)),
            pl.BlockSpec((1, D), lambda i: (0, 0)),
            pl.BlockSpec((1, D), lambda i: (0, 0)),
        ],
        out_specs=pl.BlockSpec((_NB, D), lambda i: (i, 0)),
        out_shape=jax.ShapeDtypeStruct((N, D), jnp.float32),
    )(hr, ps, x, gamma, beta)




def kernel(x, edge_index, edge_attr, W_edge, W1, b1, W2, b2, bn_gamma, bn_beta):
    w_split = W_edge.reshape(DE, 2, H).transpose(1, 0, 2)
    npad = RP * CH - E
    srcm = jnp.concatenate(
        [edge_index[0], jnp.zeros((npad,), jnp.int32)]).reshape(RP, CH)
    dstm = jnp.concatenate(
        [edge_index[1], jnp.full((npad,), N, jnp.int32)]).reshape(RP, CH)

    e2 = _edge_mm(edge_attr, w_split)
    acc2 = _sc_aggregate(x, e2, srcm, dstm)

    a0, a1 = acc2[:N], acc2[NP:NP + N]
    s = jnp.concatenate([a0[:, :H], a1[:, :H]], axis=1)
    t = jnp.concatenate([a0[:, H:], a1[:, H:]], axis=1)

    hr, ps = _mlp(x, s, t, W1, b1.reshape(1, DH), W2, b2.reshape(1, D))
    return _bn(hr, ps, x, bn_gamma.reshape(1, D), bn_beta.reshape(1, D))

# --- scband reference (transcript-rebuilt; emitter-appended) ---
"""Pipeline reference for scband-genconv-layer-64037962383828 (READ-ONLY COPY).

The authoritative reference and input builder live on the scoring server;
editing this copy changes nothing except your own understanding.
"""

import jax, jax.numpy as jnp
import numpy as np

N = 10000
E = 320000
D = 128
DE = 16
DH = 256
EPS = 1e-7

def setup_inputs(seed: int = 0) -> dict:
    key = jax.random.key(seed)
    ks = jax.random.split(key, 10)
    x = jax.random.normal(ks[0], (N, D), dtype=jnp.float32)
    edge_index = jax.random.randint(ks[1], (2, E), 0, N, dtype=jnp.int32)
    edge_attr = jax.random.normal(ks[2], (E, DE), dtype=jnp.float32)
    # learned params (GENConv-style: edge encoder + post-aggregation MLP + batchnorm affine)
    W_edge = jax.random.normal(ks[3], (DE, D), dtype=jnp.float32) * (1.0 / np.sqrt(DE))
    W1 = jax.random.normal(ks[4], (D, DH), dtype=jnp.float32) * (1.0 / np.sqrt(D))
    b1 = jnp.zeros((DH,), dtype=jnp.float32)
    W2 = jax.random.normal(ks[5], (DH, D), dtype=jnp.float32) * (1.0 / np.sqrt(DH))
    b2 = jnp.zeros((D,), dtype=jnp.float32)
    bn_gamma = jnp.ones((D,), dtype=jnp.float32)
    bn_beta = jnp.zeros((D,), dtype=jnp.float32)
    return {"x": x, "edge_index": edge_index, "edge_attr": edge_attr,
            "W_edge": W_edge, "W1": W1, "b1": b1, "W2": W2, "b2": b2,
            "bn_gamma": bn_gamma, "bn_beta": bn_beta}

def reference(x, edge_index, edge_attr, W_edge, W1, b1, W2, b2, bn_gamma, bn_beta):
    src = edge_index[0]
    dst = edge_index[1]
    # GENConv message: relu(x_j + edge_emb) + eps
    e = edge_attr @ W_edge                       # [E, D]
    msg = jax.nn.relu(x[src] + e) + EPS          # gather on src
    # softmax aggregation per destination node (per-feature)
    m = jax.ops.segment_max(msg, dst, num_segments=N)   # [N, D]
    m = jnp.where(jnp.isfinite(m), m, 0.0)
    ex = jnp.exp(msg - m[dst])
    denom = jax.ops.segment_sum(ex, dst, num_segments=N)  # [N, D]
    alpha = ex / (denom[dst] + 1e-16)
    aggr = jax.ops.segment_sum(alpha * msg, dst, num_segments=N)  # [N, D]
    # post-aggregation MLP
    h = x + aggr
    h = jax.nn.relu(h @ W1 + b1) @ W2 + b2
    # layer: act (relu; dropout=0 in eval)
    h = jax.nn.relu(h)
    # batch norm (training-mode batch stats, affine)
    mu = jnp.mean(h, axis=0, keepdims=True)
    var = jnp.var(h, axis=0, keepdims=True)
    h = (h - mu) / jnp.sqrt(var + 1e-5) * bn_gamma + bn_beta
    # residual
    out = x + h
    return out

if __name__ == "__main__":
    import jax
    _d = setup_inputs()
    print(jax.jit(kernel)(*tuple(_d.values())))

</pallas_src>

<mosaic_0001>
#map = affine_map<(d0, d1) -> (0, 0)>
module attributes {stable_mosaic.version = 14 : i64} {
  func.func @_sc_body(%arg0: i32, %arg1: i32, %arg2: memref<10000x128xf32, #tpu.memory_space<hbm>>, %arg3: memref<640000x64xf32, #tpu.memory_space<hbm>>, %arg4: memref<8192x40xi32, #tpu.memory_space<hbm>>, %arg5: memref<8192x40xi32, #tpu.memory_space<hbm>>, %arg6: memref<20224x128xf32, #tpu.memory_space<hbm>>, %arg7: memref<10112x128xf32, #tpu.memory_space<vmem_shared>>, %arg8: memref<2x32x40xi32, #tpu.memory_space<vmem>>, %arg9: memref<2x32x40xi32, #tpu.memory_space<vmem>>, %arg10: memref<2x40x128xf32, #tpu.memory_space<vmem>>, %arg11: memref<2x40x64xf32, #tpu.memory_space<vmem>>, %arg12: memref<2x40x128xf32, #tpu.memory_space<vmem>>, %arg13: memref<!tpu.dma_semaphore, #tpu.memory_space<semaphore_mem>>, %arg14: memref<!tpu.dma_semaphore, #tpu.memory_space<semaphore_mem>>, %arg15: memref<!tpu.dma_semaphore, #tpu.memory_space<semaphore_mem>>, %arg16: memref<!tpu.dma_semaphore, #tpu.memory_space<semaphore_mem>>, %arg17: memref<!tpu.dma_semaphore, #tpu.memory_space<semaphore_mem>>, %arg18: memref<!tpu.dma_semaphore, #tpu.memory_space<semaphore_mem>>) attributes {dimension_semantics = [#tpu.dimension_semantics<core_parallel>, #tpu.dimension_semantics<subcore_parallel>], iteration_bounds = array<i64: 2, 16>, scalar_prefetch = 0 : i64, scratch_operands = 12 : i64, tpu.core_type = #tpu.core_type<sc_vector_subcore>, window_params = [{transform_indices = #map}, {transform_indices = #map}, {transform_indices = #map}, {transform_indices = #map}, {transform_indices = #map}]} {
    %mul3A = arith.constant 64 : i32
    %mul3A_0 = arith.muli %arg0, %mul3A : i32
    %scan3A = arith.constant 0 : i32
    %scan3A_1 = arith.constant 8 : i32
    %scan3A_2 = arith.addi %scan3A, %scan3A_1 : i32
    %scan3A_3 = arith.constant 1 : i32
    scf.for %scan3A_127 = %scan3A to %scan3A_2 step %scan3A_3  : i32 {
      %scan3A_128 = arith.constant 0 : i32
      %scan3A_129 = arith.constant 40 : i32
      %scan3A_130 = arith.addi %scan3A_128, %scan3A_129 : i32
      %scan3A_131 = arith.constant 8 : i32
      scf.for %scan3A_133 = %scan3A_128 to %scan3A_130 step %scan3A_131  : i32 {
        %broadcast_in_dim3A = arith.constant 0.000000e+00 : f32
        %broadcast_in_dim3A_134 = vector.broadcast %broadcast_in_dim3A : f32 to vector<16xf32>
        %mul3A_135 = arith.constant 16 : i32
        %mul3A_136 = arith.muli %scan3A_127, %mul3A_135 : i32
        %swap3A = arith.constant 0 : i32
        %swap3A_137 = arith.index_cast %swap3A : i32 to index
        %swap3A_138 = arith.index_cast %scan3A_133 : i32 to index
        %swap3A_139 = arith.index_cast %mul3A_136 : i32 to index
        %swap3A_140 = tpu.vector_load %arg12[%swap3A_137, %swap3A_138, %swap3A_139] {strides = array<i32>} : memref<2x40x128xf32, #tpu.memory_space<vmem>>, vector<1x1x16xf32>,
        %swap3A_141 = vector.shape_cast %swap3A_140 : vector<1x1x16xf32> to vector<16xf32>
        %swap3A_142 = vector.shape_cast %broadcast_in_dim3A_134 : vector<16xf32> to vector<1x1x16xf32>
        tpu.vector_store %arg12[%swap3A_137, %swap3A_138, %swap3A_139], %swap3A_142 {strides = array<i32>} : memref<2x40x128xf32, #tpu.memory_space<vmem>>, vector<1x1x16xf32>,
        %broadcast_in_dim3A_143 = arith.constant 0.000000e+00 : f32
        %broadcast_in_dim3A_144 = vector.broadcast %broadcast_in_dim3A_143 : f32 to vector<16xf32>
        %mul3A_145 = arith.constant 16 : i32
        %mul3A_146 = arith.muli %scan3A_127, %mul3A_145 : i32
        %swap3A_147 = arith.constant 1 : i32
        %swap3A_148 = arith.index_cast %swap3A_147 : i32 to index
        %swap3A_149 = arith.index_cast %scan3A_133 : i32 to index
        %swap3A_150 = arith.index_cast %mul3A_146 : i32 to index
        %swap3A_151 = tpu.vector_load %arg12[%swap3A_148, %swap3A_149, %swap3A_150] {strides = array<i32>} : memref<2x40x128xf32, #tpu.memory_space<vmem>>, vector<1x1x16xf32>,
        %swap3A_152 = vector.shape_cast %swap3A_151 : vector<1x1x16xf32> to vector<16xf32>
        %swap3A_153 = vector.shape_cast %broadcast_in_dim3A_144 : vector<16xf32> to vector<1x1x16xf32>
        tpu.vector_store %arg12[%swap3A_148, %swap3A_149, %swap3A_150], %swap3A_153 {strides = array<i32>} : memref<2x40x128xf32, #tpu.memory_space<vmem>>, vector<1x1x16xf32>,
        %scan3A_154 = arith.constant 1 : i32
        %scan3A_155 = arith.addi %scan3A_133, %scan3A_154 : i32
        %broadcast_in_dim3A_156 = arith.constant 0.000000e+00 : f32
        %broadcast_in_dim3A_157 = vector.broadcast %broadcast_in_dim3A_156 : f32 to vector<16xf32>
        %mul3A_158 = arith.constant 16 : i32
        %mul3A_159 = arith.muli %scan3A_127, %mul3A_158 : i32
        %swap3A_160 = arith.constant 0 : i32
        %swap3A_161 = arith.index_cast %swap3A_160 : i32 to index
        %swap3A_162 = arith.index_cast %scan3A_155 : i32 to index
        %swap3A_163 = arith.index_cast %mul3A_159 : i32 to index
        %swap3A_164 = tpu.vector_load %arg12[%swap3A_161, %swap3A_162, %swap3A_163] {strides = array<i32>} : memref<2x40x128xf32, #tpu.memory_space<vmem>>, vector<1x1x16xf32>,
        %swap3A_165 = vector.shape_cast %swap3A_164 : vector<1x1x16xf32> to vector<16xf32>
        %swap3A_166 = vector.shape_cast %broadcast_in_dim3A_157 : vector<16xf32> to vector<1x1x16xf32>
        tpu.vector_store %arg12[%swap3A_161, %swap3A_162, %swap3A_163], %swap3A_166 {strides = array<i32>} : memref<2x40x128xf32, #tpu.memory_space<vmem>>, vector<1x1x16xf32>,
        %broadcast_in_dim3A_167 = arith.constant 0.000000e+00 : f32
        %broadcast_in_dim3A_168 = vector.broadcast %broadcast_in_dim3A_167 : f32 to vector<16xf32>
        %mul3A_169 = arith.constant 16 : i32
        %mul3A_170 = arith.muli %scan3A_127, %mul3A_169 : i32
        %swap3A_171 = arith.constant 1 : i32
        %swap3A_172 = arith.index_cast %swap3A_171 : i32 to index
        %swap3A_173 = arith.index_cast %scan3A_155 : i32 to index
        %swap3A_174 = arith.index_cast %mul3A_170 : i32 to index
        %swap3A_175 = tpu.vector_load %arg12[%swap3A_172, %swap3A_173, %swap3A_174] {strides = array<i32>} : memref<2x40x128xf32, #tpu.memory_space<vmem>>, vector<1x1x16xf32>,
        %swap3A_176 = vector.shape_cast %swap3A_175 : vector<1x1x16xf32> to vector<16xf32>
        %swap3A_177 = vector.shape_cast %broadcast_in_dim3A_168 : vector<16xf32> to vector<1x1x16xf32>
        tpu.vector_store %arg12[%swap3A_172, %swap3A_173, %swap3A_174], %swap3A_177 {strides = array<i32>} : memref<2x40x128xf32, #tpu.memory_space<vmem>>, vector<1x1x16xf32>,
        %scan3A_178 = arith.constant 2 : i32
        %scan3A_179 = arith.addi %scan3A_133, %scan3A_178 : i32
        %broadcast_in_dim3A_180 = arith.constant 0.000000e+00 : f32
        %broadcast_in_dim3A_181 = vector.broadcast %broadcast_in_dim3A_180 : f32 to vector<16xf32>
        %mul3A_182 = arith.constant 16 : i32
        %mul3A_183 = arith.muli %scan3A_127, %mul3A_182 : i32
        %swap3A_184 = arith.constant 0 : i32
        %swap3A_185 = arith.index_cast %swap3A_184 : i32 to index
        %swap3A_186 = arith.index_cast %scan3A_179 : i32 to index
        %swap3A_187 = arith.index_cast %mul3A_183 : i32 to index
        %swap3A_188 = tpu.vector_load %arg12[%swap3A_185, %swap3A_186, %swap3A_187] {strides = array<i32>} : memref<2x40x128xf32, #tpu.memory_space<vmem>>, vector<1x1x16xf32>,
        %swap3A_189 = vector.shape_cast %swap3A_188 : vector<1x1x16xf32> to vector<16xf32>
        %swap3A_190 = vector.shape_cast %broadcast_in_dim3A_181 : vector<16xf32> to vector<1x1x16xf32>
        tpu.vector_store %arg12[%swap3A_185, %swap3A_186, %swap3A_187], %swap3A_190 {strides = array<i32>} : memref<2x40x128xf32, #tpu.memory_space<vmem>>, vector<1x1x16xf32>,
        %broadcast_in_dim3A_191 = arith.constant 0.000000e+00 : f32
        %broadcast_in_dim3A_192 = vector.broadcast %broadcast_in_dim3A_191 : f32 to vector<16xf32>
        %mul3A_193 = arith.constant 16 : i32
        %mul3A_194 = arith.muli %scan3A_127, %mul3A_193 : i32
        %swap3A_195 = arith.constant 1 : i32
        %swap3A_196 = arith.index_cast %swap3A_195 : i32 to index
        %swap3A_197 = arith.index_cast %scan3A_179 : i32 to index
        %swap3A_198 = arith.index_cast %mul3A_194 : i32 to index
        %swap3A_199 = tpu.vector_load %arg12[%swap3A_196, %swap3A_197, %swap3A_198] {strides = array<i32>} : memref<2x40x128xf32, #tpu.memory_space<vmem>>, vector<1x1x16xf32>,
        %swap3A_200 = vector.shape_cast %swap3A_199 : vector<1x1x16xf32> to vector<16xf32>
        %swap3A_201 = vector.shape_cast %broadcast_in_dim3A_192 : vector<16xf32> to vector<1x1x16xf32>
        tpu.vector_store %arg12[%swap3A_196, %swap3A_197, %swap3A_198], %swap3A_201 {strides = array<i32>} : memref<2x40x128xf32, #tpu.memory_space<vmem>>, vector<1x1x16xf32>,
        %scan3A_202 = arith.constant 3 : i32
        %scan3A_203 = arith.addi %scan3A_133, %scan3A_202 : i32
        %broadcast_in_dim3A_204 = arith.constant 0.000000e+00 : f32
        %broadcast_in_dim3A_205 = vector.broadcast %broadcast_in_dim3A_204 : f32 to vector<16xf32>
        %mul3A_206 = arith.constant 16 : i32
        %mul3A_207 = arith.muli %scan3A_127, %mul3A_206 : i32
        %swap3A_208 = arith.constant 0 : i32
        %swap3A_209 = arith.index_cast %swap3A_208 : i32 to index
        %swap3A_210 = arith.index_cast %scan3A_203 : i32 to index
        %swap3A_211 = arith.index_cast %mul3A_207 : i32 to index
        %swap3A_212 = tpu.vector_load %arg12[%swap3A_209, %swap3A_210, %swap3A_211] {strides = array<i32>} : memref<2x40x128xf32, #tpu.memory_space<vmem>>, vector<1x1x16xf32>,
        %swap3A_213 = vector.shape_cast %swap3A_212 : vector<1x1x16xf32> to vector<16xf32>
        %swap3A_214 = vector.shape_cast %broadcast_in_dim3A_205 : vector<16xf32> to vector<1x1x16xf32>
        tpu.vector_store %arg12[%swap3A_209, %swap3A_210, %swap3A_211], %swap3A_214 {strides = array<i32>} : memref<2x40x128xf32, #tpu.memory_space<vmem>>, vector<1x1x16xf32>,
        %broadcast_in_dim3A_215 = arith.constant 0.000000e+00 : f32
        %broadcast_in_dim3A_216 = vector.broadcast %broadcast_in_dim3A_215 : f32 to vector<16xf32>
        %mul3A_217 = arith.constant 16 : i32
        %mul3A_218 = arith.muli %scan3A_127, %mul3A_217 : i32
        %swap3A_219 = arith.constant 1 : i32
        %swap3A_220 = arith.index_cast %swap3A_219 : i32 to index
        %swap3A_221 = arith.index_cast %scan3A_203 : i32 to index
        %swap3A_222 = arith.index_cast %mul3A_218 : i32 to index
        %swap3A_223 = tpu.vector_load %arg12[%swap3A_220, %swap3A_221, %swap3A_222] {strides = array<i32>} : memref<2x40x128xf32, #tpu.memory_space<vmem>>, vector<1x1x16xf32>,
        %swap3A_224 = vector.shape_cast %swap3A_223 : vector<1x1x16xf32> to vector<16xf32>
        %swap3A_225 = vector.shape_cast %broadcast_in_dim3A_216 : vector<16xf32> to vector<1x1x16xf32>
        tpu.vector_store %arg12[%swap3A_220, %swap3A_221, %swap3A_222], %swap3A_225 {strides = array<i32>} : memref<2x40x128xf32, #tpu.memory_space<vmem>>, vector<1x1x16xf32>,
        %scan3A_226 = arith.constant 4 : i32
        %scan3A_227 = arith.addi %scan3A_133, %scan3A_226 : i32
        %broadcast_in_dim3A_228 = arith.constant 0.000000e+00 : f32
        %broadcast_in_dim3A_229 = vector.broadcast %broadcast_in_dim3A_228 : f32 to vector<16xf32>
        %mul3A_230 = arith.constant 16 : i32
        %mul3A_231 = arith.muli %scan3A_127, %mul3A_230 : i32
        %swap3A_232 = arith.constant 0 : i32
        %swap3A_233 = arith.index_cast %swap3A_232 : i32 to index
        %swap3A_234 = arith.index_cast %scan3A_227 : i32 to index
        %swap3A_235 = arith.index_cast %mul3A_231 : i32 to index
        %swap3A_236 = tpu.vector_load %arg12[%swap3A_233, %swap3A_234, %swap3A_235] {strides = array<i32>} : memref<2x40x128xf32, #tpu.memory_space<vmem>>, vector<1x1x16xf32>,
        %swap3A_237 = vector.shape_cast %swap3A_236 : vector<1x1x16xf32> to vector<16xf32>
        %swap3A_238 = vector.shape_cast %broadcast_in_dim3A_229 : vector<16xf32> to vector<1x1x16xf32>
        tpu.vector_store %arg12[%swap3A_233, %swap3A_234, %swap3A_235], %swap3A_238 {strides = array<i32>} : memref<2x40x128xf32, #tpu.memory_space<vmem>>, vector<1x1x16xf32>,
        %broadcast_in_dim3A_239 = arith.constant 0.000000e+00 : f32
        %broadcast_in_dim3A_240 = vector.broadcast %broadcast_in_dim3A_239 : f32 to vector<16xf32>
        %mul3A_241 = arith.constant 16 : i32
        %mul3A_242 = arith.muli %scan3A_127, %mul3A_241 : i32
        %swap3A_243 = arith.constant 1 : i32
        %swap3A_244 = arith.index_cast %swap3A_243 : i32 to index
        %swap3A_245 = arith.index_cast %scan3A_227 : i32 to index
        %swap3A_246 = arith.index_cast %mul3A_242 : i32 to index
        %swap3A_247 = tpu.vector_load %arg12[%swap3A_244, %swap3A_245, %swap3A_246] {strides = array<i32>} : memref<2x40x128xf32, #tpu.memory_space<vmem>>, vector<1x1x16xf32>,
        %swap3A_248 = vector.shape_cast %swap3A_247 : vector<1x1x16xf32> to vector<16xf32>
        %swap3A_249 = vector.shape_cast %broadcast_in_dim3A_240 : vector<16xf32> to vector<1x1x16xf32>
        tpu.vector_store %arg12[%swap3A_244, %swap3A_245, %swap3A_246], %swap3A_249 {strides = array<i32>} : memref<2x40x128xf32, #tpu.memory_space<vmem>>, vector<1x1x16xf32>,
        %scan3A_250 = arith.constant 5 : i32
        %scan3A_251 = arith.addi %scan3A_133, %scan3A_250 : i32
        %broadcast_in_dim3A_252 = arith.constant 0.000000e+00 : f32
        %broadcast_in_dim3A_253 = vector.broadcast %broadcast_in_dim3A_252 : f32 to vector<16xf32>
        %mul3A_254 = arith.constant 16 : i32
        %mul3A_255 = arith.muli %scan3A_127, %mul3A_254 : i32
        %swap3A_256 = arith.constant 0 : i32
        %swap3A_257 = arith.index_cast %swap3A_256 : i32 to index
        %swap3A_258 = arith.index_cast %scan3A_251 : i32 to index
        %swap3A_259 = arith.index_cast %mul3A_255 : i32 to index
        %swap3A_260 = tpu.vector_load %arg12[%swap3A_257, %swap3A_258, %swap3A_259] {strides = array<i32>} : memref<2x40x128xf32, #tpu.memory_space<vmem>>, vector<1x1x16xf32>,
        %swap3A_261 = vector.shape_cast %swap3A_260 : vector<1x1x16xf32> to vector<16xf32>
        %swap3A_262 = vector.shape_cast %broadcast_in_dim3A_253 : vector<16xf32> to vector<1x1x16xf32>
        tpu.vector_store %arg12[%swap3A_257, %swap3A_258, %swap3A_259], %swap3A_262 {strides = array<i32>} : memref<2x40x128xf32, #tpu.memory_space<vmem>>, vector<1x1x16xf32>,
        %broadcast_in_dim3A_263 = arith.constant 0.000000e+00 : f32
        %broadcast_in_dim3A_264 = vector.broadcast %broadcast_in_dim3A_263 : f32 to vector<16xf32>
        %mul3A_265 = arith.constant 16 : i32
        %mul3A_266 = arith.muli %scan3A_127, %mul3A_265 : i32
        %swap3A_267 = arith.constant 1 : i32
        %swap3A_268 = arith.index_cast %swap3A_267 : i32 to index
        %swap3A_269 = arith.index_cast %scan3A_251 : i32 to index
        %swap3A_270 = arith.index_cast %mul3A_266 : i32 to index
        %swap3A_271 = tpu.vector_load %arg12[%swap3A_268, %swap3A_269, %swap3A_270] {strides = array<i32>} : memref<2x40x128xf32, #tpu.memory_space<vmem>>, vector<1x1x16xf32>,
        %swap3A_272 = vector.shape_cast %swap3A_271 : vector<1x1x16xf32> to vector<16xf32>
        %swap3A_273 = vector.shape_cast %broadcast_in_dim3A_264 : vector<16xf32> to vector<1x1x16xf32>
        tpu.vector_store %arg12[%swap3A_268, %swap3A_269, %swap3A_270], %swap3A_273 {strides = array<i32>} : memref<2x40x128xf32, #tpu.memory_space<vmem>>, vector<1x1x16xf32>,
        %scan3A_274 = arith.constant 6 : i32
        %scan3A_275 = arith.addi %scan3A_133, %scan3A_274 : i32
        %broadcast_in_dim3A_276 = arith.constant 0.000000e+00 : f32
        %broadcast_in_dim3A_277 = vector.broadcast %broadcast_in_dim3A_276 : f32 to vector<16xf32>
        %mul3A_278 = arith.constant 16 : i32
        %mul3A_279 = arith.muli %scan3A_127, %mul3A_278 : i32
        %swap3A_280 = arith.constant 0 : i32
        %swap3A_281 = arith.index_cast %swap3A_280 : i32 to index
        %swap3A_282 = arith.index_cast %scan3A_275 : i32 to index
        %swap3A_283 = arith.index_cast %mul3A_279 : i32 to index
        %swap3A_284 = tpu.vector_load %arg12[%swap3A_281, %swap3A_282, %swap3A_283] {strides = array<i32>} : memref<2x40x128xf32, #tpu.memory_space<vmem>>, vector<1x1x16xf32>,
        %swap3A_285 = vector.shape_cast %swap3A_284 : vector<1x1x16xf32> to vector<16xf32>
        %swap3A_286 = vector.shape_cast %broadcast_in_dim3A_277 : vector<16xf32> to vector<1x1x16xf32>
        tpu.vector_store %arg12[%swap3A_281, %swap3A_282, %swap3A_283], %swap3A_286 {strides = array<i32>} : memref<2x40x128xf32, #tpu.memory_space<vmem>>, vector<1x1x16xf32>,
        %broadcast_in_dim3A_287 = arith.constant 0.000000e+00 : f32
        %broadcast_in_dim3A_288 = vector.broadcast %broadcast_in_dim3A_287 : f32 to vector<16xf32>
        %mul3A_289 = arith.constant 16 : i32
        %mul3A_290 = arith.muli %scan3A_127, %mul3A_289 : i32
        %swap3A_291 = arith.constant 1 : i32
        %swap3A_292 = arith.index_cast %swap3A_291 : i32 to index
        %swap3A_293 = arith.index_cast %scan3A_275 : i32 to index
        %swap3A_294 = arith.index_cast %mul3A_290 : i32 to index
        %swap3A_295 = tpu.vector_load %arg12[%swap3A_292, %swap3A_293, %swap3A_294] {strides = array<i32>} : memref<2x40x128xf32, #tpu.memory_space<vmem>>, vector<1x1x16xf32>,
        %swap3A_296 = vector.shape_cast %swap3A_295 : vector<1x1x16xf32> to vector<16xf32>
        %swap3A_297 = vector.shape_cast %broadcast_in_dim3A_288 : vector<16xf32> to vector<1x1x16xf32>
        tpu.vector_store %arg12[%swap3A_292, %swap3A_293, %swap3A_294], %swap3A_297 {strides = array<i32>} : memref<2x40x128xf32, #tpu.memory_space<vmem>>, vector<1x1x16xf32>,
        %scan3A_298 = arith.constant 7 : i32
        %scan3A_299 = arith.addi %scan3A_133, %scan3A_298 : i32
        %broadcast_in_dim3A_300 = arith.constant 0.000000e+00 : f32
        %broadcast_in_dim3A_301 = vector.broadcast %broadcast_in_dim3A_300 : f32 to vector<16xf32>
        %mul3A_302 = arith.constant 16 : i32
        %mul3A_303 = arith.muli %scan3A_127, %mul3A_302 : i32
        %swap3A_304 = arith.constant 0 : i32
        %swap3A_305 = arith.index_cast %swap3A_304 : i32 to index
        %swap3A_306 = arith.index_cast %scan3A_299 : i32 to index
        %swap3A_307 = arith.index_cast %mul3A_303 : i32 to index
        %swap3A_308 = tpu.vector_load %arg12[%swap3A_305, %swap3A_306, %swap3A_307] {strides = array<i32>} : memref<2x40x128xf32, #tpu.memory_space<vmem>>, vector<1x1x16xf32>,
        %swap3A_309 = vector.shape_cast %swap3A_308 : vector<1x1x16xf32> to vector<16xf32>
        %swap3A_310 = vector.shape_cast %broadcast_in_dim3A_301 : vector<16xf32> to vector<1x1x16xf32>
        tpu.vector_store %arg12[%swap3A_305, %swap3A_306, %swap3A_307], %swap3A_310 {strides = array<i32>} : memref<2x40x128xf32, #tpu.memory_space<vmem>>, vector<1x1x16xf32>,
        %broadcast_in_dim3A_311 = arith.constant 0.000000e+00 : f32
        %broadcast_in_dim3A_312 = vector.broadcast %broadcast_in_dim3A_311 : f32 to vector<16xf32>
        %mul3A_313 = arith.constant 16 : i32
        %mul3A_314 = arith.muli %scan3A_127, %mul3A_313 : i32
        %swap3A_315 = arith.constant 1 : i32
        %swap3A_316 = arith.index_cast %swap3A_315 : i32 to index
        %swap3A_317 = arith.index_cast %scan3A_299 : i32 to index
        %swap3A_318 = arith.index_cast %mul3A_314 : i32 to index
        %swap3A_319 = tpu.vector_load %arg12[%swap3A_316, %swap3A_317, %swap3A_318] {strides = array<i32>} : memref<2x40x128xf32, #tpu.memory_space<vmem>>, vector<1x1x16xf32>,
        %swap3A_320 = vector.shape_cast %swap3A_319 : vector<1x1x16xf32> to vector<16xf32>
        %swap3A_321 = vector.shape_cast %broadcast_in_dim3A_312 : vector<16xf32> to vector<1x1x16xf32>
        tpu.vector_store %arg12[%swap3A_316, %swap3A_317, %swap3A_318], %swap3A_321 {strides = array<i32>} : memref<2x40x128xf32, #tpu.memory_space<vmem>>, vector<1x1x16xf32>,
      }
      %scan3A_132 = arith.constant 40 : i32
    }
    %scan3A_4 = arith.constant 8 : i32
    %mul3A_5 = arith.constant 632 : i32
    %mul3A_6 = arith.muli %arg1, %mul3A_5 : i32
    %add3A = arith.constant 0 : i32
    %add3A_7 = arith.addi %mul3A_6, %add3A : i32
    %run_scoped3A = arith.constant 0 : i32
    "tpu.region"() ({
      %run_scoped3A_127 = tpu.sem_alloc : memref<!tpu.dma_semaphore, #tpu.memory_space<semaphore_mem>>
      %dma_start3A_128 = arith.constant 0 : i32
      %dma_start3A_129 = arith.constant 0 : i32
      %dma_start3A_130 = tpu.memref_slice %arg12[%run_scoped3A, %dma_start3A_128, %dma_start3A_129] : memref<2x40x128xf32, #tpu.memory_space<vmem>> -> memref<1x40x128xf32, #tpu.memory_space<vmem>>
      %dma_start3A_131 = tpu.memref_squeeze %dma_start3A_130 : memref<1x40x128xf32, #tpu.memory_space<vmem>> -> memref<40x128xf32, #tpu.memory_space<vmem>>
      %dma_start3A_132 = arith.constant 0 : i32
      %dma_start3A_133 = tpu.memref_slice %arg7[%add3A_7, %dma_start3A_132] : memref<10112x128xf32, #tpu.memory_space<vmem_shared>> -> memref<40x128xf32, #tpu.memory_space<vmem_shared>>
      %dma_start3A_134 = arith.constant 0 : i32
      %dma_start3A_135 = tpu.memref_slice %arg7[%add3A_7, %dma_start3A_134] : memref<10112x128xf32, #tpu.memory_space<vmem_shared>> -> memref<40x128xf32, #tpu.memory_space<vmem_shared>>
      %dma_start3A_136 = arith.constant 0 : i32
      %dma_start3A_137 = arith.constant 0 : i32
      %dma_start3A_138 = tpu.memref_slice %arg12[%run_scoped3A, %dma_start3A_136, %dma_start3A_137] : memref<2x40x128xf32, #tpu.memory_space<vmem>> -> memref<1x40x128xf32, #tpu.memory_space<vmem>>
      %dma_start3A_139 = tpu.memref_squeeze %dma_start3A_138 : memref<1x40x128xf32, #tpu.memory_space<vmem>> -> memref<40x128xf32, #tpu.memory_space<vmem>>
      tpu.enqueue_dma source(%dma_start3A_139 : memref<40x128xf32, #tpu.memory_space<vmem>>) target(%dma_start3A_135 : memref<40x128xf32, #tpu.memory_space<vmem_shared>>) target_semaphore(%run_scoped3A_127 : memref<!tpu.dma_semaphore, #tpu.memory_space<semaphore_mem>>)
      %dma_wait3A = arith.constant 0 : i32
      %dma_wait3A_140 = arith.constant 0 : i32
      %dma_wait3A_141 = tpu.memref_slice %arg12[%run_scoped3A, %dma_wait3A, %dma_wait3A_140] : memref<2x40x128xf32, #tpu.memory_space<vmem>> -> memref<1x40x128xf32, #tpu.memory_space<vmem>>
      %dma_wait3A_142 = tpu.memref_squeeze %dma_wait3A_141 : memref<1x40x128xf32, #tpu.memory_space<vmem>> -> memref<40x128xf32, #tpu.memory_space<vmem>>
      %dma_wait3A_143 = arith.constant 0 : i32
      %dma_wait3A_144 = tpu.memref_slice %arg7[%add3A_7, %dma_wait3A_143] : memref<10112x128xf32, #tpu.memory_space<vmem_shared>> -> memref<40x128xf32, #tpu.memory_space<vmem_shared>>
      %dma_wait3A_145 = arith.constant 0 : i32
      %dma_wait3A_146 = tpu.memref_slice %arg7[%add3A_7, %dma_wait3A_145] : memref<10112x128xf32, #tpu.memory_space<vmem_shared>> -> memref<40x128xf32, #tpu.memory_space<vmem_shared>>
      %dma_wait3A_147 = arith.constant 0 : i32
      %dma_wait3A_148 = arith.constant 0 : i32
      %dma_wait3A_149 = tpu.memref_slice %arg12[%run_scoped3A, %dma_wait3A_147, %dma_wait3A_148] : memref<2x40x128xf32, #tpu.memory_space<vmem>> -> memref<1x40x128xf32, #tpu.memory_space<vmem>>
      %dma_wait3A_150 = tpu.memref_squeeze %dma_wait3A_149 : memref<1x40x128xf32, #tpu.memory_space<vmem>> -> memref<40x128xf32, #tpu.memory_space<vmem>>
      tpu.wait_dma2 semaphore(%run_scoped3A_127 : memref<!tpu.dma_semaphore, #tpu.memory_space<semaphore_mem>>) src(%dma_wait3A_150 : memref<40x128xf32, #tpu.memory_space<vmem>>) dst(%dma_wait3A_146 : memref<40x128xf32, #tpu.memory_space<vmem_shared>>)
      tpu.yield
    }) : () -> ()
    %mul3A_8 = arith.constant 632 : i32
    %mul3A_9 = arith.muli %arg1, %mul3A_8 : i32
    %add3A_10 = arith.constant 40 : i32
    %add3A_11 = arith.addi %mul3A_9, %add3A_10 : i32
    %run_scoped3A_12 = arith.constant 0 : i32
    "tpu.region"() ({
      %run_scoped3A_127 = tpu.sem_alloc : memref<!tpu.dma_semaphore, #tpu.memory_space<semaphore_mem>>
      %dma_start3A_128 = arith.constant 0 : i32
      %dma_start3A_129 = arith.constant 0 : i32
      %dma_start3A_130 = tpu.memref_slice %arg12[%run_scoped3A_12, %dma_start3A_128, %dma_start3A_129] : memref<2x40x128xf32, #tpu.memory_space<vmem>> -> memref<1x40x128xf32, #tpu.memory_space<vmem>>
      %dma_start3A_131 = tpu.memref_squeeze %dma_start3A_130 : memref<1x40x128xf32, #tpu.memory_space<vmem>> -> memref<40x128xf32, #tpu.memory_space<vmem>>
      %dma_start3A_132 = arith.constant 0 : i32
      %dma_start3A_133 = tpu.memref_slice %arg7[%add3A_11, %dma_start3A_132] : memref<10112x128xf32, #tpu.memory_space<vmem_shared>> -> memref<40x128xf32, #tpu.memory_space<vmem_shared>>
      %dma_start3A_134 = arith.constant 0 : i32
      %dma_start3A_135 = tpu.memref_slice %arg7[%add3A_11, %dma_start3A_134] : memref<10112x128xf32, #tpu.memory_space<vmem_shared>> -> memref<40x128xf32, #tpu.memory_space<vmem_shared>>
      %dma_start3A_136 = arith.constant 0 : i32
      %dma_start3A_137 = arith.constant 0 : i32
      %dma_start3A_138 = tpu.memref_slice %arg12[%run_scoped3A_12, %dma_start3A_136, %dma_start3A_137] : memref<2x40x128xf32, #tpu.memory_space<vmem>> -> memref<1x40x128xf32, #tpu.memory_space<vmem>>
      %dma_start3A_139 = tpu.memref_squeeze %dma_start3A_138 : memref<1x40x128xf32, #tpu.memory_space<vmem>> -> memref<40x128xf32, #tpu.memory_space<vmem>>
      tpu.enqueue_dma source(%dma_start3A_139 : memref<40x128xf32, #tpu.memory_space<vmem>>) target(%dma_start3A_135 : memref<40x128xf32, #tpu.memory_space<vmem_shared>>) target_semaphore(%run_scoped3A_127 : memref<!tpu.dma_semaphore, #tpu.memory_space<semaphore_mem>>)
      %dma_wait3A = arith.constant 0 : i32
      %dma_wait3A_140 = arith.constant 0 : i32
      %dma_wait3A_141 = tpu.memref_slice %arg12[%run_scoped3A_12, %dma_wait3A, %dma_wait3A_140] : memref<2x40x128xf32, #tpu.memory_space<vmem>> -> memref<1x40x128xf32, #tpu.memory_space<vmem>>
      %dma_wait3A_142 = tpu.memref_squeeze %dma_wait3A_141 : memref<1x40x128xf32, #tpu.memory_space<vmem>> -> memref<40x128xf32, #tpu.memory_space<vmem>>
      %dma_wait3A_143 = arith.constant 0 : i32
      %dma_wait3A_144 = tpu.memref_slice %arg7[%add3A_11, %dma_wait3A_143] : memref<10112x128xf32, #tpu.memory_space<vmem_shared>> -> memref<40x128xf32, #tpu.memory_space<vmem_shared>>
      %dma_wait3A_145 = arith.constant 0 : i32
      %dma_wait3A_146 = tpu.memref_slice %arg7[%add3A_11, %dma_wait3A_145] : memref<10112x128xf32, #tpu.memory_space<vmem_shared>> -> memref<40x128xf32, #tpu.memory_space<vmem_shared>>
      %dma_wait3A_147 = arith.constant 0 : i32
      %dma_wait3A_148 = arith.constant 0 : i32
      %dma_wait3A_149 = tpu.memref_slice %arg12[%run_scoped3A_12, %dma_wait3A_147, %dma_wait3A_148] : memref<2x40x128xf32, #tpu.memory_space<vmem>> -> memref<1x40x128xf32, #tpu.memory_space<vmem>>
      %dma_wait3A_150 = tpu.memref_squeeze %dma_wait3A_149 : memref<1x40x128xf32, #tpu.memory_space<vmem>> -> memref<40x128xf32, #tpu.memory_space<vmem>>
      tpu.wait_dma2 semaphore(%run_scoped3A_127 : memref<!tpu.dma_semaphore, #tpu.memory_space<semaphore_mem>>) src(%dma_wait3A_150 : memref<40x128xf32, #tpu.memory_space<vmem>>) dst(%dma_wait3A_146 : memref<40x128xf32, #tpu.memory_space<vmem_shared>>)
      tpu.yield
    }) : () -> ()
    %mul3A_13 = arith.constant 632 : i32
    %mul3A_14 = arith.muli %arg1, %mul3A_13 : i32
    %add3A_15 = arith.constant 80 : i32
    %add3A_16 = arith.addi %mul3A_14, %add3A_15 : i32
    %run_scoped3A_17 = arith.constant 0 : i32
    "tpu.region"() ({
      %run_scoped3A_127 = tpu.sem_alloc : memref<!tpu.dma_semaphore, #tpu.memory_space<semaphore_mem>>
      %dma_start3A_128 = arith.constant 0 : i32
      %dma_start3A_129 = arith.constant 0 : i32
      %dma_start3A_130 = tpu.memref_slice %arg12[%run_scoped3A_17, %dma_start3A_128, %dma_start3A_129] : memref<2x40x128xf32, #tpu.memory_space<vmem>> -> memref<1x40x128xf32, #tpu.memory_space<vmem>>
      %dma_start3A_131 = tpu.memref_squeeze %dma_start3A_130 : memref<1x40x128xf32, #tpu.memory_space<vmem>> -> memref<40x128xf32, #tpu.memory_space<vmem>>
      %dma_start3A_132 = arith.constant 0 : i32
      %dma_start3A_133 = tpu.memref_slice %arg7[%add3A_16, %dma_start3A_132] : memref<10112x128xf32, #tpu.memory_space<vmem_shared>> -> memref<40x128xf32, #tpu.memory_space<vmem_shared>>
      %dma_start3A_134 = arith.constant 0 : i32
      %dma_start3A_135 = tpu.memref_slice %arg7[%add3A_16, %dma_start3A_134] : memref<10112x128xf32, #tpu.memory_space<vmem_shared>> -> memref<40x128xf32, #tpu.memory_space<vmem_shared>>
      %dma_start3A_136 = arith.constant 0 : i32
      %dma_start3A_137 = arith.constant 0 : i32
      %dma_start3A_138 = tpu.memref_slice %arg12[%run_scoped3A_17, %dma_start3A_136, %dma_start3A_137] : memref<2x40x128xf32, #tpu.memory_space<vmem>> -> memref<1x40x128xf32, #tpu.memory_space<vmem>>
      %dma_start3A_139 = tpu.memref_squeeze %dma_start3A_138 : memref<1x40x128xf32, #tpu.memory_space<vmem>> -> memref<40x128xf32, #tpu.memory_space<vmem>>
      tpu.enqueue_dma source(%dma_start3A_139 : memref<40x128xf32, #tpu.memory_space<vmem>>) target(%dma_start3A_135 : memref<40x128xf32, #tpu.memory_space<vmem_shared>>) target_semaphore(%run_scoped3A_127 : memref<!tpu.dma_semaphore, #tpu.memory_space<semaphore_mem>>)
      %dma_wait3A = arith.constant 0 : i32
      %dma_wait3A_140 = arith.constant 0 : i32
      %dma_wait3A_141 = tpu.memref_slice %arg12[%run_scoped3A_17, %dma_wait3A, %dma_wait3A_140] : memref<2x40x128xf32, #tpu.memory_space<vmem>> -> memref<1x40x128xf32, #tpu.memory_space<vmem>>
      %dma_wait3A_142 = tpu.memref_squeeze %dma_wait3A_141 : memref<1x40x128xf32, #tpu.memory_space<vmem>> -> memref<40x128xf32, #tpu.memory_space<vmem>>
      %dma_wait3A_143 = arith.constant 0 : i32
      %dma_wait3A_144 = tpu.memref_slice %arg7[%add3A_16, %dma_wait3A_143] : memref<10112x128xf32, #tpu.memory_space<vmem_shared>> -> memref<40x128xf32, #tpu.memory_space<vmem_shared>>
      %dma_wait3A_145 = arith.constant 0 : i32
      %dma_wait3A_146 = tpu.memref_slice %arg7[%add3A_16, %dma_wait3A_145] : memref<10112x128xf32, #tpu.memory_space<vmem_shared>> -> memref<40x128xf32, #tpu.memory_space<vmem_shared>>
      %dma_wait3A_147 = arith.constant 0 : i32
      %dma_wait3A_148 = arith.constant 0 : i32
      %dma_wait3A_149 = tpu.memref_slice %arg12[%run_scoped3A_17, %dma_wait3A_147, %dma_wait3A_148] : memref<2x40x128xf32, #tpu.memory_space<vmem>> -> memref<1x40x128xf32, #tpu.memory_space<vmem>>
      %dma_wait3A_150 = tpu.memref_squeeze %dma_wait3A_149 : memref<1x40x128xf32, #tpu.memory_space<vmem>> -> memref<40x128xf32, #tpu.memory_space<vmem>>
      tpu.wait_dma2 semaphore(%run_scoped3A_127 : memref<!tpu.dma_semaphore, #tpu.memory_space<semaphore_mem>>) src(%dma_wait3A_150 : memref<40x128xf32, #tpu.memory_space<vmem>>) dst(%dma_wait3A_146 : memref<40x128xf32, #tpu.memory_space<vmem_shared>>)
      tpu.yield
    }) : () -> ()
    %mul3A_18 = arith.constant 632 : i32
    %mul3A_19 = arith.muli %arg1, %mul3A_18 : i32
    %add3A_20 = arith.constant 120 : i32
    %add3A_21 = arith.addi %mul3A_19, %add3A_20 : i32
    %run_scoped3A_22 = arith.constant 0 : i32
    "tpu.region"() ({
      %run_scoped3A_127 = tpu.sem_alloc : memref<!tpu.dma_semaphore, #tpu.memory_space<semaphore_mem>>
      %dma_start3A_128 = arith.constant 0 : i32
      %dma_start3A_129 = arith.constant 0 : i32
      %dma_start3A_130 = tpu.memref_slice %arg12[%run_scoped3A_22, %dma_start3A_128, %dma_start3A_129] : memref<2x40x128xf32, #tpu.memory_space<vmem>> -> memref<1x40x128xf32, #tpu.memory_space<vmem>>
      %dma_start3A_131 = tpu.memref_squeeze %dma_start3A_130 : memref<1x40x128xf32, #tpu.memory_space<vmem>> -> memref<40x128xf32, #tpu.memory_space<vmem>>
      %dma_start3A_132 = arith.constant 0 : i32
      %dma_start3A_133 = tpu.memref_slice %arg7[%add3A_21, %dma_start3A_132] : memref<10112x128xf32, #tpu.memory_space<vmem_shared>> -> memref<40x128xf32, #tpu.memory_space<vmem_shared>>
      %dma_start3A_134 = arith.constant 0 : i32
      %dma_start3A_135 = tpu.memref_slice %arg7[%add3A_21, %dma_start3A_134] : memref<10112x128xf32, #tpu.memory_space<vmem_shared>> -> memref<40x128xf32, #tpu.memory_space<vmem_shared>>
      %dma_start3A_136 = arith.constant 0 : i32
      %dma_start3A_137 = arith.constant 0 : i32
      %dma_start3A_138 = tpu.memref_slice %arg12[%run_scoped3A_22, %dma_start3A_136, %dma_start3A_137] : memref<2x40x128xf32, #tpu.memory_space<vmem>> -> memref<1x40x128xf32, #tpu.memory_space<vmem>>
      %dma_start3A_139 = tpu.memref_squeeze %dma_start3A_138 : memref<1x40x128xf32, #tpu.memory_space<vmem>> -> memref<40x128xf32, #tpu.memory_space<vmem>>
      tpu.enqueue_dma source(%dma_start3A_139 : memref<40x128xf32, #tpu.memory_space<vmem>>) target(%dma_start3A_135 : memref<40x128xf32, #tpu.memory_space<vmem_shared>>) target_semaphore(%run_scoped3A_127 : memref<!tpu.dma_semaphore, #tpu.memory_space<semaphore_mem>>)
      %dma_wait3A = arith.constant 0 : i32
      %dma_wait3A_140 = arith.constant 0 : i32
      %dma_wait3A_141 = tpu.memref_slice %arg12[%run_scoped3A_22, %dma_wait3A, %dma_wait3A_140] : memref<2x40x128xf32, #tpu.memory_space<vmem>> -> memref<1x40x128xf32, #tpu.memory_space<vmem>>
      %dma_wait3A_142 = tpu.memref_squeeze %dma_wait3A_141 : memref<1x40x128xf32, #tpu.memory_space<vmem>> -> memref<40x128xf32, #tpu.memory_space<vmem>>
      %dma_wait3A_143 = arith.constant 0 : i32
      %dma_wait3A_144 = tpu.memref_slice %arg7[%add3A_21, %dma_wait3A_143] : memref<10112x128xf32, #tpu.memory_space<vmem_shared>> -> memref<40x128xf32, #tpu.memory_space<vmem_shared>>
      %dma_wait3A_145 = arith.constant 0 : i32
      %dma_wait3A_146 = tpu.memref_slice %arg7[%add3A_21, %dma_wait3A_145] : memref<10112x128xf32, #tpu.memory_space<vmem_shared>> -> memref<40x128xf32, #tpu.memory_space<vmem_shared>>
      %dma_wait3A_147 = arith.constant 0 : i32
      %dma_wait3A_148 = arith.constant 0 : i32
      %dma_wait3A_149 = tpu.memref_slice %arg12[%run_scoped3A_22, %dma_wait3A_147, %dma_wait3A_148] : memref<2x40x128xf32, #tpu.memory_space<vmem>> -> memref<1x40x128xf32, #tpu.memory_space<vmem>>
      %dma_wait3A_150 = tpu.memref_squeeze %dma_wait3A_149 : memref<1x40x128xf32, #tpu.memory_space<vmem>> -> memref<40x128xf32, #tpu.memory_space<vmem>>
      tpu.wait_dma2 semaphore(%run_scoped3A_127 : memref<!tpu.dma_semaphore, #tpu.memory_space<semaphore_mem>>) src(%dma_wait3A_150 : memref<40x128xf32, #tpu.memory_space<vmem>>) dst(%dma_wait3A_146 : memref<40x128xf32, #tpu.memory_space<vmem_shared>>)
      tpu.yield
    }) : () -> ()
    %mul3A_23 = arith.constant 632 : i32
    %mul3A_24 = arith.muli %arg1, %mul3A_23 : i32
    %add3A_25 = arith.constant 160 : i32
    %add3A_26 = arith.addi %mul3A_24, %add3A_25 : i32
    %run_scoped3A_27 = arith.constant 0 : i32
    "tpu.region"() ({
      %run_scoped3A_127 = tpu.sem_alloc : memref<!tpu.dma_semaphore, #tpu.memory_space<semaphore_mem>>
      %dma_start3A_128 = arith.constant 0 : i32
      %dma_start3A_129 = arith.constant 0 : i32
      %dma_start3A_130 = tpu.memref_slice %arg12[%run_scoped3A_27, %dma_start3A_128, %dma_start3A_129] : memref<2x40x128xf32, #tpu.memory_space<vmem>> -> memref<1x40x128xf32, #tpu.memory_space<vmem>>
      %dma_start3A_131 = tpu.memref_squeeze %dma_start3A_130 : memref<1x40x128xf32, #tpu.memory_space<vmem>> -> memref<40x128xf32, #tpu.memory_space<vmem>>
      %dma_start3A_132 = arith.constant 0 : i32
      %dma_start3A_133 = tpu.memref_slice %arg7[%add3A_26, %dma_start3A_132] : memref<10112x128xf32, #tpu.memory_space<vmem_shared>> -> memref<40x128xf32, #tpu.memory_space<vmem_shared>>
      %dma_start3A_134 = arith.constant 0 : i32
      %dma_start3A_135 = tpu.memref_slice %arg7[%add3A_26, %dma_start3A_134] : memref<10112x128xf32, #tpu.memory_space<vmem_shared>> -> memref<40x128xf32, #tpu.memory_space<vmem_shared>>
      %dma_start3A_136 = arith.constant 0 : i32
      %dma_start3A_137 = arith.constant 0 : i32
      %dma_start3A_138 = tpu.memref_slice %arg12[%run_scoped3A_27, %dma_start3A_136, %dma_start3A_137] : memref<2x40x128xf32, #tpu.memory_space<vmem>> -> memref<1x40x128xf32, #tpu.memory_space<vmem>>
      %dma_start3A_139 = tpu.memref_squeeze %dma_start3A_138 : memref<1x40x128xf32, #tpu.memory_space<vmem>> -> memref<40x128xf32, #tpu.memory_space<vmem>>
      tpu.enqueue_dma source(%dma_start3A_139 : memref<40x128xf32, #tpu.memory_space<vmem>>) target(%dma_start3A_135 : memref<40x128xf32, #tpu.memory_space<vmem_shared>>) target_semaphore(%run_scoped3A_127 : memref<!tpu.dma_semaphore, #tpu.memory_space<semaphore_mem>>)
      %dma_wait3A = arith.constant 0 : i32
      %dma_wait3A_140 = arith.constant 0 : i32
      %dma_wait3A_141 = tpu.memref_slice %arg12[%run_scoped3A_27, %dma_wait3A, %dma_wait3A_140] : memref<2x40x128xf32, #tpu.memory_space<vmem>> -> memref<1x40x128xf32, #tpu.memory_space<vmem>>
      %dma_wait3A_142 = tpu.memref_squeeze %dma_wait3A_141 : memref<1x40x128xf32, #tpu.memory_space<vmem>> -> memref<40x128xf32, #tpu.memory_space<vmem>>
      %dma_wait3A_143 = arith.constant 0 : i32
      %dma_wait3A_144 = tpu.memref_slice %arg7[%add3A_26, %dma_wait3A_143] : memref<10112x128xf32, #tpu.memory_space<vmem_shared>> -> memref<40x128xf32, #tpu.memory_space<vmem_shared>>
      %dma_wait3A_145 = arith.constant 0 : i32
      %dma_wait3A_146 = tpu.memref_slice %arg7[%add3A_26, %dma_wait3A_145] : memref<10112x128xf32, #tpu.memory_space<vmem_shared>> -> memref<40x128xf32, #tpu.memory_space<vmem_shared>>
      %dma_wait3A_147 = arith.constant 0 : i32
      %dma_wait3A_148 = arith.constant 0 : i32
      %dma_wait3A_149 = tpu.memref_slice %arg12[%run_scoped3A_27, %dma_wait3A_147, %dma_wait3A_148] : memref<2x40x128xf32, #tpu.memory_space<vmem>> -> memref<1x40x128xf32, #tpu.memory_space<vmem>>
      %dma_wait3A_150 = tpu.memref_squeeze %dma_wait3A_149 : memref<1x40x128xf32, #tpu.memory_space<vmem>> -> memref<40x128xf32, #tpu.memory_space<vmem>>
      tpu.wait_dma2 semaphore(%run_scoped3A_127 : memref<!tpu.dma_semaphore, #tpu.memory_space<semaphore_mem>>) src(%dma_wait3A_150 : memref<40x128xf32, #tpu.memory_space<vmem>>) dst(%dma_wait3A_146 : memref<40x128xf32, #tpu.memory_space<vmem_shared>>)
      tpu.yield
    }) : () -> ()
    %mul3A_28 = arith.constant 632 : i32
    %mul3A_29 = arith.muli %arg1, %mul3A_28 : i32
    %add3A_30 = arith.constant 200 : i32
    %add3A_31 = arith.addi %mul3A_29, %add3A_30 : i32
    %run_scoped3A_32 = arith.constant 0 : i32
    "tpu.region"() ({
      %run_scoped3A_127 = tpu.sem_alloc : memref<!tpu.dma_semaphore, #tpu.memory_space<semaphore_mem>>
      %dma_start3A_128 = arith.constant 0 : i32
      %dma_start3A_129 = arith.constant 0 : i32
      %dma_start3A_130 = tpu.memref_slice %arg12[%run_scoped3A_32, %dma_start3A_128, %dma_start3A_129] : memref<2x40x128xf32, #tpu.memory_space<vmem>> -> memref<1x40x128xf32, #tpu.memory_space<vmem>>
      %dma_start3A_131 = tpu.memref_squeeze %dma_start3A_130 : memref<1x40x128xf32, #tpu.memory_space<vmem>> -> memref<40x128xf32, #tpu.memory_space<vmem>>
      %dma_start3A_132 = arith.constant 0 : i32
      %dma_start3A_133 = tpu.memref_slice %arg7[%add3A_31, %dma_start3A_132] : memref<10112x128xf32, #tpu.memory_space<vmem_shared>> -> memref<40x128xf32, #tpu.memory_space<vmem_shared>>
      %dma_start3A_134 = arith.constant 0 : i32
      %dma_start3A_135 = tpu.memref_slice %arg7[%add3A_31, %dma_start3A_134] : memref<10112x128xf32, #tpu.memory_space<vmem_shared>> -> memref<40x128xf32, #tpu.memory_space<vmem_shared>>
      %dma_start3A_136 = arith.constant 0 : i32
      %dma_start3A_137 = arith.constant 0 : i32
      %dma_start3A_138 = tpu.memref_slice %arg12[%run_scoped3A_32, %dma_start3A_136, %dma_start3A_137] : memref<2x40x128xf32, #tpu.memory_space<vmem>> -> memref<1x40x128xf32, #tpu.memory_space<vmem>>
      %dma_start3A_139 = tpu.memref_squeeze %dma_start3A_138 : memref<1x40x128xf32, #tpu.memory_space<vmem>> -> memref<40x128xf32, #tpu.memory_space<vmem>>
      tpu.enqueue_dma source(%dma_start3A_139 : memref<40x128xf32, #tpu.memory_space<vmem>>) target(%dma_start3A_135 : memref<40x128xf32, #tpu.memory_space<vmem_shared>>) target_semaphore(%run_scoped3A_127 : memref<!tpu.dma_semaphore, #tpu.memory_space<semaphore_mem>>)
      %dma_wait3A = arith.constant 0 : i32
      %dma_wait3A_140 = arith.constant 0 : i32
      %dma_wait3A_141 = tpu.memref_slice %arg12[%run_scoped3A_32, %dma_wait3A, %dma_wait3A_140] : memref<2x40x128xf32, #tpu.memory_space<vmem>> -> memref<1x40x128xf32, #tpu.memory_space<vmem>>
      %dma_wait3A_142 = tpu.memref_squeeze %dma_wait3A_141 : memref<1x40x128xf32, #tpu.memory_space<vmem>> -> memref<40x128xf32, #tpu.memory_space<vmem>>
      %dma_wait3A_143 = arith.constant 0 : i32
      %dma_wait3A_144 = tpu.memref_slice %arg7[%add3A_31, %dma_wait3A_143] : memref<10112x128xf32, #tpu.memory_space<vmem_shared>> -> memref<40x128xf32, #tpu.memory_space<vmem_shared>>
      %dma_wait3A_145 = arith.constant 0 : i32
      %dma_wait3A_146 = tpu.memref_slice %arg7[%add3A_31, %dma_wait3A_145] : memref<10112x128xf32, #tpu.memory_space<vmem_shared>> -> memref<40x128xf32, #tpu.memory_space<vmem_shared>>
      %dma_wait3A_147 = arith.constant 0 : i32
      %dma_wait3A_148 = arith.constant 0 : i32
      %dma_wait3A_149 = tpu.memref_slice %arg12[%run_scoped3A_32, %dma_wait3A_147, %dma_wait3A_148] : memref<2x40x128xf32, #tpu.memory_space<vmem>> -> memref<1x40x128xf32, #tpu.memory_space<vmem>>
      %dma_wait3A_150 = tpu.memref_squeeze %dma_wait3A_149 : memref<1x40x128xf32, #tpu.memory_space<vmem>> -> memref<40x128xf32, #tpu.memory_space<vmem>>
      tpu.wait_dma2 semaphore(%run_scoped3A_127 : memref<!tpu.dma_semaphore, #tpu.memory_space<semaphore_mem>>) src(%dma_wait3A_150 : memref<40x128xf32, #tpu.memory_space<vmem>>) dst(%dma_wait3A_146 : memref<40x128xf32, #tpu.memory_space<vmem_shared>>)
      tpu.yield
    }) : () -> ()
    %mul3A_33 = arith.constant 632 : i32
    %mul3A_34 = arith.muli %arg1, %mul3A_33 : i32
    %add3A_35 = arith.constant 240 : i32
    %add3A_36 = arith.addi %mul3A_34, %add3A_35 : i32
    %run_scoped3A_37 = arith.constant 0 : i32
    "tpu.region"() ({
      %run_scoped3A_127 = tpu.sem_alloc : memref<!tpu.dma_semaphore, #tpu.memory_space<semaphore_mem>>
      %dma_start3A_128 = arith.constant 0 : i32
      %dma_start3A_129 = arith.constant 0 : i32
      %dma_start3A_130 = tpu.memref_slice %arg12[%run_scoped3A_37, %dma_start3A_128, %dma_start3A_129] : memref<2x40x128xf32, #tpu.memory_space<vmem>> -> memref<1x40x128xf32, #tpu.memory_space<vmem>>
      %dma_start3A_131 = tpu.memref_squeeze %dma_start3A_130 : memref<1x40x128xf32, #tpu.memory_space<vmem>> -> memref<40x128xf32, #tpu.memory_space<vmem>>
      %dma_start3A_132 = arith.constant 0 : i32
      %dma_start3A_133 = tpu.memref_slice %arg7[%add3A_36, %dma_start3A_132] : memref<10112x128xf32, #tpu.memory_space<vmem_shared>> -> memref<40x128xf32, #tpu.memory_space<vmem_shared>>
      %dma_start3A_134 = arith.constant 0 : i32
      %dma_start3A_135 = tpu.memref_slice %arg7[%add3A_36, %dma_start3A_134] : memref<10112x128xf32, #tpu.memory_space<vmem_shared>> -> memref<40x128xf32, #tpu.memory_space<vmem_shared>>
      %dma_start3A_136 = arith.constant 0 : i32
      %dma_start3A_137 = arith.constant 0 : i32
      %dma_start3A_138 = tpu.memref_slice %arg12[%run_scoped3A_37, %dma_start3A_136, %dma_start3A_137] : memref<2x40x128xf32, #tpu.memory_space<vmem>> -> memref<1x40x128xf32, #tpu.memory_space<vmem>>
      %dma_start3A_139 = tpu.memref_squeeze %dma_start3A_138 : memref<1x40x128xf32, #tpu.memory_space<vmem>> -> memref<40x128xf32, #tpu.memory_space<vmem>>
      tpu.enqueue_dma source(%dma_start3A_139 : memref<40x128xf32, #tpu.memory_space<vmem>>) target(%dma_start3A_135 : memref<40x128xf32, #tpu.memory_space<vmem_shared>>) target_semaphore(%run_scoped3A_127 : memref<!tpu.dma_semaphore, #tpu.memory_space<semaphore_mem>>)
      %dma_wait3A = arith.constant 0 : i32
      %dma_wait3A_140 = arith.constant 0 : i32
      %dma_wait3A_141 = tpu.memref_slice %arg12[%run_scoped3A_37, %dma_wait3A, %dma_wait3A_140] : memref<2x40x128xf32, #tpu.memory_space<vmem>> -> memref<1x40x128xf32, #tpu.memory_space<vmem>>
      %dma_wait3A_142 = tpu.memref_squeeze %dma_wait3A_141 : memref<1x40x128xf32, #tpu.memory_space<vmem>> -> memref<40x128xf32, #tpu.memory_space<vmem>>
      %dma_wait3A_143 = arith.constant 0 : i32
      %dma_wait3A_144 = tpu.memref_slice %arg7[%add3A_36, %dma_wait3A_143] : memref<10112x128xf32, #tpu.memory_space<vmem_shared>> -> memref<40x128xf32, #tpu.memory_space<vmem_shared>>
      %dma_wait3A_145 = arith.constant 0 : i32
      %dma_wait3A_146 = tpu.memref_slice %arg7[%add3A_36, %dma_wait3A_145] : memref<10112x128xf32, #tpu.memory_space<vmem_shared>> -> memref<40x128xf32, #tpu.memory_space<vmem_shared>>
      %dma_wait3A_147 = arith.constant 0 : i32
      %dma_wait3A_148 = arith.constant 0 : i32
      %dma_wait3A_149 = tpu.memref_slice %arg12[%run_scoped3A_37, %dma_wait3A_147, %dma_wait3A_148] : memref<2x40x128xf32, #tpu.memory_space<vmem>> -> memref<1x40x128xf32, #tpu.memory_space<vmem>>
      %dma_wait3A_150 = tpu.memref_squeeze %dma_wait3A_149 : memref<1x40x128xf32, #tpu.memory_space<vmem>> -> memref<40x128xf32, #tpu.memory_space<vmem>>
      tpu.wait_dma2 semaphore(%run_scoped3A_127 : memref<!tpu.dma_semaphore, #tpu.memory_space<semaphore_mem>>) src(%dma_wait3A_150 : memref<40x128xf32, #tpu.memory_space<vmem>>) dst(%dma_wait3A_146 : memref<40x128xf32, #tpu.memory_space<vmem_shared>>)
      tpu.yield
    }) : () -> ()
    %mul3A_38 = arith.constant 632 : i32
    %mul3A_39 = arith.muli %arg1, %mul3A_38 : i32
    %add3A_40 = arith.constant 280 : i32
    %add3A_41 = arith.addi %mul3A_39, %add3A_40 : i32
    %run_scoped3A_42 = arith.constant 0 : i32
    "tpu.region"() ({
      %run_scoped3A_127 = tpu.sem_alloc : memref<!tpu.dma_semaphore, #tpu.memory_space<semaphore_mem>>
      %dma_start3A_128 = arith.constant 0 : i32
      %dma_start3A_129 = arith.constant 0 : i32
      %dma_start3A_130 = tpu.memref_slice %arg12[%run_scoped3A_42, %dma_start3A_128, %dma_start3A_129] : memref<2x40x128xf32, #tpu.memory_space<vmem>> -> memref<1x40x128xf32, #tpu.memory_space<vmem>>
      %dma_start3A_131 = tpu.memref_squeeze %dma_start3A_130 : memref<1x40x128xf32, #tpu.memory_space<vmem>> -> memref<40x128xf32, #tpu.memory_space<vmem>>
      %dma_start3A_132 = arith.constant 0 : i32
      %dma_start3A_133 = tpu.memref_slice %arg7[%add3A_41, %dma_start3A_132] : memref<10112x128xf32, #tpu.memory_space<vmem_shared>> -> memref<40x128xf32, #tpu.memory_space<vmem_shared>>
      %dma_start3A_134 = arith.constant 0 : i32
      %dma_start3A_135 = tpu.memref_slice %arg7[%add3A_41, %dma_start3A_134] : memref<10112x128xf32, #tpu.memory_space<vmem_shared>> -> memref<40x128xf32, #tpu.memory_space<vmem_shared>>
      %dma_start3A_136 = arith.constant 0 : i32
      %dma_start3A_137 = arith.constant 0 : i32
      %dma_start3A_138 = tpu.memref_slice %arg12[%run_scoped3A_42, %dma_start3A_136, %dma_start3A_137] : memref<2x40x128xf32, #tpu.memory_space<vmem>> -> memref<1x40x128xf32, #tpu.memory_space<vmem>>
      %dma_start3A_139 = tpu.memref_squeeze %dma_start3A_138 : memref<1x40x128xf32, #tpu.memory_space<vmem>> -> memref<40x128xf32, #tpu.memory_space<vmem>>
      tpu.enqueue_dma source(%dma_start3A_139 : memref<40x128xf32, #tpu.memory_space<vmem>>) target(%dma_start3A_135 : memref<40x128xf32, #tpu.memory_space<vmem_shared>>) target_semaphore(%run_scoped3A_127 : memref<!tpu.dma_semaphore, #tpu.memory_space<semaphore_mem>>)
      %dma_wait3A = arith.constant 0 : i32
      %dma_wait3A_140 = arith.constant 0 : i32
      %dma_wait3A_141 = tpu.memref_slice %arg12[%run_scoped3A_42, %dma_wait3A, %dma_wait3A_140] : memref<2x40x128xf32, #tpu.memory_space<vmem>> -> memref<1x40x128xf32, #tpu.memory_space<vmem>>
      %dma_wait3A_142 = tpu.memref_squeeze %dma_wait3A_141 : memref<1x40x128xf32, #tpu.memory_space<vmem>> -> memref<40x128xf32, #tpu.memory_space<vmem>>
      %dma_wait3A_143 = arith.constant 0 : i32
      %dma_wait3A_144 = tpu.memref_slice %arg7[%add3A_41, %dma_wait3A_143] : memref<10112x128xf32, #tpu.memory_space<vmem_shared>> -> memref<40x128xf32, #tpu.memory_space<vmem_shared>>
      %dma_wait3A_145 = arith.constant 0 : i32
      %dma_wait3A_146 = tpu.memref_slice %arg7[%add3A_41, %dma_wait3A_145] : memref<10112x128xf32, #tpu.memory_space<vmem_shared>> -> memref<40x128xf32, #tpu.memory_space<vmem_shared>>
      %dma_wait3A_147 = arith.constant 0 : i32
      %dma_wait3A_148 = arith.constant 0 : i32
      %dma_wait3A_149 = tpu.memref_slice %arg12[%run_scoped3A_42, %dma_wait3A_147, %dma_wait3A_148] : memref<2x40x128xf32, #tpu.memory_space<vmem>> -> memref<1x40x128xf32, #tpu.memory_space<vmem>>
      %dma_wait3A_150 = tpu.memref_squeeze %dma_wait3A_149 : memref<1x40x128xf32, #tpu.memory_space<vmem>> -> memref<40x128xf32, #tpu.memory_space<vmem>>
      tpu.wait_dma2 semaphore(%run_scoped3A_127 : memref<!tpu.dma_semaphore, #tpu.memory_space<semaphore_mem>>) src(%dma_wait3A_150 : memref<40x128xf32, #tpu.memory_space<vmem>>) dst(%dma_wait3A_146 : memref<40x128xf32, #tpu.memory_space<vmem_shared>>)
      tpu.yield
    }) : () -> ()
    %mul3A_43 = arith.constant 632 : i32
    %mul3A_44 = arith.muli %arg1, %mul3A_43 : i32
    %add3A_45 = arith.constant 320 : i32
    %add3A_46 = arith.addi %mul3A_44, %add3A_45 : i32
    %run_scoped3A_47 = arith.constant 0 : i32
    "tpu.region"() ({
      %run_scoped3A_127 = tpu.sem_alloc : memref<!tpu.dma_semaphore, #tpu.memory_space<semaphore_mem>>
      %dma_start3A_128 = arith.constant 0 : i32
      %dma_start3A_129 = arith.constant 0 : i32
      %dma_start3A_130 = tpu.memref_slice %arg12[%run_scoped3A_47, %dma_start3A_128, %dma_start3A_129] : memref<2x40x128xf32, #tpu.memory_space<vmem>> -> memref<1x40x128xf32, #tpu.memory_space<vmem>>
      %dma_start3A_131 = tpu.memref_squeeze %dma_start3A_130 : memref<1x40x128xf32, #tpu.memory_space<vmem>> -> memref<40x128xf32, #tpu.memory_space<vmem>>
      %dma_start3A_132 = arith.constant 0 : i32
      %dma_start3A_133 = tpu.memref_slice %arg7[%add3A_46, %dma_start3A_132] : memref<10112x128xf32, #tpu.memory_space<vmem_shared>> -> memref<40x128xf32, #tpu.memory_space<vmem_shared>>
      %dma_start3A_134 = arith.constant 0 : i32
      %dma_start3A_135 = tpu.memref_slice %arg7[%add3A_46, %dma_start3A_134] : memref<10112x128xf32, #tpu.memory_space<vmem_shared>> -> memref<40x128xf32, #tpu.memory_space<vmem_shared>>
      %dma_start3A_136 = arith.constant 0 : i32
      %dma_start3A_137 = arith.constant 0 : i32
      %dma_start3A_138 = tpu.memref_slice %arg12[%run_scoped3A_47, %dma_start3A_136, %dma_start3A_137] : memref<2x40x128xf32, #tpu.memory_space<vmem>> -> memref<1x40x128xf32, #tpu.memory_space<vmem>>
      %dma_start3A_139 = tpu.memref_squeeze %dma_start3A_138 : memref<1x40x128xf32, #tpu.memory_space<vmem>> -> memref<40x128xf32, #tpu.memory_space<vmem>>
      tpu.enqueue_dma source(%dma_start3A_139 : memref<40x128xf32, #tpu.memory_space<vmem>>) target(%dma_start3A_135 : memref<40x128xf32, #tpu.memory_space<vmem_shared>>) target_semaphore(%run_scoped3A_127 : memref<!tpu.dma_semaphore, #tpu.memory_space<semaphore_mem>>)
      %dma_wait3A = arith.constant 0 : i32
      %dma_wait3A_140 = arith.constant 0 : i32
      %dma_wait3A_141 = tpu.memref_slice %arg12[%run_scoped3A_47, %dma_wait3A, %dma_wait3A_140] : memref<2x40x128xf32, #tpu.memory_space<vmem>> -> memref<1x40x128xf32, #tpu.memory_space<vmem>>
      %dma_wait3A_142 = tpu.memref_squeeze %dma_wait3A_141 : memref<1x40x128xf32, #tpu.memory_space<vmem>> -> memref<40x128xf32, #tpu.memory_space<vmem>>
      %dma_wait3A_143 = arith.constant 0 : i32
      %dma_wait3A_144 = tpu.memref_slice %arg7[%add3A_46, %dma_wait3A_143] : memref<10112x128xf32, #tpu.memory_space<vmem_shared>> -> memref<40x128xf32, #tpu.memory_space<vmem_shared>>
      %dma_wait3A_145 = arith.constant 0 : i32
      %dma_wait3A_146 = tpu.memref_slice %arg7[%add3A_46, %dma_wait3A_145] : memref<10112x128xf32, #tpu.memory_space<vmem_shared>> -> memref<40x128xf32, #tpu.memory_space<vmem_shared>>
      %dma_wait3A_147 = arith.constant 0 : i32
      %dma_wait3A_148 = arith.constant 0 : i32
      %dma_wait3A_149 = tpu.memref_slice %arg12[%run_scoped3A_47, %dma_wait3A_147, %dma_wait3A_148] : memref<2x40x128xf32, #tpu.memory_space<vmem>> -> memref<1x40x128xf32, #tpu.memory_space<vmem>>
      %dma_wait3A_150 = tpu.memref_squeeze %dma_wait3A_149 : memref<1x40x128xf32, #tpu.memory_space<vmem>> -> memref<40x128xf32, #tpu.memory_space<vmem>>
      tpu.wait_dma2 semaphore(%run_scoped3A_127 : memref<!tpu.dma_semaphore, #tpu.memory_space<semaphore_mem>>) src(%dma_wait3A_150 : memref<40x128xf32, #tpu.memory_space<vmem>>) dst(%dma_wait3A_146 : memref<40x128xf32, #tpu.memory_space<vmem_shared>>)
      tpu.yield
    }) : () -> ()
    %mul3A_48 = arith.constant 632 : i32
    %mul3A_49 = arith.muli %arg1, %mul3A_48 : i32
    %add3A_50 = arith.constant 360 : i32
    %add3A_51 = arith.addi %mul3A_49, %add3A_50 : i32
    %run_scoped3A_52 = arith.constant 0 : i32
    "tpu.region"() ({
      %run_scoped3A_127 = tpu.sem_alloc : memref<!tpu.dma_semaphore, #tpu.memory_space<semaphore_mem>>
      %dma_start3A_128 = arith.constant 0 : i32
      %dma_start3A_129 = arith.constant 0 : i32
      %dma_start3A_130 = tpu.memref_slice %arg12[%run_scoped3A_52, %dma_start3A_128, %dma_start3A_129] : memref<2x40x128xf32, #tpu.memory_space<vmem>> -> memref<1x40x128xf32, #tpu.memory_space<vmem>>
      %dma_start3A_131 = tpu.memref_squeeze %dma_start3A_130 : memref<1x40x128xf32, #tpu.memory_space<vmem>> -> memref<40x128xf32, #tpu.memory_space<vmem>>
      %dma_start3A_132 = arith.constant 0 : i32
      %dma_start3A_133 = tpu.memref_slice %arg7[%add3A_51, %dma_start3A_132] : memref<10112x128xf32, #tpu.memory_space<vmem_shared>> -> memref<40x128xf32, #tpu.memory_space<vmem_shared>>
      %dma_start3A_134 = arith.constant 0 : i32
      %dma_start3A_135 = tpu.memref_slice %arg7[%add3A_51, %dma_start3A_134] : memref<10112x128xf32, #tpu.memory_space<vmem_shared>> -> memref<40x128xf32, #tpu.memory_space<vmem_shared>>
      %dma_start3A_136 = arith.constant 0 : i32
      %dma_start3A_137 = arith.constant 0 : i32
      %dma_start3A_138 = tpu.memref_slice %arg12[%run_scoped3A_52, %dma_start3A_136, %dma_start3A_137] : memref<2x40x128xf32, #tpu.memory_space<vmem>> -> memref<1x40x128xf32, #tpu.memory_space<vmem>>
      %dma_start3A_139 = tpu.memref_squeeze %dma_start3A_138 : memref<1x40x128xf32, #tpu.memory_space<vmem>> -> memref<40x128xf32, #tpu.memory_space<vmem>>
      tpu.enqueue_dma source(%dma_start3A_139 : memref<40x128xf32, #tpu.memory_space<vmem>>) target(%dma_start3A_135 : memref<40x128xf32, #tpu.memory_space<vmem_shared>>) target_semaphore(%run_scoped3A_127 : memref<!tpu.dma_semaphore, #tpu.memory_space<semaphore_mem>>)
      %dma_wait3A = arith.constant 0 : i32
      %dma_wait3A_140 = arith.constant 0 : i32
      %dma_wait3A_141 = tpu.memref_slice %arg12[%run_scoped3A_52, %dma_wait3A, %dma_wait3A_140] : memref<2x40x128xf32, #tpu.memory_space<vmem>> -> memref<1x40x128xf32, #tpu.memory_space<vmem>>
      %dma_wait3A_142 = tpu.memref_squeeze %dma_wait3A_141 : memref<1x40x128xf32, #tpu.memory_space<vmem>> -> memref<40x128xf32, #tpu.memory_space<vmem>>
      %dma_wait3A_143 = arith.constant 0 : i32
      %dma_wait3A_144 = tpu.memref_slice %arg7[%add3A_51, %dma_wait3A_143] : memref<10112x128xf32, #tpu.memory_space<vmem_shared>> -> memref<40x128xf32, #tpu.memory_space<vmem_shared>>
      %dma_wait3A_145 = arith.constant 0 : i32
      %dma_wait3A_146 = tpu.memref_slice %arg7[%add3A_51, %dma_wait3A_145] : memref<10112x128xf32, #tpu.memory_space<vmem_shared>> -> memref<40x128xf32, #tpu.memory_space<vmem_shared>>
      %dma_wait3A_147 = arith.constant 0 : i32
      %dma_wait3A_148 = arith.constant 0 : i32
      %dma_wait3A_149 = tpu.memref_slice %arg12[%run_scoped3A_52, %dma_wait3A_147, %dma_wait3A_148] : memref<2x40x128xf32, #tpu.memory_space<vmem>> -> memref<1x40x128xf32, #tpu.memory_space<vmem>>
      %dma_wait3A_150 = tpu.memref_squeeze %dma_wait3A_149 : memref<1x40x128xf32, #tpu.memory_space<vmem>> -> memref<40x128xf32, #tpu.memory_space<vmem>>
      tpu.wait_dma2 semaphore(%run_scoped3A_127 : memref<!tpu.dma_semaphore, #tpu.memory_space<semaphore_mem>>) src(%dma_wait3A_150 : memref<40x128xf32, #tpu.memory_space<vmem>>) dst(%dma_wait3A_146 : memref<40x128xf32, #tpu.memory_space<vmem_shared>>)
      tpu.yield
    }) : () -> ()
    %mul3A_53 = arith.constant 632 : i32
    %mul3A_54 = arith.muli %arg1, %mul3A_53 : i32
    %add3A_55 = arith.constant 400 : i32
    %add3A_56 = arith.addi %mul3A_54, %add3A_55 : i32
    %run_scoped3A_57 = arith.constant 0 : i32
    "tpu.region"() ({
      %run_scoped3A_127 = tpu.sem_alloc : memref<!tpu.dma_semaphore, #tpu.memory_space<semaphore_mem>>
      %dma_start3A_128 = arith.constant 0 : i32
      %dma_start3A_129 = arith.constant 0 : i32
      %dma_start3A_130 = tpu.memref_slice %arg12[%run_scoped3A_57, %dma_start3A_128, %dma_start3A_129] : memref<2x40x128xf32, #tpu.memory_space<vmem>> -> memref<1x40x128xf32, #tpu.memory_space<vmem>>
      %dma_start3A_131 = tpu.memref_squeeze %dma_start3A_130 : memref<1x40x128xf32, #tpu.memory_space<vmem>> -> memref<40x128xf32, #tpu.memory_space<vmem>>
      %dma_start3A_132 = arith.constant 0 : i32
      %dma_start3A_133 = tpu.memref_slice %arg7[%add3A_56, %dma_start3A_132] : memref<10112x128xf32, #tpu.memory_space<vmem_shared>> -> memref<40x128xf32, #tpu.memory_space<vmem_shared>>
      %dma_start3A_134 = arith.constant 0 : i32
      %dma_start3A_135 = tpu.memref_slice %arg7[%add3A_56, %dma_start3A_134] : memref<10112x128xf32, #tpu.memory_space<vmem_shared>> -> memref<40x128xf32, #tpu.memory_space<vmem_shared>>
      %dma_start3A_136 = arith.constant 0 : i32
      %dma_start3A_137 = arith.constant 0 : i32
      %dma_start3A_138 = tpu.memref_slice %arg12[%run_scoped3A_57, %dma_start3A_136, %dma_start3A_137] : memref<2x40x128xf32, #tpu.memory_space<vmem>> -> memref<1x40x128xf32, #tpu.memory_space<vmem>>
      %dma_start3A_139 = tpu.memref_squeeze %dma_start3A_138 : memref<1x40x128xf32, #tpu.memory_space<vmem>> -> memref<40x128xf32, #tpu.memory_space<vmem>>
      tpu.enqueue_dma source(%dma_start3A_139 : memref<40x128xf32, #tpu.memory_space<vmem>>) target(%dma_start3A_135 : memref<40x128xf32, #tpu.memory_space<vmem_shared>>) target_semaphore(%run_scoped3A_127 : memref<!tpu.dma_semaphore, #tpu.memory_space<semaphore_mem>>)
      %dma_wait3A = arith.constant 0 : i32
      %dma_wait3A_140 = arith.constant 0 : i32
      %dma_wait3A_141 = tpu.memref_slice %arg12[%run_scoped3A_57, %dma_wait3A, %dma_wait3A_140] : memref<2x40x128xf32, #tpu.memory_space<vmem>> -> memref<1x40x128xf32, #tpu.memory_space<vmem>>
      %dma_wait3A_142 = tpu.memref_squeeze %dma_wait3A_141 : memref<1x40x128xf32, #tpu.memory_space<vmem>> -> memref<40x128xf32, #tpu.memory_space<vmem>>
      %dma_wait3A_143 = arith.constant 0 : i32
      %dma_wait3A_144 = tpu.memref_slice %arg7[%add3A_56, %dma_wait3A_143] : memref<10112x128xf32, #tpu.memory_space<vmem_shared>> -> memref<40x128xf32, #tpu.memory_space<vmem_shared>>
      %dma_wait3A_145 = arith.constant 0 : i32
      %dma_wait3A_146 = tpu.memref_slice %arg7[%add3A_56, %dma_wait3A_145] : memref<10112x128xf32, #tpu.memory_space<vmem_shared>> -> memref<40x128xf32, #tpu.memory_space<vmem_shared>>
      %dma_wait3A_147 = arith.constant 0 : i32
      %dma_wait3A_148 = arith.constant 0 : i32
      %dma_wait3A_149 = tpu.memref_slice %arg12[%run_scoped3A_57, %dma_wait3A_147, %dma_wait3A_148] : memref<2x40x128xf32, #tpu.memory_space<vmem>> -> memref<1x40x128xf32, #tpu.memory_space<vmem>>
      %dma_wait3A_150 = tpu.memref_squeeze %dma_wait3A_149 : memref<1x40x128xf32, #tpu.memory_space<vmem>> -> memref<40x128xf32, #tpu.memory_space<vmem>>
      tpu.wait_dma2 semaphore(%run_scoped3A_127 : memref<!tpu.dma_semaphore, #tpu.memory_space<semaphore_mem>>) src(%dma_wait3A_150 : memref<40x128xf32, #tpu.memory_space<vmem>>) dst(%dma_wait3A_146 : memref<40x128xf32, #tpu.memory_space<vmem_shared>>)
      tpu.yield
    }) : () -> ()
    %mul3A_58 = arith.constant 632 : i32
    %mul3A_59 = arith.muli %arg1, %mul3A_58 : i32
    %add3A_60 = arith.constant 440 : i32
    %add3A_61 = arith.addi %mul3A_59, %add3A_60 : i32
    %run_scoped3A_62 = arith.constant 0 : i32
    "tpu.region"() ({
      %run_scoped3A_127 = tpu.sem_alloc : memref<!tpu.dma_semaphore, #tpu.memory_space<semaphore_mem>>
      %dma_start3A_128 = arith.constant 0 : i32
      %dma_start3A_129 = arith.constant 0 : i32
      %dma_start3A_130 = tpu.memref_slice %arg12[%run_scoped3A_62, %dma_start3A_128, %dma_start3A_129] : memref<2x40x128xf32, #tpu.memory_space<vmem>> -> memref<1x40x128xf32, #tpu.memory_space<vmem>>
      %dma_start3A_131 = tpu.memref_squeeze %dma_start3A_130 : memref<1x40x128xf32, #tpu.memory_space<vmem>> -> memref<40x128xf32, #tpu.memory_space<vmem>>
      %dma_start3A_132 = arith.constant 0 : i32
      %dma_start3A_133 = tpu.memref_slice %arg7[%add3A_61, %dma_start3A_132] : memref<10112x128xf32, #tpu.memory_space<vmem_shared>> -> memref<40x128xf32, #tpu.memory_space<vmem_shared>>
      %dma_start3A_134 = arith.constant 0 : i32
      %dma_start3A_135 = tpu.memref_slice %arg7[%add3A_61, %dma_start3A_134] : memref<10112x128xf32, #tpu.memory_space<vmem_shared>> -> memref<40x128xf32, #tpu.memory_space<vmem_shared>>
      %dma_start3A_136 = arith.constant 0 : i32
      %dma_start3A_137 = arith.constant 0 : i32
      %dma_start3A_138 = tpu.memref_slice %arg12[%run_scoped3A_62, %dma_start3A_136, %dma_start3A_137] : memref<2x40x128xf32, #tpu.memory_space<vmem>> -> memref<1x40x128xf32, #tpu.memory_space<vmem>>
      %dma_start3A_139 = tpu.memref_squeeze %dma_start3A_138 : memref<1x40x128xf32, #tpu.memory_space<vmem>> -> memref<40x128xf32, #tpu.memory_space<vmem>>
      tpu.enqueue_dma source(%dma_start3A_139 : memref<40x128xf32, #tpu.memory_space<vmem>>) target(%dma_start3A_135 : memref<40x128xf32, #tpu.memory_space<vmem_shared>>) target_semaphore(%run_scoped3A_127 : memref<!tpu.dma_semaphore, #tpu.memory_space<semaphore_mem>>)
      %dma_wait3A = arith.constant 0 : i32
      %dma_wait3A_140 = arith.constant 0 : i32
      %dma_wait3A_141 = tpu.memref_slice %arg12[%run_scoped3A_62, %dma_wait3A, %dma_wait3A_140] : memref<2x40x128xf32, #tpu.memory_space<vmem>> -> memref<1x40x128xf32, #tpu.memory_space<vmem>>
      %dma_wait3A_142 = tpu.memref_squeeze %dma_wait3A_141 : memref<1x40x128xf32, #tpu.memory_space<vmem>> -> memref<40x128xf32, #tpu.memory_space<vmem>>
      %dma_wait3A_143 = arith.constant 0 : i32
      %dma_wait3A_144 = tpu.memref_slice %arg7[%add3A_61, %dma_wait3A_143] : memref<10112x128xf32, #tpu.memory_space<vmem_shared>> -> memref<40x128xf32, #tpu.memory_space<vmem_shared>>
      %dma_wait3A_145 = arith.constant 0 : i32
      %dma_wait3A_146 = tpu.memref_slice %arg7[%add3A_61, %dma_wait3A_145] : memref<10112x128xf32, #tpu.memory_space<vmem_shared>> -> memref<40x128xf32, #tpu.memory_space<vmem_shared>>
      %dma_wait3A_147 = arith.constant 0 : i32
      %dma_wait3A_148 = arith.constant 0 : i32
      %dma_wait3A_149 = tpu.memref_slice %arg12[%run_scoped3A_62, %dma_wait3A_147, %dma_wait3A_148] : memref<2x40x128xf32, #tpu.memory_space<vmem>> -> memref<1x40x128xf32, #tpu.memory_space<vmem>>
      %dma_wait3A_150 = tpu.memref_squeeze %dma_wait3A_149 : memref<1x40x128xf32, #tpu.memory_space<vmem>> -> memref<40x128xf32, #tpu.memory_space<vmem>>
      tpu.wait_dma2 semaphore(%run_scoped3A_127 : memref<!tpu.dma_semaphore, #tpu.memory_space<semaphore_mem>>) src(%dma_wait3A_150 : memref<40x128xf32, #tpu.memory_space<vmem>>) dst(%dma_wait3A_146 : memref<40x128xf32, #tpu.memory_space<vmem_shared>>)
      tpu.yield
    }) : () -> ()
    %mul3A_63 = arith.constant 632 : i32
    %mul3A_64 = arith.muli %arg1, %mul3A_63 : i32
    %add3A_65 = arith.constant 480 : i32
    %add3A_66 = arith.addi %mul3A_64, %add3A_65 : i32
    %run_scoped3A_67 = arith.constant 0 : i32
    "tpu.region"() ({
      %run_scoped3A_127 = tpu.sem_alloc : memref<!tpu.dma_semaphore, #tpu.memory_space<semaphore_mem>>
      %dma_start3A_128 = arith.constant 0 : i32
      %dma_start3A_129 = arith.constant 0 : i32
      %dma_start3A_130 = tpu.memref_slice %arg12[%run_scoped3A_67, %dma_start3A_128, %dma_start3A_129] : memref<2x40x128xf32, #tpu.memory_space<vmem>> -> memref<1x40x128xf32, #tpu.memory_space<vmem>>
      %dma_start3A_131 = tpu.memref_squeeze %dma_start3A_130 : memref<1x40x128xf32, #tpu.memory_space<vmem>> -> memref<40x128xf32, #tpu.memory_space<vmem>>
      %dma_start3A_132 = arith.constant 0 : i32
      %dma_start3A_133 = tpu.memref_slice %arg7[%add3A_66, %dma_start3A_132] : memref<10112x128xf32, #tpu.memory_space<vmem_shared>> -> memref<40x128xf32, #tpu.memory_space<vmem_shared>>
      %dma_start3A_134 = arith.constant 0 : i32
      %dma_start3A_135 = tpu.memref_slice %arg7[%add3A_66, %dma_start3A_134] : memref<10112x128xf32, #tpu.memory_space<vmem_shared>> -> memref<40x128xf32, #tpu.memory_space<vmem_shared>>
      %dma_start3A_136 = arith.constant 0 : i32
      %dma_start3A_137 = arith.constant 0 : i32
      %dma_start3A_138 = tpu.memref_slice %arg12[%run_scoped3A_67, %dma_start3A_136, %dma_start3A_137] : memref<2x40x128xf32, #tpu.memory_space<vmem>> -> memref<1x40x128xf32, #tpu.memory_space<vmem>>
      %dma_start3A_139 = tpu.memref_squeeze %dma_start3A_138 : memref<1x40x128xf32, #tpu.memory_space<vmem>> -> memref<40x128xf32, #tpu.memory_space<vmem>>
      tpu.enqueue_dma source(%dma_start3A_139 : memref<40x128xf32, #tpu.memory_space<vmem>>) target(%dma_start3A_135 : memref<40x128xf32, #tpu.memory_space<vmem_shared>>) target_semaphore(%run_scoped3A_127 : memref<!tpu.dma_semaphore, #tpu.memory_space<semaphore_mem>>)
      %dma_wait3A = arith.constant 0 : i32
      %dma_wait3A_140 = arith.constant 0 : i32
      %dma_wait3A_141 = tpu.memref_slice %arg12[%run_scoped3A_67, %dma_wait3A, %dma_wait3A_140] : memref<2x40x128xf32, #tpu.memory_space<vmem>> -> memref<1x40x128xf32, #tpu.memory_space<vmem>>
      %dma_wait3A_142 = tpu.memref_squeeze %dma_wait3A_141 : memref<1x40x128xf32, #tpu.memory_space<vmem>> -> memref<40x128xf32, #tpu.memory_space<vmem>>
      %dma_wait3A_143 = arith.constant 0 : i32
      %dma_wait3A_144 = tpu.memref_slice %arg7[%add3A_66, %dma_wait3A_143] : memref<10112x128xf32, #tpu.memory_space<vmem_shared>> -> memref<40x128xf32, #tpu.memory_space<vmem_shared>>
      %dma_wait3A_145 = arith.constant 0 : i32
      %dma_wait3A_146 = tpu.memref_slice %arg7[%add3A_66, %dma_wait3A_145] : memref<10112x128xf32, #tpu.memory_space<vmem_shared>> -> memref<40x128xf32, #tpu.memory_space<vmem_shared>>
      %dma_wait3A_147 = arith.constant 0 : i32
      %dma_wait3A_148 = arith.constant 0 : i32
      %dma_wait3A_149 = tpu.memref_slice %arg12[%run_scoped3A_67, %dma_wait3A_147, %dma_wait3A_148] : memref<2x40x128xf32, #tpu.memory_space<vmem>> -> memref<1x40x128xf32, #tpu.memory_space<vmem>>
      %dma_wait3A_150 = tpu.memref_squeeze %dma_wait3A_149 : memref<1x40x128xf32, #tpu.memory_space<vmem>> -> memref<40x128xf32, #tpu.memory_space<vmem>>
      tpu.wait_dma2 semaphore(%run_scoped3A_127 : memref<!tpu.dma_semaphore, #tpu.memory_space<semaphore_mem>>) src(%dma_wait3A_150 : memref<40x128xf32, #tpu.memory_space<vmem>>) dst(%dma_wait3A_146 : memref<40x128xf32, #tpu.memory_space<vmem_shared>>)
      tpu.yield
    }) : () -> ()
    %mul3A_68 = arith.constant 632 : i32
    %mul3A_69 = arith.muli %arg1, %mul3A_68 : i32
    %add3A_70 = arith.constant 520 : i32
    %add3A_71 = arith.addi %mul3A_69, %add3A_70 : i32
    %run_scoped3A_72 = arith.constant 0 : i32
    "tpu.region"() ({
      %run_scoped3A_127 = tpu.sem_alloc : memref<!tpu.dma_semaphore, #tpu.memory_space<semaphore_mem>>
      %dma_start3A_128 = arith.constant 0 : i32
      %dma_start3A_129 = arith.constant 0 : i32
      %dma_start3A_130 = tpu.memref_slice %arg12[%run_scoped3A_72, %dma_start3A_128, %dma_start3A_129] : memref<2x40x128xf32, #tpu.memory_space<vmem>> -> memref<1x40x128xf32, #tpu.memory_space<vmem>>
      %dma_start3A_131 = tpu.memref_squeeze %dma_start3A_130 : memref<1x40x128xf32, #tpu.memory_space<vmem>> -> memref<40x128xf32, #tpu.memory_space<vmem>>
      %dma_start3A_132 = arith.constant 0 : i32
      %dma_start3A_133 = tpu.memref_slice %arg7[%add3A_71, %dma_start3A_132] : memref<10112x128xf32, #tpu.memory_space<vmem_shared>> -> memref<40x128xf32, #tpu.memory_space<vmem_shared>>
      %dma_start3A_134 = arith.constant 0 : i32
      %dma_start3A_135 = tpu.memref_slice %arg7[%add3A_71, %dma_start3A_134] : memref<10112x128xf32, #tpu.memory_space<vmem_shared>> -> memref<40x128xf32, #tpu.memory_space<vmem_shared>>
      %dma_start3A_136 = arith.constant 0 : i32
      %dma_start3A_137 = arith.constant 0 : i32
      %dma_start3A_138 = tpu.memref_slice %arg12[%run_scoped3A_72, %dma_start3A_136, %dma_start3A_137] : memref<2x40x128xf32, #tpu.memory_space<vmem>> -> memref<1x40x128xf32, #tpu.memory_space<vmem>>
      %dma_start3A_139 = tpu.memref_squeeze %dma_start3A_138 : memref<1x40x128xf32, #tpu.memory_space<vmem>> -> memref<40x128xf32, #tpu.memory_space<vmem>>
      tpu.enqueue_dma source(%dma_start3A_139 : memref<40x128xf32, #tpu.memory_space<vmem>>) target(%dma_start3A_135 : memref<40x128xf32, #tpu.memory_space<vmem_shared>>) target_semaphore(%run_scoped3A_127 : memref<!tpu.dma_semaphore, #tpu.memory_space<semaphore_mem>>)
      %dma_wait3A = arith.constant 0 : i32
      %dma_wait3A_140 = arith.constant 0 : i32
      %dma_wait3A_141 = tpu.memref_slice %arg12[%run_scoped3A_72, %dma_wait3A, %dma_wait3A_140] : memref<2x40x128xf32, #tpu.memory_space<vmem>> -> memref<1x40x128xf32, #tpu.memory_space<vmem>>
      %dma_wait3A_142 = tpu.memref_squeeze %dma_wait3A_141 : memref<1x40x128xf32, #tpu.memory_space<vmem>> -> memref<40x128xf32, #tpu.memory_space<vmem>>
      %dma_wait3A_143 = arith.constant 0 : i32
      %dma_wait3A_144 = tpu.memref_slice %arg7[%add3A_71, %dma_wait3A_143] : memref<10112x128xf32, #tpu.memory_space<vmem_shared>> -> memref<40x128xf32, #tpu.memory_space<vmem_shared>>
      %dma_wait3A_145 = arith.constant 0 : i32
      %dma_wait3A_146 = tpu.memref_slice %arg7[%add3A_71, %dma_wait3A_145] : memref<10112x128xf32, #tpu.memory_space<vmem_shared>> -> memref<40x128xf32, #tpu.memory_space<vmem_shared>>
      %dma_wait3A_147 = arith.constant 0 : i32
      %dma_wait3A_148 = arith.constant 0 : i32
      %dma_wait3A_149 = tpu.memref_slice %arg12[%run_scoped3A_72, %dma_wait3A_147, %dma_wait3A_148] : memref<2x40x128xf32, #tpu.memory_space<vmem>> -> memref<1x40x128xf32, #tpu.memory_space<vmem>>
      %dma_wait3A_150 = tpu.memref_squeeze %dma_wait3A_149 : memref<1x40x128xf32, #tpu.memory_space<vmem>> -> memref<40x128xf32, #tpu.memory_space<vmem>>
      tpu.wait_dma2 semaphore(%run_scoped3A_127 : memref<!tpu.dma_semaphore, #tpu.memory_space<semaphore_mem>>) src(%dma_wait3A_150 : memref<40x128xf32, #tpu.memory_space<vmem>>) dst(%dma_wait3A_146 : memref<40x128xf32, #tpu.memory_space<vmem_shared>>)
      tpu.yield
    }) : () -> ()
    %mul3A_73 = arith.constant 632 : i32
    %mul3A_74 = arith.muli %arg1, %mul3A_73 : i32
    %add3A_75 = arith.constant 560 : i32
    %add3A_76 = arith.addi %mul3A_74, %add3A_75 : i32
    %run_scoped3A_77 = arith.constant 0 : i32
    "tpu.region"() ({
      %run_scoped3A_127 = tpu.sem_alloc : memref<!tpu.dma_semaphore, #tpu.memory_space<semaphore_mem>>
      %dma_start3A_128 = arith.constant 0 : i32
      %dma_start3A_129 = arith.constant 0 : i32
      %dma_start3A_130 = tpu.memref_slice %arg12[%run_scoped3A_77, %dma_start3A_128, %dma_start3A_129] : memref<2x40x128xf32, #tpu.memory_space<vmem>> -> memref<1x40x128xf32, #tpu.memory_space<vmem>>
      %dma_start3A_131 = tpu.memref_squeeze %dma_start3A_130 : memref<1x40x128xf32, #tpu.memory_space<vmem>> -> memref<40x128xf32, #tpu.memory_space<vmem>>
      %dma_start3A_132 = arith.constant 0 : i32
      %dma_start3A_133 = tpu.memref_slice %arg7[%add3A_76, %dma_start3A_132] : memref<10112x128xf32, #tpu.memory_space<vmem_shared>> -> memref<40x128xf32, #tpu.memory_space<vmem_shared>>
      %dma_start3A_134 = arith.constant 0 : i32
      %dma_start3A_135 = tpu.memref_slice %arg7[%add3A_76, %dma_start3A_134] : memref<10112x128xf32, #tpu.memory_space<vmem_shared>> -> memref<40x128xf32, #tpu.memory_space<vmem_shared>>
      %dma_start3A_136 = arith.constant 0 : i32
      %dma_start3A_137 = arith.constant 0 : i32
      %dma_start3A_138 = tpu.memref_slice %arg12[%run_scoped3A_77, %dma_start3A_136, %dma_start3A_137] : memref<2x40x128xf32, #tpu.memory_space<vmem>> -> memref<1x40x128xf32, #tpu.memory_space<vmem>>
      %dma_start3A_139 = tpu.memref_squeeze %dma_start3A_138 : memref<1x40x128xf32, #tpu.memory_space<vmem>> -> memref<40x128xf32, #tpu.memory_space<vmem>>
      tpu.enqueue_dma source(%dma_start3A_139 : memref<40x128xf32, #tpu.memory_space<vmem>>) target(%dma_start3A_135 : memref<40x128xf32, #tpu.memory_space<vmem_shared>>) target_semaphore(%run_scoped3A_127 : memref<!tpu.dma_semaphore, #tpu.memory_space<semaphore_mem>>)
      %dma_wait3A = arith.constant 0 : i32
      %dma_wait3A_140 = arith.constant 0 : i32
      %dma_wait3A_141 = tpu.memref_slice %arg12[%run_scoped3A_77, %dma_wait3A, %dma_wait3A_140] : memref<2x40x128xf32, #tpu.memory_space<vmem>> -> memref<1x40x128xf32, #tpu.memory_space<vmem>>
      %dma_wait3A_142 = tpu.memref_squeeze %dma_wait3A_141 : memref<1x40x128xf32, #tpu.memory_space<vmem>> -> memref<40x128xf32, #tpu.memory_space<vmem>>
      %dma_wait3A_143 = arith.constant 0 : i32
      %dma_wait3A_144 = tpu.memref_slice %arg7[%add3A_76, %dma_wait3A_143] : memref<10112x128xf32, #tpu.memory_space<vmem_shared>> -> memref<40x128xf32, #tpu.memory_space<vmem_shared>>
      %dma_wait3A_145 = arith.constant 0 : i32
      %dma_wait3A_146 = tpu.memref_slice %arg7[%add3A_76, %dma_wait3A_145] : memref<10112x128xf32, #tpu.memory_space<vmem_shared>> -> memref<40x128xf32, #tpu.memory_space<vmem_shared>>
      %dma_wait3A_147 = arith.constant 0 : i32
      %dma_wait3A_148 = arith.constant 0 : i32
      %dma_wait3A_149 = tpu.memref_slice %arg12[%run_scoped3A_77, %dma_wait3A_147, %dma_wait3A_148] : memref<2x40x128xf32, #tpu.memory_space<vmem>> -> memref<1x40x128xf32, #tpu.memory_space<vmem>>
      %dma_wait3A_150 = tpu.memref_squeeze %dma_wait3A_149 : memref<1x40x128xf32, #tpu.memory_space<vmem>> -> memref<40x128xf32, #tpu.memory_space<vmem>>
      tpu.wait_dma2 semaphore(%run_scoped3A_127 : memref<!tpu.dma_semaphore, #tpu.memory_space<semaphore_mem>>) src(%dma_wait3A_150 : memref<40x128xf32, #tpu.memory_space<vmem>>) dst(%dma_wait3A_146 : memref<40x128xf32, #tpu.memory_space<vmem_shared>>)
      tpu.yield
    }) : () -> ()
    %mul3A_78 = arith.constant 632 : i32
    %mul3A_79 = arith.muli %arg1, %mul3A_78 : i32
    %add3A_80 = arith.constant 600 : i32
    %add3A_81 = arith.addi %mul3A_79, %add3A_80 : i32
    %run_scoped3A_82 = arith.constant 0 : i32
    "tpu.region"() ({
      %run_scoped3A_127 = tpu.sem_alloc : memref<!tpu.dma_semaphore, #tpu.memory_space<semaphore_mem>>
      %dma_start3A_128 = arith.constant 0 : i32
      %dma_start3A_129 = arith.constant 0 : i32
      %dma_start3A_130 = tpu.memref_slice %arg12[%run_scoped3A_82, %dma_start3A_128, %dma_start3A_129] : memref<2x40x128xf32, #tpu.memory_space<vmem>> -> memref<1x32x128xf32, #tpu.memory_space<vmem>>
      %dma_start3A_131 = tpu.memref_squeeze %dma_start3A_130 : memref<1x32x128xf32, #tpu.memory_space<vmem>> -> memref<32x128xf32, #tpu.memory_space<vmem>>
      %dma_start3A_132 = arith.constant 0 : i32
      %dma_start3A_133 = tpu.memref_slice %arg7[%add3A_81, %dma_start3A_132] : memref<10112x128xf32, #tpu.memory_space<vmem_shared>> -> memref<32x128xf32, #tpu.memory_space<vmem_shared>>
      %dma_start3A_134 = arith.constant 0 : i32
      %dma_start3A_135 = tpu.memref_slice %arg7[%add3A_81, %dma_start3A_134] : memref<10112x128xf32, #tpu.memory_space<vmem_shared>> -> memref<32x128xf32, #tpu.memory_space<vmem_shared>>
      %dma_start3A_136 = arith.constant 0 : i32
      %dma_start3A_137 = arith.constant 0 : i32
      %dma_start3A_138 = tpu.memref_slice %arg12[%run_scoped3A_82, %dma_start3A_136, %dma_start3A_137] : memref<2x40x128xf32, #tpu.memory_space<vmem>> -> memref<1x32x128xf32, #tpu.memory_space<vmem>>
      %dma_start3A_139 = tpu.memref_squeeze %dma_start3A_138 : memref<1x32x128xf32, #tpu.memory_space<vmem>> -> memref<32x128xf32, #tpu.memory_space<vmem>>
      tpu.enqueue_dma source(%dma_start3A_139 : memref<32x128xf32, #tpu.memory_space<vmem>>) target(%dma_start3A_135 : memref<32x128xf32, #tpu.memory_space<vmem_shared>>) target_semaphore(%run_scoped3A_127 : memref<!tpu.dma_semaphore, #tpu.memory_space<semaphore_mem>>)
      %dma_wait3A = arith.constant 0 : i32
      %dma_wait3A_140 = arith.constant 0 : i32
      %dma_wait3A_141 = tpu.memref_slice %arg12[%run_scoped3A_82, %dma_wait3A, %dma_wait3A_140] : memref<2x40x128xf32, #tpu.memory_space<vmem>> -> memref<1x32x128xf32, #tpu.memory_space<vmem>>
      %dma_wait3A_142 = tpu.memref_squeeze %dma_wait3A_141 : memref<1x32x128xf32, #tpu.memory_space<vmem>> -> memref<32x128xf32, #tpu.memory_space<vmem>>
      %dma_wait3A_143 = arith.constant 0 : i32
      %dma_wait3A_144 = tpu.memref_slice %arg7[%add3A_81, %dma_wait3A_143] : memref<10112x128xf32, #tpu.memory_space<vmem_shared>> -> memref<32x128xf32, #tpu.memory_space<vmem_shared>>
      %dma_wait3A_145 = arith.constant 0 : i32
      %dma_wait3A_146 = tpu.memref_slice %arg7[%add3A_81, %dma_wait3A_145] : memref<10112x128xf32, #tpu.memory_space<vmem_shared>> -> memref<32x128xf32, #tpu.memory_space<vmem_shared>>
      %dma_wait3A_147 = arith.constant 0 : i32
      %dma_wait3A_148 = arith.constant 0 : i32
      %dma_wait3A_149 = tpu.memref_slice %arg12[%run_scoped3A_82, %dma_wait3A_147, %dma_wait3A_148] : memref<2x40x128xf32, #tpu.memory_space<vmem>> -> memref<1x32x128xf32, #tpu.memory_space<vmem>>
      %dma_wait3A_150 = tpu.memref_squeeze %dma_wait3A_149 : memref<1x32x128xf32, #tpu.memory_space<vmem>> -> memref<32x128xf32, #tpu.memory_space<vmem>>
      tpu.wait_dma2 semaphore(%run_scoped3A_127 : memref<!tpu.dma_semaphore, #tpu.memory_space<semaphore_mem>>) src(%dma_wait3A_150 : memref<32x128xf32, #tpu.memory_space<vmem>>) dst(%dma_wait3A_146 : memref<32x128xf32, #tpu.memory_space<vmem_shared>>)
      tpu.yield
    }) : () -> ()
    %barrier3A = arith.constant 0 : index
    tpu.barrier barrier_id(%barrier3A)
    %mul3A_83 = arith.constant 512 : i32
    %mul3A_84 = arith.muli %arg1, %mul3A_83 : i32
    %mul3A_85 = arith.constant 512 : i32
    %mul3A_86 = arith.muli %arg1, %mul3A_85 : i32
    %add3A_87 = arith.constant 0 : i32
    %add3A_88 = arith.addi %mul3A_86, %add3A_87 : i32
    %dma_start3A = arith.constant 0 : i32
    %dma_start3A_89 = arith.constant 0 : i32
    %dma_start3A_90 = arith.constant 0 : i32
    %dma_start3A_91 = tpu.memref_slice %arg8[%dma_start3A, %dma_start3A_89, %dma_start3A_90] : memref<2x32x40xi32, #tpu.memory_space<vmem>> -> memref<1x32x40xi32, #tpu.memory_space<vmem>>
    %dma_start3A_92 = tpu.memref_squeeze %dma_start3A_91 : memref<1x32x40xi32, #tpu.memory_space<vmem>> -> memref<32x40xi32, #tpu.memory_space<vmem>>
    %dma_start3A_93 = arith.constant 0 : i32
    %dma_start3A_94 = tpu.memref_slice %arg4[%add3A_88, %dma_start3A_93] : memref<8192x40xi32, #tpu.memory_space<hbm>> -> memref<32x40xi32, #tpu.memory_space<hbm>>
    %dma_start3A_95 = arith.constant 0 : i32
    %dma_start3A_96 = arith.constant 0 : i32
    %dma_start3A_97 = tpu.memref_slice %arg8[%dma_start3A, %dma_start3A_95, %dma_start3A_96] : memref<2x32x40xi32, #tpu.memory_space<vmem>> -> memref<1x32x40xi32, #tpu.memory_space<vmem>>
    %dma_start3A_98 = tpu.memref_squeeze %dma_start3A_97 : memref<1x32x40xi32, #tpu.memory_space<vmem>> -> memref<32x40xi32, #tpu.memory_space<vmem>>
    %dma_start3A_99 = arith.constant 0 : i32
    %dma_start3A_100 = tpu.memref_slice %arg4[%add3A_88, %dma_start3A_99] : memref<8192x40xi32, #tpu.memory_space<hbm>> -> memref<32x40xi32, #tpu.memory_space<hbm>>
    tpu.enqueue_dma source(%dma_start3A_100 : memref<32x40xi32, #tpu.memory_space<hbm>>) target(%dma_start3A_98 : memref<32x40xi32, #tpu.memory_space<vmem>>) target_semaphore(%arg13 : memref<!tpu.dma_semaphore, #tpu.memory_space<semaphore_mem>>)
    %dma_start3A_101 = arith.constant 0 : i32
    %dma_start3A_102 = arith.constant 0 : i32
    %dma_start3A_103 = arith.constant 0 : i32
    %dma_start3A_104 = tpu.memref_slice %arg9[%dma_start3A_101, %dma_start3A_102, %dma_start3A_103] : memref<2x32x40xi32, #tpu.memory_space<vmem>> -> memref<1x32x40xi32, #tpu.memory_space<vmem>>
    %dma_start3A_105 = tpu.memref_squeeze %dma_start3A_104 : memref<1x32x40xi32, #tpu.memory_space<vmem>> -> memref<32x40xi32, #tpu.memory_space<vmem>>
    %dma_start3A_106 = arith.constant 0 : i32
    %dma_start3A_107 = tpu.memref_slice %arg5[%add3A_88, %dma_start3A_106] : memref<8192x40xi32, #tpu.memory_space<hbm>> -> memref<32x40xi32, #tpu.memory_space<hbm>>
    %dma_start3A_108 = arith.constant 0 : i32
    %dma_start3A_109 = arith.constant 0 : i32
    %dma_start3A_110 = tpu.memref_slice %arg9[%dma_start3A_101, %dma_start3A_108, %dma_start3A_109] : memref<2x32x40xi32, #tpu.memory_space<vmem>> -> memref<1x32x40xi32, #tpu.memory_space<vmem>>
    %dma_start3A_111 = tpu.memref_squeeze %dma_start3A_110 : memref<1x32x40xi32, #tpu.memory_space<vmem>> -> memref<32x40xi32, #tpu.memory_space<vmem>>
    %dma_start3A_112 = arith.constant 0 : i32
    %dma_start3A_113 = tpu.memref_slice %arg5[%add3A_88, %dma_start3A_112] : memref<8192x40xi32, #tpu.memory_space<hbm>> -> memref<32x40xi32, #tpu.memory_space<hbm>>
    tpu.enqueue_dma source(%dma_start3A_113 : memref<32x40xi32, #tpu.memory_space<hbm>>) target(%dma_start3A_111 : memref<32x40xi32, #tpu.memory_space<vmem>>) target_semaphore(%arg13 : memref<!tpu.dma_semaphore, #tpu.memory_space<semaphore_mem>>)
    %scan3A_114 = arith.constant 0 : i32
    %scan3A_115 = arith.constant 8 : i32
    %scan3A_116 = arith.addi %scan3A_114, %scan3A_115 : i32
    %scan3A_117 = arith.constant 1 : i32
    scf.for %scan3A_127 = %scan3A_114 to %scan3A_116 step %scan3A_117  : i32 {
      %mul3A_128 = arith.constant 2 : i32
      %mul3A_129 = arith.muli %mul3A_128, %scan3A_127 : i32
      %mul3A_130 = arith.constant 32 : i32
      %mul3A_131 = arith.muli %mul3A_129, %mul3A_130 : i32
      %add3A_132 = arith.addi %mul3A_84, %mul3A_131 : i32
      %dma_wait3A = arith.constant 0 : i32
      %dma_wait3A_133 = arith.constant 0 : i32
      %dma_wait3A_134 = arith.constant 0 : i32
      %dma_wait3A_135 = tpu.memref_slice %arg8[%dma_wait3A, %dma_wait3A_133, %dma_wait3A_134] : memref<2x32x40xi32, #tpu.memory_space<vmem>> -> memref<1x32x40xi32, #tpu.memory_space<vmem>>
      %dma_wait3A_136 = tpu.memref_squeeze %dma_wait3A_135 : memref<1x32x40xi32, #tpu.memory_space<vmem>> -> memref<32x40xi32, #tpu.memory_space<vmem>>
      %dma_wait3A_137 = arith.constant 0 : i32
      %dma_wait3A_138 = arith.constant 0 : i32
      %dma_wait3A_139 = tpu.memref_slice %arg4[%dma_wait3A_137, %dma_wait3A_138] : memref<8192x40xi32, #tpu.memory_space<hbm>> -> memref<32x40xi32, #tpu.memory_space<hbm>>
      %dma_wait3A_140 = arith.constant 0 : i32
      %dma_wait3A_141 = arith.constant 0 : i32
      %dma_wait3A_142 = tpu.memref_slice %arg8[%dma_wait3A, %dma_wait3A_140, %dma_wait3A_141] : memref<2x32x40xi32, #tpu.memory_space<vmem>> -> memref<1x32x40xi32, #tpu.memory_space<vmem>>
      %dma_wait3A_143 = tpu.memref_squeeze %dma_wait3A_142 : memref<1x32x40xi32, #tpu.memory_space<vmem>> -> memref<32x40xi32, #tpu.memory_space<vmem>>
      %dma_wait3A_144 = arith.constant 0 : i32
      %dma_wait3A_145 = arith.constant 0 : i32
      %dma_wait3A_146 = tpu.memref_slice %arg4[%dma_wait3A_144, %dma_wait3A_145] : memref<8192x40xi32, #tpu.memory_space<hbm>> -> memref<32x40xi32, #tpu.memory_space<hbm>>
      tpu.wait_dma2 semaphore(%arg13 : memref<!tpu.dma_semaphore, #tpu.memory_space<semaphore_mem>>) src(%dma_wait3A_146 : memref<32x40xi32, #tpu.memory_space<hbm>>) dst(%dma_wait3A_143 : memref<32x40xi32, #tpu.memory_space<vmem>>)
      %dma_wait3A_147 = arith.constant 0 : i32
      %dma_wait3A_148 = arith.constant 0 : i32
      %dma_wait3A_149 = arith.constant 0 : i32
      %dma_wait3A_150 = tpu.memref_slice %arg9[%dma_wait3A_147, %dma_wait3A_148, %dma_wait3A_149] : memref<2x32x40xi32, #tpu.memory_space<vmem>> -> memref<1x32x40xi32, #tpu.memory_space<vmem>>
      %dma_wait3A_151 = tpu.memref_squeeze %dma_wait3A_150 : memref<1x32x40xi32, #tpu.memory_space<vmem>> -> memref<32x40xi32, #tpu.memory_space<vmem>>
      %dma_wait3A_152 = arith.constant 0 : i32
      %dma_wait3A_153 = arith.constant 0 : i32
      %dma_wait3A_154 = tpu.memref_slice %arg5[%dma_wait3A_152, %dma_wait3A_153] : memref<8192x40xi32, #tpu.memory_space<hbm>> -> memref<32x40xi32, #tpu.memory_space<hbm>>
      %dma_wait3A_155 = arith.constant 0 : i32
      %dma_wait3A_156 = arith.constant 0 : i32
      %dma_wait3A_157 = tpu.memref_slice %arg9[%dma_wait3A_147, %dma_wait3A_155, %dma_wait3A_156] : memref<2x32x40xi32, #tpu.memory_space<vmem>> -> memref<1x32x40xi32, #tpu.memory_space<vmem>>
      %dma_wait3A_158 = tpu.memref_squeeze %dma_wait3A_157 : memref<1x32x40xi32, #tpu.memory_space<vmem>> -> memref<32x40xi32, #tpu.memory_space<vmem>>
      %dma_wait3A_159 = arith.constant 0 : i32
      %dma_wait3A_160 = arith.constant 0 : i32
      %dma_wait3A_161 = tpu.memref_slice %arg5[%dma_wait3A_159, %dma_wait3A_160] : memref<8192x40xi32, #tpu.memory_space<hbm>> -> memref<32x40xi32, #tpu.memory_space<hbm>>
      tpu.wait_dma2 semaphore(%arg13 : memref<!tpu.dma_semaphore, #tpu.memory_space<semaphore_mem>>) src(%dma_wait3A_161 : memref<32x40xi32, #tpu.memory_space<hbm>>) dst(%dma_wait3A_158 : memref<32x40xi32, #tpu.memory_space<vmem>>)
      %add3A_162 = arith.constant 1 : i32
      %add3A_163 = arith.addi %mul3A_129, %add3A_162 : i32
      %lt3A = arith.constant 16 : i32
      %lt3A_164 = arith.cmpi slt, %add3A_163, %lt3A : i32
      %convert_element_type3A = arith.extui %lt3A_164 : i1 to i32
      %cond3A = arith.constant 0 : i32
      %cond3A_165 = arith.cmpi ne, %convert_element_type3A, %cond3A : i32
      scf.if %cond3A_165 {
        %add3A_337 = arith.constant 1 : i32
        %add3A_338 = arith.addi %mul3A_129, %add3A_337 : i32
        %mul3A_339 = arith.constant 512 : i32
        %mul3A_340 = arith.muli %arg1, %mul3A_339 : i32
        %mul3A_341 = arith.constant 32 : i32
        %mul3A_342 = arith.muli %add3A_338, %mul3A_341 : i32
        %add3A_343 = arith.addi %mul3A_340, %mul3A_342 : i32
        %dma_start3A_344 = arith.constant 1 : i32
        %dma_start3A_345 = arith.constant 0 : i32
        %dma_start3A_346 = arith.constant 0 : i32
        %dma_start3A_347 = tpu.memref_slice %arg8[%dma_start3A_344, %dma_start3A_345, %dma_start3A_346] : memref<2x32x40xi32, #tpu.memory_space<vmem>> -> memref<1x32x40xi32, #tpu.memory_space<vmem>>
        %dma_start3A_348 = tpu.memref_squeeze %dma_start3A_347 : memref<1x32x40xi32, #tpu.memory_space<vmem>> -> memref<32x40xi32, #tpu.memory_space<vmem>>
        %dma_start3A_349 = arith.constant 0 : i32
        %dma_start3A_350 = tpu.memref_slice %arg4[%add3A_343, %dma_start3A_349] : memref<8192x40xi32, #tpu.memory_space<hbm>> -> memref<32x40xi32, #tpu.memory_space<hbm>>
        %dma_start3A_351 = arith.constant 0 : i32
        %dma_start3A_352 = arith.constant 0 : i32
        %dma_start3A_353 = tpu.memref_slice %arg8[%dma_start3A_344, %dma_start3A_351, %dma_start3A_352] : memref<2x32x40xi32, #tpu.memory_space<vmem>> -> memref<1x32x40xi32, #tpu.memory_space<vmem>>
        %dma_start3A_354 = tpu.memref_squeeze %dma_start3A_353 : memref<1x32x40xi32, #tpu.memory_space<vmem>> -> memref<32x40xi32, #tpu.memory_space<vmem>>
        %dma_start3A_355 = arith.constant 0 : i32
        %dma_start3A_356 = tpu.memref_slice %arg4[%add3A_343, %dma_start3A_355] : memref<8192x40xi32, #tpu.memory_space<hbm>> -> memref<32x40xi32, #tpu.memory_space<hbm>>
        tpu.enqueue_dma source(%dma_start3A_356 : memref<32x40xi32, #tpu.memory_space<hbm>>) target(%dma_start3A_354 : memref<32x40xi32, #tpu.memory_space<vmem>>) target_semaphore(%arg14 : memref<!tpu.dma_semaphore, #tpu.memory_space<semaphore_mem>>)
        %dma_start3A_357 = arith.constant 1 : i32
        %dma_start3A_358 = arith.constant 0 : i32
        %dma_start3A_359 = arith.constant 0 : i32
        %dma_start3A_360 = tpu.memref_slice %arg9[%dma_start3A_357, %dma_start3A_358, %dma_start3A_359] : memref<2x32x40xi32, #tpu.memory_space<vmem>> -> memref<1x32x40xi32, #tpu.memory_space<vmem>>
        %dma_start3A_361 = tpu.memref_squeeze %dma_start3A_360 : memref<1x32x40xi32, #tpu.memory_space<vmem>> -> memref<32x40xi32, #tpu.memory_space<vmem>>
        %dma_start3A_362 = arith.constant 0 : i32
        %dma_start3A_363 = tpu.memref_slice %arg5[%add3A_343, %dma_start3A_362] : memref<8192x40xi32, #tpu.memory_space<hbm>> -> memref<32x40xi32, #tpu.memory_space<hbm>>
        %dma_start3A_364 = arith.constant 0 : i32
        %dma_start3A_365 = arith.constant 0 : i32
        %dma_start3A_366 = tpu.memref_slice %arg9[%dma_start3A_357, %dma_start3A_364, %dma_start3A_365] : memref<2x32x40xi32, #tpu.memory_space<vmem>> -> memref<1x32x40xi32, #tpu.memory_space<vmem>>
        %dma_start3A_367 = tpu.memref_squeeze %dma_start3A_366 : memref<1x32x40xi32, #tpu.memory_space<vmem>> -> memref<32x40xi32, #tpu.memory_space<vmem>>
        %dma_start3A_368 = arith.constant 0 : i32
        %dma_start3A_369 = tpu.memref_slice %arg5[%add3A_343, %dma_start3A_368] : memref<8192x40xi32, #tpu.memory_space<hbm>> -> memref<32x40xi32, #tpu.memory_space<hbm>>
        tpu.enqueue_dma source(%dma_start3A_369 : memref<32x40xi32, #tpu.memory_space<hbm>>) target(%dma_start3A_367 : memref<32x40xi32, #tpu.memory_space<vmem>>) target_semaphore(%arg14 : memref<!tpu.dma_semaphore, #tpu.memory_space<semaphore_mem>>)
      } else {
      }
      %min3A = arith.constant 7999 : i32
      %min3A_166 = arith.minsi %add3A_132, %min3A : i32
      %dma_start3A_167 = arith.constant 0 : i32
      %dma_start3A_168 = arith.constant 0 : i32
      %dma_start3A_169 = arith.constant 0 : i32
      %dma_start3A_170 = arith.constant 0 : i32
      %dma_start3A_171 = arith.constant 0 : i32
      %dma_start3A_172 = tpu.memref_slice %arg10[%dma_start3A_169, %dma_start3A_170, %dma_start3A_171] : memref<2x40x128xf32, #tpu.memory_space<vmem>> -> memref<1x40x128xf32, #tpu.memory_space<vmem>>
      %dma_start3A_173 = tpu.memref_squeeze %dma_start3A_172 : memref<1x40x128xf32, #tpu.memory_space<vmem>> -> memref<40x128xf32, #tpu.memory_space<vmem>>
      %dma_start3A_174 = arith.constant 0 : i32
      %dma_start3A_175 = tpu.memref_slice %arg8[%dma_start3A_167, %dma_start3A_168, %dma_start3A_174] : memref<2x32x40xi32, #tpu.memory_space<vmem>> -> memref<1x1x40xi32, #tpu.memory_space<vmem>>
      %dma_start3A_176 = tpu.memref_squeeze %dma_start3A_175 : memref<1x1x40xi32, #tpu.memory_space<vmem>> -> memref<40xi32, #tpu.memory_space<vmem>>
      %dma_start3A_177 = arith.constant 0 : i32
      %dma_start3A_178 = arith.constant 0 : i32
      %dma_start3A_179 = tpu.memref_slice %arg2[%dma_start3A_177, %dma_start3A_178] : memref<10000x128xf32, #tpu.memory_space<hbm>> -> memref<10000x128xf32, #tpu.memory_space<hbm>>
      tpu.enqueue_indirect_dma source(%dma_start3A_179 : memref<10000x128xf32, #tpu.memory_space<hbm>>) target(%dma_start3A_173 : memref<40x128xf32, #tpu.memory_space<vmem>>) offsets(%dma_start3A_176 : memref<40xi32, #tpu.memory_space<vmem>>) semaphore(%arg15 : memref<!tpu.dma_semaphore, #tpu.memory_space<semaphore_mem>>)
      %mul3A_180 = arith.constant 320000 : i32
      %mul3A_181 = arith.muli %arg0, %mul3A_180 : i32
      %mul3A_182 = arith.constant 40 : i32
      %mul3A_183 = arith.muli %min3A_166, %mul3A_182 : i32
      %add3A_184 = arith.addi %mul3A_181, %mul3A_183 : i32
      %dma_start3A_185 = arith.constant 0 : i32
      %dma_start3A_186 = arith.constant 0 : i32
      %dma_start3A_187 = arith.constant 0 : i32
      %dma_start3A_188 = tpu.memref_slice %arg11[%dma_start3A_185, %dma_start3A_186, %dma_start3A_187] : memref<2x40x64xf32, #tpu.memory_space<vmem>> -> memref<1x40x64xf32, #tpu.memory_space<vmem>>
      %dma_start3A_189 = tpu.memref_squeeze %dma_start3A_188 : memref<1x40x64xf32, #tpu.memory_space<vmem>> -> memref<40x64xf32, #tpu.memory_space<vmem>>
      %dma_start3A_190 = arith.constant 0 : i32
      %dma_start3A_191 = tpu.memref_slice %arg3[%add3A_184, %dma_start3A_190] : memref<640000x64xf32, #tpu.memory_space<hbm>> -> memref<40x64xf32, #tpu.memory_space<hbm>>
      %dma_start3A_192 = arith.constant 0 : i32
      %dma_start3A_193 = arith.constant 0 : i32
      %dma_start3A_194 = tpu.memref_slice %arg11[%dma_start3A_185, %dma_start3A_192, %dma_start3A_193] : memref<2x40x64xf32, #tpu.memory_space<vmem>> -> memref<1x40x64xf32, #tpu.memory_space<vmem>>
      %dma_start3A_195 = tpu.memref_squeeze %dma_start3A_194 : memref<1x40x64xf32, #tpu.memory_space<vmem>> -> memref<40x64xf32, #tpu.memory_space<vmem>>
      %dma_start3A_196 = arith.constant 0 : i32
      %dma_start3A_197 = tpu.memref_slice %arg3[%add3A_184, %dma_start3A_196] : memref<640000x64xf32, #tpu.memory_space<hbm>> -> memref<40x64xf32, #tpu.memory_space<hbm>>
      tpu.enqueue_dma source(%dma_start3A_197 : memref<40x64xf32, #tpu.memory_space<hbm>>) target(%dma_start3A_195 : memref<40x64xf32, #tpu.memory_space<vmem>>) target_semaphore(%arg15 : memref<!tpu.dma_semaphore, #tpu.memory_space<semaphore_mem>>)
      %scan3A_198 = arith.constant 0 : i32
      %scan3A_199 = arith.constant 16 : i32
      %scan3A_200 = arith.addi %scan3A_198, %scan3A_199 : i32
      %scan3A_201 = arith.constant 1 : i32
      scf.for %scan3A_337 = %scan3A_198 to %scan3A_200 step %scan3A_201  : i32 {
        %mul3A_338 = arith.constant 2 : i32
        %mul3A_339 = arith.muli %mul3A_338, %scan3A_337 : i32
        %add3A_340 = arith.addi %add3A_132, %mul3A_339 : i32
        %add3A_341 = arith.constant 1 : i32
        %add3A_342 = arith.addi %mul3A_339, %add3A_341 : i32
        %add3A_343 = arith.constant 1 : i32
        %add3A_344 = arith.addi %add3A_340, %add3A_343 : i32
        %min3A_345 = arith.constant 7999 : i32
        %min3A_346 = arith.minsi %add3A_344, %min3A_345 : i32
        %dma_start3A_347 = arith.constant 0 : i32
        %dma_start3A_348 = arith.constant 1 : i32
        %dma_start3A_349 = arith.constant 0 : i32
        %dma_start3A_350 = arith.constant 0 : i32
        %dma_start3A_351 = tpu.memref_slice %arg10[%dma_start3A_348, %dma_start3A_349, %dma_start3A_350] : memref<2x40x128xf32, #tpu.memory_space<vmem>> -> memref<1x40x128xf32, #tpu.memory_space<vmem>>
        %dma_start3A_352 = tpu.memref_squeeze %dma_start3A_351 : memref<1x40x128xf32, #tpu.memory_space<vmem>> -> memref<40x128xf32, #tpu.memory_space<vmem>>
        %dma_start3A_353 = arith.constant 0 : i32
        %dma_start3A_354 = tpu.memref_slice %arg8[%dma_start3A_347, %add3A_342, %dma_start3A_353] : memref<2x32x40xi32, #tpu.memory_space<vmem>> -> memref<1x1x40xi32, #tpu.memory_space<vmem>>
        %dma_start3A_355 = tpu.memref_squeeze %dma_start3A_354 : memref<1x1x40xi32, #tpu.memory_space<vmem>> -> memref<40xi32, #tpu.memory_space<vmem>>
        %dma_start3A_356 = arith.constant 0 : i32
        %dma_start3A_357 = arith.constant 0 : i32
        %dma_start3A_358 = tpu.memref_slice %arg2[%dma_start3A_356, %dma_start3A_357] : memref<10000x128xf32, #tpu.memory_space<hbm>> -> memref<10000x128xf32, #tpu.memory_space<hbm>>
        tpu.enqueue_indirect_dma source(%dma_start3A_358 : memref<10000x128xf32, #tpu.memory_space<hbm>>) target(%dma_start3A_352 : memref<40x128xf32, #tpu.memory_space<vmem>>) offsets(%dma_start3A_355 : memref<40xi32, #tpu.memory_space<vmem>>) semaphore(%arg16 : memref<!tpu.dma_semaphore, #tpu.memory_space<semaphore_mem>>)
        %mul3A_359 = arith.constant 320000 : i32
        %mul3A_360 = arith.muli %arg0, %mul3A_359 : i32
        %mul3A_361 = arith.constant 40 : i32
        %mul3A_362 = arith.muli %min3A_346, %mul3A_361 : i32
        %add3A_363 = arith.addi %mul3A_360, %mul3A_362 : i32
        %dma_start3A_364 = arith.constant 1 : i32
        %dma_start3A_365 = arith.constant 0 : i32
        %dma_start3A_366 = arith.constant 0 : i32
        %dma_start3A_367 = tpu.memref_slice %arg11[%dma_start3A_364, %dma_start3A_365, %dma_start3A_366] : memref<2x40x64xf32, #tpu.memory_space<vmem>> -> memref<1x40x64xf32, #tpu.memory_space<vmem>>
        %dma_start3A_368 = tpu.memref_squeeze %dma_start3A_367 : memref<1x40x64xf32, #tpu.memory_space<vmem>> -> memref<40x64xf32, #tpu.memory_space<vmem>>
        %dma_start3A_369 = arith.constant 0 : i32
        %dma_start3A_370 = tpu.memref_slice %arg3[%add3A_363, %dma_start3A_369] : memref<640000x64xf32, #tpu.memory_space<hbm>> -> memref<40x64xf32, #tpu.memory_space<hbm>>
        %dma_start3A_371 = arith.constant 0 : i32
        %dma_start3A_372 = arith.constant 0 : i32
        %dma_start3A_373 = tpu.memref_slice %arg11[%dma_start3A_364, %dma_start3A_371, %dma_start3A_372] : memref<2x40x64xf32, #tpu.memory_space<vmem>> -> memref<1x40x64xf32, #tpu.memory_space<vmem>>
        %dma_start3A_374 = tpu.memref_squeeze %dma_start3A_373 : memref<1x40x64xf32, #tpu.memory_space<vmem>> -> memref<40x64xf32, #tpu.memory_space<vmem>>
        %dma_start3A_375 = arith.constant 0 : i32
        %dma_start3A_376 = tpu.memref_slice %arg3[%add3A_363, %dma_start3A_375] : memref<640000x64xf32, #tpu.memory_space<hbm>> -> memref<40x64xf32, #tpu.memory_space<hbm>>
        tpu.enqueue_dma source(%dma_start3A_376 : memref<40x64xf32, #tpu.memory_space<hbm>>) target(%dma_start3A_374 : memref<40x64xf32, #tpu.memory_space<vmem>>) target_semaphore(%arg16 : memref<!tpu.dma_semaphore, #tpu.memory_space<semaphore_mem>>)
        %min3A_377 = arith.constant 7999 : i32
        %min3A_378 = arith.minsi %add3A_340, %min3A_377 : i32
        %dma_wait3A_379 = arith.constant 0 : i32
        %dma_wait3A_380 = arith.constant 0 : i32
        %dma_wait3A_381 = arith.constant 0 : i32
        %dma_wait3A_382 = arith.constant 0 : i32
        %dma_wait3A_383 = tpu.memref_slice %arg10[%dma_wait3A_380, %dma_wait3A_381, %dma_wait3A_382] : memref<2x40x128xf32, #tpu.memory_space<vmem>> -> memref<1x40x128xf32, #tpu.memory_space<vmem>>
        %dma_wait3A_384 = tpu.memref_squeeze %dma_wait3A_383 : memref<1x40x128xf32, #tpu.memory_space<vmem>> -> memref<40x128xf32, #tpu.memory_space<vmem>>
        %dma_wait3A_385 = arith.constant 0 : i32
        %dma_wait3A_386 = tpu.memref_slice %arg8[%dma_wait3A_379, %mul3A_339, %dma_wait3A_385] : memref<2x32x40xi32, #tpu.memory_space<vmem>> -> memref<1x1x40xi32, #tpu.memory_space<vmem>>
        %dma_wait3A_387 = tpu.memref_squeeze %dma_wait3A_386 : memref<1x1x40xi32, #tpu.memory_space<vmem>> -> memref<40xi32, #tpu.memory_space<vmem>>
        %dma_wait3A_388 = arith.constant 0 : i32
        %dma_wait3A_389 = arith.constant 0 : i32
        %dma_wait3A_390 = tpu.memref_slice %arg2[%dma_wait3A_388, %dma_wait3A_389] : memref<10000x128xf32, #tpu.memory_space<hbm>> -> memref<10000x128xf32, #tpu.memory_space<hbm>>
        tpu.wait_indirect_dma semaphore(%arg15 : memref<!tpu.dma_semaphore, #tpu.memory_space<semaphore_mem>>) src(%dma_wait3A_390 : memref<10000x128xf32, #tpu.memory_space<hbm>>) dst(%dma_wait3A_384 : memref<40x128xf32, #tpu.memory_space<vmem>>)
        %mul3A_391 = arith.constant 320000 : i32
        %mul3A_392 = arith.muli %arg0, %mul3A_391 : i32
        %mul3A_393 = arith.constant 40 : i32
        %mul3A_394 = arith.muli %min3A_378, %mul3A_393 : i32
        %add3A_395 = arith.addi %mul3A_392, %mul3A_394 : i32
        %dma_wait3A_396 = arith.constant 0 : i32
        %dma_wait3A_397 = arith.constant 0 : i32
        %dma_wait3A_398 = arith.constant 0 : i32
        %dma_wait3A_399 = tpu.memref_slice %arg11[%dma_wait3A_396, %dma_wait3A_397, %dma_wait3A_398] : memref<2x40x64xf32, #tpu.memory_space<vmem>> -> memref<1x40x64xf32, #tpu.memory_space<vmem>>
        %dma_wait3A_400 = tpu.memref_squeeze %dma_wait3A_399 : memref<1x40x64xf32, #tpu.memory_space<vmem>> -> memref<40x64xf32, #tpu.memory_space<vmem>>
        %dma_wait3A_401 = arith.constant 0 : i32
        %dma_wait3A_402 = tpu.memref_slice %arg3[%add3A_395, %dma_wait3A_401] : memref<640000x64xf32, #tpu.memory_space<hbm>> -> memref<40x64xf32, #tpu.memory_space<hbm>>
        %dma_wait3A_403 = arith.constant 0 : i32
        %dma_wait3A_404 = arith.constant 0 : i32
        %dma_wait3A_405 = tpu.memref_slice %arg11[%dma_wait3A_396, %dma_wait3A_403, %dma_wait3A_404] : memref<2x40x64xf32, #tpu.memory_space<vmem>> -> memref<1x40x64xf32, #tpu.memory_space<vmem>>
        %dma_wait3A_406 = tpu.memref_squeeze %dma_wait3A_405 : memref<1x40x64xf32, #tpu.memory_space<vmem>> -> memref<40x64xf32, #tpu.memory_space<vmem>>
        %dma_wait3A_407 = arith.constant 0 : i32
        %dma_wait3A_408 = tpu.memref_slice %arg3[%add3A_395, %dma_wait3A_407] : memref<640000x64xf32, #tpu.memory_space<hbm>> -> memref<40x64xf32, #tpu.memory_space<hbm>>
        tpu.wait_dma2 semaphore(%arg15 : memref<!tpu.dma_semaphore, #tpu.memory_space<semaphore_mem>>) src(%dma_wait3A_408 : memref<40x64xf32, #tpu.memory_space<hbm>>) dst(%dma_wait3A_406 : memref<40x64xf32, #tpu.memory_space<vmem>>)
        %gt3A = arith.constant 0 : i32
        %gt3A_409 = arith.cmpi sgt, %scan3A_337, %gt3A : i32
        %convert_element_type3A_410 = arith.extui %gt3A_409 : i1 to i32
        %cond3A_411 = arith.constant 0 : i32
        %cond3A_412 = arith.cmpi ne, %convert_element_type3A_410, %cond3A_411 : i32
        scf.if %cond3A_412 {
          %dma_wait3A_497 = arith.constant 0 : i32
          %dma_wait3A_498 = arith.constant 0 : i32
          %dma_wait3A_499 = arith.constant 0 : i32
          %dma_wait3A_500 = arith.constant 0 : i32
          %dma_wait3A_501 = arith.constant 0 : i32
          %dma_wait3A_502 = tpu.memref_slice %arg12[%dma_wait3A_497, %dma_wait3A_500, %dma_wait3A_501] : memref<2x40x128xf32, #tpu.memory_space<vmem>> -> memref<1x40x128xf32, #tpu.memory_space<vmem>>
          %dma_wait3A_503 = tpu.memref_squeeze %dma_wait3A_502 : memref<1x40x128xf32, #tpu.memory_space<vmem>> -> memref<40x128xf32, #tpu.memory_space<vmem>>
          %dma_wait3A_504 = arith.constant 0 : i32
          %dma_wait3A_505 = tpu.memref_slice %arg9[%dma_wait3A_498, %dma_wait3A_499, %dma_wait3A_504] : memref<2x32x40xi32, #tpu.memory_space<vmem>> -> memref<1x1x40xi32, #tpu.memory_space<vmem>>
          %dma_wait3A_506 = tpu.memref_squeeze %dma_wait3A_505 : memref<1x1x40xi32, #tpu.memory_space<vmem>> -> memref<40xi32, #tpu.memory_space<vmem>>
          %dma_wait3A_507 = arith.constant 0 : i32
          %dma_wait3A_508 = arith.constant 0 : i32
          %dma_wait3A_509 = tpu.memref_slice %arg7[%dma_wait3A_507, %dma_wait3A_508] : memref<10112x128xf32, #tpu.memory_space<vmem_shared>> -> memref<10112x128xf32, #tpu.memory_space<vmem_shared>>
          tpu.wait_indirect_dma semaphore(%arg17 : memref<!tpu.dma_semaphore, #tpu.memory_space<semaphore_mem>>) src(%dma_wait3A_503 : memref<40x128xf32, #tpu.memory_space<vmem>>) dst(%dma_wait3A_509 : memref<10112x128xf32, #tpu.memory_space<vmem_shared>>)
        } else {
        }
        %scan3A_413 = arith.constant 0 : i32
        %scan3A_414 = arith.constant 40 : i32
        %scan3A_415 = arith.addi %scan3A_413, %scan3A_414 : i32
        %scan3A_416 = arith.constant 2 : i32
        scf.for %scan3A_497 = %scan3A_413 to %scan3A_415 step %scan3A_416  : i32 {
          %add3A_498 = arith.constant 0 : i32
          %add3A_499 = arith.addi %mul3A_0, %add3A_498 : i32
          %get3A = arith.constant 0 : i32
          %get3A_500 = arith.index_cast %get3A : i32 to index
          %get3A_501 = arith.index_cast %scan3A_497 : i32 to index
          %get3A_502 = arith.index_cast %add3A_499 : i32 to index
          %get3A_503 = tpu.vector_load %arg10[%get3A_500, %get3A_501, %get3A_502] {strides = array<i32>} : memref<2x40x128xf32, #tpu.memory_space<vmem>>, vector<1x1x16xf32>,
          %get3A_504 = vector.shape_cast %get3A_503 : vector<1x1x16xf32> to vector<16xf32>
          %get3A_505 = arith.constant 0 : i32
          %get3A_506 = arith.index_cast %get3A_505 : i32 to index
          %get3A_507 = arith.index_cast %scan3A_497 : i32 to index
          %get3A_508 = arith.constant 0 : index
          %get3A_509 = tpu.vector_load %arg11[%get3A_506, %get3A_507, %get3A_508] {strides = array<i32>} : memref<2x40x64xf32, #tpu.memory_space<vmem>>, vector<1x1x16xf32>,
          %get3A_510 = vector.shape_cast %get3A_509 : vector<1x1x16xf32> to vector<16xf32>
          %add3A_511 = arith.addf %get3A_504, %get3A_510 : vector<16xf32>
          %max3A = arith.constant 0.000000e+00 : f32
          %max3A_512 = vector.broadcast %max3A : f32 to vector<16xf32>
          %max3A_513 = arith.maximumf %add3A_511, %max3A_512 : vector<16xf32>
          %add3A_514 = arith.constant 1.000000e-07 : f32
          %add3A_515 = vector.broadcast %add3A_514 : f32 to vector<16xf32>
          %add3A_516 = arith.addf %max3A_513, %add3A_515 : vector<16xf32>
          %exp3A = math.exp %add3A_516 : vector<16xf32>
          %swap3A = arith.constant 0 : i32
          %swap3A_517 = arith.index_cast %swap3A : i32 to index
          %swap3A_518 = arith.index_cast %scan3A_497 : i32 to index
          %swap3A_519 = arith.constant 0 : index
          %swap3A_520 = tpu.vector_load %arg12[%swap3A_517, %swap3A_518, %swap3A_519] {strides = array<i32>} : memref<2x40x128xf32, #tpu.memory_space<vmem>>, vector<1x1x16xf32>,
          %swap3A_521 = vector.shape_cast %swap3A_520 : vector<1x1x16xf32> to vector<16xf32>
          %swap3A_522 = vector.shape_cast %exp3A : vector<16xf32> to vector<1x1x16xf32>
          tpu.vector_store %arg12[%swap3A_517, %swap3A_518, %swap3A_519], %swap3A_522 {strides = array<i32>} : memref<2x40x128xf32, #tpu.memory_space<vmem>>, vector<1x1x16xf32>,
          %mul3A_523 = arith.mulf %exp3A, %add3A_516 : vector<16xf32>
          %swap3A_524 = arith.constant 0 : i32
          %swap3A_525 = arith.index_cast %swap3A_524 : i32 to index
          %swap3A_526 = arith.index_cast %scan3A_497 : i32 to index
          %swap3A_527 = arith.constant 64 : index
          %swap3A_528 = tpu.vector_load %arg12[%swap3A_525, %swap3A_526, %swap3A_527] {strides = array<i32>} : memref<2x40x128xf32, #tpu.memory_space<vmem>>, vector<1x1x16xf32>,
          %swap3A_529 = vector.shape_cast %swap3A_528 : vector<1x1x16xf32> to vector<16xf32>
          %swap3A_530 = vector.shape_cast %mul3A_523 : vector<16xf32> to vector<1x1x16xf32>
          tpu.vector_store %arg12[%swap3A_525, %swap3A_526, %swap3A_527], %swap3A_530 {strides = array<i32>} : memref<2x40x128xf32, #tpu.memory_space<vmem>>, vector<1x1x16xf32>,
          %add3A_531 = arith.constant 16 : i32
          %add3A_532 = arith.addi %mul3A_0, %add3A_531 : i32
          %get3A_533 = arith.constant 0 : i32
          %get3A_534 = arith.index_cast %get3A_533 : i32 to index
          %get3A_535 = arith.index_cast %scan3A_497 : i32 to index
          %get3A_536 = arith.index_cast %add3A_532 : i32 to index
          %get3A_537 = tpu.vector_load %arg10[%get3A_534, %get3A_535, %get3A_536] {strides = array<i32>} : memref<2x40x128xf32, #tpu.memory_space<vmem>>, vector<1x1x16xf32>,
          %get3A_538 = vector.shape_cast %get3A_537 : vector<1x1x16xf32> to vector<16xf32>
          %get3A_539 = arith.constant 0 : i32
          %get3A_540 = arith.index_cast %get3A_539 : i32 to index
          %get3A_541 = arith.index_cast %scan3A_497 : i32 to index
          %get3A_542 = arith.constant 16 : index
          %get3A_543 = tpu.vector_load %arg11[%get3A_540, %get3A_541, %get3A_542] {strides = array<i32>} : memref<2x40x64xf32, #tpu.memory_space<vmem>>, vector<1x1x16xf32>,
          %get3A_544 = vector.shape_cast %get3A_543 : vector<1x1x16xf32> to vector<16xf32>
          %add3A_545 = arith.addf %get3A_538, %get3A_544 : vector<16xf32>
          %max3A_546 = arith.constant 0.000000e+00 : f32
          %max3A_547 = vector.broadcast %max3A_546 : f32 to vector<16xf32>
          %max3A_548 = arith.maximumf %add3A_545, %max3A_547 : vector<16xf32>
          %add3A_549 = arith.constant 1.000000e-07 : f32
          %add3A_550 = vector.broadcast %add3A_549 : f32 to vector<16xf32>
          %add3A_551 = arith.addf %max3A_548, %add3A_550 : vector<16xf32>
          %exp3A_552 = math.exp %add3A_551 : vector<16xf32>
          %swap3A_553 = arith.constant 0 : i32
          %swap3A_554 = arith.index_cast %swap3A_553 : i32 to index
          %swap3A_555 = arith.index_cast %scan3A_497 : i32 to index
          %swap3A_556 = arith.constant 16 : index
          %swap3A_557 = tpu.vector_load %arg12[%swap3A_554, %swap3A_555, %swap3A_556] {strides = array<i32>} : memref<2x40x128xf32, #tpu.memory_space<vmem>>, vector<1x1x16xf32>,
          %swap3A_558 = vector.shape_cast %swap3A_557 : vector<1x1x16xf32> to vector<16xf32>
          %swap3A_559 = vector.shape_cast %exp3A_552 : vector<16xf32> to vector<1x1x16xf32>
          tpu.vector_store %arg12[%swap3A_554, %swap3A_555, %swap3A_556], %swap3A_559 {strides = array<i32>} : memref<2x40x128xf32, #tpu.memory_space<vmem>>, vector<1x1x16xf32>,
          %mul3A_560 = arith.mulf %exp3A_552, %add3A_551 : vector<16xf32>
          %swap3A_561 = arith.constant 0 : i32
          %swap3A_562 = arith.index_cast %swap3A_561 : i32 to index
          %swap3A_563 = arith.index_cast %scan3A_497 : i32 to index
          %swap3A_564 = arith.constant 80 : index
          %swap3A_565 = tpu.vector_load %arg12[%swap3A_562, %swap3A_563, %swap3A_564] {strides = array<i32>} : memref<2x40x128xf32, #tpu.memory_space<vmem>>, vector<1x1x16xf32>,
          %swap3A_566 = vector.shape_cast %swap3A_565 : vector<1x1x16xf32> to vector<16xf32>
          %swap3A_567 = vector.shape_cast %mul3A_560 : vector<16xf32> to vector<1x1x16xf32>
          tpu.vector_store %arg12[%swap3A_562, %swap3A_563, %swap3A_564], %swap3A_567 {strides = array<i32>} : memref<2x40x128xf32, #tpu.memory_space<vmem>>, vector<1x1x16xf32>,
          %add3A_568 = arith.constant 32 : i32
          %add3A_569 = arith.addi %mul3A_0, %add3A_568 : i32
          %get3A_570 = arith.constant 0 : i32
          %get3A_571 = arith.index_cast %get3A_570 : i32 to index
          %get3A_572 = arith.index_cast %scan3A_497 : i32 to index
          %get3A_573 = arith.index_cast %add3A_569 : i32 to index
          %get3A_574 = tpu.vector_load %arg10[%get3A_571, %get3A_572, %get3A_573] {strides = array<i32>} : memref<2x40x128xf32, #tpu.memory_space<vmem>>, vector<1x1x16xf32>,
          %get3A_575 = vector.shape_cast %get3A_574 : vector<1x1x16xf32> to vector<16xf32>
          %get3A_576 = arith.constant 0 : i32
          %get3A_577 = arith.index_cast %get3A_576 : i32 to index
          %get3A_578 = arith.index_cast %scan3A_497 : i32 to index
          %get3A_579 = arith.constant 32 : index
          %get3A_580 = tpu.vector_load %arg11[%get3A_577, %get3A_578, %get3A_579] {strides = array<i32>} : memref<2x40x64xf32, #tpu.memory_space<vmem>>, vector<1x1x16xf32>,
          %get3A_581 = vector.shape_cast %get3A_580 : vector<1x1x16xf32> to vector<16xf32>
          %add3A_582 = arith.addf %get3A_575, %get3A_581 : vector<16xf32>
          %max3A_583 = arith.constant 0.000000e+00 : f32
          %max3A_584 = vector.broadcast %max3A_583 : f32 to vector<16xf32>
          %max3A_585 = arith.maximumf %add3A_582, %max3A_584 : vector<16xf32>
          %add3A_586 = arith.constant 1.000000e-07 : f32
          %add3A_587 = vector.broadcast %add3A_586 : f32 to vector<16xf32>
          %add3A_588 = arith.addf %max3A_585, %add3A_587 : vector<16xf32>
          %exp3A_589 = math.exp %add3A_588 : vector<16xf32>
          %swap3A_590 = arith.constant 0 : i32
          %swap3A_591 = arith.index_cast %swap3A_590 : i32 to index
          %swap3A_592 = arith.index_cast %scan3A_497 : i32 to index
          %swap3A_593 = arith.constant 32 : index
          %swap3A_594 = tpu.vector_load %arg12[%swap3A_591, %swap3A_592, %swap3A_593] {strides = array<i32>} : memref<2x40x128xf32, #tpu.memory_space<vmem>>, vector<1x1x16xf32>,
          %swap3A_595 = vector.shape_cast %swap3A_594 : vector<1x1x16xf32> to vector<16xf32>
          %swap3A_596 = vector.shape_cast %exp3A_589 : vector<16xf32> to vector<1x1x16xf32>
          tpu.vector_store %arg12[%swap3A_591, %swap3A_592, %swap3A_593], %swap3A_596 {strides = array<i32>} : memref<2x40x128xf32, #tpu.memory_space<vmem>>, vector<1x1x16xf32>,
          %mul3A_597 = arith.mulf %exp3A_589, %add3A_588 : vector<16xf32>
          %swap3A_598 = arith.constant 0 : i32
          %swap3A_599 = arith.index_cast %swap3A_598 : i32 to index
          %swap3A_600 = arith.index_cast %scan3A_497 : i32 to index
          %swap3A_601 = arith.constant 96 : index
          %swap3A_602 = tpu.vector_load %arg12[%swap3A_599, %swap3A_600, %swap3A_601] {strides = array<i32>} : memref<2x40x128xf32, #tpu.memory_space<vmem>>, vector<1x1x16xf32>,
          %swap3A_603 = vector.shape_cast %swap3A_602 : vector<1x1x16xf32> to vector<16xf32>
          %swap3A_604 = vector.shape_cast %mul3A_597 : vector<16xf32> to vector<1x1x16xf32>
          tpu.vector_store %arg12[%swap3A_599, %swap3A_600, %swap3A_601], %swap3A_604 {strides = array<i32>} : memref<2x40x128xf32, #tpu.memory_space<vmem>>, vector<1x1x16xf32>,
          %add3A_605 = arith.constant 48 : i32
          %add3A_606 = arith.addi %mul3A_0, %add3A_605 : i32
          %get3A_607 = arith.constant 0 : i32
          %get3A_608 = arith.index_cast %get3A_607 : i32 to index
          %get3A_609 = arith.index_cast %scan3A_497 : i32 to index
          %get3A_610 = arith.index_cast %add3A_606 : i32 to index
          %get3A_611 = tpu.vector_load %arg10[%get3A_608, %get3A_609, %get3A_610] {strides = array<i32>} : memref<2x40x128xf32, #tpu.memory_space<vmem>>, vector<1x1x16xf32>,
          %get3A_612 = vector.shape_cast %get3A_611 : vector<1x1x16xf32> to vector<16xf32>
          %get3A_613 = arith.constant 0 : i32
          %get3A_614 = arith.index_cast %get3A_613 : i32 to index
          %get3A_615 = arith.index_cast %scan3A_497 : i32 to index
          %get3A_616 = arith.constant 48 : index
          %get3A_617 = tpu.vector_load %arg11[%get3A_614, %get3A_615, %get3A_616] {strides = array<i32>} : memref<2x40x64xf32, #tpu.memory_space<vmem>>, vector<1x1x16xf32>,
          %get3A_618 = vector.shape_cast %get3A_617 : vector<1x1x16xf32> to vector<16xf32>
          %add3A_619 = arith.addf %get3A_612, %get3A_618 : vector<16xf32>
          %max3A_620 = arith.constant 0.000000e+00 : f32
          %max3A_621 = vector.broadcast %max3A_620 : f32 to vector<16xf32>
          %max3A_622 = arith.maximumf %add3A_619, %max3A_621 : vector<16xf32>
          %add3A_623 = arith.constant 1.000000e-07 : f32
          %add3A_624 = vector.broadcast %add3A_623 : f32 to vector<16xf32>
          %add3A_625 = arith.addf %max3A_622, %add3A_624 : vector<16xf32>
          %exp3A_626 = math.exp %add3A_625 : vector<16xf32>
          %swap3A_627 = arith.constant 0 : i32
          %swap3A_628 = arith.index_cast %swap3A_627 : i32 to index
          %swap3A_629 = arith.index_cast %scan3A_497 : i32 to index
          %swap3A_630 = arith.constant 48 : index
          %swap3A_631 = tpu.vector_load %arg12[%swap3A_628, %swap3A_629, %swap3A_630] {strides = array<i32>} : memref<2x40x128xf32, #tpu.memory_space<vmem>>, vector<1x1x16xf32>,
          %swap3A_632 = vector.shape_cast %swap3A_631 : vector<1x1x16xf32> to vector<16xf32>
          %swap3A_633 = vector.shape_cast %exp3A_626 : vector<16xf32> to vector<1x1x16xf32>
          tpu.vector_store %arg12[%swap3A_628, %swap3A_629, %swap3A_630], %swap3A_633 {strides = array<i32>} : memref<2x40x128xf32, #tpu.memory_space<vmem>>, vector<1x1x16xf32>,
          %mul3A_634 = arith.mulf %exp3A_626, %add3A_625 : vector<16xf32>
          %swap3A_635 = arith.constant 0 : i32
          %swap3A_636 = arith.index_cast %swap3A_635 : i32 to index
          %swap3A_637 = arith.index_cast %scan3A_497 : i32 to index
          %swap3A_638 = arith.constant 112 : index
          %swap3A_639 = tpu.vector_load %arg12[%swap3A_636, %swap3A_637, %swap3A_638] {strides = array<i32>} : memref<2x40x128xf32, #tpu.memory_space<vmem>>, vector<1x1x16xf32>,
          %swap3A_640 = vector.shape_cast %swap3A_639 : vector<1x1x16xf32> to vector<16xf32>
          %swap3A_641 = vector.shape_cast %mul3A_634 : vector<16xf32> to vector<1x1x16xf32>
          tpu.vector_store %arg12[%swap3A_636, %swap3A_637, %swap3A_638], %swap3A_641 {strides = array<i32>} : memref<2x40x128xf32, #tpu.memory_space<vmem>>, vector<1x1x16xf32>,
          %scan3A_642 = arith.constant 1 : i32
          %scan3A_643 = arith.addi %scan3A_497, %scan3A_642 : i32
          %add3A_644 = arith.constant 0 : i32
          %add3A_645 = arith.addi %mul3A_0, %add3A_644 : i32
          %get3A_646 = arith.constant 0 : i32
          %get3A_647 = arith.index_cast %get3A_646 : i32 to index
          %get3A_648 = arith.index_cast %scan3A_643 : i32 to index
          %get3A_649 = arith.index_cast %add3A_645 : i32 to index
          %get3A_650 = tpu.vector_load %arg10[%get3A_647, %get3A_648, %get3A_649] {strides = array<i32>} : memref<2x40x128xf32, #tpu.memory_space<vmem>>, vector<1x1x16xf32>,
          %get3A_651 = vector.shape_cast %get3A_650 : vector<1x1x16xf32> to vector<16xf32>
          %get3A_652 = arith.constant 0 : i32
          %get3A_653 = arith.index_cast %get3A_652 : i32 to index
          %get3A_654 = arith.index_cast %scan3A_643 : i32 to index
          %get3A_655 = arith.constant 0 : index
          %get3A_656 = tpu.vector_load %arg11[%get3A_653, %get3A_654, %get3A_655] {strides = array<i32>} : memref<2x40x64xf32, #tpu.memory_space<vmem>>, vector<1x1x16xf32>,
          %get3A_657 = vector.shape_cast %get3A_656 : vector<1x1x16xf32> to vector<16xf32>
          %add3A_658 = arith.addf %get3A_651, %get3A_657 : vector<16xf32>
          %max3A_659 = arith.constant 0.000000e+00 : f32
          %max3A_660 = vector.broadcast %max3A_659 : f32 to vector<16xf32>
          %max3A_661 = arith.maximumf %add3A_658, %max3A_660 : vector<16xf32>
          %add3A_662 = arith.constant 1.000000e-07 : f32
          %add3A_663 = vector.broadcast %add3A_662 : f32 to vector<16xf32>
          %add3A_664 = arith.addf %max3A_661, %add3A_663 : vector<16xf32>
          %exp3A_665 = math.exp %add3A_664 : vector<16xf32>
          %swap3A_666 = arith.constant 0 : i32
          %swap3A_667 = arith.index_cast %swap3A_666 : i32 to index
          %swap3A_668 = arith.index_cast %scan3A_643 : i32 to index
          %swap3A_669 = arith.constant 0 : index
          %swap3A_670 = tpu.vector_load %arg12[%swap3A_667, %swap3A_668, %swap3A_669] {strides = array<i32>} : memref<2x40x128xf32, #tpu.memory_space<vmem>>, vector<1x1x16xf32>,
          %swap3A_671 = vector.shape_cast %swap3A_670 : vector<1x1x16xf32> to vector<16xf32>
          %swap3A_672 = vector.shape_cast %exp3A_665 : vector<16xf32> to vector<1x1x16xf32>
          tpu.vector_store %arg12[%swap3A_667, %swap3A_668, %swap3A_669], %swap3A_672 {strides = array<i32>} : memref<2x40x128xf32, #tpu.memory_space<vmem>>, vector<1x1x16xf32>,
          %mul3A_673 = arith.mulf %exp3A_665, %add3A_664 : vector<16xf32>
          %swap3A_674 = arith.constant 0 : i32
          %swap3A_675 = arith.index_cast %swap3A_674 : i32 to index
          %swap3A_676 = arith.index_cast %scan3A_643 : i32 to index
          %swap3A_677 = arith.constant 64 : index
          %swap3A_678 = tpu.vector_load %arg12[%swap3A_675, %swap3A_676, %swap3A_677] {strides = array<i32>} : memref<2x40x128xf32, #tpu.memory_space<vmem>>, vector<1x1x16xf32>,
          %swap3A_679 = vector.shape_cast %swap3A_678 : vector<1x1x16xf32> to vector<16xf32>
          %swap3A_680 = vector.shape_cast %mul3A_673 : vector<16xf32> to vector<1x1x16xf32>
          tpu.vector_store %arg12[%swap3A_675, %swap3A_676, %swap3A_677], %swap3A_680 {strides = array<i32>} : memref<2x40x128xf32, #tpu.memory_space<vmem>>, vector<1x1x16xf32>,
          %add3A_681 = arith.constant 16 : i32
          %add3A_682 = arith.addi %mul3A_0, %add3A_681 : i32
          %get3A_683 = arith.constant 0 : i32
          %get3A_684 = arith.index_cast %get3A_683 : i32 to index
          %get3A_685 = arith.index_cast %scan3A_643 : i32 to index
          %get3A_686 = arith.index_cast %add3A_682 : i32 to index
          %get3A_687 = tpu.vector_load %arg10[%get3A_684, %get3A_685, %get3A_686] {strides = array<i32>} : memref<2x40x128xf32, #tpu.memory_space<vmem>>, vector<1x1x16xf32>,
          %get3A_688 = vector.shape_cast %get3A_687 : vector<1x1x16xf32> to vector<16xf32>
          %get3A_689 = arith.constant 0 : i32
          %get3A_690 = arith.index_cast %get3A_689 : i32 to index
          %get3A_691 = arith.index_cast %scan3A_643 : i32 to index
          %get3A_692 = arith.constant 16 : index
          %get3A_693 = tpu.vector_load %arg11[%get3A_690, %get3A_691, %get3A_692] {strides = array<i32>} : memref<2x40x64xf32, #tpu.memory_space<vmem>>, vector<1x1x16xf32>,
          %get3A_694 = vector.shape_cast %get3A_693 : vector<1x1x16xf32> to vector<16xf32>
          %add3A_695 = arith.addf %get3A_688, %get3A_694 : vector<16xf32>
          %max3A_696 = arith.constant 0.000000e+00 : f32
          %max3A_697 = vector.broadcast %max3A_696 : f32 to vector<16xf32>
          %max3A_698 = arith.maximumf %add3A_695, %max3A_697 : vector<16xf32>
          %add3A_699 = arith.constant 1.000000e-07 : f32
          %add3A_700 = vector.broadcast %add3A_699 : f32 to vector<16xf32>
          %add3A_701 = arith.addf %max3A_698, %add3A_700 : vector<16xf32>
          %exp3A_702 = math.exp %add3A_701 : vector<16xf32>
          %swap3A_703 = arith.constant 0 : i32
          %swap3A_704 = arith.index_cast %swap3A_703 : i32 to index
          %swap3A_705 = arith.index_cast %scan3A_643 : i32 to index
          %swap3A_706 = arith.constant 16 : index
          %swap3A_707 = tpu.vector_load %arg12[%swap3A_704, %swap3A_705, %swap3A_706] {strides = array<i32>} : memref<2x40x128xf32, #tpu.memory_space<vmem>>, vector<1x1x16xf32>,
          %swap3A_708 = vector.shape_cast %swap3A_707 : vector<1x1x16xf32> to vector<16xf32>
          %swap3A_709 = vector.shape_cast %exp3A_702 : vector<16xf32> to vector<1x1x16xf32>
          tpu.vector_store %arg12[%swap3A_704, %swap3A_705, %swap3A_706], %swap3A_709 {strides = array<i32>} : memref<2x40x128xf32, #tpu.memory_space<vmem>>, vector<1x1x16xf32>,
          %mul3A_710 = arith.mulf %exp3A_702, %add3A_701 : vector<16xf32>
          %swap3A_711 = arith.constant 0 : i32
          %swap3A_712 = arith.index_cast %swap3A_711 : i32 to index
          %swap3A_713 = arith.index_cast %scan3A_643 : i32 to index
          %swap3A_714 = arith.constant 80 : index
          %swap3A_715 = tpu.vector_load %arg12[%swap3A_712, %swap3A_713, %swap3A_714] {strides = array<i32>} : memref<2x40x128xf32, #tpu.memory_space<vmem>>, vector<1x1x16xf32>,
          %swap3A_716 = vector.shape_cast %swap3A_715 : vector<1x1x16xf32> to vector<16xf32>
          %swap3A_717 = vector.shape_cast %mul3A_710 : vector<16xf32> to vector<1x1x16xf32>
          tpu.vector_store %arg12[%swap3A_712, %swap3A_713, %swap3A_714], %swap3A_717 {strides = array<i32>} : memref<2x40x128xf32, #tpu.memory_space<vmem>>, vector<1x1x16xf32>,
          %add3A_718 = arith.constant 32 : i32
          %add3A_719 = arith.addi %mul3A_0, %add3A_718 : i32
          %get3A_720 = arith.constant 0 : i32
          %get3A_721 = arith.index_cast %get3A_720 : i32 to index
          %get3A_722 = arith.index_cast %scan3A_643 : i32 to index
          %get3A_723 = arith.index_cast %add3A_719 : i32 to index
          %get3A_724 = tpu.vector_load %arg10[%get3A_721, %get3A_722, %get3A_723] {strides = array<i32>} : memref<2x40x128xf32, #tpu.memory_space<vmem>>, vector<1x1x16xf32>,
          %get3A_725 = vector.shape_cast %get3A_724 : vector<1x1x16xf32> to vector<16xf32>
          %get3A_726 = arith.constant 0 : i32
          %get3A_727 = arith.index_cast %get3A_726 : i32 to index
          %get3A_728 = arith.index_cast %scan3A_643 : i32 to index
          %get3A_729 = arith.constant 32 : index
          %get3A_730 = tpu.vector_load %arg11[%get3A_727, %get3A_728, %get3A_729] {strides = array<i32>} : memref<2x40x64xf32, #tpu.memory_space<vmem>>, vector<1x1x16xf32>,
          %get3A_731 = vector.shape_cast %get3A_730 : vector<1x1x16xf32> to vector<16xf32>
          %add3A_732 = arith.addf %get3A_725, %get3A_731 : vector<16xf32>
          %max3A_733 = arith.constant 0.000000e+00 : f32
          %max3A_734 = vector.broadcast %max3A_733 : f32 to vector<16xf32>
          %max3A_735 = arith.maximumf %add3A_732, %max3A_734 : vector<16xf32>
          %add3A_736 = arith.constant 1.000000e-07 : f32
          %add3A_737 = vector.broadcast %add3A_736 : f32 to vector<16xf32>
          %add3A_738 = arith.addf %max3A_735, %add3A_737 : vector<16xf32>
          %exp3A_739 = math.exp %add3A_738 : vector<16xf32>
          %swap3A_740 = arith.constant 0 : i32
          %swap3A_741 = arith.index_cast %swap3A_740 : i32 to index
          %swap3A_742 = arith.index_cast %scan3A_643 : i32 to index
          %swap3A_743 = arith.constant 32 : index
          %swap3A_744 = tpu.vector_load %arg12[%swap3A_741, %swap3A_742, %swap3A_743] {strides = array<i32>} : memref<2x40x128xf32, #tpu.memory_space<vmem>>, vector<1x1x16xf32>,
          %swap3A_745 = vector.shape_cast %swap3A_744 : vector<1x1x16xf32> to vector<16xf32>
          %swap3A_746 = vector.shape_cast %exp3A_739 : vector<16xf32> to vector<1x1x16xf32>
          tpu.vector_store %arg12[%swap3A_741, %swap3A_742, %swap3A_743], %swap3A_746 {strides = array<i32>} : memref<2x40x128xf32, #tpu.memory_space<vmem>>, vector<1x1x16xf32>,
          %mul3A_747 = arith.mulf %exp3A_739, %add3A_738 : vector<16xf32>
          %swap3A_748 = arith.constant 0 : i32
          %swap3A_749 = arith.index_cast %swap3A_748 : i32 to index
          %swap3A_750 = arith.index_cast %scan3A_643 : i32 to index
          %swap3A_751 = arith.constant 96 : index
          %swap3A_752 = tpu.vector_load %arg12[%swap3A_749, %swap3A_750, %swap3A_751] {strides = array<i32>} : memref<2x40x128xf32, #tpu.memory_space<vmem>>, vector<1x1x16xf32>,
          %swap3A_753 = vector.shape_cast %swap3A_752 : vector<1x1x16xf32> to vector<16xf32>
          %swap3A_754 = vector.shape_cast %mul3A_747 : vector<16xf32> to vector<1x1x16xf32>
          tpu.vector_store %arg12[%swap3A_749, %swap3A_750, %swap3A_751], %swap3A_754 {strides = array<i32>} : memref<2x40x128xf32, #tpu.memory_space<vmem>>, vector<1x1x16xf32>,
          %add3A_755 = arith.constant 48 : i32
          %add3A_756 = arith.addi %mul3A_0, %add3A_755 : i32
          %get3A_757 = arith.constant 0 : i32
          %get3A_758 = arith.index_cast %get3A_757 : i32 to index
          %get3A_759 = arith.index_cast %scan3A_643 : i32 to index
          %get3A_760 = arith.index_cast %add3A_756 : i32 to index
          %get3A_761 = tpu.vector_load %arg10[%get3A_758, %get3A_759, %get3A_760] {strides = array<i32>} : memref<2x40x128xf32, #tpu.memory_space<vmem>>, vector<1x1x16xf32>,
          %get3A_762 = vector.shape_cast %get3A_761 : vector<1x1x16xf32> to vector<16xf32>
          %get3A_763 = arith.constant 0 : i32
          %get3A_764 = arith.index_cast %get3A_763 : i32 to index
          %get3A_765 = arith.index_cast %scan3A_643 : i32 to index
          %get3A_766 = arith.constant 48 : index
          %get3A_767 = tpu.vector_load %arg11[%get3A_764, %get3A_765, %get3A_766] {strides = array<i32>} : memref<2x40x64xf32, #tpu.memory_space<vmem>>, vector<1x1x16xf32>,
          %get3A_768 = vector.shape_cast %get3A_767 : vector<1x1x16xf32> to vector<16xf32>
          %add3A_769 = arith.addf %get3A_762, %get3A_768 : vector<16xf32>
          %max3A_770 = arith.constant 0.000000e+00 : f32
          %max3A_771 = vector.broadcast %max3A_770 : f32 to vector<16xf32>
          %max3A_772 = arith.maximumf %add3A_769, %max3A_771 : vector<16xf32>
          %add3A_773 = arith.constant 1.000000e-07 : f32
          %add3A_774 = vector.broadcast %add3A_773 : f32 to vector<16xf32>
          %add3A_775 = arith.addf %max3A_772, %add3A_774 : vector<16xf32>
          %exp3A_776 = math.exp %add3A_775 : vector<16xf32>
          %swap3A_777 = arith.constant 0 : i32
          %swap3A_778 = arith.index_cast %swap3A_777 : i32 to index
          %swap3A_779 = arith.index_cast %scan3A_643 : i32 to index
          %swap3A_780 = arith.constant 48 : index
          %swap3A_781 = tpu.vector_load %arg12[%swap3A_778, %swap3A_779, %swap3A_780] {strides = array<i32>} : memref<2x40x128xf32, #tpu.memory_space<vmem>>, vector<1x1x16xf32>,
          %swap3A_782 = vector.shape_cast %swap3A_781 : vector<1x1x16xf32> to vector<16xf32>
          %swap3A_783 = vector.shape_cast %exp3A_776 : vector<16xf32> to vector<1x1x16xf32>
          tpu.vector_store %arg12[%swap3A_778, %swap3A_779, %swap3A_780], %swap3A_783 {strides = array<i32>} : memref<2x40x128xf32, #tpu.memory_space<vmem>>, vector<1x1x16xf32>,
          %mul3A_784 = arith.mulf %exp3A_776, %add3A_775 : vector<16xf32>
          %swap3A_785 = arith.constant 0 : i32
          %swap3A_786 = arith.index_cast %swap3A_785 : i32 to index
          %swap3A_787 = arith.index_cast %scan3A_643 : i32 to index
          %swap3A_788 = arith.constant 112 : index
          %swap3A_789 = tpu.vector_load %arg12[%swap3A_786, %swap3A_787, %swap3A_788] {strides = array<i32>} : memref<2x40x128xf32, #tpu.memory_space<vmem>>, vector<1x1x16xf32>,
          %swap3A_790 = vector.shape_cast %swap3A_789 : vector<1x1x16xf32> to vector<16xf32>
          %swap3A_791 = vector.shape_cast %mul3A_784 : vector<16xf32> to vector<1x1x16xf32>
          tpu.vector_store %arg12[%swap3A_786, %swap3A_787, %swap3A_788], %swap3A_791 {strides = array<i32>} : memref<2x40x128xf32, #tpu.memory_space<vmem>>, vector<1x1x16xf32>,
        }
        %scan3A_417 = arith.constant 40 : i32
        %dma_start3A_418 = arith.constant 0 : i32
        %dma_start3A_419 = arith.constant 0 : i32
        %dma_start3A_420 = arith.constant 0 : i32
        %dma_start3A_421 = arith.constant 0 : i32
        %dma_start3A_422 = tpu.memref_slice %arg12[%dma_start3A_418, %dma_start3A_420, %dma_start3A_421] : memref<2x40x128xf32, #tpu.memory_space<vmem>> -> memref<1x40x128xf32, #tpu.memory_space<vmem>>
        %dma_start3A_423 = tpu.memref_squeeze %dma_start3A_422 : memref<1x40x128xf32, #tpu.memory_space<vmem>> -> memref<40x128xf32, #tpu.memory_space<vmem>>
        %dma_start3A_424 = arith.constant 0 : i32
        %dma_start3A_425 = tpu.memref_slice %arg9[%dma_start3A_419, %mul3A_339, %dma_start3A_424] : memref<2x32x40xi32, #tpu.memory_space<vmem>> -> memref<1x1x40xi32, #tpu.memory_space<vmem>>
        %dma_start3A_426 = tpu.memref_squeeze %dma_start3A_425 : memref<1x1x40xi32, #tpu.memory_space<vmem>> -> memref<40xi32, #tpu.memory_space<vmem>>
        %dma_start3A_427 = arith.constant 0 : i32
        %dma_start3A_428 = arith.constant 0 : i32
        %dma_start3A_429 = tpu.memref_slice %arg7[%dma_start3A_427, %dma_start3A_428] : memref<10112x128xf32, #tpu.memory_space<vmem_shared>> -> memref<10112x128xf32, #tpu.memory_space<vmem_shared>>
        tpu.enqueue_indirect_dma source(%dma_start3A_423 : memref<40x128xf32, #tpu.memory_space<vmem>>) target(%dma_start3A_429 : memref<10112x128xf32, #tpu.memory_space<vmem_shared>>) offsets(%dma_start3A_426 : memref<40xi32, #tpu.memory_space<vmem>>) semaphore(%arg17 : memref<!tpu.dma_semaphore, #tpu.memory_space<semaphore_mem>>) {add = true}
        %add3A_430 = arith.constant 1 : i32
        %add3A_431 = arith.addi %scan3A_337, %add3A_430 : i32
        %lt3A_432 = arith.constant 16 : i32
        %lt3A_433 = arith.cmpi slt, %add3A_431, %lt3A_432 : i32
        %convert_element_type3A_434 = arith.extui %lt3A_433 : i1 to i32
        %cond3A_435 = arith.constant 0 : i32
        %cond3A_436 = arith.cmpi ne, %convert_element_type3A_434, %cond3A_435 : i32
        scf.if %cond3A_436 {
          %add3A_497 = arith.constant 2 : i32
          %add3A_498 = arith.addi %mul3A_339, %add3A_497 : i32
          %add3A_499 = arith.constant 2 : i32
          %add3A_500 = arith.addi %add3A_340, %add3A_499 : i32
          %min3A_501 = arith.constant 7999 : i32
          %min3A_502 = arith.minsi %add3A_500, %min3A_501 : i32
          %dma_start3A_503 = arith.constant 0 : i32
          %dma_start3A_504 = arith.constant 0 : i32
          %dma_start3A_505 = arith.constant 0 : i32
          %dma_start3A_506 = arith.constant 0 : i32
          %dma_start3A_507 = tpu.memref_slice %arg10[%dma_start3A_504, %dma_start3A_505, %dma_start3A_506] : memref<2x40x128xf32, #tpu.memory_space<vmem>> -> memref<1x40x128xf32, #tpu.memory_space<vmem>>
          %dma_start3A_508 = tpu.memref_squeeze %dma_start3A_507 : memref<1x40x128xf32, #tpu.memory_space<vmem>> -> memref<40x128xf32, #tpu.memory_space<vmem>>
          %dma_start3A_509 = arith.constant 0 : i32
          %dma_start3A_510 = tpu.memref_slice %arg8[%dma_start3A_503, %add3A_498, %dma_start3A_509] : memref<2x32x40xi32, #tpu.memory_space<vmem>> -> memref<1x1x40xi32, #tpu.memory_space<vmem>>
          %dma_start3A_511 = tpu.memref_squeeze %dma_start3A_510 : memref<1x1x40xi32, #tpu.memory_space<vmem>> -> memref<40xi32, #tpu.memory_space<vmem>>
          %dma_start3A_512 = arith.constant 0 : i32
          %dma_start3A_513 = arith.constant 0 : i32
          %dma_start3A_514 = tpu.memref_slice %arg2[%dma_start3A_512, %dma_start3A_513] : memref<10000x128xf32, #tpu.memory_space<hbm>> -> memref<10000x128xf32, #tpu.memory_space<hbm>>
          tpu.enqueue_indirect_dma source(%dma_start3A_514 : memref<10000x128xf32, #tpu.memory_space<hbm>>) target(%dma_start3A_508 : memref<40x128xf32, #tpu.memory_space<vmem>>) offsets(%dma_start3A_511 : memref<40xi32, #tpu.memory_space<vmem>>) semaphore(%arg15 : memref<!tpu.dma_semaphore, #tpu.memory_space<semaphore_mem>>)
          %mul3A_515 = arith.constant 320000 : i32
          %mul3A_516 = arith.muli %arg0, %mul3A_515 : i32
          %mul3A_517 = arith.constant 40 : i32
          %mul3A_518 = arith.muli %min3A_502, %mul3A_517 : i32
          %add3A_519 = arith.addi %mul3A_516, %mul3A_518 : i32
          %dma_start3A_520 = arith.constant 0 : i32
          %dma_start3A_521 = arith.constant 0 : i32
          %dma_start3A_522 = arith.constant 0 : i32
          %dma_start3A_523 = tpu.memref_slice %arg11[%dma_start3A_520, %dma_start3A_521, %dma_start3A_522] : memref<2x40x64xf32, #tpu.memory_space<vmem>> -> memref<1x40x64xf32, #tpu.memory_space<vmem>>
          %dma_start3A_524 = tpu.memref_squeeze %dma_start3A_523 : memref<1x40x64xf32, #tpu.memory_space<vmem>> -> memref<40x64xf32, #tpu.memory_space<vmem>>
          %dma_start3A_525 = arith.constant 0 : i32
          %dma_start3A_526 = tpu.memref_slice %arg3[%add3A_519, %dma_start3A_525] : memref<640000x64xf32, #tpu.memory_space<hbm>> -> memref<40x64xf32, #tpu.memory_space<hbm>>
          %dma_start3A_527 = arith.constant 0 : i32
          %dma_start3A_528 = arith.constant 0 : i32
          %dma_start3A_529 = tpu.memref_slice %arg11[%dma_start3A_520, %dma_start3A_527, %dma_start3A_528] : memref<2x40x64xf32, #tpu.memory_space<vmem>> -> memref<1x40x64xf32, #tpu.memory_space<vmem>>
          %dma_start3A_530 = tpu.memref_squeeze %dma_start3A_529 : memref<1x40x64xf32, #tpu.memory_space<vmem>> -> memref<40x64xf32, #tpu.memory_space<vmem>>
          %dma_start3A_531 = arith.constant 0 : i32
          %dma_start3A_532 = tpu.memref_slice %arg3[%add3A_519, %dma_start3A_531] : memref<640000x64xf32, #tpu.memory_space<hbm>> -> memref<40x64xf32, #tpu.memory_space<hbm>>
          tpu.enqueue_dma source(%dma_start3A_532 : memref<40x64xf32, #tpu.memory_space<hbm>>) target(%dma_start3A_530 : memref<40x64xf32, #tpu.memory_space<vmem>>) target_semaphore(%arg15 : memref<!tpu.dma_semaphore, #tpu.memory_space<semaphore_mem>>)
        } else {
        }
        %add3A_437 = arith.constant 1 : i32
        %add3A_438 = arith.addi %mul3A_339, %add3A_437 : i32
        %add3A_439 = arith.constant 1 : i32
        %add3A_440 = arith.addi %add3A_340, %add3A_439 : i32
        %min3A_441 = arith.constant 7999 : i32
        %min3A_442 = arith.minsi %add3A_440, %min3A_441 : i32
        %dma_wait3A_443 = arith.constant 0 : i32
        %dma_wait3A_444 = arith.constant 1 : i32
        %dma_wait3A_445 = arith.constant 0 : i32
        %dma_wait3A_446 = arith.constant 0 : i32
        %dma_wait3A_447 = tpu.memref_slice %arg10[%dma_wait3A_444, %dma_wait3A_445, %dma_wait3A_446] : memref<2x40x128xf32, #tpu.memory_space<vmem>> -> memref<1x40x128xf32, #tpu.memory_space<vmem>>
        %dma_wait3A_448 = tpu.memref_squeeze %dma_wait3A_447 : memref<1x40x128xf32, #tpu.memory_space<vmem>> -> memref<40x128xf32, #tpu.memory_space<vmem>>
        %dma_wait3A_449 = arith.constant 0 : i32
        %dma_wait3A_450 = tpu.memref_slice %arg8[%dma_wait3A_443, %add3A_438, %dma_wait3A_449] : memref<2x32x40xi32, #tpu.memory_space<vmem>> -> memref<1x1x40xi32, #tpu.memory_space<vmem>>
        %dma_wait3A_451 = tpu.memref_squeeze %dma_wait3A_450 : memref<1x1x40xi32, #tpu.memory_space<vmem>> -> memref<40xi32, #tpu.memory_space<vmem>>
        %dma_wait3A_452 = arith.constant 0 : i32
        %dma_wait3A_453 = arith.constant 0 : i32
        %dma_wait3A_454 = tpu.memref_slice %arg2[%dma_wait3A_452, %dma_wait3A_453] : memref<10000x128xf32, #tpu.memory_space<hbm>> -> memref<10000x128xf32, #tpu.memory_space<hbm>>
        tpu.wait_indirect_dma semaphore(%arg16 : memref<!tpu.dma_semaphore, #tpu.memory_space<semaphore_mem>>) src(%dma_wait3A_454 : memref<10000x128xf32, #tpu.memory_space<hbm>>) dst(%dma_wait3A_448 : memref<40x128xf32, #tpu.memory_space<vmem>>)
        %mul3A_455 = arith.constant 320000 : i32
        %mul3A_456 = arith.muli %arg0, %mul3A_455 : i32
        %mul3A_457 = arith.constant 40 : i32
        %mul3A_458 = arith.muli %min3A_442, %mul3A_457 : i32
        %add3A_459 = arith.addi %mul3A_456, %mul3A_458 : i32
        %dma_wait3A_460 = arith.constant 1 : i32
        %dma_wait3A_461 = arith.constant 0 : i32
        %dma_wait3A_462 = arith.constant 0 : i32
        %dma_wait3A_463 = tpu.memref_slice %arg11[%dma_wait3A_460, %dma_wait3A_461, %dma_wait3A_462] : memref<2x40x64xf32, #tpu.memory_space<vmem>> -> memref<1x40x64xf32, #tpu.memory_space<vmem>>
        %dma_wait3A_464 = tpu.memref_squeeze %dma_wait3A_463 : memref<1x40x64xf32, #tpu.memory_space<vmem>> -> memref<40x64xf32, #tpu.memory_space<vmem>>
        %dma_wait3A_465 = arith.constant 0 : i32
        %dma_wait3A_466 = tpu.memref_slice %arg3[%add3A_459, %dma_wait3A_465] : memref<640000x64xf32, #tpu.memory_space<hbm>> -> memref<40x64xf32, #tpu.memory_space<hbm>>
        %dma_wait3A_467 = arith.constant 0 : i32
        %dma_wait3A_468 = arith.constant 0 : i32
        %dma_wait3A_469 = tpu.memref_slice %arg11[%dma_wait3A_460, %dma_wait3A_467, %dma_wait3A_468] : memref<2x40x64xf32, #tpu.memory_space<vmem>> -> memref<1x40x64xf32, #tpu.memory_space<vmem>>
        %dma_wait3A_470 = tpu.memref_squeeze %dma_wait3A_469 : memref<1x40x64xf32, #tpu.memory_space<vmem>> -> memref<40x64xf32, #tpu.memory_space<vmem>>
        %dma_wait3A_471 = arith.constant 0 : i32
        %dma_wait3A_472 = tpu.memref_slice %arg3[%add3A_459, %dma_wait3A_471] : memref<640000x64xf32, #tpu.memory_space<hbm>> -> memref<40x64xf32, #tpu.memory_space<hbm>>
        tpu.wait_dma2 semaphore(%arg16 : memref<!tpu.dma_semaphore, #tpu.memory_space<semaphore_mem>>) src(%dma_wait3A_472 : memref<40x64xf32, #tpu.memory_space<hbm>>) dst(%dma_wait3A_470 : memref<40x64xf32, #tpu.memory_space<vmem>>)
        %gt3A_473 = arith.constant 0 : i32
        %gt3A_474 = arith.cmpi sgt, %scan3A_337, %gt3A_473 : i32
        %convert_element_type3A_475 = arith.extui %gt3A_474 : i1 to i32
        %cond3A_476 = arith.constant 0 : i32
        %cond3A_477 = arith.cmpi ne, %convert_element_type3A_475, %cond3A_476 : i32
        scf.if %cond3A_477 {
          %dma_wait3A_497 = arith.constant 1 : i32
          %dma_wait3A_498 = arith.constant 0 : i32
          %dma_wait3A_499 = arith.constant 0 : i32
          %dma_wait3A_500 = arith.constant 0 : i32
          %dma_wait3A_501 = arith.constant 0 : i32
          %dma_wait3A_502 = tpu.memref_slice %arg12[%dma_wait3A_497, %dma_wait3A_500, %dma_wait3A_501] : memref<2x40x128xf32, #tpu.memory_space<vmem>> -> memref<1x40x128xf32, #tpu.memory_space<vmem>>
          %dma_wait3A_503 = tpu.memref_squeeze %dma_wait3A_502 : memref<1x40x128xf32, #tpu.memory_space<vmem>> -> memref<40x128xf32, #tpu.memory_space<vmem>>
          %dma_wait3A_504 = arith.constant 0 : i32
          %dma_wait3A_505 = tpu.memref_slice %arg9[%dma_wait3A_498, %dma_wait3A_499, %dma_wait3A_504] : memref<2x32x40xi32, #tpu.memory_space<vmem>> -> memref<1x1x40xi32, #tpu.memory_space<vmem>>
          %dma_wait3A_506 = tpu.memref_squeeze %dma_wait3A_505 : memref<1x1x40xi32, #tpu.memory_space<vmem>> -> memref<40xi32, #tpu.memory_space<vmem>>
          %dma_wait3A_507 = arith.constant 0 : i32
          %dma_wait3A_508 = arith.constant 0 : i32
          %dma_wait3A_509 = tpu.memref_slice %arg7[%dma_wait3A_507, %dma_wait3A_508] : memref<10112x128xf32, #tpu.memory_space<vmem_shared>> -> memref<10112x128xf32, #tpu.memory_space<vmem_shared>>
          tpu.wait_indirect_dma semaphore(%arg18 : memref<!tpu.dma_semaphore, #tpu.memory_space<semaphore_mem>>) src(%dma_wait3A_503 : memref<40x128xf32, #tpu.memory_space<vmem>>) dst(%dma_wait3A_509 : memref<10112x128xf32, #tpu.memory_space<vmem_shared>>)
        } else {
        }
        %add3A_478 = arith.constant 1 : i32
        %add3A_479 = arith.addi %mul3A_339, %add3A_478 : i32
        %scan3A_480 = arith.constant 0 : i32
        %scan3A_481 = arith.constant 40 : i32
        %scan3A_482 = arith.addi %scan3A_480, %scan3A_481 : i32
        %scan3A_483 = arith.constant 2 : i32
        scf.for %scan3A_497 = %scan3A_480 to %scan3A_482 step %scan3A_483  : i32 {
          %add3A_498 = arith.constant 0 : i32
          %add3A_499 = arith.addi %mul3A_0, %add3A_498 : i32
          %get3A = arith.constant 1 : i32
          %get3A_500 = arith.index_cast %get3A : i32 to index
          %get3A_501 = arith.index_cast %scan3A_497 : i32 to index
          %get3A_502 = arith.index_cast %add3A_499 : i32 to index
          %get3A_503 = tpu.vector_load %arg10[%get3A_500, %get3A_501, %get3A_502] {strides = array<i32>} : memref<2x40x128xf32, #tpu.memory_space<vmem>>, vector<1x1x16xf32>,
          %get3A_504 = vector.shape_cast %get3A_503 : vector<1x1x16xf32> to vector<16xf32>
          %get3A_505 = arith.constant 1 : i32
          %get3A_506 = arith.index_cast %get3A_505 : i32 to index
          %get3A_507 = arith.index_cast %scan3A_497 : i32 to index
          %get3A_508 = arith.constant 0 : index
          %get3A_509 = tpu.vector_load %arg11[%get3A_506, %get3A_507, %get3A_508] {strides = array<i32>} : memref<2x40x64xf32, #tpu.memory_space<vmem>>, vector<1x1x16xf32>,
          %get3A_510 = vector.shape_cast %get3A_509 : vector<1x1x16xf32> to vector<16xf32>
          %add3A_511 = arith.addf %get3A_504, %get3A_510 : vector<16xf32>
          %max3A = arith.constant 0.000000e+00 : f32
          %max3A_512 = vector.broadcast %max3A : f32 to vector<16xf32>
          %max3A_513 = arith.maximumf %add3A_511, %max3A_512 : vector<16xf32>
          %add3A_514 = arith.constant 1.000000e-07 : f32
          %add3A_515 = vector.broadcast %add3A_514 : f32 to vector<16xf32>
          %add3A_516 = arith.addf %max3A_513, %add3A_515 : vector<16xf32>
          %exp3A = math.exp %add3A_516 : vector<16xf32>
          %swap3A = arith.constant 1 : i32
          %swap3A_517 = arith.index_cast %swap3A : i32 to index
          %swap3A_518 = arith.index_cast %scan3A_497 : i32 to index
          %swap3A_519 = arith.constant 0 : index
          %swap3A_520 = tpu.vector_load %arg12[%swap3A_517, %swap3A_518, %swap3A_519] {strides = array<i32>} : memref<2x40x128xf32, #tpu.memory_space<vmem>>, vector<1x1x16xf32>,
          %swap3A_521 = vector.shape_cast %swap3A_520 : vector<1x1x16xf32> to vector<16xf32>
          %swap3A_522 = vector.shape_cast %exp3A : vector<16xf32> to vector<1x1x16xf32>
          tpu.vector_store %arg12[%swap3A_517, %swap3A_518, %swap3A_519], %swap3A_522 {strides = array<i32>} : memref<2x40x128xf32, #tpu.memory_space<vmem>>, vector<1x1x16xf32>,
          %mul3A_523 = arith.mulf %exp3A, %add3A_516 : vector<16xf32>
          %swap3A_524 = arith.constant 1 : i32
          %swap3A_525 = arith.index_cast %swap3A_524 : i32 to index
          %swap3A_526 = arith.index_cast %scan3A_497 : i32 to index
          %swap3A_527 = arith.constant 64 : index
          %swap3A_528 = tpu.vector_load %arg12[%swap3A_525, %swap3A_526, %swap3A_527] {strides = array<i32>} : memref<2x40x128xf32, #tpu.memory_space<vmem>>, vector<1x1x16xf32>,
          %swap3A_529 = vector.shape_cast %swap3A_528 : vector<1x1x16xf32> to vector<16xf32>
          %swap3A_530 = vector.shape_cast %mul3A_523 : vector<16xf32> to vector<1x1x16xf32>
          tpu.vector_store %arg12[%swap3A_525, %swap3A_526, %swap3A_527], %swap3A_530 {strides = array<i32>} : memref<2x40x128xf32, #tpu.memory_space<vmem>>, vector<1x1x16xf32>,
          %add3A_531 = arith.constant 16 : i32
          %add3A_532 = arith.addi %mul3A_0, %add3A_531 : i32
          %get3A_533 = arith.constant 1 : i32
          %get3A_534 = arith.index_cast %get3A_533 : i32 to index
          %get3A_535 = arith.index_cast %scan3A_497 : i32 to index
          %get3A_536 = arith.index_cast %add3A_532 : i32 to index
          %get3A_537 = tpu.vector_load %arg10[%get3A_534, %get3A_535, %get3A_536] {strides = array<i32>} : memref<2x40x128xf32, #tpu.memory_space<vmem>>, vector<1x1x16xf32>,
          %get3A_538 = vector.shape_cast %get3A_537 : vector<1x1x16xf32> to vector<16xf32>
          %get3A_539 = arith.constant 1 : i32
          %get3A_540 = arith.index_cast %get3A_539 : i32 to index
          %get3A_541 = arith.index_cast %scan3A_497 : i32 to index
          %get3A_542 = arith.constant 16 : index
          %get3A_543 = tpu.vector_load %arg11[%get3A_540, %get3A_541, %get3A_542] {strides = array<i32>} : memref<2x40x64xf32, #tpu.memory_space<vmem>>, vector<1x1x16xf32>,
          %get3A_544 = vector.shape_cast %get3A_543 : vector<1x1x16xf32> to vector<16xf32>
          %add3A_545 = arith.addf %get3A_538, %get3A_544 : vector<16xf32>
          %max3A_546 = arith.constant 0.000000e+00 : f32
          %max3A_547 = vector.broadcast %max3A_546 : f32 to vector<16xf32>
          %max3A_548 = arith.maximumf %add3A_545, %max3A_547 : vector<16xf32>
          %add3A_549 = arith.constant 1.000000e-07 : f32
          %add3A_550 = vector.broadcast %add3A_549 : f32 to vector<16xf32>
          %add3A_551 = arith.addf %max3A_548, %add3A_550 : vector<16xf32>
          %exp3A_552 = math.exp %add3A_551 : vector<16xf32>
          %swap3A_553 = arith.constant 1 : i32
          %swap3A_554 = arith.index_cast %swap3A_553 : i32 to index
          %swap3A_555 = arith.index_cast %scan3A_497 : i32 to index
          %swap3A_556 = arith.constant 16 : index
          %swap3A_557 = tpu.vector_load %arg12[%swap3A_554, %swap3A_555, %swap3A_556] {strides = array<i32>} : memref<2x40x128xf32, #tpu.memory_space<vmem>>, vector<1x1x16xf32>,
          %swap3A_558 = vector.shape_cast %swap3A_557 : vector<1x1x16xf32> to vector<16xf32>
          %swap3A_559 = vector.shape_cast %exp3A_552 : vector<16xf32> to vector<1x1x16xf32>
          tpu.vector_store %arg12[%swap3A_554, %swap3A_555, %swap3A_556], %swap3A_559 {strides = array<i32>} : memref<2x40x128xf32, #tpu.memory_space<vmem>>, vector<1x1x16xf32>,
          %mul3A_560 = arith.mulf %exp3A_552, %add3A_551 : vector<16xf32>
          %swap3A_561 = arith.constant 1 : i32
          %swap3A_562 = arith.index_cast %swap3A_561 : i32 to index
          %swap3A_563 = arith.index_cast %scan3A_497 : i32 to index
          %swap3A_564 = arith.constant 80 : index
          %swap3A_565 = tpu.vector_load %arg12[%swap3A_562, %swap3A_563, %swap3A_564] {strides = array<i32>} : memref<2x40x128xf32, #tpu.memory_space<vmem>>, vector<1x1x16xf32>,
          %swap3A_566 = vector.shape_cast %swap3A_565 : vector<1x1x16xf32> to vector<16xf32>
          %swap3A_567 = vector.shape_cast %mul3A_560 : vector<16xf32> to vector<1x1x16xf32>
          tpu.vector_store %arg12[%swap3A_562, %swap3A_563, %swap3A_564], %swap3A_567 {strides = array<i32>} : memref<2x40x128xf32, #tpu.memory_space<vmem>>, vector<1x1x16xf32>,
          %add3A_568 = arith.constant 32 : i32
          %add3A_569 = arith.addi %mul3A_0, %add3A_568 : i32
          %get3A_570 = arith.constant 1 : i32
          %get3A_571 = arith.index_cast %get3A_570 : i32 to index
          %get3A_572 = arith.index_cast %scan3A_497 : i32 to index
          %get3A_573 = arith.index_cast %add3A_569 : i32 to index
          %get3A_574 = tpu.vector_load %arg10[%get3A_571, %get3A_572, %get3A_573] {strides = array<i32>} : memref<2x40x128xf32, #tpu.memory_space<vmem>>, vector<1x1x16xf32>,
          %get3A_575 = vector.shape_cast %get3A_574 : vector<1x1x16xf32> to vector<16xf32>
          %get3A_576 = arith.constant 1 : i32
          %get3A_577 = arith.index_cast %get3A_576 : i32 to index
          %get3A_578 = arith.index_cast %scan3A_497 : i32 to index
          %get3A_579 = arith.constant 32 : index
          %get3A_580 = tpu.vector_load %arg11[%get3A_577, %get3A_578, %get3A_579] {strides = array<i32>} : memref<2x40x64xf32, #tpu.memory_space<vmem>>, vector<1x1x16xf32>,
          %get3A_581 = vector.shape_cast %get3A_580 : vector<1x1x16xf32> to vector<16xf32>
          %add3A_582 = arith.addf %get3A_575, %get3A_581 : vector<16xf32>
          %max3A_583 = arith.constant 0.000000e+00 : f32
          %max3A_584 = vector.broadcast %max3A_583 : f32 to vector<16xf32>
          %max3A_585 = arith.maximumf %add3A_582, %max3A_584 : vector<16xf32>
          %add3A_586 = arith.constant 1.000000e-07 : f32
          %add3A_587 = vector.broadcast %add3A_586 : f32 to vector<16xf32>
          %add3A_588 = arith.addf %max3A_585, %add3A_587 : vector<16xf32>
          %exp3A_589 = math.exp %add3A_588 : vector<16xf32>
          %swap3A_590 = arith.constant 1 : i32
          %swap3A_591 = arith.index_cast %swap3A_590 : i32 to index
          %swap3A_592 = arith.index_cast %scan3A_497 : i32 to index
          %swap3A_593 = arith.constant 32 : index
          %swap3A_594 = tpu.vector_load %arg12[%swap3A_591, %swap3A_592, %swap3A_593] {strides = array<i32>} : memref<2x40x128xf32, #tpu.memory_space<vmem>>, vector<1x1x16xf32>,
          %swap3A_595 = vector.shape_cast %swap3A_594 : vector<1x1x16xf32> to vector<16xf32>
          %swap3A_596 = vector.shape_cast %exp3A_589 : vector<16xf32> to vector<1x1x16xf32>
          tpu.vector_store %arg12[%swap3A_591, %swap3A_592, %swap3A_593], %swap3A_596 {strides = array<i32>} : memref<2x40x128xf32, #tpu.memory_space<vmem>>, vector<1x1x16xf32>,
          %mul3A_597 = arith.mulf %exp3A_589, %add3A_588 : vector<16xf32>
          %swap3A_598 = arith.constant 1 : i32
          %swap3A_599 = arith.index_cast %swap3A_598 : i32 to index
          %swap3A_600 = arith.index_cast %scan3A_497 : i32 to index
          %swap3A_601 = arith.constant 96 : index
          %swap3A_602 = tpu.vector_load %arg12[%swap3A_599, %swap3A_600, %swap3A_601] {strides = array<i32>} : memref<2x40x128xf32, #tpu.memory_space<vmem>>, vector<1x1x16xf32>,
          %swap3A_603 = vector.shape_cast %swap3A_602 : vector<1x1x16xf32> to vector<16xf32>
          %swap3A_604 = vector.shape_cast %mul3A_597 : vector<16xf32> to vector<1x1x16xf32>
          tpu.vector_store %arg12[%swap3A_599, %swap3A_600, %swap3A_601], %swap3A_604 {strides = array<i32>} : memref<2x40x128xf32, #tpu.memory_space<vmem>>, vector<1x1x16xf32>,
          %add3A_605 = arith.constant 48 : i32
          %add3A_606 = arith.addi %mul3A_0, %add3A_605 : i32
          %get3A_607 = arith.constant 1 : i32
          %get3A_608 = arith.index_cast %get3A_607 : i32 to index
          %get3A_609 = arith.index_cast %scan3A_497 : i32 to index
          %get3A_610 = arith.index_cast %add3A_606 : i32 to index
          %get3A_611 = tpu.vector_load %arg10[%get3A_608, %get3A_609, %get3A_610] {strides = array<i32>} : memref<2x40x128xf32, #tpu.memory_space<vmem>>, vector<1x1x16xf32>,
          %get3A_612 = vector.shape_cast %get3A_611 : vector<1x1x16xf32> to vector<16xf32>
          %get3A_613 = arith.constant 1 : i32
          %get3A_614 = arith.index_cast %get3A_613 : i32 to index
          %get3A_615 = arith.index_cast %scan3A_497 : i32 to index
          %get3A_616 = arith.constant 48 : index
          %get3A_617 = tpu.vector_load %arg11[%get3A_614, %get3A_615, %get3A_616] {strides = array<i32>} : memref<2x40x64xf32, #tpu.memory_space<vmem>>, vector<1x1x16xf32>,
          %get3A_618 = vector.shape_cast %get3A_617 : vector<1x1x16xf32> to vector<16xf32>
          %add3A_619 = arith.addf %get3A_612, %get3A_618 : vector<16xf32>
          %max3A_620 = arith.constant 0.000000e+00 : f32
          %max3A_621 = vector.broadcast %max3A_620 : f32 to vector<16xf32>
          %max3A_622 = arith.maximumf %add3A_619, %max3A_621 : vector<16xf32>
          %add3A_623 = arith.constant 1.000000e-07 : f32
          %add3A_624 = vector.broadcast %add3A_623 : f32 to vector<16xf32>
          %add3A_625 = arith.addf %max3A_622, %add3A_624 : vector<16xf32>
          %exp3A_626 = math.exp %add3A_625 : vector<16xf32>
          %swap3A_627 = arith.constant 1 : i32
          %swap3A_628 = arith.index_cast %swap3A_627 : i32 to index
          %swap3A_629 = arith.index_cast %scan3A_497 : i32 to index
          %swap3A_630 = arith.constant 48 : index
          %swap3A_631 = tpu.vector_load %arg12[%swap3A_628, %swap3A_629, %swap3A_630] {strides = array<i32>} : memref<2x40x128xf32, #tpu.memory_space<vmem>>, vector<1x1x16xf32>,
          %swap3A_632 = vector.shape_cast %swap3A_631 : vector<1x1x16xf32> to vector<16xf32>
          %swap3A_633 = vector.shape_cast %exp3A_626 : vector<16xf32> to vector<1x1x16xf32>
          tpu.vector_store %arg12[%swap3A_628, %swap3A_629, %swap3A_630], %swap3A_633 {strides = array<i32>} : memref<2x40x128xf32, #tpu.memory_space<vmem>>, vector<1x1x16xf32>,
          %mul3A_634 = arith.mulf %exp3A_626, %add3A_625 : vector<16xf32>
          %swap3A_635 = arith.constant 1 : i32
          %swap3A_636 = arith.index_cast %swap3A_635 : i32 to index
          %swap3A_637 = arith.index_cast %scan3A_497 : i32 to index
          %swap3A_638 = arith.constant 112 : index
          %swap3A_639 = tpu.vector_load %arg12[%swap3A_636, %swap3A_637, %swap3A_638] {strides = array<i32>} : memref<2x40x128xf32, #tpu.memory_space<vmem>>, vector<1x1x16xf32>,
          %swap3A_640 = vector.shape_cast %swap3A_639 : vector<1x1x16xf32> to vector<16xf32>
          %swap3A_641 = vector.shape_cast %mul3A_634 : vector<16xf32> to vector<1x1x16xf32>
          tpu.vector_store %arg12[%swap3A_636, %swap3A_637, %swap3A_638], %swap3A_641 {strides = array<i32>} : memref<2x40x128xf32, #tpu.memory_space<vmem>>, vector<1x1x16xf32>,
          %scan3A_642 = arith.constant 1 : i32
          %scan3A_643 = arith.addi %scan3A_497, %scan3A_642 : i32
          %add3A_644 = arith.constant 0 : i32
          %add3A_645 = arith.addi %mul3A_0, %add3A_644 : i32
          %get3A_646 = arith.constant 1 : i32
          %get3A_647 = arith.index_cast %get3A_646 : i32 to index
          %get3A_648 = arith.index_cast %scan3A_643 : i32 to index
          %get3A_649 = arith.index_cast %add3A_645 : i32 to index
          %get3A_650 = tpu.vector_load %arg10[%get3A_647, %get3A_648, %get3A_649] {strides = array<i32>} : memref<2x40x128xf32, #tpu.memory_space<vmem>>, vector<1x1x16xf32>,
          %get3A_651 = vector.shape_cast %get3A_650 : vector<1x1x16xf32> to vector<16xf32>
          %get3A_652 = arith.constant 1 : i32
          %get3A_653 = arith.index_cast %get3A_652 : i32 to index
          %get3A_654 = arith.index_cast %scan3A_643 : i32 to index
          %get3A_655 = arith.constant 0 : index
          %get3A_656 = tpu.vector_load %arg11[%get3A_653, %get3A_654, %get3A_655] {strides = array<i32>} : memref<2x40x64xf32, #tpu.memory_space<vmem>>, vector<1x1x16xf32>,
          %get3A_657 = vector.shape_cast %get3A_656 : vector<1x1x16xf32> to vector<16xf32>
          %add3A_658 = arith.addf %get3A_651, %get3A_657 : vector<16xf32>
          %max3A_659 = arith.constant 0.000000e+00 : f32
          %max3A_660 = vector.broadcast %max3A_659 : f32 to vector<16xf32>
          %max3A_661 = arith.maximumf %add3A_658, %max3A_660 : vector<16xf32>
          %add3A_662 = arith.constant 1.000000e-07 : f32
          %add3A_663 = vector.broadcast %add3A_662 : f32 to vector<16xf32>
          %add3A_664 = arith.addf %max3A_661, %add3A_663 : vector<16xf32>
          %exp3A_665 = math.exp %add3A_664 : vector<16xf32>
          %swap3A_666 = arith.constant 1 : i32
          %swap3A_667 = arith.index_cast %swap3A_666 : i32 to index
          %swap3A_668 = arith.index_cast %scan3A_643 : i32 to index
          %swap3A_669 = arith.constant 0 : index
          %swap3A_670 = tpu.vector_load %arg12[%swap3A_667, %swap3A_668, %swap3A_669] {strides = array<i32>} : memref<2x40x128xf32, #tpu.memory_space<vmem>>, vector<1x1x16xf32>,
          %swap3A_671 = vector.shape_cast %swap3A_670 : vector<1x1x16xf32> to vector<16xf32>
          %swap3A_672 = vector.shape_cast %exp3A_665 : vector<16xf32> to vector<1x1x16xf32>
          tpu.vector_store %arg12[%swap3A_667, %swap3A_668, %swap3A_669], %swap3A_672 {strides = array<i32>} : memref<2x40x128xf32, #tpu.memory_space<vmem>>, vector<1x1x16xf32>,
          %mul3A_673 = arith.mulf %exp3A_665, %add3A_664 : vector<16xf32>
          %swap3A_674 = arith.constant 1 : i32
          %swap3A_675 = arith.index_cast %swap3A_674 : i32 to index
          %swap3A_676 = arith.index_cast %scan3A_643 : i32 to index
          %swap3A_677 = arith.constant 64 : index
          %swap3A_678 = tpu.vector_load %arg12[%swap3A_675, %swap3A_676, %swap3A_677] {strides = array<i32>} : memref<2x40x128xf32, #tpu.memory_space<vmem>>, vector<1x1x16xf32>,
          %swap3A_679 = vector.shape_cast %swap3A_678 : vector<1x1x16xf32> to vector<16xf32>
          %swap3A_680 = vector.shape_cast %mul3A_673 : vector<16xf32> to vector<1x1x16xf32>
          tpu.vector_store %arg12[%swap3A_675, %swap3A_676, %swap3A_677], %swap3A_680 {strides = array<i32>} : memref<2x40x128xf32, #tpu.memory_space<vmem>>, vector<1x1x16xf32>,
          %add3A_681 = arith.constant 16 : i32
          %add3A_682 = arith.addi %mul3A_0, %add3A_681 : i32
          %get3A_683 = arith.constant 1 : i32
          %get3A_684 = arith.index_cast %get3A_683 : i32 to index
          %get3A_685 = arith.index_cast %scan3A_643 : i32 to index
          %get3A_686 = arith.index_cast %add3A_682 : i32 to index
          %get3A_687 = tpu.vector_load %arg10[%get3A_684, %get3A_685, %get3A_686] {strides = array<i32>} : memref<2x40x128xf32, #tpu.memory_space<vmem>>, vector<1x1x16xf32>,
          %get3A_688 = vector.shape_cast %get3A_687 : vector<1x1x16xf32> to vector<16xf32>
          %get3A_689 = arith.constant 1 : i32
          %get3A_690 = arith.index_cast %get3A_689 : i32 to index
          %get3A_691 = arith.index_cast %scan3A_643 : i32 to index
          %get3A_692 = arith.constant 16 : index
          %get3A_693 = tpu.vector_load %arg11[%get3A_690, %get3A_691, %get3A_692] {strides = array<i32>} : memref<2x40x64xf32, #tpu.memory_space<vmem>>, vector<1x1x16xf32>,
          %get3A_694 = vector.shape_cast %get3A_693 : vector<1x1x16xf32> to vector<16xf32>
          %add3A_695 = arith.addf %get3A_688, %get3A_694 : vector<16xf32>
          %max3A_696 = arith.constant 0.000000e+00 : f32
          %max3A_697 = vector.broadcast %max3A_696 : f32 to vector<16xf32>
          %max3A_698 = arith.maximumf %add3A_695, %max3A_697 : vector<16xf32>
          %add3A_699 = arith.constant 1.000000e-07 : f32
          %add3A_700 = vector.broadcast %add3A_699 : f32 to vector<16xf32>
          %add3A_701 = arith.addf %max3A_698, %add3A_700 : vector<16xf32>
          %exp3A_702 = math.exp %add3A_701 : vector<16xf32>
          %swap3A_703 = arith.constant 1 : i32
          %swap3A_704 = arith.index_cast %swap3A_703 : i32 to index
          %swap3A_705 = arith.index_cast %scan3A_643 : i32 to index
          %swap3A_706 = arith.constant 16 : index
          %swap3A_707 = tpu.vector_load %arg12[%swap3A_704, %swap3A_705, %swap3A_706] {strides = array<i32>} : memref<2x40x128xf32, #tpu.memory_space<vmem>>, vector<1x1x16xf32>,
          %swap3A_708 = vector.shape_cast %swap3A_707 : vector<1x1x16xf32> to vector<16xf32>
          %swap3A_709 = vector.shape_cast %exp3A_702 : vector<16xf32> to vector<1x1x16xf32>
          tpu.vector_store %arg12[%swap3A_704, %swap3A_705, %swap3A_706], %swap3A_709 {strides = array<i32>} : memref<2x40x128xf32, #tpu.memory_space<vmem>>, vector<1x1x16xf32>,
          %mul3A_710 = arith.mulf %exp3A_702, %add3A_701 : vector<16xf32>
          %swap3A_711 = arith.constant 1 : i32
          %swap3A_712 = arith.index_cast %swap3A_711 : i32 to index
          %swap3A_713 = arith.index_cast %scan3A_643 : i32 to index
          %swap3A_714 = arith.constant 80 : index
          %swap3A_715 = tpu.vector_load %arg12[%swap3A_712, %swap3A_713, %swap3A_714] {strides = array<i32>} : memref<2x40x128xf32, #tpu.memory_space<vmem>>, vector<1x1x16xf32>,
          %swap3A_716 = vector.shape_cast %swap3A_715 : vector<1x1x16xf32> to vector<16xf32>
          %swap3A_717 = vector.shape_cast %mul3A_710 : vector<16xf32> to vector<1x1x16xf32>
          tpu.vector_store %arg12[%swap3A_712, %swap3A_713, %swap3A_714], %swap3A_717 {strides = array<i32>} : memref<2x40x128xf32, #tpu.memory_space<vmem>>, vector<1x1x16xf32>,
          %add3A_718 = arith.constant 32 : i32
          %add3A_719 = arith.addi %mul3A_0, %add3A_718 : i32
          %get3A_720 = arith.constant 1 : i32
          %get3A_721 = arith.index_cast %get3A_720 : i32 to index
          %get3A_722 = arith.index_cast %scan3A_643 : i32 to index
          %get3A_723 = arith.index_cast %add3A_719 : i32 to index
          %get3A_724 = tpu.vector_load %arg10[%get3A_721, %get3A_722, %get3A_723] {strides = array<i32>} : memref<2x40x128xf32, #tpu.memory_space<vmem>>, vector<1x1x16xf32>,
          %get3A_725 = vector.shape_cast %get3A_724 : vector<1x1x16xf32> to vector<16xf32>
          %get3A_726 = arith.constant 1 : i32
          %get3A_727 = arith.index_cast %get3A_726 : i32 to index
          %get3A_728 = arith.index_cast %scan3A_643 : i32 to index
          %get3A_729 = arith.constant 32 : index
          %get3A_730 = tpu.vector_load %arg11[%get3A_727, %get3A_728, %get3A_729] {strides = array<i32>} : memref<2x40x64xf32, #tpu.memory_space<vmem>>, vector<1x1x16xf32>,
          %get3A_731 = vector.shape_cast %get3A_730 : vector<1x1x16xf32> to vector<16xf32>
          %add3A_732 = arith.addf %get3A_725, %get3A_731 : vector<16xf32>
          %max3A_733 = arith.constant 0.000000e+00 : f32
          %max3A_734 = vector.broadcast %max3A_733 : f32 to vector<16xf32>
          %max3A_735 = arith.maximumf %add3A_732, %max3A_734 : vector<16xf32>
          %add3A_736 = arith.constant 1.000000e-07 : f32
          %add3A_737 = vector.broadcast %add3A_736 : f32 to vector<16xf32>
          %add3A_738 = arith.addf %max3A_735, %add3A_737 : vector<16xf32>
          %exp3A_739 = math.exp %add3A_738 : vector<16xf32>
          %swap3A_740 = arith.constant 1 : i32
          %swap3A_741 = arith.index_cast %swap3A_740 : i32 to index
          %swap3A_742 = arith.index_cast %scan3A_643 : i32 to index
          %swap3A_743 = arith.constant 32 : index
          %swap3A_744 = tpu.vector_load %arg12[%swap3A_741, %swap3A_742, %swap3A_743] {strides = array<i32>} : memref<2x40x128xf32, #tpu.memory_space<vmem>>, vector<1x1x16xf32>,
          %swap3A_745 = vector.shape_cast %swap3A_744 : vector<1x1x16xf32> to vector<16xf32>
          %swap3A_746 = vector.shape_cast %exp3A_739 : vector<16xf32> to vector<1x1x16xf32>
          tpu.vector_store %arg12[%swap3A_741, %swap3A_742, %swap3A_743], %swap3A_746 {strides = array<i32>} : memref<2x40x128xf32, #tpu.memory_space<vmem>>, vector<1x1x16xf32>,
          %mul3A_747 = arith.mulf %exp3A_739, %add3A_738 : vector<16xf32>
          %swap3A_748 = arith.constant 1 : i32
          %swap3A_749 = arith.index_cast %swap3A_748 : i32 to index
          %swap3A_750 = arith.index_cast %scan3A_643 : i32 to index
          %swap3A_751 = arith.constant 96 : index
          %swap3A_752 = tpu.vector_load %arg12[%swap3A_749, %swap3A_750, %swap3A_751] {strides = array<i32>} : memref<2x40x128xf32, #tpu.memory_space<vmem>>, vector<1x1x16xf32>,
          %swap3A_753 = vector.shape_cast %swap3A_752 : vector<1x1x16xf32> to vector<16xf32>
          %swap3A_754 = vector.shape_cast %mul3A_747 : vector<16xf32> to vector<1x1x16xf32>
          tpu.vector_store %arg12[%swap3A_749, %swap3A_750, %swap3A_751], %swap3A_754 {strides = array<i32>} : memref<2x40x128xf32, #tpu.memory_space<vmem>>, vector<1x1x16xf32>,
          %add3A_755 = arith.constant 48 : i32
          %add3A_756 = arith.addi %mul3A_0, %add3A_755 : i32
          %get3A_757 = arith.constant 1 : i32
          %get3A_758 = arith.index_cast %get3A_757 : i32 to index
          %get3A_759 = arith.index_cast %scan3A_643 : i32 to index
          %get3A_760 = arith.index_cast %add3A_756 : i32 to index
          %get3A_761 = tpu.vector_load %arg10[%get3A_758, %get3A_759, %get3A_760] {strides = array<i32>} : memref<2x40x128xf32, #tpu.memory_space<vmem>>, vector<1x1x16xf32>,
          %get3A_762 = vector.shape_cast %get3A_761 : vector<1x1x16xf32> to vector<16xf32>
          %get3A_763 = arith.constant 1 : i32
          %get3A_764 = arith.index_cast %get3A_763 : i32 to index
          %get3A_765 = arith.index_cast %scan3A_643 : i32 to index
          %get3A_766 = arith.constant 48 : index
          %get3A_767 = tpu.vector_load %arg11[%get3A_764, %get3A_765, %get3A_766] {strides = array<i32>} : memref<2x40x64xf32, #tpu.memory_space<vmem>>, vector<1x1x16xf32>,
          %get3A_768 = vector.shape_cast %get3A_767 : vector<1x1x16xf32> to vector<16xf32>
          %add3A_769 = arith.addf %get3A_762, %get3A_768 : vector<16xf32>
          %max3A_770 = arith.constant 0.000000e+00 : f32
          %max3A_771 = vector.broadcast %max3A_770 : f32 to vector<16xf32>
          %max3A_772 = arith.maximumf %add3A_769, %max3A_771 : vector<16xf32>
          %add3A_773 = arith.constant 1.000000e-07 : f32
          %add3A_774 = vector.broadcast %add3A_773 : f32 to vector<16xf32>
          %add3A_775 = arith.addf %max3A_772, %add3A_774 : vector<16xf32>
          %exp3A_776 = math.exp %add3A_775 : vector<16xf32>
          %swap3A_777 = arith.constant 1 : i32
          %swap3A_778 = arith.index_cast %swap3A_777 : i32 to index
          %swap3A_779 = arith.index_cast %scan3A_643 : i32 to index
          %swap3A_780 = arith.constant 48 : index
          %swap3A_781 = tpu.vector_load %arg12[%swap3A_778, %swap3A_779, %swap3A_780] {strides = array<i32>} : memref<2x40x128xf32, #tpu.memory_space<vmem>>, vector<1x1x16xf32>,
          %swap3A_782 = vector.shape_cast %swap3A_781 : vector<1x1x16xf32> to vector<16xf32>
          %swap3A_783 = vector.shape_cast %exp3A_776 : vector<16xf32> to vector<1x1x16xf32>
          tpu.vector_store %arg12[%swap3A_778, %swap3A_779, %swap3A_780], %swap3A_783 {strides = array<i32>} : memref<2x40x128xf32, #tpu.memory_space<vmem>>, vector<1x1x16xf32>,
          %mul3A_784 = arith.mulf %exp3A_776, %add3A_775 : vector<16xf32>
          %swap3A_785 = arith.constant 1 : i32
          %swap3A_786 = arith.index_cast %swap3A_785 : i32 to index
          %swap3A_787 = arith.index_cast %scan3A_643 : i32 to index
          %swap3A_788 = arith.constant 112 : index
          %swap3A_789 = tpu.vector_load %arg12[%swap3A_786, %swap3A_787, %swap3A_788] {strides = array<i32>} : memref<2x40x128xf32, #tpu.memory_space<vmem>>, vector<1x1x16xf32>,
          %swap3A_790 = vector.shape_cast %swap3A_789 : vector<1x1x16xf32> to vector<16xf32>
          %swap3A_791 = vector.shape_cast %mul3A_784 : vector<16xf32> to vector<1x1x16xf32>
          tpu.vector_store %arg12[%swap3A_786, %swap3A_787, %swap3A_788], %swap3A_791 {strides = array<i32>} : memref<2x40x128xf32, #tpu.memory_space<vmem>>, vector<1x1x16xf32>,
        }
        %scan3A_484 = arith.constant 40 : i32
        %dma_start3A_485 = arith.constant 1 : i32
        %dma_start3A_486 = arith.constant 0 : i32
        %dma_start3A_487 = arith.constant 0 : i32
        %dma_start3A_488 = arith.constant 0 : i32
        %dma_start3A_489 = tpu.memref_slice %arg12[%dma_start3A_485, %dma_start3A_487, %dma_start3A_488] : memref<2x40x128xf32, #tpu.memory_space<vmem>> -> memref<1x40x128xf32, #tpu.memory_space<vmem>>
        %dma_start3A_490 = tpu.memref_squeeze %dma_start3A_489 : memref<1x40x128xf32, #tpu.memory_space<vmem>> -> memref<40x128xf32, #tpu.memory_space<vmem>>
        %dma_start3A_491 = arith.constant 0 : i32
        %dma_start3A_492 = tpu.memref_slice %arg9[%dma_start3A_486, %add3A_479, %dma_start3A_491] : memref<2x32x40xi32, #tpu.memory_space<vmem>> -> memref<1x1x40xi32, #tpu.memory_space<vmem>>
        %dma_start3A_493 = tpu.memref_squeeze %dma_start3A_492 : memref<1x1x40xi32, #tpu.memory_space<vmem>> -> memref<40xi32, #tpu.memory_space<vmem>>
        %dma_start3A_494 = arith.constant 0 : i32
        %dma_start3A_495 = arith.constant 0 : i32
        %dma_start3A_496 = tpu.memref_slice %arg7[%dma_start3A_494, %dma_start3A_495] : memref<10112x128xf32, #tpu.memory_space<vmem_shared>> -> memref<10112x128xf32, #tpu.memory_space<vmem_shared>>
        tpu.enqueue_indirect_dma source(%dma_start3A_490 : memref<40x128xf32, #tpu.memory_space<vmem>>) target(%dma_start3A_496 : memref<10112x128xf32, #tpu.memory_space<vmem_shared>>) offsets(%dma_start3A_493 : memref<40xi32, #tpu.memory_space<vmem>>) semaphore(%arg18 : memref<!tpu.dma_semaphore, #tpu.memory_space<semaphore_mem>>) {add = true}
      }
      %scan3A_202 = arith.constant 16 : i32
      %dma_wait3A_203 = arith.constant 0 : i32
      %dma_wait3A_204 = arith.constant 0 : i32
      %dma_wait3A_205 = arith.constant 0 : i32
      %dma_wait3A_206 = arith.constant 0 : i32
      %dma_wait3A_207 = arith.constant 0 : i32
      %dma_wait3A_208 = tpu.memref_slice %arg12[%dma_wait3A_203, %dma_wait3A_206, %dma_wait3A_207] : memref<2x40x128xf32, #tpu.memory_space<vmem>> -> memref<1x40x128xf32, #tpu.memory_space<vmem>>
      %dma_wait3A_209 = tpu.memref_squeeze %dma_wait3A_208 : memref<1x40x128xf32, #tpu.memory_space<vmem>> -> memref<40x128xf32, #tpu.memory_space<vmem>>
      %dma_wait3A_210 = arith.constant 0 : i32
      %dma_wait3A_211 = tpu.memref_slice %arg9[%dma_wait3A_204, %dma_wait3A_205, %dma_wait3A_210] : memref<2x32x40xi32, #tpu.memory_space<vmem>> -> memref<1x1x40xi32, #tpu.memory_space<vmem>>
      %dma_wait3A_212 = tpu.memref_squeeze %dma_wait3A_211 : memref<1x1x40xi32, #tpu.memory_space<vmem>> -> memref<40xi32, #tpu.memory_space<vmem>>
      %dma_wait3A_213 = arith.constant 0 : i32
      %dma_wait3A_214 = arith.constant 0 : i32
      %dma_wait3A_215 = tpu.memref_slice %arg7[%dma_wait3A_213, %dma_wait3A_214] : memref<10112x128xf32, #tpu.memory_space<vmem_shared>> -> memref<10112x128xf32, #tpu.memory_space<vmem_shared>>
      tpu.wait_indirect_dma semaphore(%arg17 : memref<!tpu.dma_semaphore, #tpu.memory_space<semaphore_mem>>) src(%dma_wait3A_209 : memref<40x128xf32, #tpu.memory_space<vmem>>) dst(%dma_wait3A_215 : memref<10112x128xf32, #tpu.memory_space<vmem_shared>>)
      %dma_wait3A_216 = arith.constant 1 : i32
      %dma_wait3A_217 = arith.constant 0 : i32
      %dma_wait3A_218 = arith.constant 0 : i32
      %dma_wait3A_219 = arith.constant 0 : i32
      %dma_wait3A_220 = arith.constant 0 : i32
      %dma_wait3A_221 = tpu.memref_slice %arg12[%dma_wait3A_216, %dma_wait3A_219, %dma_wait3A_220] : memref<2x40x128xf32, #tpu.memory_space<vmem>> -> memref<1x40x128xf32, #tpu.memory_space<vmem>>
      %dma_wait3A_222 = tpu.memref_squeeze %dma_wait3A_221 : memref<1x40x128xf32, #tpu.memory_space<vmem>> -> memref<40x128xf32, #tpu.memory_space<vmem>>
      %dma_wait3A_223 = arith.constant 0 : i32
      %dma_wait3A_224 = tpu.memref_slice %arg9[%dma_wait3A_217, %dma_wait3A_218, %dma_wait3A_223] : memref<2x32x40xi32, #tpu.memory_space<vmem>> -> memref<1x1x40xi32, #tpu.memory_space<vmem>>
      %dma_wait3A_225 = tpu.memref_squeeze %dma_wait3A_224 : memref<1x1x40xi32, #tpu.memory_space<vmem>> -> memref<40xi32, #tpu.memory_space<vmem>>
      %dma_wait3A_226 = arith.constant 0 : i32
      %dma_wait3A_227 = arith.constant 0 : i32
      %dma_wait3A_228 = tpu.memref_slice %arg7[%dma_wait3A_226, %dma_wait3A_227] : memref<10112x128xf32, #tpu.memory_space<vmem_shared>> -> memref<10112x128xf32, #tpu.memory_space<vmem_shared>>
      tpu.wait_indirect_dma semaphore(%arg18 : memref<!tpu.dma_semaphore, #tpu.memory_space<semaphore_mem>>) src(%dma_wait3A_222 : memref<40x128xf32, #tpu.memory_space<vmem>>) dst(%dma_wait3A_228 : memref<10112x128xf32, #tpu.memory_space<vmem_shared>>)
      %mul3A_229 = arith.constant 2 : i32
      %mul3A_230 = arith.muli %mul3A_229, %scan3A_127 : i32
      %add3A_231 = arith.constant 1 : i32
      %add3A_232 = arith.addi %mul3A_230, %add3A_231 : i32
      %mul3A_233 = arith.constant 32 : i32
      %mul3A_234 = arith.muli %add3A_232, %mul3A_233 : i32
      %add3A_235 = arith.addi %mul3A_84, %mul3A_234 : i32
      %dma_wait3A_236 = arith.constant 1 : i32
      %dma_wait3A_237 = arith.constant 0 : i32
      %dma_wait3A_238 = arith.constant 0 : i32
      %dma_wait3A_239 = tpu.memref_slice %arg8[%dma_wait3A_236, %dma_wait3A_237, %dma_wait3A_238] : memref<2x32x40xi32, #tpu.memory_space<vmem>> -> memref<1x32x40xi32, #tpu.memory_space<vmem>>
      %dma_wait3A_240 = tpu.memref_squeeze %dma_wait3A_239 : memref<1x32x40xi32, #tpu.memory_space<vmem>> -> memref<32x40xi32, #tpu.memory_space<vmem>>
      %dma_wait3A_241 = arith.constant 0 : i32
      %dma_wait3A_242 = arith.constant 0 : i32
      %dma_wait3A_243 = tpu.memref_slice %arg4[%dma_wait3A_241, %dma_wait3A_242] : memref<8192x40xi32, #tpu.memory_space<hbm>> -> memref<32x40xi32, #tpu.memory_space<hbm>>
      %dma_wait3A_244 = arith.constant 0 : i32
      %dma_wait3A_245 = arith.constant 0 : i32
      %dma_wait3A_246 = tpu.memref_slice %arg8[%dma_wait3A_236, %dma_wait3A_244, %dma_wait3A_245] : memref<2x32x40xi32, #tpu.memory_space<vmem>> -> memref<1x32x40xi32, #tpu.memory_space<vmem>>
      %dma_wait3A_247 = tpu.memref_squeeze %dma_wait3A_246 : memref<1x32x40xi32, #tpu.memory_space<vmem>> -> memref<32x40xi32, #tpu.memory_space<vmem>>
      %dma_wait3A_248 = arith.constant 0 : i32
      %dma_wait3A_249 = arith.constant 0 : i32
      %dma_wait3A_250 = tpu.memref_slice %arg4[%dma_wait3A_248, %dma_wait3A_249] : memref<8192x40xi32, #tpu.memory_space<hbm>> -> memref<32x40xi32, #tpu.memory_space<hbm>>
      tpu.wait_dma2 semaphore(%arg14 : memref<!tpu.dma_semaphore, #tpu.memory_space<semaphore_mem>>) src(%dma_wait3A_250 : memref<32x40xi32, #tpu.memory_space<hbm>>) dst(%dma_wait3A_247 : memref<32x40xi32, #tpu.memory_space<vmem>>)
      %dma_wait3A_251 = arith.constant 1 : i32
      %dma_wait3A_252 = arith.constant 0 : i32
      %dma_wait3A_253 = arith.constant 0 : i32
      %dma_wait3A_254 = tpu.memref_slice %arg9[%dma_wait3A_251, %dma_wait3A_252, %dma_wait3A_253] : memref<2x32x40xi32, #tpu.memory_space<vmem>> -> memref<1x32x40xi32, #tpu.memory_space<vmem>>
      %dma_wait3A_255 = tpu.memref_squeeze %dma_wait3A_254 : memref<1x32x40xi32, #tpu.memory_space<vmem>> -> memref<32x40xi32, #tpu.memory_space<vmem>>
      %dma_wait3A_256 = arith.constant 0 : i32
      %dma_wait3A_257 = arith.constant 0 : i32
      %dma_wait3A_258 = tpu.memref_slice %arg5[%dma_wait3A_256, %dma_wait3A_257] : memref<8192x40xi32, #tpu.memory_space<hbm>> -> memref<32x40xi32, #tpu.memory_space<hbm>>
      %dma_wait3A_259 = arith.constant 0 : i32
      %dma_wait3A_260 = arith.constant 0 : i32
      %dma_wait3A_261 = tpu.memref_slice %arg9[%dma_wait3A_251, %dma_wait3A_259, %dma_wait3A_260] : memref<2x32x40xi32, #tpu.memory_space<vmem>> -> memref<1x32x40xi32, #tpu.memory_space<vmem>>
      %dma_wait3A_262 = tpu.memref_squeeze %dma_wait3A_261 : memref<1x32x40xi32, #tpu.memory_space<vmem>> -> memref<32x40xi32, #tpu.memory_space<vmem>>
      %dma_wait3A_263 = arith.constant 0 : i32
      %dma_wait3A_264 = arith.constant 0 : i32
      %dma_wait3A_265 = tpu.memref_slice %arg5[%dma_wait3A_263, %dma_wait3A_264] : memref<8192x40xi32, #tpu.memory_space<hbm>> -> memref<32x40xi32, #tpu.memory_space<hbm>>
      tpu.wait_dma2 semaphore(%arg14 : memref<!tpu.dma_semaphore, #tpu.memory_space<semaphore_mem>>) src(%dma_wait3A_265 : memref<32x40xi32, #tpu.memory_space<hbm>>) dst(%dma_wait3A_262 : memref<32x40xi32, #tpu.memory_space<vmem>>)
      %add3A_266 = arith.constant 1 : i32
      %add3A_267 = arith.addi %add3A_232, %add3A_266 : i32
      %lt3A_268 = arith.constant 16 : i32
      %lt3A_269 = arith.cmpi slt, %add3A_267, %lt3A_268 : i32
      %convert_element_type3A_270 = arith.extui %lt3A_269 : i1 to i32
      %cond3A_271 = arith.constant 0 : i32
      %cond3A_272 = arith.cmpi ne, %convert_element_type3A_270, %cond3A_271 : i32
      scf.if %cond3A_272 {
        %add3A_337 = arith.constant 1 : i32
        %add3A_338 = arith.addi %add3A_232, %add3A_337 : i32
        %mul3A_339 = arith.constant 512 : i32
        %mul3A_340 = arith.muli %arg1, %mul3A_339 : i32
        %mul3A_341 = arith.constant 32 : i32
        %mul3A_342 = arith.muli %add3A_338, %mul3A_341 : i32
        %add3A_343 = arith.addi %mul3A_340, %mul3A_342 : i32
        %dma_start3A_344 = arith.constant 0 : i32
        %dma_start3A_345 = arith.constant 0 : i32
        %dma_start3A_346 = arith.constant 0 : i32
        %dma_start3A_347 = tpu.memref_slice %arg8[%dma_start3A_344, %dma_start3A_345, %dma_start3A_346] : memref<2x32x40xi32, #tpu.memory_space<vmem>> -> memref<1x32x40xi32, #tpu.memory_space<vmem>>
        %dma_start3A_348 = tpu.memref_squeeze %dma_start3A_347 : memref<1x32x40xi32, #tpu.memory_space<vmem>> -> memref<32x40xi32, #tpu.memory_space<vmem>>
        %dma_start3A_349 = arith.constant 0 : i32
        %dma_start3A_350 = tpu.memref_slice %arg4[%add3A_343, %dma_start3A_349] : memref<8192x40xi32, #tpu.memory_space<hbm>> -> memref<32x40xi32, #tpu.memory_space<hbm>>
        %dma_start3A_351 = arith.constant 0 : i32
        %dma_start3A_352 = arith.constant 0 : i32
        %dma_start3A_353 = tpu.memref_slice %arg8[%dma_start3A_344, %dma_start3A_351, %dma_start3A_352] : memref<2x32x40xi32, #tpu.memory_space<vmem>> -> memref<1x32x40xi32, #tpu.memory_space<vmem>>
        %dma_start3A_354 = tpu.memref_squeeze %dma_start3A_353 : memref<1x32x40xi32, #tpu.memory_space<vmem>> -> memref<32x40xi32, #tpu.memory_space<vmem>>
        %dma_start3A_355 = arith.constant 0 : i32
        %dma_start3A_356 = tpu.memref_slice %arg4[%add3A_343, %dma_start3A_355] : memref<8192x40xi32, #tpu.memory_space<hbm>> -> memref<32x40xi32, #tpu.memory_space<hbm>>
        tpu.enqueue_dma source(%dma_start3A_356 : memref<32x40xi32, #tpu.memory_space<hbm>>) target(%dma_start3A_354 : memref<32x40xi32, #tpu.memory_space<vmem>>) target_semaphore(%arg13 : memref<!tpu.dma_semaphore, #tpu.memory_space<semaphore_mem>>)
        %dma_start3A_357 = arith.constant 0 : i32
        %dma_start3A_358 = arith.constant 0 : i32
        %dma_start3A_359 = arith.constant 0 : i32
        %dma_start3A_360 = tpu.memref_slice %arg9[%dma_start3A_357, %dma_start3A_358, %dma_start3A_359] : memref<2x32x40xi32, #tpu.memory_space<vmem>> -> memref<1x32x40xi32, #tpu.memory_space<vmem>>
        %dma_start3A_361 = tpu.memref_squeeze %dma_start3A_360 : memref<1x32x40xi32, #tpu.memory_space<vmem>> -> memref<32x40xi32, #tpu.memory_space<vmem>>
        %dma_start3A_362 = arith.constant 0 : i32
        %dma_start3A_363 = tpu.memref_slice %arg5[%add3A_343, %dma_start3A_362] : memref<8192x40xi32, #tpu.memory_space<hbm>> -> memref<32x40xi32, #tpu.memory_space<hbm>>
        %dma_start3A_364 = arith.constant 0 : i32
        %dma_start3A_365 = arith.constant 0 : i32
        %dma_start3A_366 = tpu.memref_slice %arg9[%dma_start3A_357, %dma_start3A_364, %dma_start3A_365] : memref<2x32x40xi32, #tpu.memory_space<vmem>> -> memref<1x32x40xi32, #tpu.memory_space<vmem>>
        %dma_start3A_367 = tpu.memref_squeeze %dma_start3A_366 : memref<1x32x40xi32, #tpu.memory_space<vmem>> -> memref<32x40xi32, #tpu.memory_space<vmem>>
        %dma_start3A_368 = arith.constant 0 : i32
        %dma_start3A_369 = tpu.memref_slice %arg5[%add3A_343, %dma_start3A_368] : memref<8192x40xi32, #tpu.memory_space<hbm>> -> memref<32x40xi32, #tpu.memory_space<hbm>>
        tpu.enqueue_dma source(%dma_start3A_369 : memref<32x40xi32, #tpu.memory_space<hbm>>) target(%dma_start3A_367 : memref<32x40xi32, #tpu.memory_space<vmem>>) target_semaphore(%arg13 : memref<!tpu.dma_semaphore, #tpu.memory_space<semaphore_mem>>)
      } else {
      }
      %min3A_273 = arith.constant 7999 : i32
      %min3A_274 = arith.minsi %add3A_235, %min3A_273 : i32
      %dma_start3A_275 = arith.constant 1 : i32
      %dma_start3A_276 = arith.constant 0 : i32
      %dma_start3A_277 = arith.constant 0 : i32
      %dma_start3A_278 = arith.constant 0 : i32
      %dma_start3A_279 = arith.constant 0 : i32
      %dma_start3A_280 = tpu.memref_slice %arg10[%dma_start3A_277, %dma_start3A_278, %dma_start3A_279] : memref<2x40x128xf32, #tpu.memory_space<vmem>> -> memref<1x40x128xf32, #tpu.memory_space<vmem>>
      %dma_start3A_281 = tpu.memref_squeeze %dma_start3A_280 : memref<1x40x128xf32, #tpu.memory_space<vmem>> -> memref<40x128xf32, #tpu.memory_space<vmem>>
      %dma_start3A_282 = arith.constant 0 : i32
      %dma_start3A_283 = tpu.memref_slice %arg8[%dma_start3A_275, %dma_start3A_276, %dma_start3A_282] : memref<2x32x40xi32, #tpu.memory_space<vmem>> -> memref<1x1x40xi32, #tpu.memory_space<vmem>>
      %dma_start3A_284 = tpu.memref_squeeze %dma_start3A_283 : memref<1x1x40xi32, #tpu.memory_space<vmem>> -> memref<40xi32, #tpu.memory_space<vmem>>
      %dma_start3A_285 = arith.constant 0 : i32
      %dma_start3A_286 = arith.constant 0 : i32
      %dma_start3A_287 = tpu.memref_slice %arg2[%dma_start3A_285, %dma_start3A_286] : memref<10000x128xf32, #tpu.memory_space<hbm>> -> memref<10000x128xf32, #tpu.memory_space<hbm>>
      tpu.enqueue_indirect_dma source(%dma_start3A_287 : memref<10000x128xf32, #tpu.memory_space<hbm>>) target(%dma_start3A_281 : memref<40x128xf32, #tpu.memory_space<vmem>>) offsets(%dma_start3A_284 : memref<40xi32, #tpu.memory_space<vmem>>) semaphore(%arg15 : memref<!tpu.dma_semaphore, #tpu.memory_space<semaphore_mem>>)
      %mul3A_288 = arith.constant 320000 : i32
      %mul3A_289 = arith.muli %arg0, %mul3A_288 : i32
      %mul3A_290 = arith.constant 40 : i32
      %mul3A_291 = arith.muli %min3A_274, %mul3A_290 : i32
      %add3A_292 = arith.addi %mul3A_289, %mul3A_291 : i32
      %dma_start3A_293 = arith.constant 0 : i32
      %dma_start3A_294 = arith.constant 0 : i32
      %dma_start3A_295 = arith.constant 0 : i32
      %dma_start3A_296 = tpu.memref_slice %arg11[%dma_start3A_293, %dma_start3A_294, %dma_start3A_295] : memref<2x40x64xf32, #tpu.memory_space<vmem>> -> memref<1x40x64xf32, #tpu.memory_space<vmem>>
      %dma_start3A_297 = tpu.memref_squeeze %dma_start3A_296 : memref<1x40x64xf32, #tpu.memory_space<vmem>> -> memref<40x64xf32, #tpu.memory_space<vmem>>
      %dma_start3A_298 = arith.constant 0 : i32
      %dma_start3A_299 = tpu.memref_slice %arg3[%add3A_292, %dma_start3A_298] : memref<640000x64xf32, #tpu.memory_space<hbm>> -> memref<40x64xf32, #tpu.memory_space<hbm>>
      %dma_start3A_300 = arith.constant 0 : i32
      %dma_start3A_301 = arith.constant 0 : i32
      %dma_start3A_302 = tpu.memref_slice %arg11[%dma_start3A_293, %dma_start3A_300, %dma_start3A_301] : memref<2x40x64xf32, #tpu.memory_space<vmem>> -> memref<1x40x64xf32, #tpu.memory_space<vmem>>
      %dma_start3A_303 = tpu.memref_squeeze %dma_start3A_302 : memref<1x40x64xf32, #tpu.memory_space<vmem>> -> memref<40x64xf32, #tpu.memory_space<vmem>>
      %dma_start3A_304 = arith.constant 0 : i32
      %dma_start3A_305 = tpu.memref_slice %arg3[%add3A_292, %dma_start3A_304] : memref<640000x64xf32, #tpu.memory_space<hbm>> -> memref<40x64xf32, #tpu.memory_space<hbm>>
      tpu.enqueue_dma source(%dma_start3A_305 : memref<40x64xf32, #tpu.memory_space<hbm>>) target(%dma_start3A_303 : memref<40x64xf32, #tpu.memory_space<vmem>>) target_semaphore(%arg15 : memref<!tpu.dma_semaphore, #tpu.memory_space<semaphore_mem>>)
      %scan3A_306 = arith.constant 0 : i32
      %scan3A_307 = arith.constant 16 : i32
      %scan3A_308 = arith.addi %scan3A_306, %scan3A_307 : i32
      %scan3A_309 = arith.constant 1 : i32
      scf.for %scan3A_337 = %scan3A_306 to %scan3A_308 step %scan3A_309  : i32 {
        %mul3A_338 = arith.constant 2 : i32
        %mul3A_339 = arith.muli %mul3A_338, %scan3A_337 : i32
        %add3A_340 = arith.addi %add3A_235, %mul3A_339 : i32
        %add3A_341 = arith.constant 1 : i32
        %add3A_342 = arith.addi %mul3A_339, %add3A_341 : i32
        %add3A_343 = arith.constant 1 : i32
        %add3A_344 = arith.addi %add3A_340, %add3A_343 : i32
        %min3A_345 = arith.constant 7999 : i32
        %min3A_346 = arith.minsi %add3A_344, %min3A_345 : i32
        %dma_start3A_347 = arith.constant 1 : i32
        %dma_start3A_348 = arith.constant 1 : i32
        %dma_start3A_349 = arith.constant 0 : i32
        %dma_start3A_350 = arith.constant 0 : i32
        %dma_start3A_351 = tpu.memref_slice %arg10[%dma_start3A_348, %dma_start3A_349, %dma_start3A_350] : memref<2x40x128xf32, #tpu.memory_space<vmem>> -> memref<1x40x128xf32, #tpu.memory_space<vmem>>
        %dma_start3A_352 = tpu.memref_squeeze %dma_start3A_351 : memref<1x40x128xf32, #tpu.memory_space<vmem>> -> memref<40x128xf32, #tpu.memory_space<vmem>>
        %dma_start3A_353 = arith.constant 0 : i32
        %dma_start3A_354 = tpu.memref_slice %arg8[%dma_start3A_347, %add3A_342, %dma_start3A_353] : memref<2x32x40xi32, #tpu.memory_space<vmem>> -> memref<1x1x40xi32, #tpu.memory_space<vmem>>
        %dma_start3A_355 = tpu.memref_squeeze %dma_start3A_354 : memref<1x1x40xi32, #tpu.memory_space<vmem>> -> memref<40xi32, #tpu.memory_space<vmem>>
        %dma_start3A_356 = arith.constant 0 : i32
        %dma_start3A_357 = arith.constant 0 : i32
        %dma_start3A_358 = tpu.memref_slice %arg2[%dma_start3A_356, %dma_start3A_357] : memref<10000x128xf32, #tpu.memory_space<hbm>> -> memref<10000x128xf32, #tpu.memory_space<hbm>>
        tpu.enqueue_indirect_dma source(%dma_start3A_358 : memref<10000x128xf32, #tpu.memory_space<hbm>>) target(%dma_start3A_352 : memref<40x128xf32, #tpu.memory_space<vmem>>) offsets(%dma_start3A_355 : memref<40xi32, #tpu.memory_space<vmem>>) semaphore(%arg16 : memref<!tpu.dma_semaphore, #tpu.memory_space<semaphore_mem>>)
        %mul3A_359 = arith.constant 320000 : i32
        %mul3A_360 = arith.muli %arg0, %mul3A_359 : i32
        %mul3A_361 = arith.constant 40 : i32
        %mul3A_362 = arith.muli %min3A_346, %mul3A_361 : i32
        %add3A_363 = arith.addi %mul3A_360, %mul3A_362 : i32
        %dma_start3A_364 = arith.constant 1 : i32
        %dma_start3A_365 = arith.constant 0 : i32
        %dma_start3A_366 = arith.constant 0 : i32
        %dma_start3A_367 = tpu.memref_slice %arg11[%dma_start3A_364, %dma_start3A_365, %dma_start3A_366] : memref<2x40x64xf32, #tpu.memory_space<vmem>> -> memref<1x40x64xf32, #tpu.memory_space<vmem>>
        %dma_start3A_368 = tpu.memref_squeeze %dma_start3A_367 : memref<1x40x64xf32, #tpu.memory_space<vmem>> -> memref<40x64xf32, #tpu.memory_space<vmem>>
        %dma_start3A_369 = arith.constant 0 : i32
        %dma_start3A_370 = tpu.memref_slice %arg3[%add3A_363, %dma_start3A_369] : memref<640000x64xf32, #tpu.memory_space<hbm>> -> memref<40x64xf32, #tpu.memory_space<hbm>>
        %dma_start3A_371 = arith.constant 0 : i32
        %dma_start3A_372 = arith.constant 0 : i32
        %dma_start3A_373 = tpu.memref_slice %arg11[%dma_start3A_364, %dma_start3A_371, %dma_start3A_372] : memref<2x40x64xf32, #tpu.memory_space<vmem>> -> memref<1x40x64xf32, #tpu.memory_space<vmem>>
        %dma_start3A_374 = tpu.memref_squeeze %dma_start3A_373 : memref<1x40x64xf32, #tpu.memory_space<vmem>> -> memref<40x64xf32, #tpu.memory_space<vmem>>
        %dma_start3A_375 = arith.constant 0 : i32
        %dma_start3A_376 = tpu.memref_slice %arg3[%add3A_363, %dma_start3A_375] : memref<640000x64xf32, #tpu.memory_space<hbm>> -> memref<40x64xf32, #tpu.memory_space<hbm>>
        tpu.enqueue_dma source(%dma_start3A_376 : memref<40x64xf32, #tpu.memory_space<hbm>>) target(%dma_start3A_374 : memref<40x64xf32, #tpu.memory_space<vmem>>) target_semaphore(%arg16 : memref<!tpu.dma_semaphore, #tpu.memory_space<semaphore_mem>>)
        %min3A_377 = arith.constant 7999 : i32
        %min3A_378 = arith.minsi %add3A_340, %min3A_377 : i32
        %dma_wait3A_379 = arith.constant 1 : i32
        %dma_wait3A_380 = arith.constant 0 : i32
        %dma_wait3A_381 = arith.constant 0 : i32
        %dma_wait3A_382 = arith.constant 0 : i32
        %dma_wait3A_383 = tpu.memref_slice %arg10[%dma_wait3A_380, %dma_wait3A_381, %dma_wait3A_382] : memref<2x40x128xf32, #tpu.memory_space<vmem>> -> memref<1x40x128xf32, #tpu.memory_space<vmem>>
        %dma_wait3A_384 = tpu.memref_squeeze %dma_wait3A_383 : memref<1x40x128xf32, #tpu.memory_space<vmem>> -> memref<40x128xf32, #tpu.memory_space<vmem>>
        %dma_wait3A_385 = arith.constant 0 : i32
        %dma_wait3A_386 = tpu.memref_slice %arg8[%dma_wait3A_379, %mul3A_339, %dma_wait3A_385] : memref<2x32x40xi32, #tpu.memory_space<vmem>> -> memref<1x1x40xi32, #tpu.memory_space<vmem>>
        %dma_wait3A_387 = tpu.memref_squeeze %dma_wait3A_386 : memref<1x1x40xi32, #tpu.memory_space<vmem>> -> memref<40xi32, #tpu.memory_space<vmem>>
        %dma_wait3A_388 = arith.constant 0 : i32
        %dma_wait3A_389 = arith.constant 0 : i32
        %dma_wait3A_390 = tpu.memref_slice %arg2[%dma_wait3A_388, %dma_wait3A_389] : memref<10000x128xf32, #tpu.memory_space<hbm>> -> memref<10000x128xf32, #tpu.memory_space<hbm>>
        tpu.wait_indirect_dma semaphore(%arg15 : memref<!tpu.dma_semaphore, #tpu.memory_space<semaphore_mem>>) src(%dma_wait3A_390 : memref<10000x128xf32, #tpu.memory_space<hbm>>) dst(%dma_wait3A_384 : memref<40x128xf32, #tpu.memory_space<vmem>>)
        %mul3A_391 = arith.constant 320000 : i32
        %mul3A_392 = arith.muli %arg0, %mul3A_391 : i32
        %mul3A_393 = arith.constant 40 : i32
        %mul3A_394 = arith.muli %min3A_378, %mul3A_393 : i32
        %add3A_395 = arith.addi %mul3A_392, %mul3A_394 : i32
        %dma_wait3A_396 = arith.constant 0 : i32
        %dma_wait3A_397 = arith.constant 0 : i32
        %dma_wait3A_398 = arith.constant 0 : i32
        %dma_wait3A_399 = tpu.memref_slice %arg11[%dma_wait3A_396, %dma_wait3A_397, %dma_wait3A_398] : memref<2x40x64xf32, #tpu.memory_space<vmem>> -> memref<1x40x64xf32, #tpu.memory_space<vmem>>
        %dma_wait3A_400 = tpu.memref_squeeze %dma_wait3A_399 : memref<1x40x64xf32, #tpu.memory_space<vmem>> -> memref<40x64xf32, #tpu.memory_space<vmem>>
        %dma_wait3A_401 = arith.constant 0 : i32
        %dma_wait3A_402 = tpu.memref_slice %arg3[%add3A_395, %dma_wait3A_401] : memref<640000x64xf32, #tpu.memory_space<hbm>> -> memref<40x64xf32, #tpu.memory_space<hbm>>
        %dma_wait3A_403 = arith.constant 0 : i32
        %dma_wait3A_404 = arith.constant 0 : i32
        %dma_wait3A_405 = tpu.memref_slice %arg11[%dma_wait3A_396, %dma_wait3A_403, %dma_wait3A_404] : memref<2x40x64xf32, #tpu.memory_space<vmem>> -> memref<1x40x64xf32, #tpu.memory_space<vmem>>
        %dma_wait3A_406 = tpu.memref_squeeze %dma_wait3A_405 : memref<1x40x64xf32, #tpu.memory_space<vmem>> -> memref<40x64xf32, #tpu.memory_space<vmem>>
        %dma_wait3A_407 = arith.constant 0 : i32
        %dma_wait3A_408 = tpu.memref_slice %arg3[%add3A_395, %dma_wait3A_407] : memref<640000x64xf32, #tpu.memory_space<hbm>> -> memref<40x64xf32, #tpu.memory_space<hbm>>
        tpu.wait_dma2 semaphore(%arg15 : memref<!tpu.dma_semaphore, #tpu.memory_space<semaphore_mem>>) src(%dma_wait3A_408 : memref<40x64xf32, #tpu.memory_space<hbm>>) dst(%dma_wait3A_406 : memref<40x64xf32, #tpu.memory_space<vmem>>)
        %gt3A = arith.constant 0 : i32
        %gt3A_409 = arith.cmpi sgt, %scan3A_337, %gt3A : i32
        %convert_element_type3A_410 = arith.extui %gt3A_409 : i1 to i32
        %cond3A_411 = arith.constant 0 : i32
        %cond3A_412 = arith.cmpi ne, %convert_element_type3A_410, %cond3A_411 : i32
        scf.if %cond3A_412 {
          %dma_wait3A_497 = arith.constant 0 : i32
          %dma_wait3A_498 = arith.constant 1 : i32
          %dma_wait3A_499 = arith.constant 0 : i32
          %dma_wait3A_500 = arith.constant 0 : i32
          %dma_wait3A_501 = arith.constant 0 : i32
          %dma_wait3A_502 = tpu.memref_slice %arg12[%dma_wait3A_497, %dma_wait3A_500, %dma_wait3A_501] : memref<2x40x128xf32, #tpu.memory_space<vmem>> -> memref<1x40x128xf32, #tpu.memory_space<vmem>>
          %dma_wait3A_503 = tpu.memref_squeeze %dma_wait3A_502 : memref<1x40x128xf32, #tpu.memory_space<vmem>> -> memref<40x128xf32, #tpu.memory_space<vmem>>
          %dma_wait3A_504 = arith.constant 0 : i32
          %dma_wait3A_505 = tpu.memref_slice %arg9[%dma_wait3A_498, %dma_wait3A_499, %dma_wait3A_504] : memref<2x32x40xi32, #tpu.memory_space<vmem>> -> memref<1x1x40xi32, #tpu.memory_space<vmem>>
          %dma_wait3A_506 = tpu.memref_squeeze %dma_wait3A_505 : memref<1x1x40xi32, #tpu.memory_space<vmem>> -> memref<40xi32, #tpu.memory_space<vmem>>
          %dma_wait3A_507 = arith.constant 0 : i32
          %dma_wait3A_508 = arith.constant 0 : i32
          %dma_wait3A_509 = tpu.memref_slice %arg7[%dma_wait3A_507, %dma_wait3A_508] : memref<10112x128xf32, #tpu.memory_space<vmem_shared>> -> memref<10112x128xf32, #tpu.memory_space<vmem_shared>>
          tpu.wait_indirect_dma semaphore(%arg17 : memref<!tpu.dma_semaphore, #tpu.memory_space<semaphore_mem>>) src(%dma_wait3A_503 : memref<40x128xf32, #tpu.memory_space<vmem>>) dst(%dma_wait3A_509 : memref<10112x128xf32, #tpu.memory_space<vmem_shared>>)
        } else {
        }
        %scan3A_413 = arith.constant 0 : i32
        %scan3A_414 = arith.constant 40 : i32
        %scan3A_415 = arith.addi %scan3A_413, %scan3A_414 : i32
        %scan3A_416 = arith.constant 2 : i32
        scf.for %scan3A_497 = %scan3A_413 to %scan3A_415 step %scan3A_416  : i32 {
          %add3A_498 = arith.constant 0 : i32
          %add3A_499 = arith.addi %mul3A_0, %add3A_498 : i32
          %get3A = arith.constant 0 : i32
          %get3A_500 = arith.index_cast %get3A : i32 to index
          %get3A_501 = arith.index_cast %scan3A_497 : i32 to index
          %get3A_502 = arith.index_cast %add3A_499 : i32 to index
          %get3A_503 = tpu.vector_load %arg10[%get3A_500, %get3A_501, %get3A_502] {strides = array<i32>} : memref<2x40x128xf32, #tpu.memory_space<vmem>>, vector<1x1x16xf32>,
          %get3A_504 = vector.shape_cast %get3A_503 : vector<1x1x16xf32> to vector<16xf32>
          %get3A_505 = arith.constant 0 : i32
          %get3A_506 = arith.index_cast %get3A_505 : i32 to index
          %get3A_507 = arith.index_cast %scan3A_497 : i32 to index
          %get3A_508 = arith.constant 0 : index
          %get3A_509 = tpu.vector_load %arg11[%get3A_506, %get3A_507, %get3A_508] {strides = array<i32>} : memref<2x40x64xf32, #tpu.memory_space<vmem>>, vector<1x1x16xf32>,
          %get3A_510 = vector.shape_cast %get3A_509 : vector<1x1x16xf32> to vector<16xf32>
          %add3A_511 = arith.addf %get3A_504, %get3A_510 : vector<16xf32>
          %max3A = arith.constant 0.000000e+00 : f32
          %max3A_512 = vector.broadcast %max3A : f32 to vector<16xf32>
          %max3A_513 = arith.maximumf %add3A_511, %max3A_512 : vector<16xf32>
          %add3A_514 = arith.constant 1.000000e-07 : f32
          %add3A_515 = vector.broadcast %add3A_514 : f32 to vector<16xf32>
          %add3A_516 = arith.addf %max3A_513, %add3A_515 : vector<16xf32>
          %exp3A = math.exp %add3A_516 : vector<16xf32>
          %swap3A = arith.constant 0 : i32
          %swap3A_517 = arith.index_cast %swap3A : i32 to index
          %swap3A_518 = arith.index_cast %scan3A_497 : i32 to index
          %swap3A_519 = arith.constant 0 : index
          %swap3A_520 = tpu.vector_load %arg12[%swap3A_517, %swap3A_518, %swap3A_519] {strides = array<i32>} : memref<2x40x128xf32, #tpu.memory_space<vmem>>, vector<1x1x16xf32>,
          %swap3A_521 = vector.shape_cast %swap3A_520 : vector<1x1x16xf32> to vector<16xf32>
          %swap3A_522 = vector.shape_cast %exp3A : vector<16xf32> to vector<1x1x16xf32>
          tpu.vector_store %arg12[%swap3A_517, %swap3A_518, %swap3A_519], %swap3A_522 {strides = array<i32>} : memref<2x40x128xf32, #tpu.memory_space<vmem>>, vector<1x1x16xf32>,
          %mul3A_523 = arith.mulf %exp3A, %add3A_516 : vector<16xf32>
          %swap3A_524 = arith.constant 0 : i32
          %swap3A_525 = arith.index_cast %swap3A_524 : i32 to index
          %swap3A_526 = arith.index_cast %scan3A_497 : i32 to index
          %swap3A_527 = arith.constant 64 : index
          %swap3A_528 = tpu.vector_load %arg12[%swap3A_525, %swap3A_526, %swap3A_527] {strides = array<i32>} : memref<2x40x128xf32, #tpu.memory_space<vmem>>, vector<1x1x16xf32>,
          %swap3A_529 = vector.shape_cast %swap3A_528 : vector<1x1x16xf32> to vector<16xf32>
          %swap3A_530 = vector.shape_cast %mul3A_523 : vector<16xf32> to vector<1x1x16xf32>
          tpu.vector_store %arg12[%swap3A_525, %swap3A_526, %swap3A_527], %swap3A_530 {strides = array<i32>} : memref<2x40x128xf32, #tpu.memory_space<vmem>>, vector<1x1x16xf32>,
          %add3A_531 = arith.constant 16 : i32
          %add3A_532 = arith.addi %mul3A_0, %add3A_531 : i32
          %get3A_533 = arith.constant 0 : i32
          %get3A_534 = arith.index_cast %get3A_533 : i32 to index
          %get3A_535 = arith.index_cast %scan3A_497 : i32 to index
          %get3A_536 = arith.index_cast %add3A_532 : i32 to index
          %get3A_537 = tpu.vector_load %arg10[%get3A_534, %get3A_535, %get3A_536] {strides = array<i32>} : memref<2x40x128xf32, #tpu.memory_space<vmem>>, vector<1x1x16xf32>,
          %get3A_538 = vector.shape_cast %get3A_537 : vector<1x1x16xf32> to vector<16xf32>
          %get3A_539 = arith.constant 0 : i32
          %get3A_540 = arith.index_cast %get3A_539 : i32 to index
          %get3A_541 = arith.index_cast %scan3A_497 : i32 to index
          %get3A_542 = arith.constant 16 : index
          %get3A_543 = tpu.vector_load %arg11[%get3A_540, %get3A_541, %get3A_542] {strides = array<i32>} : memref<2x40x64xf32, #tpu.memory_space<vmem>>, vector<1x1x16xf32>,
          %get3A_544 = vector.shape_cast %get3A_543 : vector<1x1x16xf32> to vector<16xf32>
          %add3A_545 = arith.addf %get3A_538, %get3A_544 : vector<16xf32>
          %max3A_546 = arith.constant 0.000000e+00 : f32
          %max3A_547 = vector.broadcast %max3A_546 : f32 to vector<16xf32>
          %max3A_548 = arith.maximumf %add3A_545, %max3A_547 : vector<16xf32>
          %add3A_549 = arith.constant 1.000000e-07 : f32
          %add3A_550 = vector.broadcast %add3A_549 : f32 to vector<16xf32>
          %add3A_551 = arith.addf %max3A_548, %add3A_550 : vector<16xf32>
          %exp3A_552 = math.exp %add3A_551 : vector<16xf32>
          %swap3A_553 = arith.constant 0 : i32
          %swap3A_554 = arith.index_cast %swap3A_553 : i32 to index
          %swap3A_555 = arith.index_cast %scan3A_497 : i32 to index
          %swap3A_556 = arith.constant 16 : index
          %swap3A_557 = tpu.vector_load %arg12[%swap3A_554, %swap3A_555, %swap3A_556] {strides = array<i32>} : memref<2x40x128xf32, #tpu.memory_space<vmem>>, vector<1x1x16xf32>,
          %swap3A_558 = vector.shape_cast %swap3A_557 : vector<1x1x16xf32> to vector<16xf32>
          %swap3A_559 = vector.shape_cast %exp3A_552 : vector<16xf32> to vector<1x1x16xf32>
          tpu.vector_store %arg12[%swap3A_554, %swap3A_555, %swap3A_556], %swap3A_559 {strides = array<i32>} : memref<2x40x128xf32, #tpu.memory_space<vmem>>, vector<1x1x16xf32>,
          %mul3A_560 = arith.mulf %exp3A_552, %add3A_551 : vector<16xf32>
          %swap3A_561 = arith.constant 0 : i32
          %swap3A_562 = arith.index_cast %swap3A_561 : i32 to index
          %swap3A_563 = arith.index_cast %scan3A_497 : i32 to index
          %swap3A_564 = arith.constant 80 : index
          %swap3A_565 = tpu.vector_load %arg12[%swap3A_562, %swap3A_563, %swap3A_564] {strides = array<i32>} : memref<2x40x128xf32, #tpu.memory_space<vmem>>, vector<1x1x16xf32>,
          %swap3A_566 = vector.shape_cast %swap3A_565 : vector<1x1x16xf32> to vector<16xf32>
          %swap3A_567 = vector.shape_cast %mul3A_560 : vector<16xf32> to vector<1x1x16xf32>
          tpu.vector_store %arg12[%swap3A_562, %swap3A_563, %swap3A_564], %swap3A_567 {strides = array<i32>} : memref<2x40x128xf32, #tpu.memory_space<vmem>>, vector<1x1x16xf32>,
          %add3A_568 = arith.constant 32 : i32
          %add3A_569 = arith.addi %mul3A_0, %add3A_568 : i32
          %get3A_570 = arith.constant 0 : i32
          %get3A_571 = arith.index_cast %get3A_570 : i32 to index
          %get3A_572 = arith.index_cast %scan3A_497 : i32 to index
          %get3A_573 = arith.index_cast %add3A_569 : i32 to index
          %get3A_574 = tpu.vector_load %arg10[%get3A_571, %get3A_572, %get3A_573] {strides = array<i32>} : memref<2x40x128xf32, #tpu.memory_space<vmem>>, vector<1x1x16xf32>,
          %get3A_575 = vector.shape_cast %get3A_574 : vector<1x1x16xf32> to vector<16xf32>
          %get3A_576 = arith.constant 0 : i32
          %get3A_577 = arith.index_cast %get3A_576 : i32 to index
          %get3A_578 = arith.index_cast %scan3A_497 : i32 to index
          %get3A_579 = arith.constant 32 : index
          %get3A_580 = tpu.vector_load %arg11[%get3A_577, %get3A_578, %get3A_579] {strides = array<i32>} : memref<2x40x64xf32, #tpu.memory_space<vmem>>, vector<1x1x16xf32>,
          %get3A_581 = vector.shape_cast %get3A_580 : vector<1x1x16xf32> to vector<16xf32>
          %add3A_582 = arith.addf %get3A_575, %get3A_581 : vector<16xf32>
          %max3A_583 = arith.constant 0.000000e+00 : f32
          %max3A_584 = vector.broadcast %max3A_583 : f32 to vector<16xf32>
          %max3A_585 = arith.maximumf %add3A_582, %max3A_584 : vector<16xf32>
          %add3A_586 = arith.constant 1.000000e-07 : f32
          %add3A_587 = vector.broadcast %add3A_586 : f32 to vector<16xf32>
          %add3A_588 = arith.addf %max3A_585, %add3A_587 : vector<16xf32>
          %exp3A_589 = math.exp %add3A_588 : vector<16xf32>
          %swap3A_590 = arith.constant 0 : i32
          %swap3A_591 = arith.index_cast %swap3A_590 : i32 to index
          %swap3A_592 = arith.index_cast %scan3A_497 : i32 to index
          %swap3A_593 = arith.constant 32 : index
          %swap3A_594 = tpu.vector_load %arg12[%swap3A_591, %swap3A_592, %swap3A_593] {strides = array<i32>} : memref<2x40x128xf32, #tpu.memory_space<vmem>>, vector<1x1x16xf32>,
          %swap3A_595 = vector.shape_cast %swap3A_594 : vector<1x1x16xf32> to vector<16xf32>
          %swap3A_596 = vector.shape_cast %exp3A_589 : vector<16xf32> to vector<1x1x16xf32>
          tpu.vector_store %arg12[%swap3A_591, %swap3A_592, %swap3A_593], %swap3A_596 {strides = array<i32>} : memref<2x40x128xf32, #tpu.memory_space<vmem>>, vector<1x1x16xf32>,
          %mul3A_597 = arith.mulf %exp3A_589, %add3A_588 : vector<16xf32>
          %swap3A_598 = arith.constant 0 : i32
          %swap3A_599 = arith.index_cast %swap3A_598 : i32 to index
          %swap3A_600 = arith.index_cast %scan3A_497 : i32 to index
          %swap3A_601 = arith.constant 96 : index
          %swap3A_602 = tpu.vector_load %arg12[%swap3A_599, %swap3A_600, %swap3A_601] {strides = array<i32>} : memref<2x40x128xf32, #tpu.memory_space<vmem>>, vector<1x1x16xf32>,
          %swap3A_603 = vector.shape_cast %swap3A_602 : vector<1x1x16xf32> to vector<16xf32>
          %swap3A_604 = vector.shape_cast %mul3A_597 : vector<16xf32> to vector<1x1x16xf32>
          tpu.vector_store %arg12[%swap3A_599, %swap3A_600, %swap3A_601], %swap3A_604 {strides = array<i32>} : memref<2x40x128xf32, #tpu.memory_space<vmem>>, vector<1x1x16xf32>,
          %add3A_605 = arith.constant 48 : i32
          %add3A_606 = arith.addi %mul3A_0, %add3A_605 : i32
          %get3A_607 = arith.constant 0 : i32
          %get3A_608 = arith.index_cast %get3A_607 : i32 to index
          %get3A_609 = arith.index_cast %scan3A_497 : i32 to index
          %get3A_610 = arith.index_cast %add3A_606 : i32 to index
          %get3A_611 = tpu.vector_load %arg10[%get3A_608, %get3A_609, %get3A_610] {strides = array<i32>} : memref<2x40x128xf32, #tpu.memory_space<vmem>>, vector<1x1x16xf32>,
          %get3A_612 = vector.shape_cast %get3A_611 : vector<1x1x16xf32> to vector<16xf32>
          %get3A_613 = arith.constant 0 : i32
          %get3A_614 = arith.index_cast %get3A_613 : i32 to index
          %get3A_615 = arith.index_cast %scan3A_497 : i32 to index
          %get3A_616 = arith.constant 48 : index
          %get3A_617 = tpu.vector_load %arg11[%get3A_614, %get3A_615, %get3A_616] {strides = array<i32>} : memref<2x40x64xf32, #tpu.memory_space<vmem>>, vector<1x1x16xf32>,
          %get3A_618 = vector.shape_cast %get3A_617 : vector<1x1x16xf32> to vector<16xf32>
          %add3A_619 = arith.addf %get3A_612, %get3A_618 : vector<16xf32>
          %max3A_620 = arith.constant 0.000000e+00 : f32
          %max3A_621 = vector.broadcast %max3A_620 : f32 to vector<16xf32>
          %max3A_622 = arith.maximumf %add3A_619, %max3A_621 : vector<16xf32>
          %add3A_623 = arith.constant 1.000000e-07 : f32
          %add3A_624 = vector.broadcast %add3A_623 : f32 to vector<16xf32>
          %add3A_625 = arith.addf %max3A_622, %add3A_624 : vector<16xf32>
          %exp3A_626 = math.exp %add3A_625 : vector<16xf32>
          %swap3A_627 = arith.constant 0 : i32
          %swap3A_628 = arith.index_cast %swap3A_627 : i32 to index
          %swap3A_629 = arith.index_cast %scan3A_497 : i32 to index
          %swap3A_630 = arith.constant 48 : index
          %swap3A_631 = tpu.vector_load %arg12[%swap3A_628, %swap3A_629, %swap3A_630] {strides = array<i32>} : memref<2x40x128xf32, #tpu.memory_space<vmem>>, vector<1x1x16xf32>,
          %swap3A_632 = vector.shape_cast %swap3A_631 : vector<1x1x16xf32> to vector<16xf32>
          %swap3A_633 = vector.shape_cast %exp3A_626 : vector<16xf32> to vector<1x1x16xf32>
          tpu.vector_store %arg12[%swap3A_628, %swap3A_629, %swap3A_630], %swap3A_633 {strides = array<i32>} : memref<2x40x128xf32, #tpu.memory_space<vmem>>, vector<1x1x16xf32>,
          %mul3A_634 = arith.mulf %exp3A_626, %add3A_625 : vector<16xf32>
          %swap3A_635 = arith.constant 0 : i32
          %swap3A_636 = arith.index_cast %swap3A_635 : i32 to index
          %swap3A_637 = arith.index_cast %scan3A_497 : i32 to index
          %swap3A_638 = arith.constant 112 : index
          %swap3A_639 = tpu.vector_load %arg12[%swap3A_636, %swap3A_637, %swap3A_638] {strides = array<i32>} : memref<2x40x128xf32, #tpu.memory_space<vmem>>, vector<1x1x16xf32>,
          %swap3A_640 = vector.shape_cast %swap3A_639 : vector<1x1x16xf32> to vector<16xf32>
          %swap3A_641 = vector.shape_cast %mul3A_634 : vector<16xf32> to vector<1x1x16xf32>
          tpu.vector_store %arg12[%swap3A_636, %swap3A_637, %swap3A_638], %swap3A_641 {strides = array<i32>} : memref<2x40x128xf32, #tpu.memory_space<vmem>>, vector<1x1x16xf32>,
          %scan3A_642 = arith.constant 1 : i32
          %scan3A_643 = arith.addi %scan3A_497, %scan3A_642 : i32
          %add3A_644 = arith.constant 0 : i32
          %add3A_645 = arith.addi %mul3A_0, %add3A_644 : i32
          %get3A_646 = arith.constant 0 : i32
          %get3A_647 = arith.index_cast %get3A_646 : i32 to index
          %get3A_648 = arith.index_cast %scan3A_643 : i32 to index
          %get3A_649 = arith.index_cast %add3A_645 : i32 to index
          %get3A_650 = tpu.vector_load %arg10[%get3A_647, %get3A_648, %get3A_649] {strides = array<i32>} : memref<2x40x128xf32, #tpu.memory_space<vmem>>, vector<1x1x16xf32>,
          %get3A_651 = vector.shape_cast %get3A_650 : vector<1x1x16xf32> to vector<16xf32>
          %get3A_652 = arith.constant 0 : i32
          %get3A_653 = arith.index_cast %get3A_652 : i32 to index
          %get3A_654 = arith.index_cast %scan3A_643 : i32 to index
          %get3A_655 = arith.constant 0 : index
          %get3A_656 = tpu.vector_load %arg11[%get3A_653, %get3A_654, %get3A_655] {strides = array<i32>} : memref<2x40x64xf32, #tpu.memory_space<vmem>>, vector<1x1x16xf32>,
          %get3A_657 = vector.shape_cast %get3A_656 : vector<1x1x16xf32> to vector<16xf32>
          %add3A_658 = arith.addf %get3A_651, %get3A_657 : vector<16xf32>
          %max3A_659 = arith.constant 0.000000e+00 : f32
          %max3A_660 = vector.broadcast %max3A_659 : f32 to vector<16xf32>
          %max3A_661 = arith.maximumf %add3A_658, %max3A_660 : vector<16xf32>
          %add3A_662 = arith.constant 1.000000e-07 : f32
          %add3A_663 = vector.broadcast %add3A_662 : f32 to vector<16xf32>
          %add3A_664 = arith.addf %max3A_661, %add3A_663 : vector<16xf32>
          %exp3A_665 = math.exp %add3A_664 : vector<16xf32>
          %swap3A_666 = arith.constant 0 : i32
          %swap3A_667 = arith.index_cast %swap3A_666 : i32 to index
          %swap3A_668 = arith.index_cast %scan3A_643 : i32 to index
          %swap3A_669 = arith.constant 0 : index
          %swap3A_670 = tpu.vector_load %arg12[%swap3A_667, %swap3A_668, %swap3A_669] {strides = array<i32>} : memref<2x40x128xf32, #tpu.memory_space<vmem>>, vector<1x1x16xf32>,
          %swap3A_671 = vector.shape_cast %swap3A_670 : vector<1x1x16xf32> to vector<16xf32>
          %swap3A_672 = vector.shape_cast %exp3A_665 : vector<16xf32> to vector<1x1x16xf32>
          tpu.vector_store %arg12[%swap3A_667, %swap3A_668, %swap3A_669], %swap3A_672 {strides = array<i32>} : memref<2x40x128xf32, #tpu.memory_space<vmem>>, vector<1x1x16xf32>,
          %mul3A_673 = arith.mulf %exp3A_665, %add3A_664 : vector<16xf32>
          %swap3A_674 = arith.constant 0 : i32
          %swap3A_675 = arith.index_cast %swap3A_674 : i32 to index
          %swap3A_676 = arith.index_cast %scan3A_643 : i32 to index
          %swap3A_677 = arith.constant 64 : index
          %swap3A_678 = tpu.vector_load %arg12[%swap3A_675, %swap3A_676, %swap3A_677] {strides = array<i32>} : memref<2x40x128xf32, #tpu.memory_space<vmem>>, vector<1x1x16xf32>,
          %swap3A_679 = vector.shape_cast %swap3A_678 : vector<1x1x16xf32> to vector<16xf32>
          %swap3A_680 = vector.shape_cast %mul3A_673 : vector<16xf32> to vector<1x1x16xf32>
          tpu.vector_store %arg12[%swap3A_675, %swap3A_676, %swap3A_677], %swap3A_680 {strides = array<i32>} : memref<2x40x128xf32, #tpu.memory_space<vmem>>, vector<1x1x16xf32>,
          %add3A_681 = arith.constant 16 : i32
          %add3A_682 = arith.addi %mul3A_0, %add3A_681 : i32
          %get3A_683 = arith.constant 0 : i32
          %get3A_684 = arith.index_cast %get3A_683 : i32 to index
          %get3A_685 = arith.index_cast %scan3A_643 : i32 to index
          %get3A_686 = arith.index_cast %add3A_682 : i32 to index
          %get3A_687 = tpu.vector_load %arg10[%get3A_684, %get3A_685, %get3A_686] {strides = array<i32>} : memref<2x40x128xf32, #tpu.memory_space<vmem>>, vector<1x1x16xf32>,
          %get3A_688 = vector.shape_cast %get3A_687 : vector<1x1x16xf32> to vector<16xf32>
          %get3A_689 = arith.constant 0 : i32
          %get3A_690 = arith.index_cast %get3A_689 : i32 to index
          %get3A_691 = arith.index_cast %scan3A_643 : i32 to index
          %get3A_692 = arith.constant 16 : index
          %get3A_693 = tpu.vector_load %arg11[%get3A_690, %get3A_691, %get3A_692] {strides = array<i32>} : memref<2x40x64xf32, #tpu.memory_space<vmem>>, vector<1x1x16xf32>,
          %get3A_694 = vector.shape_cast %get3A_693 : vector<1x1x16xf32> to vector<16xf32>
          %add3A_695 = arith.addf %get3A_688, %get3A_694 : vector<16xf32>
          %max3A_696 = arith.constant 0.000000e+00 : f32
          %max3A_697 = vector.broadcast %max3A_696 : f32 to vector<16xf32>
          %max3A_698 = arith.maximumf %add3A_695, %max3A_697 : vector<16xf32>
          %add3A_699 = arith.constant 1.000000e-07 : f32
          %add3A_700 = vector.broadcast %add3A_699 : f32 to vector<16xf32>
          %add3A_701 = arith.addf %max3A_698, %add3A_700 : vector<16xf32>
          %exp3A_702 = math.exp %add3A_701 : vector<16xf32>
          %swap3A_703 = arith.constant 0 : i32
          %swap3A_704 = arith.index_cast %swap3A_703 : i32 to index
          %swap3A_705 = arith.index_cast %scan3A_643 : i32 to index
          %swap3A_706 = arith.constant 16 : index
          %swap3A_707 = tpu.vector_load %arg12[%swap3A_704, %swap3A_705, %swap3A_706] {strides = array<i32>} : memref<2x40x128xf32, #tpu.memory_space<vmem>>, vector<1x1x16xf32>,
          %swap3A_708 = vector.shape_cast %swap3A_707 : vector<1x1x16xf32> to vector<16xf32>
          %swap3A_709 = vector.shape_cast %exp3A_702 : vector<16xf32> to vector<1x1x16xf32>
          tpu.vector_store %arg12[%swap3A_704, %swap3A_705, %swap3A_706], %swap3A_709 {strides = array<i32>} : memref<2x40x128xf32, #tpu.memory_space<vmem>>, vector<1x1x16xf32>,
          %mul3A_710 = arith.mulf %exp3A_702, %add3A_701 : vector<16xf32>
          %swap3A_711 = arith.constant 0 : i32
          %swap3A_712 = arith.index_cast %swap3A_711 : i32 to index
          %swap3A_713 = arith.index_cast %scan3A_643 : i32 to index
          %swap3A_714 = arith.constant 80 : index
          %swap3A_715 = tpu.vector_load %arg12[%swap3A_712, %swap3A_713, %swap3A_714] {strides = array<i32>} : memref<2x40x128xf32, #tpu.memory_space<vmem>>, vector<1x1x16xf32>,
          %swap3A_716 = vector.shape_cast %swap3A_715 : vector<1x1x16xf32> to vector<16xf32>
          %swap3A_717 = vector.shape_cast %mul3A_710 : vector<16xf32> to vector<1x1x16xf32>
          tpu.vector_store %arg12[%swap3A_712, %swap3A_713, %swap3A_714], %swap3A_717 {strides = array<i32>} : memref<2x40x128xf32, #tpu.memory_space<vmem>>, vector<1x1x16xf32>,
          %add3A_718 = arith.constant 32 : i32
          %add3A_719 = arith.addi %mul3A_0, %add3A_718 : i32
          %get3A_720 = arith.constant 0 : i32
          %get3A_721 = arith.index_cast %get3A_720 : i32 to index
          %get3A_722 = arith.index_cast %scan3A_643 : i32 to index
          %get3A_723 = arith.index_cast %add3A_719 : i32 to index
          %get3A_724 = tpu.vector_load %arg10[%get3A_721, %get3A_722, %get3A_723] {strides = array<i32>} : memref<2x40x128xf32, #tpu.memory_space<vmem>>, vector<1x1x16xf32>,
          %get3A_725 = vector.shape_cast %get3A_724 : vector<1x1x16xf32> to vector<16xf32>
          %get3A_726 = arith.constant 0 : i32
          %get3A_727 = arith.index_cast %get3A_726 : i32 to index
          %get3A_728 = arith.index_cast %scan3A_643 : i32 to index
          %get3A_729 = arith.constant 32 : index
          %get3A_730 = tpu.vector_load %arg11[%get3A_727, %get3A_728, %get3A_729] {strides = array<i32>} : memref<2x40x64xf32, #tpu.memory_space<vmem>>, vector<1x1x16xf32>,
          %get3A_731 = vector.shape_cast %get3A_730 : vector<1x1x16xf32> to vector<16xf32>
          %add3A_732 = arith.addf %get3A_725, %get3A_731 : vector<16xf32>
          %max3A_733 = arith.constant 0.000000e+00 : f32
          %max3A_734 = vector.broadcast %max3A_733 : f32 to vector<16xf32>
          %max3A_735 = arith.maximumf %add3A_732, %max3A_734 : vector<16xf32>
          %add3A_736 = arith.constant 1.000000e-07 : f32
          %add3A_737 = vector.broadcast %add3A_736 : f32 to vector<16xf32>
          %add3A_738 = arith.addf %max3A_735, %add3A_737 : vector<16xf32>
          %exp3A_739 = math.exp %add3A_738 : vector<16xf32>
          %swap3A_740 = arith.constant 0 : i32
          %swap3A_741 = arith.index_cast %swap3A_740 : i32 to index
          %swap3A_742 = arith.index_cast %scan3A_643 : i32 to index
          %swap3A_743 = arith.constant 32 : index
          %swap3A_744 = tpu.vector_load %arg12[%swap3A_741, %swap3A_742, %swap3A_743] {strides = array<i32>} : memref<2x40x128xf32, #tpu.memory_space<vmem>>, vector<1x1x16xf32>,
          %swap3A_745 = vector.shape_cast %swap3A_744 : vector<1x1x16xf32> to vector<16xf32>
          %swap3A_746 = vector.shape_cast %exp3A_739 : vector<16xf32> to vector<1x1x16xf32>
          tpu.vector_store %arg12[%swap3A_741, %swap3A_742, %swap3A_743], %swap3A_746 {strides = array<i32>} : memref<2x40x128xf32, #tpu.memory_space<vmem>>, vector<1x1x16xf32>,
          %mul3A_747 = arith.mulf %exp3A_739, %add3A_738 : vector<16xf32>
          %swap3A_748 = arith.constant 0 : i32
          %swap3A_749 = arith.index_cast %swap3A_748 : i32 to index
          %swap3A_750 = arith.index_cast %scan3A_643 : i32 to index
          %swap3A_751 = arith.constant 96 : index
          %swap3A_752 = tpu.vector_load %arg12[%swap3A_749, %swap3A_750, %swap3A_751] {strides = array<i32>} : memref<2x40x128xf32, #tpu.memory_space<vmem>>, vector<1x1x16xf32>,
          %swap3A_753 = vector.shape_cast %swap3A_752 : vector<1x1x16xf32> to vector<16xf32>
          %swap3A_754 = vector.shape_cast %mul3A_747 : vector<16xf32> to vector<1x1x16xf32>
          tpu.vector_store %arg12[%swap3A_749, %swap3A_750, %swap3A_751], %swap3A_754 {strides = array<i32>} : memref<2x40x128xf32, #tpu.memory_space<vmem>>, vector<1x1x16xf32>,
          %add3A_755 = arith.constant 48 : i32
          %add3A_756 = arith.addi %mul3A_0, %add3A_755 : i32
          %get3A_757 = arith.constant 0 : i32
          %get3A_758 = arith.index_cast %get3A_757 : i32 to index
          %get3A_759 = arith.index_cast %scan3A_643 : i32 to index
          %get3A_760 = arith.index_cast %add3A_756 : i32 to index
          %get3A_761 = tpu.vector_load %arg10[%get3A_758, %get3A_759, %get3A_760] {strides = array<i32>} : memref<2x40x128xf32, #tpu.memory_space<vmem>>, vector<1x1x16xf32>,
          %get3A_762 = vector.shape_cast %get3A_761 : vector<1x1x16xf32> to vector<16xf32>
          %get3A_763 = arith.constant 0 : i32
          %get3A_764 = arith.index_cast %get3A_763 : i32 to index
          %get3A_765 = arith.index_cast %scan3A_643 : i32 to index
          %get3A_766 = arith.constant 48 : index
          %get3A_767 = tpu.vector_load %arg11[%get3A_764, %get3A_765, %get3A_766] {strides = array<i32>} : memref<2x40x64xf32, #tpu.memory_space<vmem>>, vector<1x1x16xf32>,
          %get3A_768 = vector.shape_cast %get3A_767 : vector<1x1x16xf32> to vector<16xf32>
          %add3A_769 = arith.addf %get3A_762, %get3A_768 : vector<16xf32>
          %max3A_770 = arith.constant 0.000000e+00 : f32
          %max3A_771 = vector.broadcast %max3A_770 : f32 to vector<16xf32>
          %max3A_772 = arith.maximumf %add3A_769, %max3A_771 : vector<16xf32>
          %add3A_773 = arith.constant 1.000000e-07 : f32
          %add3A_774 = vector.broadcast %add3A_773 : f32 to vector<16xf32>
          %add3A_775 = arith.addf %max3A_772, %add3A_774 : vector<16xf32>
          %exp3A_776 = math.exp %add3A_775 : vector<16xf32>
          %swap3A_777 = arith.constant 0 : i32
          %swap3A_778 = arith.index_cast %swap3A_777 : i32 to index
          %swap3A_779 = arith.index_cast %scan3A_643 : i32 to index
          %swap3A_780 = arith.constant 48 : index
          %swap3A_781 = tpu.vector_load %arg12[%swap3A_778, %swap3A_779, %swap3A_780] {strides = array<i32>} : memref<2x40x128xf32, #tpu.memory_space<vmem>>, vector<1x1x16xf32>,
          %swap3A_782 = vector.shape_cast %swap3A_781 : vector<1x1x16xf32> to vector<16xf32>
          %swap3A_783 = vector.shape_cast %exp3A_776 : vector<16xf32> to vector<1x1x16xf32>
          tpu.vector_store %arg12[%swap3A_778, %swap3A_779, %swap3A_780], %swap3A_783 {strides = array<i32>} : memref<2x40x128xf32, #tpu.memory_space<vmem>>, vector<1x1x16xf32>,
          %mul3A_784 = arith.mulf %exp3A_776, %add3A_775 : vector<16xf32>
          %swap3A_785 = arith.constant 0 : i32
          %swap3A_786 = arith.index_cast %swap3A_785 : i32 to index
          %swap3A_787 = arith.index_cast %scan3A_643 : i32 to index
          %swap3A_788 = arith.constant 112 : index
          %swap3A_789 = tpu.vector_load %arg12[%swap3A_786, %swap3A_787, %swap3A_788] {strides = array<i32>} : memref<2x40x128xf32, #tpu.memory_space<vmem>>, vector<1x1x16xf32>,
          %swap3A_790 = vector.shape_cast %swap3A_789 : vector<1x1x16xf32> to vector<16xf32>
          %swap3A_791 = vector.shape_cast %mul3A_784 : vector<16xf32> to vector<1x1x16xf32>
          tpu.vector_store %arg12[%swap3A_786, %swap3A_787, %swap3A_788], %swap3A_791 {strides = array<i32>} : memref<2x40x128xf32, #tpu.memory_space<vmem>>, vector<1x1x16xf32>,
        }
        %scan3A_417 = arith.constant 40 : i32
        %dma_start3A_418 = arith.constant 0 : i32
        %dma_start3A_419 = arith.constant 1 : i32
        %dma_start3A_420 = arith.constant 0 : i32
        %dma_start3A_421 = arith.constant 0 : i32
        %dma_start3A_422 = tpu.memref_slice %arg12[%dma_start3A_418, %dma_start3A_420, %dma_start3A_421] : memref<2x40x128xf32, #tpu.memory_space<vmem>> -> memref<1x40x128xf32, #tpu.memory_space<vmem>>
        %dma_start3A_423 = tpu.memref_squeeze %dma_start3A_422 : memref<1x40x128xf32, #tpu.memory_space<vmem>> -> memref<40x128xf32, #tpu.memory_space<vmem>>
        %dma_start3A_424 = arith.constant 0 : i32
        %dma_start3A_425 = tpu.memref_slice %arg9[%dma_start3A_419, %mul3A_339, %dma_start3A_424] : memref<2x32x40xi32, #tpu.memory_space<vmem>> -> memref<1x1x40xi32, #tpu.memory_space<vmem>>
        %dma_start3A_426 = tpu.memref_squeeze %dma_start3A_425 : memref<1x1x40xi32, #tpu.memory_space<vmem>> -> memref<40xi32, #tpu.memory_space<vmem>>
        %dma_start3A_427 = arith.constant 0 : i32
        %dma_start3A_428 = arith.constant 0 : i32
        %dma_start3A_429 = tpu.memref_slice %arg7[%dma_start3A_427, %dma_start3A_428] : memref<10112x128xf32, #tpu.memory_space<vmem_shared>> -> memref<10112x128xf32, #tpu.memory_space<vmem_shared>>
        tpu.enqueue_indirect_dma source(%dma_start3A_423 : memref<40x128xf32, #tpu.memory_space<vmem>>) target(%dma_start3A_429 : memref<10112x128xf32, #tpu.memory_space<vmem_shared>>) offsets(%dma_start3A_426 : memref<40xi32, #tpu.memory_space<vmem>>) semaphore(%arg17 : memref<!tpu.dma_semaphore, #tpu.memory_space<semaphore_mem>>) {add = true}
        %add3A_430 = arith.constant 1 : i32
        %add3A_431 = arith.addi %scan3A_337, %add3A_430 : i32
        %lt3A_432 = arith.constant 16 : i32
        %lt3A_433 = arith.cmpi slt, %add3A_431, %lt3A_432 : i32
        %convert_element_type3A_434 = arith.extui %lt3A_433 : i1 to i32
        %cond3A_435 = arith.constant 0 : i32
        %cond3A_436 = arith.cmpi ne, %convert_element_type3A_434, %cond3A_435 : i32
        scf.if %cond3A_436 {
          %add3A_497 = arith.constant 2 : i32
          %add3A_498 = arith.addi %mul3A_339, %add3A_497 : i32
          %add3A_499 = arith.constant 2 : i32
          %add3A_500 = arith.addi %add3A_340, %add3A_499 : i32
          %min3A_501 = arith.constant 7999 : i32
          %min3A_502 = arith.minsi %add3A_500, %min3A_501 : i32
          %dma_start3A_503 = arith.constant 1 : i32
          %dma_start3A_504 = arith.constant 0 : i32
          %dma_start3A_505 = arith.constant 0 : i32
          %dma_start3A_506 = arith.constant 0 : i32
          %dma_start3A_507 = tpu.memref_slice %arg10[%dma_start3A_504, %dma_start3A_505, %dma_start3A_506] : memref<2x40x128xf32, #tpu.memory_space<vmem>> -> memref<1x40x128xf32, #tpu.memory_space<vmem>>
          %dma_start3A_508 = tpu.memref_squeeze %dma_start3A_507 : memref<1x40x128xf32, #tpu.memory_space<vmem>> -> memref<40x128xf32, #tpu.memory_space<vmem>>
          %dma_start3A_509 = arith.constant 0 : i32
          %dma_start3A_510 = tpu.memref_slice %arg8[%dma_start3A_503, %add3A_498, %dma_start3A_509] : memref<2x32x40xi32, #tpu.memory_space<vmem>> -> memref<1x1x40xi32, #tpu.memory_space<vmem>>
          %dma_start3A_511 = tpu.memref_squeeze %dma_start3A_510 : memref<1x1x40xi32, #tpu.memory_space<vmem>> -> memref<40xi32, #tpu.memory_space<vmem>>
          %dma_start3A_512 = arith.constant 0 : i32
          %dma_start3A_513 = arith.constant 0 : i32
          %dma_start3A_514 = tpu.memref_slice %arg2[%dma_start3A_512, %dma_start3A_513] : memref<10000x128xf32, #tpu.memory_space<hbm>> -> memref<10000x128xf32, #tpu.memory_space<hbm>>
          tpu.enqueue_indirect_dma source(%dma_start3A_514 : memref<10000x128xf32, #tpu.memory_space<hbm>>) target(%dma_start3A_508 : memref<40x128xf32, #tpu.memory_space<vmem>>) offsets(%dma_start3A_511 : memref<40xi32, #tpu.memory_space<vmem>>) semaphore(%arg15 : memref<!tpu.dma_semaphore, #tpu.memory_space<semaphore_mem>>)
          %mul3A_515 = arith.constant 320000 : i32
          %mul3A_516 = arith.muli %arg0, %mul3A_515 : i32
          %mul3A_517 = arith.constant 40 : i32
          %mul3A_518 = arith.muli %min3A_502, %mul3A_517 : i32
          %add3A_519 = arith.addi %mul3A_516, %mul3A_518 : i32
          %dma_start3A_520 = arith.constant 0 : i32
          %dma_start3A_521 = arith.constant 0 : i32
          %dma_start3A_522 = arith.constant 0 : i32
          %dma_start3A_523 = tpu.memref_slice %arg11[%dma_start3A_520, %dma_start3A_521, %dma_start3A_522] : memref<2x40x64xf32, #tpu.memory_space<vmem>> -> memref<1x40x64xf32, #tpu.memory_space<vmem>>
          %dma_start3A_524 = tpu.memref_squeeze %dma_start3A_523 : memref<1x40x64xf32, #tpu.memory_space<vmem>> -> memref<40x64xf32, #tpu.memory_space<vmem>>
          %dma_start3A_525 = arith.constant 0 : i32
          %dma_start3A_526 = tpu.memref_slice %arg3[%add3A_519, %dma_start3A_525] : memref<640000x64xf32, #tpu.memory_space<hbm>> -> memref<40x64xf32, #tpu.memory_space<hbm>>
          %dma_start3A_527 = arith.constant 0 : i32
          %dma_start3A_528 = arith.constant 0 : i32
          %dma_start3A_529 = tpu.memref_slice %arg11[%dma_start3A_520, %dma_start3A_527, %dma_start3A_528] : memref<2x40x64xf32, #tpu.memory_space<vmem>> -> memref<1x40x64xf32, #tpu.memory_space<vmem>>
          %dma_start3A_530 = tpu.memref_squeeze %dma_start3A_529 : memref<1x40x64xf32, #tpu.memory_space<vmem>> -> memref<40x64xf32, #tpu.memory_space<vmem>>
          %dma_start3A_531 = arith.constant 0 : i32
          %dma_start3A_532 = tpu.memref_slice %arg3[%add3A_519, %dma_start3A_531] : memref<640000x64xf32, #tpu.memory_space<hbm>> -> memref<40x64xf32, #tpu.memory_space<hbm>>
          tpu.enqueue_dma source(%dma_start3A_532 : memref<40x64xf32, #tpu.memory_space<hbm>>) target(%dma_start3A_530 : memref<40x64xf32, #tpu.memory_space<vmem>>) target_semaphore(%arg15 : memref<!tpu.dma_semaphore, #tpu.memory_space<semaphore_mem>>)
        } else {
        }
        %add3A_437 = arith.constant 1 : i32
        %add3A_438 = arith.addi %mul3A_339, %add3A_437 : i32
        %add3A_439 = arith.constant 1 : i32
        %add3A_440 = arith.addi %add3A_340, %add3A_439 : i32
        %min3A_441 = arith.constant 7999 : i32
        %min3A_442 = arith.minsi %add3A_440, %min3A_441 : i32
        %dma_wait3A_443 = arith.constant 1 : i32
        %dma_wait3A_444 = arith.constant 1 : i32
        %dma_wait3A_445 = arith.constant 0 : i32
        %dma_wait3A_446 = arith.constant 0 : i32
        %dma_wait3A_447 = tpu.memref_slice %arg10[%dma_wait3A_444, %dma_wait3A_445, %dma_wait3A_446] : memref<2x40x128xf32, #tpu.memory_space<vmem>> -> memref<1x40x128xf32, #tpu.memory_space<vmem>>
        %dma_wait3A_448 = tpu.memref_squeeze %dma_wait3A_447 : memref<1x40x128xf32, #tpu.memory_space<vmem>> -> memref<40x128xf32, #tpu.memory_space<vmem>>
        %dma_wait3A_449 = arith.constant 0 : i32
        %dma_wait3A_450 = tpu.memref_slice %arg8[%dma_wait3A_443, %add3A_438, %dma_wait3A_449] : memref<2x32x40xi32, #tpu.memory_space<vmem>> -> memref<1x1x40xi32, #tpu.memory_space<vmem>>
        %dma_wait3A_451 = tpu.memref_squeeze %dma_wait3A_450 : memref<1x1x40xi32, #tpu.memory_space<vmem>> -> memref<40xi32, #tpu.memory_space<vmem>>
        %dma_wait3A_452 = arith.constant 0 : i32
        %dma_wait3A_453 = arith.constant 0 : i32
        %dma_wait3A_454 = tpu.memref_slice %arg2[%dma_wait3A_452, %dma_wait3A_453] : memref<10000x128xf32, #tpu.memory_space<hbm>> -> memref<10000x128xf32, #tpu.memory_space<hbm>>
        tpu.wait_indirect_dma semaphore(%arg16 : memref<!tpu.dma_semaphore, #tpu.memory_space<semaphore_mem>>) src(%dma_wait3A_454 : memref<10000x128xf32, #tpu.memory_space<hbm>>) dst(%dma_wait3A_448 : memref<40x128xf32, #tpu.memory_space<vmem>>)
        %mul3A_455 = arith.constant 320000 : i32
        %mul3A_456 = arith.muli %arg0, %mul3A_455 : i32
        %mul3A_457 = arith.constant 40 : i32
        %mul3A_458 = arith.muli %min3A_442, %mul3A_457 : i32
        %add3A_459 = arith.addi %mul3A_456, %mul3A_458 : i32
        %dma_wait3A_460 = arith.constant 1 : i32
        %dma_wait3A_461 = arith.constant 0 : i32
        %dma_wait3A_462 = arith.constant 0 : i32
        %dma_wait3A_463 = tpu.memref_slice %arg11[%dma_wait3A_460, %dma_wait3A_461, %dma_wait3A_462] : memref<2x40x64xf32, #tpu.memory_space<vmem>> -> memref<1x40x64xf32, #tpu.memory_space<vmem>>
        %dma_wait3A_464 = tpu.memref_squeeze %dma_wait3A_463 : memref<1x40x64xf32, #tpu.memory_space<vmem>> -> memref<40x64xf32, #tpu.memory_space<vmem>>
        %dma_wait3A_465 = arith.constant 0 : i32
        %dma_wait3A_466 = tpu.memref_slice %arg3[%add3A_459, %dma_wait3A_465] : memref<640000x64xf32, #tpu.memory_space<hbm>> -> memref<40x64xf32, #tpu.memory_space<hbm>>
        %dma_wait3A_467 = arith.constant 0 : i32
        %dma_wait3A_468 = arith.constant 0 : i32
        %dma_wait3A_469 = tpu.memref_slice %arg11[%dma_wait3A_460, %dma_wait3A_467, %dma_wait3A_468] : memref<2x40x64xf32, #tpu.memory_space<vmem>> -> memref<1x40x64xf32, #tpu.memory_space<vmem>>
        %dma_wait3A_470 = tpu.memref_squeeze %dma_wait3A_469 : memref<1x40x64xf32, #tpu.memory_space<vmem>> -> memref<40x64xf32, #tpu.memory_space<vmem>>
        %dma_wait3A_471 = arith.constant 0 : i32
        %dma_wait3A_472 = tpu.memref_slice %arg3[%add3A_459, %dma_wait3A_471] : memref<640000x64xf32, #tpu.memory_space<hbm>> -> memref<40x64xf32, #tpu.memory_space<hbm>>
        tpu.wait_dma2 semaphore(%arg16 : memref<!tpu.dma_semaphore, #tpu.memory_space<semaphore_mem>>) src(%dma_wait3A_472 : memref<40x64xf32, #tpu.memory_space<hbm>>) dst(%dma_wait3A_470 : memref<40x64xf32, #tpu.memory_space<vmem>>)
        %gt3A_473 = arith.constant 0 : i32
        %gt3A_474 = arith.cmpi sgt, %scan3A_337, %gt3A_473 : i32
        %convert_element_type3A_475 = arith.extui %gt3A_474 : i1 to i32
        %cond3A_476 = arith.constant 0 : i32
        %cond3A_477 = arith.cmpi ne, %convert_element_type3A_475, %cond3A_476 : i32
        scf.if %cond3A_477 {
          %dma_wait3A_497 = arith.constant 1 : i32
          %dma_wait3A_498 = arith.constant 1 : i32
          %dma_wait3A_499 = arith.constant 0 : i32
          %dma_wait3A_500 = arith.constant 0 : i32
          %dma_wait3A_501 = arith.constant 0 : i32
          %dma_wait3A_502 = tpu.memref_slice %arg12[%dma_wait3A_497, %dma_wait3A_500, %dma_wait3A_501] : memref<2x40x128xf32, #tpu.memory_space<vmem>> -> memref<1x40x128xf32, #tpu.memory_space<vmem>>
          %dma_wait3A_503 = tpu.memref_squeeze %dma_wait3A_502 : memref<1x40x128xf32, #tpu.memory_space<vmem>> -> memref<40x128xf32, #tpu.memory_space<vmem>>
          %dma_wait3A_504 = arith.constant 0 : i32
          %dma_wait3A_505 = tpu.memref_slice %arg9[%dma_wait3A_498, %dma_wait3A_499, %dma_wait3A_504] : memref<2x32x40xi32, #tpu.memory_space<vmem>> -> memref<1x1x40xi32, #tpu.memory_space<vmem>>
          %dma_wait3A_506 = tpu.memref_squeeze %dma_wait3A_505 : memref<1x1x40xi32, #tpu.memory_space<vmem>> -> memref<40xi32, #tpu.memory_space<vmem>>
          %dma_wait3A_507 = arith.constant 0 : i32
          %dma_wait3A_508 = arith.constant 0 : i32
          %dma_wait3A_509 = tpu.memref_slice %arg7[%dma_wait3A_507, %dma_wait3A_508] : memref<10112x128xf32, #tpu.memory_space<vmem_shared>> -> memref<10112x128xf32, #tpu.memory_space<vmem_shared>>
          tpu.wait_indirect_dma semaphore(%arg18 : memref<!tpu.dma_semaphore, #tpu.memory_space<semaphore_mem>>) src(%dma_wait3A_503 : memref<40x128xf32, #tpu.memory_space<vmem>>) dst(%dma_wait3A_509 : memref<10112x128xf32, #tpu.memory_space<vmem_shared>>)
        } else {
        }
        %add3A_478 = arith.constant 1 : i32
        %add3A_479 = arith.addi %mul3A_339, %add3A_478 : i32
        %scan3A_480 = arith.constant 0 : i32
        %scan3A_481 = arith.constant 40 : i32
        %scan3A_482 = arith.addi %scan3A_480, %scan3A_481 : i32
        %scan3A_483 = arith.constant 2 : i32
        scf.for %scan3A_497 = %scan3A_480 to %scan3A_482 step %scan3A_483  : i32 {
          %add3A_498 = arith.constant 0 : i32
          %add3A_499 = arith.addi %mul3A_0, %add3A_498 : i32
          %get3A = arith.constant 1 : i32
          %get3A_500 = arith.index_cast %get3A : i32 to index
          %get3A_501 = arith.index_cast %scan3A_497 : i32 to index
          %get3A_502 = arith.index_cast %add3A_499 : i32 to index
          %get3A_503 = tpu.vector_load %arg10[%get3A_500, %get3A_501, %get3A_502] {strides = array<i32>} : memref<2x40x128xf32, #tpu.memory_space<vmem>>, vector<1x1x16xf32>,
          %get3A_504 = vector.shape_cast %get3A_503 : vector<1x1x16xf32> to vector<16xf32>
          %get3A_505 = arith.constant 1 : i32
          %get3A_506 = arith.index_cast %get3A_505 : i32 to index
          %get3A_507 = arith.index_cast %scan3A_497 : i32 to index
          %get3A_508 = arith.constant 0 : index
          %get3A_509 = tpu.vector_load %arg11[%get3A_506, %get3A_507, %get3A_508] {strides = array<i32>} : memref<2x40x64xf32, #tpu.memory_space<vmem>>, vector<1x1x16xf32>,
          %get3A_510 = vector.shape_cast %get3A_509 : vector<1x1x16xf32> to vector<16xf32>
          %add3A_511 = arith.addf %get3A_504, %get3A_510 : vector<16xf32>
          %max3A = arith.constant 0.000000e+00 : f32
          %max3A_512 = vector.broadcast %max3A : f32 to vector<16xf32>
          %max3A_513 = arith.maximumf %add3A_511, %max3A_512 : vector<16xf32>
          %add3A_514 = arith.constant 1.000000e-07 : f32
          %add3A_515 = vector.broadcast %add3A_514 : f32 to vector<16xf32>
          %add3A_516 = arith.addf %max3A_513, %add3A_515 : vector<16xf32>
          %exp3A = math.exp %add3A_516 : vector<16xf32>
          %swap3A = arith.constant 1 : i32
          %swap3A_517 = arith.index_cast %swap3A : i32 to index
          %swap3A_518 = arith.index_cast %scan3A_497 : i32 to index
          %swap3A_519 = arith.constant 0 : index
          %swap3A_520 = tpu.vector_load %arg12[%swap3A_517, %swap3A_518, %swap3A_519] {strides = array<i32>} : memref<2x40x128xf32, #tpu.memory_space<vmem>>, vector<1x1x16xf32>,
          %swap3A_521 = vector.shape_cast %swap3A_520 : vector<1x1x16xf32> to vector<16xf32>
          %swap3A_522 = vector.shape_cast %exp3A : vector<16xf32> to vector<1x1x16xf32>
          tpu.vector_store %arg12[%swap3A_517, %swap3A_518, %swap3A_519], %swap3A_522 {strides = array<i32>} : memref<2x40x128xf32, #tpu.memory_space<vmem>>, vector<1x1x16xf32>,
          %mul3A_523 = arith.mulf %exp3A, %add3A_516 : vector<16xf32>
          %swap3A_524 = arith.constant 1 : i32
          %swap3A_525 = arith.index_cast %swap3A_524 : i32 to index
          %swap3A_526 = arith.index_cast %scan3A_497 : i32 to index
          %swap3A_527 = arith.constant 64 : index
          %swap3A_528 = tpu.vector_load %arg12[%swap3A_525, %swap3A_526, %swap3A_527] {strides = array<i32>} : memref<2x40x128xf32, #tpu.memory_space<vmem>>, vector<1x1x16xf32>,
          %swap3A_529 = vector.shape_cast %swap3A_528 : vector<1x1x16xf32> to vector<16xf32>
          %swap3A_530 = vector.shape_cast %mul3A_523 : vector<16xf32> to vector<1x1x16xf32>
          tpu.vector_store %arg12[%swap3A_525, %swap3A_526, %swap3A_527], %swap3A_530 {strides = array<i32>} : memref<2x40x128xf32, #tpu.memory_space<vmem>>, vector<1x1x16xf32>,
          %add3A_531 = arith.constant 16 : i32
          %add3A_532 = arith.addi %mul3A_0, %add3A_531 : i32
          %get3A_533 = arith.constant 1 : i32
          %get3A_534 = arith.index_cast %get3A_533 : i32 to index
          %get3A_535 = arith.index_cast %scan3A_497 : i32 to index
          %get3A_536 = arith.index_cast %add3A_532 : i32 to index
          %get3A_537 = tpu.vector_load %arg10[%get3A_534, %get3A_535, %get3A_536] {strides = array<i32>} : memref<2x40x128xf32, #tpu.memory_space<vmem>>, vector<1x1x16xf32>,
          %get3A_538 = vector.shape_cast %get3A_537 : vector<1x1x16xf32> to vector<16xf32>
          %get3A_539 = arith.constant 1 : i32
          %get3A_540 = arith.index_cast %get3A_539 : i32 to index
          %get3A_541 = arith.index_cast %scan3A_497 : i32 to index
          %get3A_542 = arith.constant 16 : index
          %get3A_543 = tpu.vector_load %arg11[%get3A_540, %get3A_541, %get3A_542] {strides = array<i32>} : memref<2x40x64xf32, #tpu.memory_space<vmem>>, vector<1x1x16xf32>,
          %get3A_544 = vector.shape_cast %get3A_543 : vector<1x1x16xf32> to vector<16xf32>
          %add3A_545 = arith.addf %get3A_538, %get3A_544 : vector<16xf32>
          %max3A_546 = arith.constant 0.000000e+00 : f32
          %max3A_547 = vector.broadcast %max3A_546 : f32 to vector<16xf32>
          %max3A_548 = arith.maximumf %add3A_545, %max3A_547 : vector<16xf32>
          %add3A_549 = arith.constant 1.000000e-07 : f32
          %add3A_550 = vector.broadcast %add3A_549 : f32 to vector<16xf32>
          %add3A_551 = arith.addf %max3A_548, %add3A_550 : vector<16xf32>
          %exp3A_552 = math.exp %add3A_551 : vector<16xf32>
          %swap3A_553 = arith.constant 1 : i32
          %swap3A_554 = arith.index_cast %swap3A_553 : i32 to index
          %swap3A_555 = arith.index_cast %scan3A_497 : i32 to index
          %swap3A_556 = arith.constant 16 : index
          %swap3A_557 = tpu.vector_load %arg12[%swap3A_554, %swap3A_555, %swap3A_556] {strides = array<i32>} : memref<2x40x128xf32, #tpu.memory_space<vmem>>, vector<1x1x16xf32>,
          %swap3A_558 = vector.shape_cast %swap3A_557 : vector<1x1x16xf32> to vector<16xf32>
          %swap3A_559 = vector.shape_cast %exp3A_552 : vector<16xf32> to vector<1x1x16xf32>
          tpu.vector_store %arg12[%swap3A_554, %swap3A_555, %swap3A_556], %swap3A_559 {strides = array<i32>} : memref<2x40x128xf32, #tpu.memory_space<vmem>>, vector<1x1x16xf32>,
          %mul3A_560 = arith.mulf %exp3A_552, %add3A_551 : vector<16xf32>
          %swap3A_561 = arith.constant 1 : i32
          %swap3A_562 = arith.index_cast %swap3A_561 : i32 to index
          %swap3A_563 = arith.index_cast %scan3A_497 : i32 to index
          %swap3A_564 = arith.constant 80 : index
          %swap3A_565 = tpu.vector_load %arg12[%swap3A_562, %swap3A_563, %swap3A_564] {strides = array<i32>} : memref<2x40x128xf32, #tpu.memory_space<vmem>>, vector<1x1x16xf32>,
          %swap3A_566 = vector.shape_cast %swap3A_565 : vector<1x1x16xf32> to vector<16xf32>
          %swap3A_567 = vector.shape_cast %mul3A_560 : vector<16xf32> to vector<1x1x16xf32>
          tpu.vector_store %arg12[%swap3A_562, %swap3A_563, %swap3A_564], %swap3A_567 {strides = array<i32>} : memref<2x40x128xf32, #tpu.memory_space<vmem>>, vector<1x1x16xf32>,
          %add3A_568 = arith.constant 32 : i32
          %add3A_569 = arith.addi %mul3A_0, %add3A_568 : i32
          %get3A_570 = arith.constant 1 : i32
          %get3A_571 = arith.index_cast %get3A_570 : i32 to index
          %get3A_572 = arith.index_cast %scan3A_497 : i32 to index
          %get3A_573 = arith.index_cast %add3A_569 : i32 to index
          %get3A_574 = tpu.vector_load %arg10[%get3A_571, %get3A_572, %get3A_573] {strides = array<i32>} : memref<2x40x128xf32, #tpu.memory_space<vmem>>, vector<1x1x16xf32>,
          %get3A_575 = vector.shape_cast %get3A_574 : vector<1x1x16xf32> to vector<16xf32>
          %get3A_576 = arith.constant 1 : i32
          %get3A_577 = arith.index_cast %get3A_576 : i32 to index
          %get3A_578 = arith.index_cast %scan3A_497 : i32 to index
          %get3A_579 = arith.constant 32 : index
          %get3A_580 = tpu.vector_load %arg11[%get3A_577, %get3A_578, %get3A_579] {strides = array<i32>} : memref<2x40x64xf32, #tpu.memory_space<vmem>>, vector<1x1x16xf32>,
          %get3A_581 = vector.shape_cast %get3A_580 : vector<1x1x16xf32> to vector<16xf32>
          %add3A_582 = arith.addf %get3A_575, %get3A_581 : vector<16xf32>
          %max3A_583 = arith.constant 0.000000e+00 : f32
          %max3A_584 = vector.broadcast %max3A_583 : f32 to vector<16xf32>
          %max3A_585 = arith.maximumf %add3A_582, %max3A_584 : vector<16xf32>
          %add3A_586 = arith.constant 1.000000e-07 : f32
          %add3A_587 = vector.broadcast %add3A_586 : f32 to vector<16xf32>
          %add3A_588 = arith.addf %max3A_585, %add3A_587 : vector<16xf32>
          %exp3A_589 = math.exp %add3A_588 : vector<16xf32>
          %swap3A_590 = arith.constant 1 : i32
          %swap3A_591 = arith.index_cast %swap3A_590 : i32 to index
          %swap3A_592 = arith.index_cast %scan3A_497 : i32 to index
          %swap3A_593 = arith.constant 32 : index
          %swap3A_594 = tpu.vector_load %arg12[%swap3A_591, %swap3A_592, %swap3A_593] {strides = array<i32>} : memref<2x40x128xf32, #tpu.memory_space<vmem>>, vector<1x1x16xf32>,
          %swap3A_595 = vector.shape_cast %swap3A_594 : vector<1x1x16xf32> to vector<16xf32>
          %swap3A_596 = vector.shape_cast %exp3A_589 : vector<16xf32> to vector<1x1x16xf32>
          tpu.vector_store %arg12[%swap3A_591, %swap3A_592, %swap3A_593], %swap3A_596 {strides = array<i32>} : memref<2x40x128xf32, #tpu.memory_space<vmem>>, vector<1x1x16xf32>,
          %mul3A_597 = arith.mulf %exp3A_589, %add3A_588 : vector<16xf32>
          %swap3A_598 = arith.constant 1 : i32
          %swap3A_599 = arith.index_cast %swap3A_598 : i32 to index
          %swap3A_600 = arith.index_cast %scan3A_497 : i32 to index
          %swap3A_601 = arith.constant 96 : index
          %swap3A_602 = tpu.vector_load %arg12[%swap3A_599, %swap3A_600, %swap3A_601] {strides = array<i32>} : memref<2x40x128xf32, #tpu.memory_space<vmem>>, vector<1x1x16xf32>,
          %swap3A_603 = vector.shape_cast %swap3A_602 : vector<1x1x16xf32> to vector<16xf32>
          %swap3A_604 = vector.shape_cast %mul3A_597 : vector<16xf32> to vector<1x1x16xf32>
          tpu.vector_store %arg12[%swap3A_599, %swap3A_600, %swap3A_601], %swap3A_604 {strides = array<i32>} : memref<2x40x128xf32, #tpu.memory_space<vmem>>, vector<1x1x16xf32>,
          %add3A_605 = arith.constant 48 : i32
          %add3A_606 = arith.addi %mul3A_0, %add3A_605 : i32
          %get3A_607 = arith.constant 1 : i32
          %get3A_608 = arith.index_cast %get3A_607 : i32 to index
          %get3A_609 = arith.index_cast %scan3A_497 : i32 to index
          %get3A_610 = arith.index_cast %add3A_606 : i32 to index
          %get3A_611 = tpu.vector_load %arg10[%get3A_608, %get3A_609, %get3A_610] {strides = array<i32>} : memref<2x40x128xf32, #tpu.memory_space<vmem>>, vector<1x1x16xf32>,
          %get3A_612 = vector.shape_cast %get3A_611 : vector<1x1x16xf32> to vector<16xf32>
          %get3A_613 = arith.constant 1 : i32
          %get3A_614 = arith.index_cast %get3A_613 : i32 to index
          %get3A_615 = arith.index_cast %scan3A_497 : i32 to index
          %get3A_616 = arith.constant 48 : index
          %get3A_617 = tpu.vector_load %arg11[%get3A_614, %get3A_615, %get3A_616] {strides = array<i32>} : memref<2x40x64xf32, #tpu.memory_space<vmem>>, vector<1x1x16xf32>,
          %get3A_618 = vector.shape_cast %get3A_617 : vector<1x1x16xf32> to vector<16xf32>
          %add3A_619 = arith.addf %get3A_612, %get3A_618 : vector<16xf32>
          %max3A_620 = arith.constant 0.000000e+00 : f32
          %max3A_621 = vector.broadcast %max3A_620 : f32 to vector<16xf32>
          %max3A_622 = arith.maximumf %add3A_619, %max3A_621 : vector<16xf32>
          %add3A_623 = arith.constant 1.000000e-07 : f32
          %add3A_624 = vector.broadcast %add3A_623 : f32 to vector<16xf32>
          %add3A_625 = arith.addf %max3A_622, %add3A_624 : vector<16xf32>
          %exp3A_626 = math.exp %add3A_625 : vector<16xf32>
          %swap3A_627 = arith.constant 1 : i32
          %swap3A_628 = arith.index_cast %swap3A_627 : i32 to index
          %swap3A_629 = arith.index_cast %scan3A_497 : i32 to index
          %swap3A_630 = arith.constant 48 : index
          %swap3A_631 = tpu.vector_load %arg12[%swap3A_628, %swap3A_629, %swap3A_630] {strides = array<i32>} : memref<2x40x128xf32, #tpu.memory_space<vmem>>, vector<1x1x16xf32>,
          %swap3A_632 = vector.shape_cast %swap3A_631 : vector<1x1x16xf32> to vector<16xf32>
          %swap3A_633 = vector.shape_cast %exp3A_626 : vector<16xf32> to vector<1x1x16xf32>
          tpu.vector_store %arg12[%swap3A_628, %swap3A_629, %swap3A_630], %swap3A_633 {strides = array<i32>} : memref<2x40x128xf32, #tpu.memory_space<vmem>>, vector<1x1x16xf32>,
          %mul3A_634 = arith.mulf %exp3A_626, %add3A_625 : vector<16xf32>
          %swap3A_635 = arith.constant 1 : i32
          %swap3A_636 = arith.index_cast %swap3A_635 : i32 to index
          %swap3A_637 = arith.index_cast %scan3A_497 : i32 to index
          %swap3A_638 = arith.constant 112 : index
          %swap3A_639 = tpu.vector_load %arg12[%swap3A_636, %swap3A_637, %swap3A_638] {strides = array<i32>} : memref<2x40x128xf32, #tpu.memory_space<vmem>>, vector<1x1x16xf32>,
          %swap3A_640 = vector.shape_cast %swap3A_639 : vector<1x1x16xf32> to vector<16xf32>
          %swap3A_641 = vector.shape_cast %mul3A_634 : vector<16xf32> to vector<1x1x16xf32>
          tpu.vector_store %arg12[%swap3A_636, %swap3A_637, %swap3A_638], %swap3A_641 {strides = array<i32>} : memref<2x40x128xf32, #tpu.memory_space<vmem>>, vector<1x1x16xf32>,
          %scan3A_642 = arith.constant 1 : i32
          %scan3A_643 = arith.addi %scan3A_497, %scan3A_642 : i32
          %add3A_644 = arith.constant 0 : i32
          %add3A_645 = arith.addi %mul3A_0, %add3A_644 : i32
          %get3A_646 = arith.constant 1 : i32
          %get3A_647 = arith.index_cast %get3A_646 : i32 to index
          %get3A_648 = arith.index_cast %scan3A_643 : i32 to index
          %get3A_649 = arith.index_cast %add3A_645 : i32 to index
          %get3A_650 = tpu.vector_load %arg10[%get3A_647, %get3A_648, %get3A_649] {strides = array<i32>} : memref<2x40x128xf32, #tpu.memory_space<vmem>>, vector<1x1x16xf32>,
          %get3A_651 = vector.shape_cast %get3A_650 : vector<1x1x16xf32> to vector<16xf32>
          %get3A_652 = arith.constant 1 : i32
          %get3A_653 = arith.index_cast %get3A_652 : i32 to index
          %get3A_654 = arith.index_cast %scan3A_643 : i32 to index
          %get3A_655 = arith.constant 0 : index
          %get3A_656 = tpu.vector_load %arg11[%get3A_653, %get3A_654, %get3A_655] {strides = array<i32>} : memref<2x40x64xf32, #tpu.memory_space<vmem>>, vector<1x1x16xf32>,
          %get3A_657 = vector.shape_cast %get3A_656 : vector<1x1x16xf32> to vector<16xf32>
          %add3A_658 = arith.addf %get3A_651, %get3A_657 : vector<16xf32>
          %max3A_659 = arith.constant 0.000000e+00 : f32
          %max3A_660 = vector.broadcast %max3A_659 : f32 to vector<16xf32>
          %max3A_661 = arith.maximumf %add3A_658, %max3A_660 : vector<16xf32>
          %add3A_662 = arith.constant 1.000000e-07 : f32
          %add3A_663 = vector.broadcast %add3A_662 : f32 to vector<16xf32>
          %add3A_664 = arith.addf %max3A_661, %add3A_663 : vector<16xf32>
          %exp3A_665 = math.exp %add3A_664 : vector<16xf32>
          %swap3A_666 = arith.constant 1 : i32
          %swap3A_667 = arith.index_cast %swap3A_666 : i32 to index
          %swap3A_668 = arith.index_cast %scan3A_643 : i32 to index
          %swap3A_669 = arith.constant 0 : index
          %swap3A_670 = tpu.vector_load %arg12[%swap3A_667, %swap3A_668, %swap3A_669] {strides = array<i32>} : memref<2x40x128xf32, #tpu.memory_space<vmem>>, vector<1x1x16xf32>,
          %swap3A_671 = vector.shape_cast %swap3A_670 : vector<1x1x16xf32> to vector<16xf32>
          %swap3A_672 = vector.shape_cast %exp3A_665 : vector<16xf32> to vector<1x1x16xf32>
          tpu.vector_store %arg12[%swap3A_667, %swap3A_668, %swap3A_669], %swap3A_672 {strides = array<i32>} : memref<2x40x128xf32, #tpu.memory_space<vmem>>, vector<1x1x16xf32>,
          %mul3A_673 = arith.mulf %exp3A_665, %add3A_664 : vector<16xf32>
          %swap3A_674 = arith.constant 1 : i32
          %swap3A_675 = arith.index_cast %swap3A_674 : i32 to index
          %swap3A_676 = arith.index_cast %scan3A_643 : i32 to index
          %swap3A_677 = arith.constant 64 : index
          %swap3A_678 = tpu.vector_load %arg12[%swap3A_675, %swap3A_676, %swap3A_677] {strides = array<i32>} : memref<2x40x128xf32, #tpu.memory_space<vmem>>, vector<1x1x16xf32>,
          %swap3A_679 = vector.shape_cast %swap3A_678 : vector<1x1x16xf32> to vector<16xf32>
          %swap3A_680 = vector.shape_cast %mul3A_673 : vector<16xf32> to vector<1x1x16xf32>
          tpu.vector_store %arg12[%swap3A_675, %swap3A_676, %swap3A_677], %swap3A_680 {strides = array<i32>} : memref<2x40x128xf32, #tpu.memory_space<vmem>>, vector<1x1x16xf32>,
          %add3A_681 = arith.constant 16 : i32
          %add3A_682 = arith.addi %mul3A_0, %add3A_681 : i32
          %get3A_683 = arith.constant 1 : i32
          %get3A_684 = arith.index_cast %get3A_683 : i32 to index
          %get3A_685 = arith.index_cast %scan3A_643 : i32 to index
          %get3A_686 = arith.index_cast %add3A_682 : i32 to index
          %get3A_687 = tpu.vector_load %arg10[%get3A_684, %get3A_685, %get3A_686] {strides = array<i32>} : memref<2x40x128xf32, #tpu.memory_space<vmem>>, vector<1x1x16xf32>,
          %get3A_688 = vector.shape_cast %get3A_687 : vector<1x1x16xf32> to vector<16xf32>
          %get3A_689 = arith.constant 1 : i32
          %get3A_690 = arith.index_cast %get3A_689 : i32 to index
          %get3A_691 = arith.index_cast %scan3A_643 : i32 to index
          %get3A_692 = arith.constant 16 : index
          %get3A_693 = tpu.vector_load %arg11[%get3A_690, %get3A_691, %get3A_692] {strides = array<i32>} : memref<2x40x64xf32, #tpu.memory_space<vmem>>, vector<1x1x16xf32>,
          %get3A_694 = vector.shape_cast %get3A_693 : vector<1x1x16xf32> to vector<16xf32>
          %add3A_695 = arith.addf %get3A_688, %get3A_694 : vector<16xf32>
          %max3A_696 = arith.constant 0.000000e+00 : f32
          %max3A_697 = vector.broadcast %max3A_696 : f32 to vector<16xf32>
          %max3A_698 = arith.maximumf %add3A_695, %max3A_697 : vector<16xf32>
          %add3A_699 = arith.constant 1.000000e-07 : f32
          %add3A_700 = vector.broadcast %add3A_699 : f32 to vector<16xf32>
          %add3A_701 = arith.addf %max3A_698, %add3A_700 : vector<16xf32>
          %exp3A_702 = math.exp %add3A_701 : vector<16xf32>
          %swap3A_703 = arith.constant 1 : i32
          %swap3A_704 = arith.index_cast %swap3A_703 : i32 to index
          %swap3A_705 = arith.index_cast %scan3A_643 : i32 to index
          %swap3A_706 = arith.constant 16 : index
          %swap3A_707 = tpu.vector_load %arg12[%swap3A_704, %swap3A_705, %swap3A_706] {strides = array<i32>} : memref<2x40x128xf32, #tpu.memory_space<vmem>>, vector<1x1x16xf32>,
          %swap3A_708 = vector.shape_cast %swap3A_707 : vector<1x1x16xf32> to vector<16xf32>
          %swap3A_709 = vector.shape_cast %exp3A_702 : vector<16xf32> to vector<1x1x16xf32>
          tpu.vector_store %arg12[%swap3A_704, %swap3A_705, %swap3A_706], %swap3A_709 {strides = array<i32>} : memref<2x40x128xf32, #tpu.memory_space<vmem>>, vector<1x1x16xf32>,
          %mul3A_710 = arith.mulf %exp3A_702, %add3A_701 : vector<16xf32>
          %swap3A_711 = arith.constant 1 : i32
          %swap3A_712 = arith.index_cast %swap3A_711 : i32 to index
          %swap3A_713 = arith.index_cast %scan3A_643 : i32 to index
          %swap3A_714 = arith.constant 80 : index
          %swap3A_715 = tpu.vector_load %arg12[%swap3A_712, %swap3A_713, %swap3A_714] {strides = array<i32>} : memref<2x40x128xf32, #tpu.memory_space<vmem>>, vector<1x1x16xf32>,
          %swap3A_716 = vector.shape_cast %swap3A_715 : vector<1x1x16xf32> to vector<16xf32>
          %swap3A_717 = vector.shape_cast %mul3A_710 : vector<16xf32> to vector<1x1x16xf32>
          tpu.vector_store %arg12[%swap3A_712, %swap3A_713, %swap3A_714], %swap3A_717 {strides = array<i32>} : memref<2x40x128xf32, #tpu.memory_space<vmem>>, vector<1x1x16xf32>,
          %add3A_718 = arith.constant 32 : i32
          %add3A_719 = arith.addi %mul3A_0, %add3A_718 : i32
          %get3A_720 = arith.constant 1 : i32
          %get3A_721 = arith.index_cast %get3A_720 : i32 to index
          %get3A_722 = arith.index_cast %scan3A_643 : i32 to index
          %get3A_723 = arith.index_cast %add3A_719 : i32 to index
          %get3A_724 = tpu.vector_load %arg10[%get3A_721, %get3A_722, %get3A_723] {strides = array<i32>} : memref<2x40x128xf32, #tpu.memory_space<vmem>>, vector<1x1x16xf32>,
          %get3A_725 = vector.shape_cast %get3A_724 : vector<1x1x16xf32> to vector<16xf32>
          %get3A_726 = arith.constant 1 : i32
          %get3A_727 = arith.index_cast %get3A_726 : i32 to index
          %get3A_728 = arith.index_cast %scan3A_643 : i32 to index
          %get3A_729 = arith.constant 32 : index
          %get3A_730 = tpu.vector_load %arg11[%get3A_727, %get3A_728, %get3A_729] {strides = array<i32>} : memref<2x40x64xf32, #tpu.memory_space<vmem>>, vector<1x1x16xf32>,
          %get3A_731 = vector.shape_cast %get3A_730 : vector<1x1x16xf32> to vector<16xf32>
          %add3A_732 = arith.addf %get3A_725, %get3A_731 : vector<16xf32>
          %max3A_733 = arith.constant 0.000000e+00 : f32
          %max3A_734 = vector.broadcast %max3A_733 : f32 to vector<16xf32>
          %max3A_735 = arith.maximumf %add3A_732, %max3A_734 : vector<16xf32>
          %add3A_736 = arith.constant 1.000000e-07 : f32
          %add3A_737 = vector.broadcast %add3A_736 : f32 to vector<16xf32>
          %add3A_738 = arith.addf %max3A_735, %add3A_737 : vector<16xf32>
          %exp3A_739 = math.exp %add3A_738 : vector<16xf32>
          %swap3A_740 = arith.constant 1 : i32
          %swap3A_741 = arith.index_cast %swap3A_740 : i32 to index
          %swap3A_742 = arith.index_cast %scan3A_643 : i32 to index
          %swap3A_743 = arith.constant 32 : index
          %swap3A_744 = tpu.vector_load %arg12[%swap3A_741, %swap3A_742, %swap3A_743] {strides = array<i32>} : memref<2x40x128xf32, #tpu.memory_space<vmem>>, vector<1x1x16xf32>,
          %swap3A_745 = vector.shape_cast %swap3A_744 : vector<1x1x16xf32> to vector<16xf32>
          %swap3A_746 = vector.shape_cast %exp3A_739 : vector<16xf32> to vector<1x1x16xf32>
          tpu.vector_store %arg12[%swap3A_741, %swap3A_742, %swap3A_743], %swap3A_746 {strides = array<i32>} : memref<2x40x128xf32, #tpu.memory_space<vmem>>, vector<1x1x16xf32>,
          %mul3A_747 = arith.mulf %exp3A_739, %add3A_738 : vector<16xf32>
          %swap3A_748 = arith.constant 1 : i32
          %swap3A_749 = arith.index_cast %swap3A_748 : i32 to index
          %swap3A_750 = arith.index_cast %scan3A_643 : i32 to index
          %swap3A_751 = arith.constant 96 : index
          %swap3A_752 = tpu.vector_load %arg12[%swap3A_749, %swap3A_750, %swap3A_751] {strides = array<i32>} : memref<2x40x128xf32, #tpu.memory_space<vmem>>, vector<1x1x16xf32>,
          %swap3A_753 = vector.shape_cast %swap3A_752 : vector<1x1x16xf32> to vector<16xf32>
          %swap3A_754 = vector.shape_cast %mul3A_747 : vector<16xf32> to vector<1x1x16xf32>
          tpu.vector_store %arg12[%swap3A_749, %swap3A_750, %swap3A_751], %swap3A_754 {strides = array<i32>} : memref<2x40x128xf32, #tpu.memory_space<vmem>>, vector<1x1x16xf32>,
          %add3A_755 = arith.constant 48 : i32
          %add3A_756 = arith.addi %mul3A_0, %add3A_755 : i32
          %get3A_757 = arith.constant 1 : i32
          %get3A_758 = arith.index_cast %get3A_757 : i32 to index
          %get3A_759 = arith.index_cast %scan3A_643 : i32 to index
          %get3A_760 = arith.index_cast %add3A_756 : i32 to index
          %get3A_761 = tpu.vector_load %arg10[%get3A_758, %get3A_759, %get3A_760] {strides = array<i32>} : memref<2x40x128xf32, #tpu.memory_space<vmem>>, vector<1x1x16xf32>,
          %get3A_762 = vector.shape_cast %get3A_761 : vector<1x1x16xf32> to vector<16xf32>
          %get3A_763 = arith.constant 1 : i32
          %get3A_764 = arith.index_cast %get3A_763 : i32 to index
          %get3A_765 = arith.index_cast %scan3A_643 : i32 to index
          %get3A_766 = arith.constant 48 : index
          %get3A_767 = tpu.vector_load %arg11[%get3A_764, %get3A_765, %get3A_766] {strides = array<i32>} : memref<2x40x64xf32, #tpu.memory_space<vmem>>, vector<1x1x16xf32>,
          %get3A_768 = vector.shape_cast %get3A_767 : vector<1x1x16xf32> to vector<16xf32>
          %add3A_769 = arith.addf %get3A_762, %get3A_768 : vector<16xf32>
          %max3A_770 = arith.constant 0.000000e+00 : f32
          %max3A_771 = vector.broadcast %max3A_770 : f32 to vector<16xf32>
          %max3A_772 = arith.maximumf %add3A_769, %max3A_771 : vector<16xf32>
          %add3A_773 = arith.constant 1.000000e-07 : f32
          %add3A_774 = vector.broadcast %add3A_773 : f32 to vector<16xf32>
          %add3A_775 = arith.addf %max3A_772, %add3A_774 : vector<16xf32>
          %exp3A_776 = math.exp %add3A_775 : vector<16xf32>
          %swap3A_777 = arith.constant 1 : i32
          %swap3A_778 = arith.index_cast %swap3A_777 : i32 to index
          %swap3A_779 = arith.index_cast %scan3A_643 : i32 to index
          %swap3A_780 = arith.constant 48 : index
          %swap3A_781 = tpu.vector_load %arg12[%swap3A_778, %swap3A_779, %swap3A_780] {strides = array<i32>} : memref<2x40x128xf32, #tpu.memory_space<vmem>>, vector<1x1x16xf32>,
          %swap3A_782 = vector.shape_cast %swap3A_781 : vector<1x1x16xf32> to vector<16xf32>
          %swap3A_783 = vector.shape_cast %exp3A_776 : vector<16xf32> to vector<1x1x16xf32>
          tpu.vector_store %arg12[%swap3A_778, %swap3A_779, %swap3A_780], %swap3A_783 {strides = array<i32>} : memref<2x40x128xf32, #tpu.memory_space<vmem>>, vector<1x1x16xf32>,
          %mul3A_784 = arith.mulf %exp3A_776, %add3A_775 : vector<16xf32>
          %swap3A_785 = arith.constant 1 : i32
          %swap3A_786 = arith.index_cast %swap3A_785 : i32 to index
          %swap3A_787 = arith.index_cast %scan3A_643 : i32 to index
          %swap3A_788 = arith.constant 112 : index
          %swap3A_789 = tpu.vector_load %arg12[%swap3A_786, %swap3A_787, %swap3A_788] {strides = array<i32>} : memref<2x40x128xf32, #tpu.memory_space<vmem>>, vector<1x1x16xf32>,
          %swap3A_790 = vector.shape_cast %swap3A_789 : vector<1x1x16xf32> to vector<16xf32>
          %swap3A_791 = vector.shape_cast %mul3A_784 : vector<16xf32> to vector<1x1x16xf32>
          tpu.vector_store %arg12[%swap3A_786, %swap3A_787, %swap3A_788], %swap3A_791 {strides = array<i32>} : memref<2x40x128xf32, #tpu.memory_space<vmem>>, vector<1x1x16xf32>,
        }
        %scan3A_484 = arith.constant 40 : i32
        %dma_start3A_485 = arith.constant 1 : i32
        %dma_start3A_486 = arith.constant 1 : i32
        %dma_start3A_487 = arith.constant 0 : i32
        %dma_start3A_488 = arith.constant 0 : i32
        %dma_start3A_489 = tpu.memref_slice %arg12[%dma_start3A_485, %dma_start3A_487, %dma_start3A_488] : memref<2x40x128xf32, #tpu.memory_space<vmem>> -> memref<1x40x128xf32, #tpu.memory_space<vmem>>
        %dma_start3A_490 = tpu.memref_squeeze %dma_start3A_489 : memref<1x40x128xf32, #tpu.memory_space<vmem>> -> memref<40x128xf32, #tpu.memory_space<vmem>>
        %dma_start3A_491 = arith.constant 0 : i32
        %dma_start3A_492 = tpu.memref_slice %arg9[%dma_start3A_486, %add3A_479, %dma_start3A_491] : memref<2x32x40xi32, #tpu.memory_space<vmem>> -> memref<1x1x40xi32, #tpu.memory_space<vmem>>
        %dma_start3A_493 = tpu.memref_squeeze %dma_start3A_492 : memref<1x1x40xi32, #tpu.memory_space<vmem>> -> memref<40xi32, #tpu.memory_space<vmem>>
        %dma_start3A_494 = arith.constant 0 : i32
        %dma_start3A_495 = arith.constant 0 : i32
        %dma_start3A_496 = tpu.memref_slice %arg7[%dma_start3A_494, %dma_start3A_495] : memref<10112x128xf32, #tpu.memory_space<vmem_shared>> -> memref<10112x128xf32, #tpu.memory_space<vmem_shared>>
        tpu.enqueue_indirect_dma source(%dma_start3A_490 : memref<40x128xf32, #tpu.memory_space<vmem>>) target(%dma_start3A_496 : memref<10112x128xf32, #tpu.memory_space<vmem_shared>>) offsets(%dma_start3A_493 : memref<40xi32, #tpu.memory_space<vmem>>) semaphore(%arg18 : memref<!tpu.dma_semaphore, #tpu.memory_space<semaphore_mem>>) {add = true}
      }
      %scan3A_310 = arith.constant 16 : i32
      %dma_wait3A_311 = arith.constant 0 : i32
      %dma_wait3A_312 = arith.constant 1 : i32
      %dma_wait3A_313 = arith.constant 0 : i32
      %dma_wait3A_314 = arith.constant 0 : i32
      %dma_wait3A_315 = arith.constant 0 : i32
      %dma_wait3A_316 = tpu.memref_slice %arg12[%dma_wait3A_311, %dma_wait3A_314, %dma_wait3A_315] : memref<2x40x128xf32, #tpu.memory_space<vmem>> -> memref<1x40x128xf32, #tpu.memory_space<vmem>>
      %dma_wait3A_317 = tpu.memref_squeeze %dma_wait3A_316 : memref<1x40x128xf32, #tpu.memory_space<vmem>> -> memref<40x128xf32, #tpu.memory_space<vmem>>
      %dma_wait3A_318 = arith.constant 0 : i32
      %dma_wait3A_319 = tpu.memref_slice %arg9[%dma_wait3A_312, %dma_wait3A_313, %dma_wait3A_318] : memref<2x32x40xi32, #tpu.memory_space<vmem>> -> memref<1x1x40xi32, #tpu.memory_space<vmem>>
      %dma_wait3A_320 = tpu.memref_squeeze %dma_wait3A_319 : memref<1x1x40xi32, #tpu.memory_space<vmem>> -> memref<40xi32, #tpu.memory_space<vmem>>
      %dma_wait3A_321 = arith.constant 0 : i32
      %dma_wait3A_322 = arith.constant 0 : i32
      %dma_wait3A_323 = tpu.memref_slice %arg7[%dma_wait3A_321, %dma_wait3A_322] : memref<10112x128xf32, #tpu.memory_space<vmem_shared>> -> memref<10112x128xf32, #tpu.memory_space<vmem_shared>>
      tpu.wait_indirect_dma semaphore(%arg17 : memref<!tpu.dma_semaphore, #tpu.memory_space<semaphore_mem>>) src(%dma_wait3A_317 : memref<40x128xf32, #tpu.memory_space<vmem>>) dst(%dma_wait3A_323 : memref<10112x128xf32, #tpu.memory_space<vmem_shared>>)
      %dma_wait3A_324 = arith.constant 1 : i32
      %dma_wait3A_325 = arith.constant 1 : i32
      %dma_wait3A_326 = arith.constant 0 : i32
      %dma_wait3A_327 = arith.constant 0 : i32
      %dma_wait3A_328 = arith.constant 0 : i32
      %dma_wait3A_329 = tpu.memref_slice %arg12[%dma_wait3A_324, %dma_wait3A_327, %dma_wait3A_328] : memref<2x40x128xf32, #tpu.memory_space<vmem>> -> memref<1x40x128xf32, #tpu.memory_space<vmem>>
      %dma_wait3A_330 = tpu.memref_squeeze %dma_wait3A_329 : memref<1x40x128xf32, #tpu.memory_space<vmem>> -> memref<40x128xf32, #tpu.memory_space<vmem>>
      %dma_wait3A_331 = arith.constant 0 : i32
      %dma_wait3A_332 = tpu.memref_slice %arg9[%dma_wait3A_325, %dma_wait3A_326, %dma_wait3A_331] : memref<2x32x40xi32, #tpu.memory_space<vmem>> -> memref<1x1x40xi32, #tpu.memory_space<vmem>>
      %dma_wait3A_333 = tpu.memref_squeeze %dma_wait3A_332 : memref<1x1x40xi32, #tpu.memory_space<vmem>> -> memref<40xi32, #tpu.memory_space<vmem>>
      %dma_wait3A_334 = arith.constant 0 : i32
      %dma_wait3A_335 = arith.constant 0 : i32
      %dma_wait3A_336 = tpu.memref_slice %arg7[%dma_wait3A_334, %dma_wait3A_335] : memref<10112x128xf32, #tpu.memory_space<vmem_shared>> -> memref<10112x128xf32, #tpu.memory_space<vmem_shared>>
      tpu.wait_indirect_dma semaphore(%arg18 : memref<!tpu.dma_semaphore, #tpu.memory_space<semaphore_mem>>) src(%dma_wait3A_330 : memref<40x128xf32, #tpu.memory_space<vmem>>) dst(%dma_wait3A_336 : memref<10112x128xf32, #tpu.memory_space<vmem_shared>>)
    }
    %scan3A_118 = arith.constant 8 : i32
    %barrier3A_119 = arith.constant 0 : index
    tpu.barrier barrier_id(%barrier3A_119)
    %mul3A_120 = arith.constant 632 : i32
    %mul3A_121 = arith.muli %arg1, %mul3A_120 : i32
    %mul3A_122 = arith.constant 10112 : i32
    %mul3A_123 = arith.muli %arg0, %mul3A_122 : i32
    %mul3A_124 = arith.constant 632 : i32
    %mul3A_125 = arith.muli %arg1, %mul3A_124 : i32
    %add3A_126 = arith.addi %mul3A_123, %mul3A_125 : i32
    "tpu.region"() ({
      %run_scoped3A_127 = tpu.sem_alloc : memref<!tpu.dma_semaphore, #tpu.memory_space<semaphore_mem>>
      %dma_start3A_128 = arith.constant 0 : i32
      %dma_start3A_129 = tpu.memref_slice %arg6[%add3A_126, %dma_start3A_128] : memref<20224x128xf32, #tpu.memory_space<hbm>> -> memref<632x128xf32, #tpu.memory_space<hbm>>
      %dma_start3A_130 = arith.constant 0 : i32
      %dma_start3A_131 = tpu.memref_slice %arg7[%mul3A_121, %dma_start3A_130] : memref<10112x128xf32, #tpu.memory_space<vmem_shared>> -> memref<632x128xf32, #tpu.memory_space<vmem_shared>>
      tpu.enqueue_dma source(%dma_start3A_131 : memref<632x128xf32, #tpu.memory_space<vmem_shared>>) target(%dma_start3A_129 : memref<632x128xf32, #tpu.memory_space<hbm>>) target_semaphore(%run_scoped3A_127 : memref<!tpu.dma_semaphore, #tpu.memory_space<semaphore_mem>>)
      %dma_wait3A = arith.constant 0 : i32
      %dma_wait3A_132 = tpu.memref_slice %arg6[%add3A_126, %dma_wait3A] : memref<20224x128xf32, #tpu.memory_space<hbm>> -> memref<632x128xf32, #tpu.memory_space<hbm>>
      %dma_wait3A_133 = arith.constant 0 : i32
      %dma_wait3A_134 = tpu.memref_slice %arg7[%mul3A_121, %dma_wait3A_133] : memref<10112x128xf32, #tpu.memory_space<vmem_shared>> -> memref<632x128xf32, #tpu.memory_space<vmem_shared>>
      tpu.wait_dma2 semaphore(%run_scoped3A_127 : memref<!tpu.dma_semaphore, #tpu.memory_space<semaphore_mem>>) src(%dma_wait3A_134 : memref<632x128xf32, #tpu.memory_space<vmem_shared>>) dst(%dma_wait3A_132 : memref<632x128xf32, #tpu.memory_space<hbm>>)
      tpu.yield
    }) : () -> ()
    return
  }
}

module attributes {stable_mosaic.version = 14 : i64} {
  func.func @_edge_mm_body(%arg0: i32, %arg1: i32, %arg2: memref<2000x16xf32, #tpu.memory_space<vmem>>, %arg3: memref<1x16x64xf32, #tpu.memory_space<vmem>>, %arg4: memref<2000x64xf32, #tpu.memory_space<vmem>>) attributes {dimension_semantics = [#tpu.dimension_semantics<arbitrary>, #tpu.dimension_semantics<arbitrary>], iteration_bounds = array<i64: 2, 160>, scalar_prefetch = 0 : i64, scratch_operands = 0 : i64, tpu.core_type = #tpu.core_type<tc>, window_params = [{transform_indices = @transform_0, window_bounds = array<i64: 2000, 16>}, {transform_indices = @transform_1, window_bounds = array<i64: 1, 16, 64>}, {transform_indices = @transform_2, window_bounds = array<i64: 2000, 64>}]} {
    %get3A = arith.constant 0 : index
    %get3A_0 = arith.constant 0 : index
    %get3A_1 = vector.load %arg2[%get3A, %get3A_0] : memref<2000x16xf32, #tpu.memory_space<vmem>>, vector<2000x16xf32>
    %get3A_2 = arith.constant 0 : index
    %get3A_3 = arith.constant 0 : index
    %get3A_4 = arith.constant 0 : index
    %get3A_5 = vector.load %arg3[%get3A_2, %get3A_3, %get3A_4] : memref<1x16x64xf32, #tpu.memory_space<vmem>>, vector<1x16x64xf32>
    %get3A_6 = vector.shape_cast %get3A_5 : vector<1x16x64xf32> to vector<16x64xf32>
    %dot_general3A = arith.constant dense<0.000000e+00> : vector<2000x64xf32>
    %dot_general3A_7 = tpu.matmul %get3A_1, %get3A_6, %dot_general3A {dimension_numbers = #tpu.dot_dimension_numbers<[1], [0], [0], [1], [0, 0, 1, 1], [], []>, transpose_lhs_hint = false} : vector<2000x16xf32>, vector<16x64xf32>, vector<2000x64xf32> -> vector<2000x64xf32>
    %swap3A = arith.constant 0 : index
    %swap3A_8 = arith.constant 0 : index
    %swap3A_9 = vector.load %arg4[%swap3A, %swap3A_8] : memref<2000x64xf32, #tpu.memory_space<vmem>>, vector<2000x64xf32>
    tpu.vector_store %arg4[%swap3A, %swap3A_8], %dot_general3A_7 {strides = array<i32>} : memref<2000x64xf32, #tpu.memory_space<vmem>>, vector<2000x64xf32>,
    return
  }
  func.func @transform_0(%arg0: i32, %arg1: i32) -> (i32, i32) {
    %c0_i32 = arith.constant 0 : i32
    %c0_i32_0 = arith.constant 0 : i32
    return %arg1, %c0_i32 : i32, i32
  }
  func.func @transform_1(%arg0: i32, %arg1: i32) -> (i32, i32, i32) {
    %c0_i32 = arith.constant 0 : i32
    %c0_i32_0 = arith.constant 0 : i32
    %c0_i32_1 = arith.constant 0 : i32
    return %arg0, %c0_i32, %c0_i32_0 : i32, i32, i32
  }
  func.func @transform_2(%arg0: i32, %arg1: i32) -> (i32, i32) {
    %mul3A = arith.constant 160 : i32
    %mul3A_0 = arith.muli %arg0, %mul3A : i32
    %add3A = arith.addi %mul3A_0, %arg1 : i32
    %c0_i32 = arith.constant 0 : i32
    %c0_i32_1 = arith.constant 0 : i32
    return %add3A, %c0_i32 : i32, i32
  }
}

module attributes {stable_mosaic.version = 14 : i64} {
  func.func @_mlp_body(%arg0: i32, %arg1: memref<1000x128xf32, #tpu.memory_space<vmem>>, %arg2: memref<1000x128xf32, #tpu.memory_space<vmem>>, %arg3: memref<1000x128xf32, #tpu.memory_space<vmem>>, %arg4: memref<128x256xf32, #tpu.memory_space<vmem>>, %arg5: memref<1x256xf32, #tpu.memory_space<vmem>>, %arg6: memref<256x128xf32, #tpu.memory_space<vmem>>, %arg7: memref<1x128xf32, #tpu.memory_space<vmem>>, %arg8: memref<1000x128xf32, #tpu.memory_space<vmem>>, %arg9: memref<8x128xf32, #tpu.memory_space<vmem>>) attributes {dimension_semantics = [#tpu.dimension_semantics<arbitrary>], iteration_bounds = array<i64: 10>, scalar_prefetch = 0 : i64, scratch_operands = 0 : i64, tpu.core_type = #tpu.core_type<tc>, window_params = [{transform_indices = @transform_0, window_bounds = array<i64: 1000, 128>}, {transform_indices = @transform_1, window_bounds = array<i64: 1000, 128>}, {transform_indices = @transform_2, window_bounds = array<i64: 1000, 128>}, {pipeline_mode = #tpu.pipeline_mode<synchronous>, transform_indices = @transform_3, window_bounds = array<i64: 128, 256>}, {pipeline_mode = #tpu.pipeline_mode<synchronous>, transform_indices = @transform_4, window_bounds = array<i64: 1, 256>}, {pipeline_mode = #tpu.pipeline_mode<synchronous>, transform_indices = @transform_5, window_bounds = array<i64: 256, 128>}, {pipeline_mode = #tpu.pipeline_mode<synchronous>, transform_indices = @transform_6, window_bounds = array<i64: 1, 128>}, {transform_indices = @transform_7, window_bounds = array<i64: 1000, 128>}, {pipeline_mode = #tpu.pipeline_mode<synchronous>, transform_indices = @transform_8, window_bounds = array<i64: 8, 128>}]} {
    %get3A = arith.constant 0 : index
    %get3A_0 = arith.constant 0 : index
    %get3A_1 = vector.load %arg3[%get3A, %get3A_0] : memref<1000x128xf32, #tpu.memory_space<vmem>>, vector<1000x128xf32>
    %get3A_2 = arith.constant 0 : index
    %get3A_3 = arith.constant 0 : index
    %get3A_4 = vector.load %arg2[%get3A_2, %get3A_3] : memref<1000x128xf32, #tpu.memory_space<vmem>>, vector<1000x128xf32>
    %add3A = arith.constant 1.000000e-16 : f32
    %add3A_5 = vector.broadcast %add3A : f32 to vector<1000x128xf32>
    %add3A_6 = arith.addf %get3A_4, %add3A_5 : vector<1000x128xf32>
    %div3A = arith.divf %get3A_1, %add3A_6 : vector<1000x128xf32>
    %get3A_7 = arith.constant 0 : index
    %get3A_8 = arith.constant 0 : index
    %get3A_9 = vector.load %arg1[%get3A_7, %get3A_8] : memref<1000x128xf32, #tpu.memory_space<vmem>>, vector<1000x128xf32>
    %add3A_10 = arith.addf %get3A_9, %div3A : vector<1000x128xf32>
    %get3A_11 = arith.constant 0 : index
    %get3A_12 = arith.constant 0 : index
    %get3A_13 = vector.load %arg4[%get3A_11, %get3A_12] : memref<128x256xf32, #tpu.memory_space<vmem>>, vector<128x256xf32>
    %dot_general3A = arith.constant dense<0.000000e+00> : vector<1000x256xf32>
    %dot_general3A_14 = tpu.matmul %add3A_10, %get3A_13, %dot_general3A {dimension_numbers = #tpu.dot_dimension_numbers<[1], [0], [0], [1], [0, 0, 1, 1], [], []>, transpose_lhs_hint = false} : vector<1000x128xf32>, vector<128x256xf32>, vector<1000x256xf32> -> vector<1000x256xf32>
    %get3A_15 = arith.constant 0 : index
    %get3A_16 = arith.constant 0 : index
    %get3A_17 = vector.load %arg5[%get3A_15, %get3A_16] : memref<1x256xf32, #tpu.memory_space<vmem>>, vector<1x256xf32>
    %add3A_18 = vector.broadcast %get3A_17 : vector<1x256xf32> to vector<1000x256xf32>
    %add3A_19 = arith.addf %dot_general3A_14, %add3A_18 : vector<1000x256xf32>
    %max3A = arith.constant 0.000000e+00 : f32
    %max3A_20 = vector.broadcast %max3A : f32 to vector<1000x256xf32>
    %max3A_21 = arith.maximumf %add3A_19, %max3A_20 : vector<1000x256xf32>
    %get3A_22 = arith.constant 0 : index
    %get3A_23 = arith.constant 0 : index
    %get3A_24 = vector.load %arg6[%get3A_22, %get3A_23] : memref<256x128xf32, #tpu.memory_space<vmem>>, vector<256x128xf32>
    %dot_general3A_25 = arith.constant dense<0.000000e+00> : vector<1000x128xf32>
    %dot_general3A_26 = tpu.matmul %max3A_21, %get3A_24, %dot_general3A_25 {dimension_numbers = #tpu.dot_dimension_numbers<[1], [0], [0], [1], [0, 0, 1, 1], [], []>, transpose_lhs_hint = false} : vector<1000x256xf32>, vector<256x128xf32>, vector<1000x128xf32> -> vector<1000x128xf32>
    %get3A_27 = arith.constant 0 : index
    %get3A_28 = arith.constant 0 : index
    %get3A_29 = vector.load %arg7[%get3A_27, %get3A_28] : memref<1x128xf32, #tpu.memory_space<vmem>>, vector<1x128xf32>
    %add3A_30 = vector.broadcast %get3A_29 : vector<1x128xf32> to vector<1000x128xf32>
    %add3A_31 = arith.addf %dot_general3A_26, %add3A_30 : vector<1000x128xf32>
    %max3A_32 = arith.constant 0.000000e+00 : f32
    %max3A_33 = vector.broadcast %max3A_32 : f32 to vector<1000x128xf32>
    %max3A_34 = arith.maximumf %add3A_31, %max3A_33 : vector<1000x128xf32>
    %swap3A = arith.constant 0 : index
    %swap3A_35 = arith.constant 0 : index
    %swap3A_36 = vector.load %arg8[%swap3A, %swap3A_35] : memref<1000x128xf32, #tpu.memory_space<vmem>>, vector<1000x128xf32>
    tpu.vector_store %arg8[%swap3A, %swap3A_35], %max3A_34 {strides = array<i32>} : memref<1000x128xf32, #tpu.memory_space<vmem>>, vector<1000x128xf32>,
    %reduce_sum3A = arith.constant dense<0.000000e+00> : vector<128xf32>
    %reduce_sum3A_37 = vector.multi_reduction <add>, %max3A_34, %reduce_sum3A [0] : vector<1000x128xf32> to vector<128xf32>
    %broadcast_in_dim3A = vector.shape_cast %reduce_sum3A_37 : vector<128xf32> to vector<1x128xf32>
    %mul3A = arith.mulf %max3A_34, %max3A_34 : vector<1000x128xf32>
    %reduce_sum3A_38 = arith.constant dense<0.000000e+00> : vector<128xf32>
    %reduce_sum3A_39 = vector.multi_reduction <add>, %mul3A, %reduce_sum3A_38 [0] : vector<1000x128xf32> to vector<128xf32>
    %broadcast_in_dim3A_40 = vector.shape_cast %reduce_sum3A_39 : vector<128xf32> to vector<1x128xf32>
    %broadcast_in_dim3A_41 = arith.constant 0.000000e+00 : f32
    %broadcast_in_dim3A_42 = vector.broadcast %broadcast_in_dim3A_41 : f32 to vector<6x128xf32>
    %concatenate3A = tpu.concatenate %broadcast_in_dim3A, %broadcast_in_dim3A_40, %broadcast_in_dim3A_42 in 0 : vector<1x128xf32>, vector<1x128xf32>, vector<6x128xf32> -> vector<8x128xf32>
    %eq3A = arith.constant 0 : i32
    %eq3A_43 = arith.cmpi eq, %arg0, %eq3A : i32
    %convert_element_type3A = arith.extui %eq3A_43 : i1 to i32
    %cond3A = arith.constant 0 : i32
    %cond3A_44 = arith.cmpi ne, %convert_element_type3A, %cond3A : i32
    scf.if %cond3A_44 {
      %swap3A_49 = arith.constant 0 : index
      %swap3A_50 = arith.constant 0 : index
      %swap3A_51 = vector.load %arg9[%swap3A_49, %swap3A_50] : memref<8x128xf32, #tpu.memory_space<vmem>>, vector<8x128xf32>
      tpu.vector_store %arg9[%swap3A_49, %swap3A_50], %concatenate3A {strides = array<i32>} : memref<8x128xf32, #tpu.memory_space<vmem>>, vector<8x128xf32>,
    } else {
    }
    %ne3A = arith.constant 0 : i32
    %ne3A_45 = arith.cmpi ne, %arg0, %ne3A : i32
    %convert_element_type3A_46 = arith.extui %ne3A_45 : i1 to i32
    %cond3A_47 = arith.constant 0 : i32
    %cond3A_48 = arith.cmpi ne, %convert_element_type3A_46, %cond3A_47 : i32
    scf.if %cond3A_48 {
      %get3A_49 = arith.constant 0 : index
      %get3A_50 = arith.constant 0 : index
      %get3A_51 = vector.load %arg9[%get3A_49, %get3A_50] : memref<8x128xf32, #tpu.memory_space<vmem>>, vector<8x128xf32>
      %add3A_52 = arith.addf %get3A_51, %concatenate3A : vector<8x128xf32>
      %swap3A_53 = arith.constant 0 : index
      %swap3A_54 = arith.constant 0 : index
      %swap3A_55 = vector.load %arg9[%swap3A_53, %swap3A_54] : memref<8x128xf32, #tpu.memory_space<vmem>>, vector<8x128xf32>
      tpu.vector_store %arg9[%swap3A_53, %swap3A_54], %add3A_52 {strides = array<i32>} : memref<8x128xf32, #tpu.memory_space<vmem>>, vector<8x128xf32>,
    } else {
    }
    return
  }
  func.func @transform_0(%arg0: i32) -> (i32, i32) {
    %c0_i32 = arith.constant 0 : i32
    %c0_i32_0 = arith.constant 0 : i32
    return %arg0, %c0_i32 : i32, i32
  }
  func.func @transform_1(%arg0: i32) -> (i32, i32) {
    %c0_i32 = arith.constant 0 : i32
    %c0_i32_0 = arith.constant 0 : i32
    return %arg0, %c0_i32 : i32, i32
  }
  func.func @transform_2(%arg0: i32) -> (i32, i32) {
    %c0_i32 = arith.constant 0 : i32
    %c0_i32_0 = arith.constant 0 : i32
    return %arg0, %c0_i32 : i32, i32
  }
  func.func @transform_3(%arg0: i32) -> (i32, i32) {
    %c0_i32 = arith.constant 0 : i32
    %c0_i32_0 = arith.constant 0 : i32
    %c0_i32_1 = arith.constant 0 : i32
    return %c0_i32, %c0_i32_0 : i32, i32
  }
  func.func @transform_4(%arg0: i32) -> (i32, i32) {
    %c0_i32 = arith.constant 0 : i32
    %c0_i32_0 = arith.constant 0 : i32
    %c0_i32_1 = arith.constant 0 : i32
    return %c0_i32, %c0_i32_0 : i32, i32
  }
  func.func @transform_5(%arg0: i32) -> (i32, i32) {
    %c0_i32 = arith.constant 0 : i32
    %c0_i32_0 = arith.constant 0 : i32
    %c0_i32_1 = arith.constant 0 : i32
    return %c0_i32, %c0_i32_0 : i32, i32
  }
  func.func @transform_6(%arg0: i32) -> (i32, i32) {
    %c0_i32 = arith.constant 0 : i32
    %c0_i32_0 = arith.constant 0 : i32
    %c0_i32_1 = arith.constant 0 : i32
    return %c0_i32, %c0_i32_0 : i32, i32
  }
  func.func @transform_7(%arg0: i32) -> (i32, i32) {
    %c0_i32 = arith.constant 0 : i32
    %c0_i32_0 = arith.constant 0 : i32
    return %arg0, %c0_i32 : i32, i32
  }
  func.func @transform_8(%arg0: i32) -> (i32, i32) {
    %c0_i32 = arith.constant 0 : i32
    %c0_i32_0 = arith.constant 0 : i32
    %c0_i32_1 = arith.constant 0 : i32
    return %c0_i32, %c0_i32_0 : i32, i32
  }
}

module attributes {stable_mosaic.version = 14 : i64} {
  func.func @_bn_body(%arg0: i32, %arg1: memref<1000x128xf32, #tpu.memory_space<vmem>>, %arg2: memref<8x128xf32, #tpu.memory_space<vmem>>, %arg3: memref<1000x128xf32, #tpu.memory_space<vmem>>, %arg4: memref<1x128xf32, #tpu.memory_space<vmem>>, %arg5: memref<1x128xf32, #tpu.memory_space<vmem>>, %arg6: memref<1000x128xf32, #tpu.memory_space<vmem>>) attributes {dimension_semantics = [#tpu.dimension_semantics<arbitrary>], iteration_bounds = array<i64: 10>, scalar_prefetch = 0 : i64, scratch_operands = 0 : i64, tpu.core_type = #tpu.core_type<tc>, window_params = [{transform_indices = @transform_0, window_bounds = array<i64: 1000, 128>}, {pipeline_mode = #tpu.pipeline_mode<synchronous>, transform_indices = @transform_1, window_bounds = array<i64: 8, 128>}, {transform_indices = @transform_2, window_bounds = array<i64: 1000, 128>}, {pipeline_mode = #tpu.pipeline_mode<synchronous>, transform_indices = @transform_3, window_bounds = array<i64: 1, 128>}, {pipeline_mode = #tpu.pipeline_mode<synchronous>, transform_indices = @transform_4, window_bounds = array<i64: 1, 128>}, {transform_indices = @transform_5, window_bounds = array<i64: 1000, 128>}]} {
    %get3A = arith.constant 0 : index
    %get3A_0 = arith.constant 0 : index
    %get3A_1 = vector.load %arg2[%get3A, %get3A_0] : memref<8x128xf32, #tpu.memory_space<vmem>>, vector<1x128xf32>
    %div3A = arith.constant 1.000000e+04 : f32
    %div3A_2 = vector.broadcast %div3A : f32 to vector<1x128xf32>
    %div3A_3 = arith.divf %get3A_1, %div3A_2 : vector<1x128xf32>
    %get3A_4 = arith.constant 1 : index
    %get3A_5 = arith.constant 0 : index
    %get3A_6 = vector.load %arg2[%get3A_4, %get3A_5] : memref<8x128xf32, #tpu.memory_space<vmem>>, vector<1x128xf32>
    %div3A_7 = arith.constant 1.000000e+04 : f32
    %div3A_8 = vector.broadcast %div3A_7 : f32 to vector<1x128xf32>
    %div3A_9 = arith.divf %get3A_6, %div3A_8 : vector<1x128xf32>
    %mul3A = arith.mulf %div3A_3, %div3A_3 : vector<1x128xf32>
    %sub3A = arith.subf %div3A_9, %mul3A : vector<1x128xf32>
    %add3A = arith.constant 9.99999974E-6 : f32
    %add3A_10 = vector.broadcast %add3A : f32 to vector<1x128xf32>
    %add3A_11 = arith.addf %sub3A, %add3A_10 : vector<1x128xf32>
    %rsqrt3A = math.rsqrt %add3A_11 : vector<1x128xf32>
    %get3A_12 = arith.constant 0 : index
    %get3A_13 = arith.constant 0 : index
    %get3A_14 = vector.load %arg1[%get3A_12, %get3A_13] : memref<1000x128xf32, #tpu.memory_space<vmem>>, vector<1000x128xf32>
    %sub3A_15 = vector.broadcast %div3A_3 : vector<1x128xf32> to vector<1000x128xf32>
    %sub3A_16 = arith.subf %get3A_14, %sub3A_15 : vector<1000x128xf32>
    %mul3A_17 = vector.broadcast %rsqrt3A : vector<1x128xf32> to vector<1000x128xf32>
    %mul3A_18 = arith.mulf %sub3A_16, %mul3A_17 : vector<1000x128xf32>
    %get3A_19 = arith.constant 0 : index
    %get3A_20 = arith.constant 0 : index
    %get3A_21 = vector.load %arg4[%get3A_19, %get3A_20] : memref<1x128xf32, #tpu.memory_space<vmem>>, vector<1x128xf32>
    %mul3A_22 = vector.broadcast %get3A_21 : vector<1x128xf32> to vector<1000x128xf32>
    %mul3A_23 = arith.mulf %mul3A_18, %mul3A_22 : vector<1000x128xf32>
    %get3A_24 = arith.constant 0 : index
    %get3A_25 = arith.constant 0 : index
    %get3A_26 = vector.load %arg5[%get3A_24, %get3A_25] : memref<1x128xf32, #tpu.memory_space<vmem>>, vector<1x128xf32>
    %add3A_27 = vector.broadcast %get3A_26 : vector<1x128xf32> to vector<1000x128xf32>
    %add3A_28 = arith.addf %mul3A_23, %add3A_27 : vector<1000x128xf32>
    %get3A_29 = arith.constant 0 : index
    %get3A_30 = arith.constant 0 : index
    %get3A_31 = vector.load %arg3[%get3A_29, %get3A_30] : memref<1000x128xf32, #tpu.memory_space<vmem>>, vector<1000x128xf32>
    %add3A_32 = arith.addf %get3A_31, %add3A_28 : vector<1000x128xf32>
    %swap3A = arith.constant 0 : index
    %swap3A_33 = arith.constant 0 : index
    %swap3A_34 = vector.load %arg6[%swap3A, %swap3A_33] : memref<1000x128xf32, #tpu.memory_space<vmem>>, vector<1000x128xf32>
    tpu.vector_store %arg6[%swap3A, %swap3A_33], %add3A_32 {strides = array<i32>} : memref<1000x128xf32, #tpu.memory_space<vmem>>, vector<1000x128xf32>,
    return
  }
  func.func @transform_0(%arg0: i32) -> (i32, i32) {
    %c0_i32 = arith.constant 0 : i32
    %c0_i32_0 = arith.constant 0 : i32
    return %arg0, %c0_i32 : i32, i32
  }
  func.func @transform_1(%arg0: i32) -> (i32, i32) {
    %c0_i32 = arith.constant 0 : i32
    %c0_i32_0 = arith.constant 0 : i32
    %c0_i32_1 = arith.constant 0 : i32
    return %c0_i32, %c0_i32_0 : i32, i32
  }
  func.func @transform_2(%arg0: i32) -> (i32, i32) {
    %c0_i32 = arith.constant 0 : i32
    %c0_i32_0 = arith.constant 0 : i32
    return %arg0, %c0_i32 : i32, i32
  }
  func.func @transform_3(%arg0: i32) -> (i32, i32) {
    %c0_i32 = arith.constant 0 : i32
    %c0_i32_0 = arith.constant 0 : i32
    %c0_i32_1 = arith.constant 0 : i32
    return %c0_i32, %c0_i32_0 : i32, i32
  }
  func.func @transform_4(%arg0: i32) -> (i32, i32) {
    %c0_i32 = arith.constant 0 : i32
    %c0_i32_0 = arith.constant 0 : i32
    %c0_i32_1 = arith.constant 0 : i32
    return %c0_i32, %c0_i32_0 : i32, i32
  }
  func.func @transform_5(%arg0: i32) -> (i32, i32) {
    %c0_i32 = arith.constant 0 : i32
    %c0_i32_0 = arith.constant 0 : i32
    return %arg0, %c0_i32 : i32, i32
  }
}

</mosaic_0001>

<sc_bundles>
// kernel: kernel.6.cloned.1.call-start
scs
__scs_entry_jumppad:
0x0: {  	(pc) =	sbr.rel $0x88, $3  }
0x1: {  	(tag) =	ssettag $0x0;
	lr =	simm.s32 $0x1  }
0x2: {  	[smem:$0x3F97] =	sst lr;
	_ =	strace $0xD0000000  }
0x3: {  	_ = 	snop  }
0x4: {  	_ = 	snop  }
0x5: {  	_ = 	snop  }
0x6: {  	_ = 	snop  }
0x7: {  	_ = 	snop  }
__scs_overlays_trampoline_lowered:
0x8: {  	[smem:$0x3FA6] =	sst s0  }
0x9: {  	[smem:$0x3FA7] =	sst s1  }
0xa: {  	[smem:$0x3FA8] =	sst s2  }
0xb: {  	[smem:$0x3FA9] =	sst s3  }
0xc: {  	[smem:$0x3FAA] =	sst s4  }
0xd: {  	[smem:$0x3FAB] =	sst s5  }
0xe: {  	[smem:$0x3FAC] =	sst s6  }
0xf: {  	[smem:$0x3FAD] =	sst s7  }
0x10: {  	[smem:$0x3FAE] =	sst s8  }
0x11: {  	[smem:$0x3FAF] =	sst s9;
	s0 =	simm.s32 @!p0 $0x0  }
0x12: {  	s1 =	sld [smem:$0x3F95];
	s0 =	simm.s32 @p0 $0x1  }
0x13: {  	[smem:$0x3FB0] =	sst s0;
	s0 =	simm.s32 @!p1 $0x0  }
0x14: {  	s2 =	sld [smem:$0x3F94];
	s0 =	simm.s32 @p1 $0x1  }
0x15: {  	[smem:$0x3FB1] =	sst s0;
	s0 =	simm.s32 @!p2 $0x0  }
0x16: {  	s3 =	sld [smem:$0x3FDB];
	s0 =	simm.s32 @p2 $0x1  }
0x17: {  	s4 =	simm.s32 $0x1BF5;
	[smem:$0x3FB3] =	sst s0  }
0x18: {  	s0 =	sld [smem:$0x3F96];
	_ =	swait.ge [sflag:s4], $0x0  }
0x19: {  	s7 =	sld [smem:$0x3F97]  }
0x1a: {  	s8 =	sadd.s32 $0xFFFFE003, lr  }
0x1b: {  	s9 =	sadd.s32 $0xFFFFFEF7, lr;
	s5 =	simm.s32 $0xFFFFFFFF;
	p2 =	slt.u32 s8, $0xFFFFF086  }
0x1c: {  	p1 =	slt.u32 s9, $0xF7A;
	s5 =	simm.s32 @!p2 $0x0  }
0x1d: {  	s5 =	simm.s32 @p1 $0x1;
	p0 =	seq.s32 s7, s2  }
0x1e: {  	s7 =	smul.u32 @!p0 $0xF7A, s2;
	p2 =	seq.s32 @!p0 s5, $0x0  }
0x1f: {  	s9 =	smul.u32 $0xF7A, s1;
	s8 =	simm.s32 @!p0 $0x1BF5;
	p2 =	por !p2, p0  }
0x20: {  	[sflag:s8] =	ssyncset.s32 @!p0 $0xFFFFF086;
	s6 =	sadd.s32 @!p0 s3, s7;
	s7 =	simm.s32 @!p0 $0x108  }
0x21: {  	s3 =	sadd.s32 s3, s9;
	s6 =	sadd.s32 @!p0 $0x88, s6;
	s7 =	simm.s32 @p2 $0x1082  }
0x22: {  	[simem:s7], [sflag:s8] =	dma.local @!p0 [hbm:s6], $0xF7A  }
0x23: {  	s9 =	sor.u32 $0xD0000000, s2;
	s6 =	simm.s32 $0x108;
	_ =	swait.ge @!p0 [sflag:s8], $0x0  }
0x24: {  	s3 =	sadd.s32 $0x88, s3;
	s6 =	simm.s32 @!p1 $0x1082;
	[sflag:s4] =	ssyncset.s32 $0xFFFFF086  }
0x25: {  	[simem:s6], [sflag:s4] =	dma.local [hbm:s3], $0xF7A  }
0x26: {  	[smem:$0x3F97] =	sst s1;
	(tag) =	ssettag s2;
	_ =	strace s9  }
0x27: {  	s1 =	sld [smem:$0x3FA7]  }
0x28: {  	s2 =	sld [smem:$0x3FA8]  }
0x29: {  	s4 =	sld [smem:$0x3FAA]  }
0x2a: {  	p0 =	seq.s32 s5, $0x0;
	s5 =	sld [smem:$0x3FAB]  }
0x2b: {  	s6 =	sld [smem:$0x3FAC]  }
0x2c: {  	s7 =	sld [smem:$0x3FAD]  }
0x2d: {  	s3 =	simm.s32 $0x108;
	s8 =	sld [smem:$0x3FAE]  }
0x2e: {  	s3 =	simm.s32 @!p0 $0x1082;
	s9 =	sld [smem:$0x3FAF]  }
0x2f: {  	lr =	sadd.s32 s0, s3;
	s0 =	sld [smem:$0x3FA6]  }
0x30: {  	s3 =	sld [smem:$0x3FA9]  }
0x31: {  	[smem:$0x3FB2] =	sst s10  }
0x32: {  	s10 =	sld [smem:$0x3FB0];
	_ =	sdelay $0x3  }
0x33: {  	p0 =	seq.s32 s10, $0x1;
	s10 =	sld [smem:$0x3FB2];
	_ =	sdelay $0x3  }
0x34: {  	[smem:$0x3FB2] =	sst s10  }
0x35: {  	s10 =	sld [smem:$0x3FB1];
	_ =	sdelay $0x3  }
0x36: {  	p1 =	seq.s32 s10, $0x1;
	s10 =	sld [smem:$0x3FB2];
	_ =	sdelay $0x3  }
0x37: {  	[smem:$0x3FB2] =	sst s10  }
0x38: {  	s10 =	sld [smem:$0x3FB3]  }
0x39: {  	_ = 	snop;
	(pc) =	sbr.ind lr, $3  }
0x3a: {  	_ = 	snop  }
0x3b: {  	_ = 	snop  }
0x3c: {  	p2 =	seq.s32 s10, $0x1;
	s10 =	sld [smem:$0x3FB2]  }
0x3d: {  	_ =	shalt  }
0x3e: {  	_ =	shalt  }
0x3f: {  	_ =	shalt  }
0x40: {  	_ =	shalt  }
0x41: {  	_ =	shalt  }
0x42: {  	_ =	shalt  }
0x43: {  	_ =	shalt  }
0x44: {  	_ =	shalt  }
0x45: {  	_ =	shalt  }
0x46: {  	_ =	shalt  }
0x47: {  	_ =	shalt  }
0x48: {  	_ =	shalt  }
0x49: {  	_ =	shalt  }
0x4a: {  	_ =	shalt  }
0x4b: {  	_ =	shalt  }
0x4c: {  	_ =	shalt  }
0x4d: {  	_ =	shalt  }
0x4e: {  	_ =	shalt  }
0x4f: {  	_ =	shalt  }
0x50: {  	_ =	shalt  }
0x51: {  	_ =	shalt  }
0x52: {  	_ =	shalt  }
0x53: {  	_ =	shalt  }
0x54: {  	_ =	shalt  }
0x55: {  	_ =	shalt  }
0x56: {  	_ =	shalt  }
0x57: {  	_ =	shalt  }
0x58: {  	_ =	shalt  }
0x59: {  	_ =	shalt  }
0x5a: {  	_ =	shalt  }
0x5b: {  	_ =	shalt  }
0x5c: {  	_ =	shalt  }
0x5d: {  	_ =	shalt  }
0x5e: {  	_ =	shalt  }
0x5f: {  	_ =	shalt  }
0x60: {  	_ =	shalt  }
0x61: {  	_ =	shalt  }
0x62: {  	_ =	shalt  }
0x63: {  	_ =	shalt  }
0x64: {  	_ =	shalt  }
0x65: {  	_ =	shalt  }
0x66: {  	_ =	shalt  }
0x67: {  	_ =	shalt  }
0x68: {  	_ =	shalt  }
0x69: {  	_ =	shalt  }
0x6a: {  	_ =	shalt  }
0x6b: {  	_ =	shalt  }
0x6c: {  	_ =	shalt  }
0x6d: {  	_ =	shalt  }
0x6e: {  	_ =	shalt  }
0x6f: {  	_ =	shalt  }
0x70: {  	_ =	shalt  }
0x71: {  	_ =	shalt  }
0x72: {  	_ =	shalt  }
0x73: {  	_ =	shalt  }
0x74: {  	_ =	shalt  }
0x75: {  	_ =	shalt  }
0x76: {  	_ =	shalt  }
0x77: {  	_ =	shalt  }
0x78: {  	_ =	shalt  }
0x79: {  	_ =	shalt  }
0x7a: {  	_ =	shalt  }
0x7b: {  	_ =	shalt  }
0x7c: {  	_ =	shalt  }
0x7d: {  	_ =	shalt  }
0x7e: {  	_ =	shalt  }
0x7f: {  	_ =	shalt  }
0x80: {  	_ =	shalt  }
0x81: {  	_ =	shalt  }
0x82: {  	_ =	shalt  }
0x83: {  	_ =	shalt  }
0x84: {  	_ =	shalt  }
0x85: {  	_ =	shalt  }
0x86: {  	_ =	shalt  }
0x87: {  	_ =	shalt  }
.Lfunc_end0:
.L_simem_size_0:
called_computation_lowered:
.L_overlay_start_0:
0x88: {  	s2 =	sld [smem:$0x3FD9]  }
0x89: {  	s3 =	sld [smem:$0x3FFE];
	_ =	sdelay $0x1  }
0x8a: {  	s1 =	srdreg.scid  }
0x8b: {  	s0 =	sand.u32 $0x1, s1  }
0x8c: {  	s17 =	sshll.u32 s0, $0xA;
	s2 =	sadd.s32 s3, s2  }
0x8d: {  	s2 =	sadd.s32 s2, s17  }
0x8e: {  	[smem:$0x3FBE] =	sst s2  }
0x8f: {  	_ = 	snop  }
0x90: {  	s2 =	sld [smem:$0x3FC9]  }
0x91: {  	s18 =	sld [smem:$0x3FD0];
	(tm) =	ssettm $0x1  }
0x92: {  	s4 =	sld [smem:$0x3FFB];
	_ =	sdelay $0x3  }
0x93: {  	_ =	strace s4  }
0x94: {  	s4 =	sld [smem:$0x3FFC];
	_ =	sdelay $0x3  }
0x95: {  	_ =	strace s4  }
0x96: {  	s4 =	sld [smem:$0x3FFD];
	_ =	sdelay $0x3  }
0x97: {  	_ =	strace s4  }
0x98: {  	_ =	strace $0x8FFFFFFF  }
0x99: {  	s19 =	sld [smem:$0x3FDB];
	_ =	sdelay $0x1  }
0x9a: {  	s5 =	simm.s32 $_scs_section_size  }
0x9b: {  	s6 =	simm.s32 $_size__tile_overlayer_lowered;
	s7 =	simm.s32 $_tile_overlayer_lowered  }
0x9c: {  	s22 =	simm.s32 $0x1BFF;
	s21 =	sshll.u32 s7, $0x1;
	s4 =	sadd.s32 s5, s19  }
0x9d: {  	s8 =	simm.s32 $0x0;
	s20 =	sshll.u32 s6, $0x1;
	s6 =	sadd.s32 s21, s4  }
0x9e: {  	[timem:s8], [sflag:s22] =	dma.local [hbm:s6], s20  }
0x9f: {  	_ =	swait.ge [sflag:s22], s20  }
0xa0: {  	s5 =	ssub.s32 $0x0, s20;
	[sflag:s22] =	ssyncset.done $0x0  }
0xa1: {  	[sflag:s22] =	ssyncadd.s32 s5;
	_ =	sdelay $0x1  }
0xa2: {  	s23 =	simm.s32 $0x1B8B  }
0xa3: {  	_ =	swait.ge [sflag:s23], $0x1  }
0xa4: {  	[sflag:s23] =	ssyncset.done $0x0  }
0xa5: {  	s25 =	simm.s32 $0x1B8E;
	s24 =	sld [smem:$0x3FFE];
	[sflag:s23] =	ssyncadd.s32 $0xFFFFFFFF  }
0xa6: {  	s26 =	simm.s32 $execute0_lowered;
	[smem:$0x3FD2] =	sst s25  }
0xa7: {  	s6 =	sshll.u32 s26, $0x1;
	_ =	strace $0x80000046;
	[dreg:$0x1] =	wrdreg $0xFFFFFFFF  }
0xa8: {  	s28 =	simm.s32 $_size_execute0_lowered;
	s4 =	sadd.s32 s4, s6;
	[dreg:$0x0] =	wrdreg $0x0  }
0xa9: {  	s6 =	sshll.u32 s28, $0x1;
	[dreg:$0x2] =	wrdreg s4  }
0xaa: {  	[dreg:$0x3] =	wrdreg s6  }
0xab: {  	[dreg:$0x4] =	wrdreg $0xC0  }
0xac: {  	_ =	task [dreg:s8], $0x5FFFF  }
0xad: {  	[dreg:$0x1] =	wrdreg $0xFFFFFFFF  }
0xae: {  	[dreg:$0x0] =	wrdreg $0x60  }
0xaf: {  	[dreg:$0x2] =	wrdreg s2  }
0xb0: {  	[dreg:$0x3] =	wrdreg s24  }
0xb1: {  	[dreg:$0x4] =	wrdreg s18  }
0xb2: {  	[dreg:$0x5] =	wrdreg $0x0  }
0xb3: {  	[dreg:$0x6] =	wrdreg $0x9  }
0xb4: {  	_ =	task.clear_ibuf [dreg:s8], $0x7FFFF;
	_ =	strace $0x90000046  }
0xb5: {  	s29 =	simm.s32 $0x9;
	_ =	strace $0x80000048  }
0xb6: {  	_ =	swait.ge [sflag:s29], $0x1  }
0xb7: {  	[sflag:s29] =	ssyncadd.s32 $0xFFFFFFFF  }
0xb8: {  	_ =	strace $0x90000048  }
0xb9: {  	_ =	sfence  }
0xba: {  	s30 =	sld [smem:$0x0];
	_ =	sdelay $0x2  }
0xbb: {  	s31 =	sshll.u32 s1, $0xD;
	s1 =	sshrl.u32 s1, $0x2  }
0xbc: {  	s3 =	sand.u32 $0x4000, s31;
	s1 =	sadd.s32 s1, s30  }
0xbd: {  	s0 =	sor.u32 s3, s0;
	s1 =	sshll.u32 s1, $0x11  }
0xbe: {  	s0 =	sor.u32 s1, s0  }
0xbf: {  	s0 =	sadd.s32 $0x8F2B, s0  }
0xc0: {  	[sflag:s0] =	ssyncadd.remote.s32 $0x1  }
0xc1: {  	_ =	sfence.sel $0xFFFF  }
0xc2: {  	[dreg:$0x0] =	wrdreg $0xFFFFFFFF;
	(pc) =	sbr.abs _section_cstart, $3  }
0xc3: {  	[dreg:$0x1] =	wrdreg $0xFFFFFFFF  }
0xc4: {  	_ =	task.clear_ibuf [dreg:s8], $0x2FFFF;
	_ =	strace $0x9FFFFFFF  }
0xc5: {  	(tm) =	ssettm $0x7FFFFFFF  }
tec
execute0_lowered:
.L_overlay_start_1:
0x0: {  	(tag) =	ssettag $0x1  }
0x1: {  	s1 =	rddreg [dreg:$0x0]  }
0x2: {  	s0 =	rddreg [dreg:$0x1];
	s10 =	stileid.u32  }
0x3: {  	s30 =	rddreg [dreg:$0x2];
	s7 =	smul.u32 $0x4F000, s10  }
0x4: {  	s4 =	rddreg [dreg:$0x3];
	s5 =	simm.s32 $0x0;
	s2 =	srdreg.scid  }
0x5: {  	[smem:$0x7FF] =	sst s5;
	s11 =	sadd.s32 $0x4E3400, s0;
	s7 =	sshrl.u32 s7, $0x2  }
0x6: {  	_ =	strace $0x80000047;
	[dreg:$0x5] =	wrdreg s11;
	s12 =	sadd.s32 s7, s4  }
0x7: {  	s28 =	simm.s32 $0x1E000;
	s7 =	sadd.s32 $0x1400, s12;
	[dreg:$0x6] =	wrdreg s12  }
0x8: {  	s29 =	simm.s32 $0x5;
	s22 =	sadd.s32 $0x2800, s12;
	[dreg:$0x7] =	wrdreg s7  }
0x9: {  	s3 =	smul.u32 $0x2780, s10;
	s23 =	sadd.s32 $0x3C00, s12;
	[dreg:$0x8] =	wrdreg s22  }
0xa: {  	s2 =	sand.u32 $0x1, s2;
	s24 =	sadd.s32 $0x5000, s12;
	[dreg:$0x9] =	wrdreg s23  }
0xb: {  	s8 =	smul.u32 $0x27800, s2;
	s25 =	sadd.s32 $0x6400, s12;
	[dreg:$0xa] =	wrdreg s24  }
0xc: {  	s9 =	ssub.s32 $0x2, s2;
	s26 =	sadd.s32 $0x7800, s12;
	[dreg:$0xb] =	wrdreg s25  }
0xd: {  	s19 =	sshrl.u32 s9, $0x1;
	s31 =	sadd.s32 $0x8C00, s12;
	[dreg:$0xc] =	wrdreg s26  }
0xe: {  	s3 =	sadd.s32 s3, s8;
	s8 =	sadd.s32 $0xA000, s12;
	[dreg:$0xd] =	wrdreg s31  }
0xf: {  	s20 =	ssub.s32 s9, s19;
	s9 =	sadd.s32 $0xB400, s12;
	[dreg:$0xe] =	wrdreg s8  }
0x10: {  	s6 =	sadd.s32 $0x503400, s0;
	s13 =	sadd.s32 $0xC800, s12;
	[dreg:$0xf] =	wrdreg s9  }
0x11: {  	s21 =	smul.u32 $0x4E200, s2;
	s14 =	sadd.s32 $0xDC00, s12;
	[dreg:$0x10] =	wrdreg s13  }
0x12: {  	s17 =	sshll.u32 s2, $0x6;
	s15 =	sadd.s32 $0xF000, s12;
	[dreg:$0x11] =	wrdreg s14  }
0x13: {  	s0 =	sadd.s32 s3, s0;
	s16 =	smax.u32 s20, $0x1;
	[dreg:$0x12] =	wrdreg s15  }
0x14: {  	s18 =	sadd.s32 $0x10400, s12;
	s19 =	sadd.s32 $0x11800, s12;
	[dreg:$0x14] =	wrdreg s16  }
0x15: {  	s20 =	sadd.s32 $0x12C00, s12;
	s3 =	simm.s32 $0x2;
	[dreg:$0x15] =	wrdreg s18  }
0x16: {  	s0 =	sadd.s32 $0x1400, s0;
	s24 =	sor.u32 $0x17C80, s17;
	[dreg:$0x16] =	wrdreg s19  }
0x17: {  	s25 =	sor.u32 $0x190B0, s17;
	[dreg:$0x17] =	wrdreg s20;
	s22 =	sshll.u32 s10, $0xD  }
0x18: {  	s23 =	sshll.u32 s10, $0x9;
	s9 =	sor.u32 $0x50, s21;
	s8 =	simm.s32 $0x7  }
0x19: {  	s14 =	simm.s32 $0x1;
	s17 =	simm.s32 $0x28;
	[dreg:$0x13] =	wrdreg s0  }
0x1a: {  	s20 =	simm.s32 $0x19000;
	s7 =	simm.s32 $0x0;
	[dreg:$0x19] =	wrdreg s23  }
0x1b: {  	s26 =	sadd.s32 s30, s22;
	s31 =	sadd.s32 s11, s22;
	[dreg:$0x18] =	wrdreg s22  }
0x1c: {  	s0 =	sor.u32 $0x400, s22;
	s11 =	simm.s32 $0x1CC00;
	[dreg:$0x1a] =	wrdreg s26  }
0x1d: {  	s22 =	simm.s32 $0x1B800;
	s23 =	simm.s32 $0x3;
	[dreg:$0x1b] =	wrdreg s31  }
0x1e: {  	v0 =	vimm.f32 $0.0e+00;
	[dreg:$0x1c] =	wrdreg s0;
	s26 =	simm.s32 $0x4;
	s0 =	simm.s32 $0x6  }
.LBB2_1:
0x1f: {  	[dreg:$0x1d] =	wrdreg s7;
	s2 =	simm.s32 $0x0;
	s7 =	simm.s32 $0x40  }
.LBB2_2:
0x20: {  	p0 =	sne.s32 s7, $0x1C0;
	[tilespmem:s2+$0x1F380] =	vst v0  }
0x21: {  	[tilespmem:s2+$0x1CC00] =	vst v0  }
0x22: {  	[tilespmem:s2+$0x1E000] =	vst v0  }
0x23: {  	[tilespmem:s2+$0x1CC80] =	vst v0  }
0x24: {  	[tilespmem:s2+$0x1E080] =	vst v0  }
0x25: {  	[tilespmem:s2+$0x1CD00] =	vst v0  }
0x26: {  	[tilespmem:s2+$0x1E100] =	vst v0  }
0x27: {  	[tilespmem:s2+$0x1CD80] =	vst v0  }
0x28: {  	[tilespmem:s2+$0x1E180] =	vst v0  }
0x29: {  	[tilespmem:s2+$0x1CE00] =	vst v0  }
0x2a: {  	[tilespmem:s2+$0x1E200] =	vst v0  }
0x2b: {  	[tilespmem:s2+$0x1CE80] =	vst v0  }
0x2c: {  	[tilespmem:s2+$0x1E280] =	vst v0  }
0x2d: {  	[tilespmem:s2+$0x1CF00] =	vst v0  }
0x2e: {  	[tilespmem:s2+$0x1E300] =	vst v0  }
0x2f: {  	[tilespmem:s2+$0x1CF80] =	vst v0  }
0x30: {  	[tilespmem:s2+$0x1E380] =	vst v0  }
0x31: {  	[tilespmem:s2+$0x1D000] =	vst v0  }
0x32: {  	[tilespmem:s2+$0x1E400] =	vst v0  }
0x33: {  	[tilespmem:s2+$0x1D080] =	vst v0  }
0x34: {  	[tilespmem:s2+$0x1E480] =	vst v0  }
0x35: {  	[tilespmem:s2+$0x1D100] =	vst v0  }
0x36: {  	[tilespmem:s2+$0x1E500] =	vst v0  }
0x37: {  	[tilespmem:s2+$0x1D180] =	vst v0  }
0x38: {  	[tilespmem:s2+$0x1E580] =	vst v0  }
0x39: {  	[tilespmem:s2+$0x1D200] =	vst v0  }
0x3a: {  	[tilespmem:s2+$0x1E600] =	vst v0  }
0x3b: {  	[tilespmem:s2+$0x1D280] =	vst v0  }
0x3c: {  	[tilespmem:s2+$0x1E680] =	vst v0  }
0x3d: {  	[tilespmem:s2+$0x1D300] =	vst v0  }
0x3e: {  	[tilespmem:s2+$0x1E700] =	vst v0  }
0x3f: {  	[tilespmem:s2+$0x1D380] =	vst v0  }
0x40: {  	[tilespmem:s2+$0x1E780] =	vst v0  }
0x41: {  	[tilespmem:s2+$0x1D400] =	vst v0  }
0x42: {  	[tilespmem:s2+$0x1E800] =	vst v0  }
0x43: {  	[tilespmem:s2+$0x1D480] =	vst v0  }
0x44: {  	[tilespmem:s2+$0x1E880] =	vst v0  }
0x45: {  	[tilespmem:s2+$0x1D500] =	vst v0  }
0x46: {  	[tilespmem:s2+$0x1E900] =	vst v0  }
0x47: {  	[tilespmem:s2+$0x1D580] =	vst v0  }
0x48: {  	[tilespmem:s2+$0x1E980] =	vst v0  }
0x49: {  	[tilespmem:s2+$0x1D600] =	vst v0  }
0x4a: {  	[tilespmem:s2+$0x1EA00] =	vst v0  }
0x4b: {  	[tilespmem:s2+$0x1D680] =	vst v0  }
0x4c: {  	[tilespmem:s2+$0x1EA80] =	vst v0  }
0x4d: {  	[tilespmem:s2+$0x1D700] =	vst v0  }
0x4e: {  	[tilespmem:s2+$0x1EB00] =	vst v0  }
0x4f: {  	[tilespmem:s2+$0x1D780] =	vst v0  }
0x50: {  	[tilespmem:s2+$0x1EB80] =	vst v0  }
0x51: {  	[tilespmem:s2+$0x1D800] =	vst v0  }
0x52: {  	[tilespmem:s2+$0x1EC00] =	vst v0  }
0x53: {  	[tilespmem:s2+$0x1D880] =	vst v0  }
0x54: {  	[tilespmem:s2+$0x1EC80] =	vst v0  }
0x55: {  	[tilespmem:s2+$0x1D900] =	vst v0  }
0x56: {  	[tilespmem:s2+$0x1ED00] =	vst v0  }
0x57: {  	[tilespmem:s2+$0x1D980] =	vst v0  }
0x58: {  	[tilespmem:s2+$0x1ED80] =	vst v0  }
0x59: {  	[tilespmem:s2+$0x1DA00] =	vst v0  }
0x5a: {  	[tilespmem:s2+$0x1EE00] =	vst v0  }
0x5b: {  	[tilespmem:s2+$0x1DA80] =	vst v0  }
0x5c: {  	[tilespmem:s2+$0x1EE80] =	vst v0  }
0x5d: {  	[tilespmem:s2+$0x1DB00] =	vst v0  }
0x5e: {  	[tilespmem:s2+$0x1EF00] =	vst v0  }
0x5f: {  	[tilespmem:s2+$0x1DB80] =	vst v0  }
0x60: {  	[tilespmem:s2+$0x1EF80] =	vst v0  }
0x61: {  	[tilespmem:s2+$0x1DC00] =	vst v0  }
0x62: {  	[tilespmem:s2+$0x1F000] =	vst v0  }
0x63: {  	[tilespmem:s2+$0x1DC80] =	vst v0  }
0x64: {  	[tilespmem:s2+$0x1F080] =	vst v0  }
0x65: {  	[tilespmem:s2+$0x1DD00] =	vst v0  }
0x66: {  	[tilespmem:s2+$0x1F100] =	vst v0  }
0x67: {  	[tilespmem:s2+$0x1DD80] =	vst v0  }
0x68: {  	[tilespmem:s2+$0x1F180] =	vst v0  }
0x69: {  	[tilespmem:s2+$0x1DE00] =	vst v0  }
0x6a: {  	[tilespmem:s2+$0x1F200] =	vst v0  }
.Ltmp0:
0x6b: {  	[tilespmem:s2+$0x1DE80] =	vst v0;
	(pc) =	sbr.rel @p0 .LBB2_2-.Ltmp0, $4  }
0x6c: {  	[tilespmem:s2+$0x1F280] =	vst v0  }
0x6d: {  	[tilespmem:s2+$0x1DF00] =	vst v0  }
0x6e: {  	[tilespmem:s2+$0x1F300] =	vst v0  }
0x6f: {  	[tilespmem:s2+$0x1DF80] =	vst v0;
	s2 =	sshra.s32 s7, $0x2;
	s7 =	sadd.s32 $0x40, s7  }
0x70: {  	[tilespmem:s2+$0x1F380] =	vst v0  }
0x71: {  	[tilespmem:s2+$0x1CC00] =	vst v0  }
0x72: {  	[tilespmem:s2+$0x1E000] =	vst v0  }
0x73: {  	[tilespmem:s2+$0x1CC80] =	vst v0  }
0x74: {  	[tilespmem:s2+$0x1E080] =	vst v0  }
0x75: {  	[tilespmem:s2+$0x1CD00] =	vst v0  }
0x76: {  	[tilespmem:s2+$0x1E100] =	vst v0  }
0x77: {  	[tilespmem:s2+$0x1CD80] =	vst v0  }
0x78: {  	[tilespmem:s2+$0x1E180] =	vst v0  }
0x79: {  	[tilespmem:s2+$0x1CE00] =	vst v0  }
0x7a: {  	[tilespmem:s2+$0x1E200] =	vst v0  }
0x7b: {  	[tilespmem:s2+$0x1CE80] =	vst v0  }
0x7c: {  	[tilespmem:s2+$0x1E280] =	vst v0  }
0x7d: {  	[tilespmem:s2+$0x1CF00] =	vst v0  }
0x7e: {  	[tilespmem:s2+$0x1E300] =	vst v0  }
0x7f: {  	[tilespmem:s2+$0x1CF80] =	vst v0  }
0x80: {  	[tilespmem:s2+$0x1E380] =	vst v0  }
0x81: {  	[tilespmem:s2+$0x1D000] =	vst v0  }
0x82: {  	[tilespmem:s2+$0x1E400] =	vst v0  }
0x83: {  	[tilespmem:s2+$0x1D080] =	vst v0  }
0x84: {  	[tilespmem:s2+$0x1E480] =	vst v0  }
0x85: {  	[tilespmem:s2+$0x1D100] =	vst v0  }
0x86: {  	[tilespmem:s2+$0x1E500] =	vst v0  }
0x87: {  	[tilespmem:s2+$0x1D180] =	vst v0  }
0x88: {  	[tilespmem:s2+$0x1E580] =	vst v0  }
0x89: {  	[tilespmem:s2+$0x1D200] =	vst v0  }
0x8a: {  	[tilespmem:s2+$0x1E600] =	vst v0  }
0x8b: {  	[tilespmem:s2+$0x1D280] =	vst v0  }
0x8c: {  	[tilespmem:s2+$0x1E680] =	vst v0  }
0x8d: {  	[tilespmem:s2+$0x1D300] =	vst v0  }
0x8e: {  	[tilespmem:s2+$0x1E700] =	vst v0  }
0x8f: {  	[tilespmem:s2+$0x1D380] =	vst v0  }
0x90: {  	[tilespmem:s2+$0x1E780] =	vst v0  }
0x91: {  	[tilespmem:s2+$0x1D400] =	vst v0  }
0x92: {  	[tilespmem:s2+$0x1E800] =	vst v0  }
0x93: {  	[tilespmem:s2+$0x1D480] =	vst v0  }
0x94: {  	[tilespmem:s2+$0x1E880] =	vst v0  }
0x95: {  	[tilespmem:s2+$0x1D500] =	vst v0  }
0x96: {  	[tilespmem:s2+$0x1E900] =	vst v0  }
0x97: {  	[tilespmem:s2+$0x1D580] =	vst v0  }
0x98: {  	[tilespmem:s2+$0x1E980] =	vst v0  }
0x99: {  	[tilespmem:s2+$0x1D600] =	vst v0  }
0x9a: {  	[tilespmem:s2+$0x1EA00] =	vst v0  }
0x9b: {  	[tilespmem:s2+$0x1D680] =	vst v0  }
0x9c: {  	[tilespmem:s2+$0x1EA80] =	vst v0  }
0x9d: {  	[tilespmem:s2+$0x1D700] =	vst v0  }
0x9e: {  	[tilespmem:s2+$0x1EB00] =	vst v0  }
0x9f: {  	[tilespmem:s2+$0x1D780] =	vst v0  }
0xa0: {  	[tilespmem:s2+$0x1EB80] =	vst v0  }
0xa1: {  	[tilespmem:s2+$0x1D800] =	vst v0  }
0xa2: {  	[tilespmem:s2+$0x1EC00] =	vst v0  }
0xa3: {  	[tilespmem:s2+$0x1D880] =	vst v0  }
0xa4: {  	[tilespmem:s2+$0x1EC80] =	vst v0  }
0xa5: {  	[tilespmem:s2+$0x1D900] =	vst v0  }
0xa6: {  	[tilespmem:s2+$0x1ED00] =	vst v0  }
0xa7: {  	[tilespmem:s2+$0x1D980] =	vst v0  }
0xa8: {  	[tilespmem:s2+$0x1ED80] =	vst v0  }
0xa9: {  	[tilespmem:s2+$0x1DA00] =	vst v0  }
0xaa: {  	[tilespmem:s2+$0x1EE00] =	vst v0  }
0xab: {  	[tilespmem:s2+$0x1DA80] =	vst v0  }
0xac: {  	[tilespmem:s2+$0x1EE80] =	vst v0  }
0xad: {  	[tilespmem:s2+$0x1DB00] =	vst v0  }
0xae: {  	[tilespmem:s2+$0x1EF00] =	vst v0  }
0xaf: {  	[tilespmem:s2+$0x1DB80] =	vst v0  }
0xb0: {  	[tilespmem:s2+$0x1EF80] =	vst v0  }
0xb1: {  	[tilespmem:s2+$0x1DC00] =	vst v0  }
0xb2: {  	[tilespmem:s2+$0x1F000] =	vst v0  }
0xb3: {  	[tilespmem:s2+$0x1DC80] =	vst v0  }
0xb4: {  	[tilespmem:s2+$0x1F080] =	vst v0  }
0xb5: {  	[tilespmem:s2+$0x1DD00] =	vst v0  }
0xb6: {  	[tilespmem:s2+$0x1F100] =	vst v0  }
0xb7: {  	[tilespmem:s2+$0x1DD80] =	vst v0  }
0xb8: {  	[tilespmem:s2+$0x1F180] =	vst v0  }
0xb9: {  	[tilespmem:s2+$0x1DE00] =	vst v0  }
0xba: {  	[tilespmem:s2+$0x1F200] =	vst v0  }
0xbb: {  	[tilespmem:s2+$0x1DE80] =	vst v0  }
0xbc: {  	[tilespmem:s2+$0x1F280] =	vst v0  }
0xbd: {  	[tilespmem:s2+$0x1DF00] =	vst v0  }
0xbe: {  	[tilespmem:s2+$0x1F300] =	vst v0  }
0xbf: {  	[tilespmem:s2+$0x1DF80] =	vst v0  }
0xc0: {  	[spmem:s12] =	stream.linear.scatter [tilespmem:s11], [sflag:$0x7], $0x1400, $0x38;
	[tilespmem:$0x1F400] =	vst v63  }
0xc1: {  	_ =	swait.ge [sflag:s8], $0x1400  }
0xc2: {  	[sflag:s8] =	ssyncset.done $0x0  }
0xc3: {  	s31 =	rddreg [dreg:$0x7];
	[sflag:s8] =	ssyncadd.s32 $0xFFFFEC00  }
0xc4: {  	[spmem:s31] =	stream.linear.scatter [tilespmem:s11], [sflag:$0x7], $0x1400, $0x38;
	[tilespmem:$0x1F400] =	vst v63  }
0xc5: {  	_ =	swait.ge [sflag:s8], $0x1400  }
0xc6: {  	[sflag:s8] =	ssyncset.done $0x0  }
0xc7: {  	s7 =	rddreg [dreg:$0x8];
	[sflag:s8] =	ssyncadd.s32 $0xFFFFEC00  }
0xc8: {  	[spmem:s7] =	stream.linear.scatter [tilespmem:s11], [sflag:$0x7], $0x1400, $0x38;
	[tilespmem:$0x1F400] =	vst v63  }
0xc9: {  	_ =	swait.ge [sflag:s8], $0x1400  }
0xca: {  	[sflag:s8] =	ssyncset.done $0x0  }
0xcb: {  	s10 =	rddreg [dreg:$0x9];
	[sflag:s8] =	ssyncadd.s32 $0xFFFFEC00  }
0xcc: {  	[spmem:s10] =	stream.linear.scatter [tilespmem:s11], [sflag:$0x7], $0x1400, $0x38;
	[tilespmem:$0x1F400] =	vst v63  }
0xcd: {  	_ =	swait.ge [sflag:s8], $0x1400  }
0xce: {  	[sflag:s8] =	ssyncset.done $0x0  }
0xcf: {  	s12 =	rddreg [dreg:$0xa];
	[sflag:s8] =	ssyncadd.s32 $0xFFFFEC00  }
0xd0: {  	[spmem:s12] =	stream.linear.scatter [tilespmem:s11], [sflag:$0x7], $0x1400, $0x38;
	[tilespmem:$0x1F400] =	vst v63  }
0xd1: {  	_ =	swait.ge [sflag:s8], $0x1400  }
0xd2: {  	[sflag:s8] =	ssyncset.done $0x0  }
0xd3: {  	s13 =	rddreg [dreg:$0xb];
	[sflag:s8] =	ssyncadd.s32 $0xFFFFEC00  }
0xd4: {  	[spmem:s13] =	stream.linear.scatter [tilespmem:s11], [sflag:$0x7], $0x1400, $0x38;
	[tilespmem:$0x1F400] =	vst v63  }
0xd5: {  	_ =	swait.ge [sflag:s8], $0x1400  }
0xd6: {  	[sflag:s8] =	ssyncset.done $0x0  }
0xd7: {  	s15 =	rddreg [dreg:$0xc];
	[sflag:s8] =	ssyncadd.s32 $0xFFFFEC00  }
0xd8: {  	[spmem:s15] =	stream.linear.scatter [tilespmem:s11], [sflag:$0x7], $0x1400, $0x38;
	[tilespmem:$0x1F400] =	vst v63  }
0xd9: {  	_ =	swait.ge [sflag:s8], $0x1400  }
0xda: {  	[sflag:s8] =	ssyncset.done $0x0  }
0xdb: {  	s16 =	rddreg [dreg:$0xd];
	[sflag:s8] =	ssyncadd.s32 $0xFFFFEC00  }
0xdc: {  	[spmem:s16] =	stream.linear.scatter [tilespmem:s11], [sflag:$0x7], $0x1400, $0x38;
	[tilespmem:$0x1F400] =	vst v63  }
0xdd: {  	_ =	swait.ge [sflag:s8], $0x1400  }
0xde: {  	[sflag:s8] =	ssyncset.done $0x0  }
0xdf: {  	s18 =	rddreg [dreg:$0xe];
	[sflag:s8] =	ssyncadd.s32 $0xFFFFEC00  }
0xe0: {  	[spmem:s18] =	stream.linear.scatter [tilespmem:s11], [sflag:$0x7], $0x1400, $0x38;
	[tilespmem:$0x1F400] =	vst v63  }
0xe1: {  	_ =	swait.ge [sflag:s8], $0x1400  }
0xe2: {  	[sflag:s8] =	ssyncset.done $0x0  }
0xe3: {  	s19 =	rddreg [dreg:$0xf];
	[sflag:s8] =	ssyncadd.s32 $0xFFFFEC00  }
0xe4: {  	[spmem:s19] =	stream.linear.scatter [tilespmem:s11], [sflag:$0x7], $0x1400, $0x38;
	[tilespmem:$0x1F400] =	vst v63  }
0xe5: {  	_ =	swait.ge [sflag:s8], $0x1400  }
0xe6: {  	[sflag:s8] =	ssyncset.done $0x0  }
0xe7: {  	s31 =	rddreg [dreg:$0x10];
	[sflag:s8] =	ssyncadd.s32 $0xFFFFEC00  }
0xe8: {  	[spmem:s31] =	stream.linear.scatter [tilespmem:s11], [sflag:$0x7], $0x1400, $0x38;
	[tilespmem:$0x1F400] =	vst v63  }
0xe9: {  	_ =	swait.ge [sflag:s8], $0x1400  }
0xea: {  	[sflag:s8] =	ssyncset.done $0x0  }
0xeb: {  	s7 =	rddreg [dreg:$0x11];
	[sflag:s8] =	ssyncadd.s32 $0xFFFFEC00  }
0xec: {  	[spmem:s7] =	stream.linear.scatter [tilespmem:s11], [sflag:$0x7], $0x1400, $0x38;
	[tilespmem:$0x1F400] =	vst v63  }
0xed: {  	_ =	swait.ge [sflag:s8], $0x1400  }
0xee: {  	[sflag:s8] =	ssyncset.done $0x0  }
0xef: {  	s10 =	rddreg [dreg:$0x12];
	[sflag:s8] =	ssyncadd.s32 $0xFFFFEC00  }
0xf0: {  	[spmem:s10] =	stream.linear.scatter [tilespmem:s11], [sflag:$0x7], $0x1400, $0x38;
	[tilespmem:$0x1F400] =	vst v63  }
0xf1: {  	_ =	swait.ge [sflag:s8], $0x1400  }
0xf2: {  	[sflag:s8] =	ssyncset.done $0x0  }
0xf3: {  	s12 =	rddreg [dreg:$0x15];
	[sflag:s8] =	ssyncadd.s32 $0xFFFFEC00  }
0xf4: {  	[spmem:s12] =	stream.linear.scatter [tilespmem:s11], [sflag:$0x7], $0x1400, $0x38;
	[tilespmem:$0x1F400] =	vst v63  }
0xf5: {  	_ =	swait.ge [sflag:s8], $0x1400  }
0xf6: {  	[sflag:s8] =	ssyncset.done $0x0  }
0xf7: {  	s13 =	rddreg [dreg:$0x16];
	[sflag:s8] =	ssyncadd.s32 $0xFFFFEC00  }
0xf8: {  	[spmem:s13] =	stream.linear.scatter [tilespmem:s11], [sflag:$0x7], $0x1400, $0x38;
	[tilespmem:$0x1F400] =	vst v63  }
0xf9: {  	_ =	swait.ge [sflag:s8], $0x1400  }
0xfa: {  	[sflag:s8] =	ssyncset.done $0x0  }
0xfb: {  	s15 =	rddreg [dreg:$0x17];
	[sflag:s8] =	ssyncadd.s32 $0xFFFFEC00  }
0xfc: {  	[spmem:s15] =	stream.linear.scatter [tilespmem:s11], [sflag:$0x7], $0x1000, $0x38;
	[tilespmem:$0x1F400] =	vst v63  }
0xfd: {  	_ =	swait.ge [sflag:s8], $0x1000  }
0xfe: {  	[sflag:s8] =	ssyncset.done $0x0  }
0xff: {  	[sflag:s8] =	ssyncadd.s32 $0xFFFFF000  }
0x100: {  	[bflag:$0x0] =	sbarrier.arrive $0xFFFF  }
0x101: {  	s16 =	simm.s32 $0x0;
	s7 =	simm.s32 $0x13C00;
	s18 =	rddreg [dreg:$0x1a]  }
0x102: {  	[tilespmem:s7], [sflag:$0x1] =	stream.linear.gather [hbm4b:s18+s16], $0x1000, $0x38;
	[tilespmem:$0x1F400] =	vst v63  }
0x103: {  	s31 =	simm.s32 $0x15C00;
	s19 =	rddreg [dreg:$0x1b]  }
0x104: {  	[tilespmem:s31], [sflag:$0x1] =	stream.linear.gather [hbm4b:s19+s16], $0x1000, $0x38;
	[tilespmem:$0x1F400] =	vst v63  }
0x105: {  	s16 =	simm.s32 $0x0  }
.LBB2_4:
0x106: {  	_ =	swait.ge [sflag:s14], $0x1000  }
0x107: {  	s13 =	sshllo.u32 s16, $0x1;
	[sflag:s14] =	ssyncset.done $0x0  }
0x108: {  	s18 =	sshll.u32 s16, $0x6;
	s31 =	smov.u32 s30;
	[sflag:s14] =	ssyncadd.s32 $0xFFFFF000  }
0x109: {  	s10 =	simm.s32 $0x14C00;
	s15 =	simm.s32 $0x0;
	_ =	swait.ge [sflag:s14], $0x1000  }
0x10a: {  	s2 =	sshll.u32 s13, $0x9;
	[sflag:s14] =	ssyncset.done $0x0;
	s7 =	rddreg [dreg:$0x18]  }
0x10b: {  	s19 =	rddreg [dreg:$0x19];
	s2 =	sadd.s32 s7, s2;
	[sflag:s14] =	ssyncadd.s32 $0xFFFFF000  }
0x10c: {  	s12 =	sadd.s32 s19, s18;
	s8 =	sadd.s32 s30, s2;
	s30 =	rddreg [dreg:$0x5]  }
0x10d: {  	[tilespmem:s10], [sflag:$0x2] =	stream.linear.gather [hbm4b:s8+s15], $0x1000, $0x38;
	[tilespmem:$0x1F400] =	vst v63  }
0x10e: {  	s2 =	sadd.s32 s30, s2;
	s8 =	simm.s32 $0x16C00;
	s10 =	smin.u32 s12, $0x1F3F  }
0x10f: {  	[tilespmem:s8], [sflag:$0x2] =	stream.linear.gather [hbm4b:s2+s15], $0x1000, $0x38;
	[tilespmem:$0x1F400] =	vst v63  }
0x110: {  	s18 =	simm.s32 $0x13C00;
	s19 =	simm.s32 $0x17C00;
	s2 =	smul.u32 $0x28, s10  }
0x111: {  	[tilespmem:s19], [sflag:$0x3] =	stream.indirect.gather [hbm4b:s1+s17], $0x80, s18, s17, $0xb8;
	[tilespmem:$0x1F400] =	vst v63  }
0x112: {  	s2 =	sadd.s32 s21, s2  }
0x113: {  	s2 =	sshll.u32 s2, $0x4  }
0x114: {  	s30 =	simm.s32 $0x1A400;
	s10 =	simm.s32 $0x0;
	s2 =	sadd.s32 s6, s2  }
0x115: {  	[tilespmem:s30], [sflag:$0x3] =	stream.linear.gather [hbm4b:s2+s15], $0x1400, $0x38;
	[tilespmem:$0x1F400] =	vst v63  }
.LBB2_5:
0x116: {  	s2 =	sshll.u32 s10, $0x1  }
0x117: {  	s30 =	sadd.s32 s12, s2  }
0x118: {  	s7 =	sor.u32 $0x1, s30  }
0x119: {  	s19 =	sshll.u32 s10, $0x8;
	s7 =	smin.u32 s7, $0x1F3F  }
0x11a: {  	s8 =	sadd.s32 $0x13C80, s19;
	s7 =	smul.u32 $0x28, s7  }
0x11b: {  	[tilespmem:s20], [sflag:$0x4] =	stream.indirect.gather [hbm4b:s1+s17], $0x80, s8, s17, $0xb8;
	[tilespmem:$0x1F400] =	vst v63  }
0x11c: {  	s7 =	sadd.s32 s21, s7  }
0x11d: {  	s7 =	sshll.u32 s7, $0x4  }
0x11e: {  	s7 =	sadd.s32 s6, s7  }
0x11f: {  	[tilespmem:s22], [sflag:$0x4] =	stream.linear.gather [hbm4b:s7+s5], $0x1400, $0x38;
	[tilespmem:$0x1F400] =	vst v63  }
0x120: {  	_ =	swait.ge [sflag:s23], $0x1400  }
0x121: {  	[sflag:s23] =	ssyncset.done $0x0  }
0x122: {  	[sflag:s23] =	ssyncadd.s32 $0xFFFFEC00  }
0x123: {  	_ =	swait.ge [sflag:s23], $0x1400  }
0x124: {  	p0 =	seq.s32 s10, $0x0;
	[sflag:s23] =	ssyncset.done $0x0  }
0x125: {  	s7 =	simm.s32 @!p0 $0x5;
	[sflag:s23] =	ssyncadd.s32 $0xFFFFEC00  }
0x126: {  	_ =	swait.ge @!p0 [sflag:s7], $0x1400  }
0x127: {  	[sflag:s7] =	ssyncset.done @!p0 $0x0  }
0x128: {  	[sflag:s7] =	ssyncadd.s32 @!p0 $0xFFFFEC00  }
0x129: {  	s15 =	simm.s32 $0x1A480;
	v1 =	vld [tilespmem:s24+$0xFFFFFF80]  }
0x12a: {  	v2 =	vld [tilespmem:s15+$0xFFFFFF80];
	_ =	sdelay $0x4  }
0x12b: {  	v1 =	vadd.f32 v2, v1;
	_ =	sdelay $0x1  }
0x12c: {  	v1 =	vmax.f32 v1, $0.0e+00  }
0x12d: {  	v1 =	vadd.f32 $1.000000010e-07, v1;
	_ =	sdelay $0x1  }
0x12e: {  	v2 =	vmul.f32 $1.442695020e+00, v1;
	_ =	sdelay $0x1  }
0x12f: {  	(erf) = vpow2.f32 v2;
	_ =	sdelay $0x8  }
0x130: {  	v2 =	vpop (erf)  }
0x131: {  	s18 =	simm.s32 $0x1CC80;
	v1 =	vmul.f32 v2, v1  }
0x132: {  	[tilespmem:s18+$0xFFFFFF80] =	vst v2  }
0x133: {  	[tilespmem:s18+$0xFFFFFFC0] =	vst v1  }
0x134: {  	v1 =	vld [tilespmem:s15+$0xFFFFFF90]  }
0x135: {  	v2 =	vld [tilespmem:s24+$0xFFFFFF90];
	_ =	sdelay $0x4  }
0x136: {  	v1 =	vadd.f32 v1, v2;
	_ =	sdelay $0x1  }
0x137: {  	v1 =	vmax.f32 v1, $0.0e+00  }
0x138: {  	v1 =	vadd.f32 $1.000000010e-07, v1;
	_ =	sdelay $0x1  }
0x139: {  	v2 =	vmul.f32 $1.442695020e+00, v1;
	_ =	sdelay $0x1  }
0x13a: {  	(erf) = vpow2.f32 v2;
	_ =	sdelay $0x8  }
0x13b: {  	v2 =	vpop (erf)  }
0x13c: {  	v1 =	vmul.f32 v2, v1  }
0x13d: {  	[tilespmem:s18+$0xFFFFFF90] =	vst v2  }
0x13e: {  	[tilespmem:s18+$0xFFFFFFD0] =	vst v1  }
0x13f: {  	v1 =	vld [tilespmem:s24+$0xFFFFFFA0]  }
0x140: {  	v2 =	vld [tilespmem:s15+$0xFFFFFFA0];
	_ =	sdelay $0x4  }
0x141: {  	v1 =	vadd.f32 v2, v1;
	_ =	sdelay $0x1  }
0x142: {  	v1 =	vmax.f32 v1, $0.0e+00  }
0x143: {  	v1 =	vadd.f32 $1.000000010e-07, v1;
	_ =	sdelay $0x1  }
0x144: {  	v2 =	vmul.f32 $1.442695020e+00, v1;
	_ =	sdelay $0x1  }
0x145: {  	(erf) = vpow2.f32 v2;
	_ =	sdelay $0x8  }
0x146: {  	v2 =	vpop (erf)  }
0x147: {  	v1 =	vmul.f32 v2, v1  }
0x148: {  	[tilespmem:s18+$0xFFFFFFA0] =	vst v2  }
0x149: {  	[tilespmem:s18+$0xFFFFFFE0] =	vst v1  }
0x14a: {  	v1 =	vld [tilespmem:s24+$0xFFFFFFB0]  }
0x14b: {  	v2 =	vld [tilespmem:s15+$0xFFFFFFB0];
	_ =	sdelay $0x4  }
0x14c: {  	v1 =	vadd.f32 v2, v1;
	_ =	sdelay $0x1  }
0x14d: {  	v1 =	vmax.f32 v1, $0.0e+00  }
0x14e: {  	v1 =	vadd.f32 $1.000000010e-07, v1;
	_ =	sdelay $0x1  }
0x14f: {  	v2 =	vmul.f32 $1.442695020e+00, v1;
	_ =	sdelay $0x1  }
0x150: {  	(erf) = vpow2.f32 v2;
	_ =	sdelay $0x8  }
0x151: {  	v2 =	vpop (erf)  }
0x152: {  	v1 =	vmul.f32 v2, v1  }
0x153: {  	[tilespmem:s18+$0xFFFFFFB0] =	vst v2  }
0x154: {  	[tilespmem:s18+$0xFFFFFFF0] =	vst v1  }
0x155: {  	v1 =	vld [tilespmem:s24+$0x0]  }
0x156: {  	v2 =	vld [tilespmem:s15+$0x0];
	_ =	sdelay $0x4  }
0x157: {  	v1 =	vadd.f32 v2, v1;
	_ =	sdelay $0x1  }
0x158: {  	v1 =	vmax.f32 v1, $0.0e+00  }
0x159: {  	v1 =	vadd.f32 $1.000000010e-07, v1;
	_ =	sdelay $0x1  }
0x15a: {  	v2 =	vmul.f32 $1.442695020e+00, v1;
	_ =	sdelay $0x1  }
0x15b: {  	(erf) = vpow2.f32 v2;
	_ =	sdelay $0x8  }
0x15c: {  	v2 =	vpop (erf)  }
0x15d: {  	v1 =	vmul.f32 v2, v1  }
0x15e: {  	[tilespmem:s18+$0x0] =	vst v2  }
0x15f: {  	[tilespmem:s18+$0x40] =	vst v1  }
0x160: {  	v1 =	vld [tilespmem:s24+$0x10]  }
0x161: {  	v2 =	vld [tilespmem:s15+$0x10];
	_ =	sdelay $0x4  }
0x162: {  	v1 =	vadd.f32 v2, v1;
	_ =	sdelay $0x1  }
0x163: {  	v1 =	vmax.f32 v1, $0.0e+00  }
0x164: {  	v1 =	vadd.f32 $1.000000010e-07, v1;
	_ =	sdelay $0x1  }
0x165: {  	v2 =	vmul.f32 $1.442695020e+00, v1;
	_ =	sdelay $0x1  }
0x166: {  	(erf) = vpow2.f32 v2;
	_ =	sdelay $0x8  }
0x167: {  	v2 =	vpop (erf)  }
0x168: {  	v1 =	vmul.f32 v2, v1  }
0x169: {  	[tilespmem:s18+$0x10] =	vst v2  }
0x16a: {  	[tilespmem:s18+$0x50] =	vst v1  }
0x16b: {  	v1 =	vld [tilespmem:s24+$0x20]  }
0x16c: {  	v2 =	vld [tilespmem:s15+$0x20];
	_ =	sdelay $0x4  }
0x16d: {  	v1 =	vadd.f32 v2, v1;
	_ =	sdelay $0x1  }
0x16e: {  	v1 =	vmax.f32 v1, $0.0e+00  }
0x16f: {  	v1 =	vadd.f32 $1.000000010e-07, v1;
	_ =	sdelay $0x1  }
0x170: {  	v2 =	vmul.f32 $1.442695020e+00, v1;
	_ =	sdelay $0x1  }
0x171: {  	(erf) = vpow2.f32 v2;
	_ =	sdelay $0x8  }
0x172: {  	v2 =	vpop (erf)  }
0x173: {  	v1 =	vmul.f32 v2, v1  }
0x174: {  	[tilespmem:s18+$0x20] =	vst v2  }
0x175: {  	[tilespmem:s18+$0x60] =	vst v1  }
0x176: {  	v1 =	vld [tilespmem:s24+$0x30]  }
0x177: {  	v2 =	vld [tilespmem:s15+$0x30];
	_ =	sdelay $0x4  }
0x178: {  	v1 =	vadd.f32 v2, v1;
	_ =	sdelay $0x1  }
0x179: {  	v1 =	vmax.f32 v1, $0.0e+00  }
0x17a: {  	v1 =	vadd.f32 $1.000000010e-07, v1;
	_ =	sdelay $0x1  }
0x17b: {  	v2 =	vmul.f32 $1.442695020e+00, v1;
	_ =	sdelay $0x1  }
0x17c: {  	(erf) = vpow2.f32 v2;
	_ =	sdelay $0x2  }
0x17d: {  	s2 =	sor.u32 $0x80, s19  }
0x17e: {  	s19 =	simm.s32 $0x1CC80;
	s8 =	simm.s32 $0x0;
	s7 =	sadd.s32 $0x100, s24  }
.LBB2_6:
0x17f: {  	s8 =	sadd.s32 $0x2, s8;
	s15 =	sadd.s32 $0x100, s15;
	s18 =	sadd.s32 $0x100, s18  }
0x180: {  	p1 =	slt.u32 s8, $0x26;
	_ =	sdelay $0x2  }
0x181: {  	v2 =	vpop (erf)  }
0x182: {  	[tilespmem:s19+$0x30] =	vst v2;
	v1 =	vmul.f32 v2, v1;
	_ =	sdelay $0x1  }
0x183: {  	[tilespmem:s19+$0x70] =	vst v1;
	s19 =	smov.u32 s18  }
0x184: {  	v1 =	vld [tilespmem:s7+$0xFFFFFF80]  }
0x185: {  	v2 =	vld [tilespmem:s15+$0xFFFFFF80];
	_ =	sdelay $0x4  }
0x186: {  	v1 =	vadd.f32 v2, v1;
	_ =	sdelay $0x1  }
0x187: {  	v1 =	vmax.f32 v1, $0.0e+00  }
0x188: {  	v1 =	vadd.f32 $1.000000010e-07, v1;
	_ =	sdelay $0x1  }
0x189: {  	v2 =	vmul.f32 $1.442695020e+00, v1;
	_ =	sdelay $0x1  }
0x18a: {  	(erf) = vpow2.f32 v2;
	_ =	sdelay $0x8  }
0x18b: {  	v2 =	vpop (erf)  }
0x18c: {  	v1 =	vmul.f32 v2, v1  }
0x18d: {  	[tilespmem:s18+$0xFFFFFF80] =	vst v2  }
0x18e: {  	[tilespmem:s18+$0xFFFFFFC0] =	vst v1  }
0x18f: {  	v1 =	vld [tilespmem:s15+$0xFFFFFF90]  }
0x190: {  	v2 =	vld [tilespmem:s7+$0xFFFFFF90];
	_ =	sdelay $0x4  }
0x191: {  	v1 =	vadd.f32 v1, v2;
	_ =	sdelay $0x1  }
0x192: {  	v1 =	vmax.f32 v1, $0.0e+00  }
0x193: {  	v1 =	vadd.f32 $1.000000010e-07, v1;
	_ =	sdelay $0x1  }
0x194: {  	v2 =	vmul.f32 $1.442695020e+00, v1;
	_ =	sdelay $0x1  }
0x195: {  	(erf) = vpow2.f32 v2;
	_ =	sdelay $0x8  }
0x196: {  	v2 =	vpop (erf)  }
0x197: {  	v1 =	vmul.f32 v2, v1  }
0x198: {  	[tilespmem:s18+$0xFFFFFF90] =	vst v2  }
0x199: {  	[tilespmem:s18+$0xFFFFFFD0] =	vst v1  }
0x19a: {  	v1 =	vld [tilespmem:s7+$0xFFFFFFA0]  }
0x19b: {  	v2 =	vld [tilespmem:s15+$0xFFFFFFA0];
	_ =	sdelay $0x4  }
0x19c: {  	v1 =	vadd.f32 v2, v1;
	_ =	sdelay $0x1  }
0x19d: {  	v1 =	vmax.f32 v1, $0.0e+00  }
0x19e: {  	v1 =	vadd.f32 $1.000000010e-07, v1;
	_ =	sdelay $0x1  }
0x19f: {  	v2 =	vmul.f32 $1.442695020e+00, v1;
	_ =	sdelay $0x1  }
0x1a0: {  	(erf) = vpow2.f32 v2;
	_ =	sdelay $0x8  }
0x1a1: {  	v2 =	vpop (erf)  }
0x1a2: {  	[tilespmem:s18+$0xFFFFFFA0] =	vst v2;
	v1 =	vmul.f32 v2, v1;
	_ =	sdelay $0x1  }
0x1a3: {  	[tilespmem:s18+$0xFFFFFFE0] =	vst v1  }
0x1a4: {  	v1 =	vld [tilespmem:s7+$0xFFFFFFB0]  }
0x1a5: {  	v2 =	vld [tilespmem:s15+$0xFFFFFFB0];
	_ =	sdelay $0x4  }
0x1a6: {  	v1 =	vadd.f32 v2, v1;
	_ =	sdelay $0x1  }
0x1a7: {  	v1 =	vmax.f32 v1, $0.0e+00  }
0x1a8: {  	v1 =	vadd.f32 $1.000000010e-07, v1;
	_ =	sdelay $0x1  }
0x1a9: {  	v2 =	vmul.f32 $1.442695020e+00, v1;
	_ =	sdelay $0x1  }
0x1aa: {  	(erf) = vpow2.f32 v2;
	_ =	sdelay $0x8  }
0x1ab: {  	v2 =	vpop (erf)  }
0x1ac: {  	[tilespmem:s18+$0xFFFFFFB0] =	vst v2;
	v1 =	vmul.f32 v2, v1;
	_ =	sdelay $0x1  }
0x1ad: {  	[tilespmem:s18+$0xFFFFFFF0] =	vst v1  }
0x1ae: {  	v1 =	vld [tilespmem:s7+$0x0]  }
0x1af: {  	v2 =	vld [tilespmem:s15+$0x0];
	_ =	sdelay $0x4  }
0x1b0: {  	v1 =	vadd.f32 v2, v1;
	_ =	sdelay $0x1  }
0x1b1: {  	v1 =	vmax.f32 v1, $0.0e+00  }
0x1b2: {  	v1 =	vadd.f32 $1.000000010e-07, v1;
	_ =	sdelay $0x1  }
0x1b3: {  	v2 =	vmul.f32 $1.442695020e+00, v1;
	_ =	sdelay $0x1  }
0x1b4: {  	(erf) = vpow2.f32 v2;
	_ =	sdelay $0x8  }
0x1b5: {  	v2 =	vpop (erf)  }
0x1b6: {  	[tilespmem:s18+$0x0] =	vst v2;
	v1 =	vmul.f32 v2, v1;
	_ =	sdelay $0x1  }
0x1b7: {  	[tilespmem:s18+$0x40] =	vst v1  }
0x1b8: {  	v1 =	vld [tilespmem:s7+$0x10]  }
0x1b9: {  	v2 =	vld [tilespmem:s15+$0x10];
	_ =	sdelay $0x4  }
0x1ba: {  	v1 =	vadd.f32 v2, v1;
	_ =	sdelay $0x1  }
0x1bb: {  	v1 =	vmax.f32 v1, $0.0e+00  }
0x1bc: {  	v1 =	vadd.f32 $1.000000010e-07, v1;
	_ =	sdelay $0x1  }
0x1bd: {  	v2 =	vmul.f32 $1.442695020e+00, v1;
	_ =	sdelay $0x1  }
0x1be: {  	(erf) = vpow2.f32 v2;
	_ =	sdelay $0x8  }
0x1bf: {  	v2 =	vpop (erf)  }
0x1c0: {  	[tilespmem:s18+$0x10] =	vst v2;
	v1 =	vmul.f32 v2, v1;
	_ =	sdelay $0x1  }
0x1c1: {  	[tilespmem:s18+$0x50] =	vst v1  }
0x1c2: {  	v1 =	vld [tilespmem:s7+$0x20]  }
0x1c3: {  	v2 =	vld [tilespmem:s15+$0x20];
	_ =	sdelay $0x4  }
0x1c4: {  	v1 =	vadd.f32 v2, v1;
	_ =	sdelay $0x1  }
0x1c5: {  	v1 =	vmax.f32 v1, $0.0e+00  }
0x1c6: {  	v1 =	vadd.f32 $1.000000010e-07, v1;
	_ =	sdelay $0x1  }
0x1c7: {  	v2 =	vmul.f32 $1.442695020e+00, v1;
	_ =	sdelay $0x1  }
0x1c8: {  	(erf) = vpow2.f32 v2;
	_ =	sdelay $0x8  }
0x1c9: {  	v2 =	vpop (erf)  }
0x1ca: {  	[tilespmem:s18+$0x20] =	vst v2;
	v1 =	vmul.f32 v2, v1;
	_ =	sdelay $0x1  }
0x1cb: {  	[tilespmem:s18+$0x60] =	vst v1  }
0x1cc: {  	v1 =	vld [tilespmem:s7+$0x30]  }
0x1cd: {  	v2 =	vld [tilespmem:s15+$0x30];
	_ =	sdelay $0x4  }
0x1ce: {  	v1 =	vadd.f32 v2, v1;
	_ =	sdelay $0x1  }
0x1cf: {  	v1 =	vmax.f32 v1, $0.0e+00  }
0x1d0: {  	v1 =	vadd.f32 $1.000000010e-07, v1;
	_ =	sdelay $0x1  }
0x1d1: {  	v2 =	vmul.f32 $1.442695020e+00, v1;
	_ =	sdelay $0x1  }
.Ltmp1:
0x1d2: {  	(erf) = vpow2.f32 v2;
	(pc) =	sbr.rel @p1 .LBB2_6-.Ltmp1, $2  }
0x1d3: {  	_ =	sdelay $0x2  }
0x1d4: {  	s7 =	sadd.s32 $0x100, s7  }
0x1d5: {  	_ =	sdelay $0x3  }
0x1d6: {  	v2 =	vpop (erf)  }
0x1d7: {  	s7 =	sshll.u32 s10, $0xA;
	v1 =	vmul.f32 v2, v1  }
0x1d8: {  	s8 =	sshrl.u32 s7, $0x2;
	[tilespmem:s19+$0x30] =	vst v2  }
0x1d9: {  	p1 =	seq.s32 s10, $0xF;
	s8 =	sadd.s32 $0x15C00, s8;
	[tilespmem:s19+$0x70] =	vst v1  }
0x1da: {  	[spmem:s4] =	stream.indirect.scatter.add.f32 [tilespmem:s11], [sflag:$0x5], $0x80, s8, s17, $0xb8;
	[tilespmem:$0x1F400] =	vst v63  }
0x1db: {  	s7 =	sshrl.u32 @!p1 s7, $0x2;
	s15 =	simm.s32 @!p1 $0x28;
	s8 =	smin.u32 @!p1 s30, $0x1F3D  }
0x1dc: {  	s18 =	simm.s32 @!p1 $0x17C00;
	s7 =	sadd.s32 @!p1 $0x13D00, s7;
	s8 =	smul.u32 @!p1 $0x28, s8  }
0x1dd: {  	[tilespmem:s18], [sflag:$0x3] =	stream.indirect.gather @!p1 [hbm4b:s1+s15], $0x80, s7, s15, $0xb8;
	[tilespmem:$0x1F400] =	vst v63  }
0x1de: {  	s7 =	sadd.s32 @!p1 s8, s9  }
0x1df: {  	s7 =	sshll.u32 @!p1 s7, $0x4  }
0x1e0: {  	s15 =	simm.s32 @!p1 $0x1A400;
	s8 =	simm.s32 @!p1 $0x0;
	s7 =	sadd.s32 @!p1 s6, s7  }
0x1e1: {  	[tilespmem:s15], [sflag:$0x3] =	stream.linear.gather @!p1 [hbm4b:s7+s8], $0x1400, $0x38;
	[tilespmem:$0x1F400] =	vst v63  }
0x1e2: {  	_ =	swait.ge [sflag:s26], $0x1400  }
0x1e3: {  	[sflag:s26] =	ssyncset.done $0x0  }
0x1e4: {  	[sflag:s26] =	ssyncadd.s32 $0xFFFFEC00  }
0x1e5: {  	_ =	swait.ge [sflag:s26], $0x1400  }
0x1e6: {  	[sflag:s26] =	ssyncset.done $0x0  }
0x1e7: {  	s7 =	simm.s32 @!p0 $0x6;
	[sflag:s26] =	ssyncadd.s32 $0xFFFFEC00  }
0x1e8: {  	_ =	swait.ge @!p0 [sflag:s7], $0x1400  }
0x1e9: {  	[sflag:s7] =	ssyncset.done @!p0 $0x0  }
0x1ea: {  	[sflag:s7] =	ssyncadd.s32 @!p0 $0xFFFFEC00  }
0x1eb: {  	s30 =	simm.s32 $0x1B8B0;
	v1 =	vld [tilespmem:s25+$0xFFFFFF50]  }
0x1ec: {  	v2 =	vld [tilespmem:s30+$0xFFFFFF50];
	_ =	sdelay $0x4  }
0x1ed: {  	v1 =	vadd.f32 v2, v1;
	_ =	sdelay $0x1  }
0x1ee: {  	v1 =	vmax.f32 v1, $0.0e+00  }
0x1ef: {  	v1 =	vadd.f32 $1.000000010e-07, v1;
	_ =	sdelay $0x1  }
0x1f0: {  	v2 =	vmul.f32 $1.442695020e+00, v1;
	_ =	sdelay $0x1  }
0x1f1: {  	(erf) = vpow2.f32 v2;
	_ =	sdelay $0x8  }
0x1f2: {  	v2 =	vpop (erf)  }
0x1f3: {  	s15 =	simm.s32 $0x1E0F0;
	v1 =	vmul.f32 v2, v1  }
0x1f4: {  	[tilespmem:s15+$0xFFFFFF10] =	vst v2  }
0x1f5: {  	[tilespmem:s15+$0xFFFFFF50] =	vst v1  }
0x1f6: {  	v1 =	vld [tilespmem:s30+$0xFFFFFF60]  }
0x1f7: {  	v2 =	vld [tilespmem:s25+$0xFFFFFF60];
	_ =	sdelay $0x4  }
0x1f8: {  	v1 =	vadd.f32 v1, v2;
	_ =	sdelay $0x1  }
0x1f9: {  	v1 =	vmax.f32 v1, $0.0e+00  }
0x1fa: {  	v1 =	vadd.f32 $1.000000010e-07, v1;
	_ =	sdelay $0x1  }
0x1fb: {  	v2 =	vmul.f32 $1.442695020e+00, v1;
	_ =	sdelay $0x1  }
0x1fc: {  	(erf) = vpow2.f32 v2;
	_ =	sdelay $0x8  }
0x1fd: {  	v2 =	vpop (erf)  }
0x1fe: {  	v1 =	vmul.f32 v2, v1  }
0x1ff: {  	[tilespmem:s15+$0xFFFFFF20] =	vst v2  }
0x200: {  	[tilespmem:s15+$0xFFFFFF60] =	vst v1  }
0x201: {  	v1 =	vld [tilespmem:s25+$0xFFFFFF70]  }
0x202: {  	v2 =	vld [tilespmem:s30+$0xFFFFFF70];
	_ =	sdelay $0x4  }
0x203: {  	v1 =	vadd.f32 v2, v1;
	_ =	sdelay $0x1  }
0x204: {  	v1 =	vmax.f32 v1, $0.0e+00  }
0x205: {  	v1 =	vadd.f32 $1.000000010e-07, v1;
	_ =	sdelay $0x1  }
0x206: {  	v2 =	vmul.f32 $1.442695020e+00, v1;
	_ =	sdelay $0x1  }
0x207: {  	(erf) = vpow2.f32 v2;
	_ =	sdelay $0x8  }
0x208: {  	v2 =	vpop (erf)  }
0x209: {  	v1 =	vmul.f32 v2, v1  }
0x20a: {  	[tilespmem:s15+$0xFFFFFF30] =	vst v2  }
0x20b: {  	[tilespmem:s15+$0xFFFFFF70] =	vst v1  }
0x20c: {  	v1 =	vld [tilespmem:s25+$0xFFFFFF80]  }
0x20d: {  	v2 =	vld [tilespmem:s30+$0xFFFFFF80];
	_ =	sdelay $0x4  }
0x20e: {  	v1 =	vadd.f32 v2, v1;
	_ =	sdelay $0x1  }
0x20f: {  	v1 =	vmax.f32 v1, $0.0e+00  }
0x210: {  	v1 =	vadd.f32 $1.000000010e-07, v1;
	_ =	sdelay $0x1  }
0x211: {  	v2 =	vmul.f32 $1.442695020e+00, v1;
	_ =	sdelay $0x1  }
0x212: {  	(erf) = vpow2.f32 v2;
	_ =	sdelay $0x8  }
0x213: {  	v2 =	vpop (erf)  }
0x214: {  	v1 =	vmul.f32 v2, v1  }
0x215: {  	[tilespmem:s15+$0xFFFFFF40] =	vst v2  }
0x216: {  	[tilespmem:s15+$0xFFFFFF80] =	vst v1  }
0x217: {  	v1 =	vld [tilespmem:s25+$0xFFFFFFD0]  }
0x218: {  	v2 =	vld [tilespmem:s30+$0xFFFFFFD0];
	_ =	sdelay $0x4  }
0x219: {  	v1 =	vadd.f32 v2, v1;
	_ =	sdelay $0x1  }
0x21a: {  	v1 =	vmax.f32 v1, $0.0e+00  }
0x21b: {  	v1 =	vadd.f32 $1.000000010e-07, v1;
	_ =	sdelay $0x1  }
0x21c: {  	v2 =	vmul.f32 $1.442695020e+00, v1;
	_ =	sdelay $0x1  }
0x21d: {  	(erf) = vpow2.f32 v2;
	_ =	sdelay $0x8  }
0x21e: {  	v2 =	vpop (erf)  }
0x21f: {  	v1 =	vmul.f32 v2, v1  }
0x220: {  	[tilespmem:s15+$0xFFFFFF90] =	vst v2  }
0x221: {  	[tilespmem:s15+$0xFFFFFFD0] =	vst v1  }
0x222: {  	v1 =	vld [tilespmem:s25+$0xFFFFFFE0]  }
0x223: {  	v2 =	vld [tilespmem:s30+$0xFFFFFFE0];
	_ =	sdelay $0x4  }
0x224: {  	v1 =	vadd.f32 v2, v1;
	_ =	sdelay $0x1  }
0x225: {  	v1 =	vmax.f32 v1, $0.0e+00  }
0x226: {  	v1 =	vadd.f32 $1.000000010e-07, v1;
	_ =	sdelay $0x1  }
0x227: {  	v2 =	vmul.f32 $1.442695020e+00, v1;
	_ =	sdelay $0x1  }
0x228: {  	(erf) = vpow2.f32 v2;
	_ =	sdelay $0x8  }
0x229: {  	v2 =	vpop (erf)  }
0x22a: {  	v1 =	vmul.f32 v2, v1  }
0x22b: {  	[tilespmem:s15+$0xFFFFFFA0] =	vst v2  }
0x22c: {  	[tilespmem:s15+$0xFFFFFFE0] =	vst v1  }
0x22d: {  	v1 =	vld [tilespmem:s25+$0xFFFFFFF0]  }
0x22e: {  	v2 =	vld [tilespmem:s30+$0xFFFFFFF0];
	_ =	sdelay $0x4  }
0x22f: {  	v1 =	vadd.f32 v2, v1;
	_ =	sdelay $0x1  }
0x230: {  	v1 =	vmax.f32 v1, $0.0e+00  }
0x231: {  	v1 =	vadd.f32 $1.000000010e-07, v1;
	_ =	sdelay $0x1  }
0x232: {  	v2 =	vmul.f32 $1.442695020e+00, v1;
	_ =	sdelay $0x1  }
0x233: {  	(erf) = vpow2.f32 v2;
	_ =	sdelay $0x8  }
0x234: {  	v2 =	vpop (erf)  }
0x235: {  	v1 =	vmul.f32 v2, v1  }
0x236: {  	[tilespmem:s15+$0xFFFFFFB0] =	vst v2  }
0x237: {  	[tilespmem:s15+$0xFFFFFFF0] =	vst v1  }
0x238: {  	v1 =	vld [tilespmem:s25+$0x0]  }
0x239: {  	v2 =	vld [tilespmem:s30+$0x0];
	_ =	sdelay $0x4  }
0x23a: {  	v1 =	vadd.f32 v2, v1;
	_ =	sdelay $0x1  }
0x23b: {  	v1 =	vmax.f32 v1, $0.0e+00  }
0x23c: {  	v1 =	vadd.f32 $1.000000010e-07, v1;
	_ =	sdelay $0x1  }
0x23d: {  	v2 =	vmul.f32 $1.442695020e+00, v1;
	_ =	sdelay $0x1  }
0x23e: {  	(erf) = vpow2.f32 v2;
	_ =	sdelay $0x2  }
0x23f: {  	s10 =	sadd.s32 $0x1, s10;
	s19 =	simm.s32 $0x1E0F0  }
0x240: {  	s18 =	simm.s32 $0x0;
	s8 =	simm.s32 $0x1B9B0;
	s7 =	smov.u32 s25  }
.LBB2_8:
0x241: {  	s18 =	sadd.s32 $0x2, s18;
	s7 =	sadd.s32 $0x100, s7;
	s15 =	sadd.s32 $0x100, s15  }
0x242: {  	p0 =	slt.u32 s18, $0x26;
	_ =	sdelay $0x2  }
0x243: {  	v2 =	vpop (erf)  }
0x244: {  	[tilespmem:s19+$0xFFFFFFC0] =	vst v2;
	v1 =	vmul.f32 v2, v1;
	_ =	sdelay $0x1  }
0x245: {  	[tilespmem:s19+$0x0] =	vst v1;
	s19 =	smov.u32 s15  }
0x246: {  	v1 =	vld [tilespmem:s7+$0xFFFFFF50]  }
0x247: {  	v2 =	vld [tilespmem:s8+$0xFFFFFF50];
	_ =	sdelay $0x4  }
0x248: {  	v1 =	vadd.f32 v2, v1;
	_ =	sdelay $0x1  }
0x249: {  	v1 =	vmax.f32 v1, $0.0e+00  }
0x24a: {  	v1 =	vadd.f32 $1.000000010e-07, v1;
	_ =	sdelay $0x1  }
0x24b: {  	v2 =	vmul.f32 $1.442695020e+00, v1;
	_ =	sdelay $0x1  }
0x24c: {  	(erf) = vpow2.f32 v2;
	_ =	sdelay $0x8  }
0x24d: {  	v2 =	vpop (erf)  }
0x24e: {  	v1 =	vmul.f32 v2, v1  }
0x24f: {  	[tilespmem:s15+$0xFFFFFF10] =	vst v2  }
0x250: {  	[tilespmem:s15+$0xFFFFFF50] =	vst v1  }
0x251: {  	v1 =	vld [tilespmem:s8+$0xFFFFFF60]  }
0x252: {  	v2 =	vld [tilespmem:s7+$0xFFFFFF60];
	_ =	sdelay $0x4  }
0x253: {  	v1 =	vadd.f32 v1, v2;
	_ =	sdelay $0x1  }
0x254: {  	v1 =	vmax.f32 v1, $0.0e+00  }
0x255: {  	v1 =	vadd.f32 $1.000000010e-07, v1;
	_ =	sdelay $0x1  }
0x256: {  	v2 =	vmul.f32 $1.442695020e+00, v1;
	_ =	sdelay $0x1  }
0x257: {  	(erf) = vpow2.f32 v2;
	_ =	sdelay $0x8  }
0x258: {  	v2 =	vpop (erf)  }
0x259: {  	v1 =	vmul.f32 v2, v1  }
0x25a: {  	[tilespmem:s15+$0xFFFFFF20] =	vst v2  }
0x25b: {  	[tilespmem:s15+$0xFFFFFF60] =	vst v1  }
0x25c: {  	v1 =	vld [tilespmem:s7+$0xFFFFFF70]  }
0x25d: {  	v2 =	vld [tilespmem:s8+$0xFFFFFF70];
	_ =	sdelay $0x4  }
0x25e: {  	v1 =	vadd.f32 v2, v1;
	_ =	sdelay $0x1  }
0x25f: {  	v1 =	vmax.f32 v1, $0.0e+00  }
0x260: {  	v1 =	vadd.f32 $1.000000010e-07, v1;
	_ =	sdelay $0x1  }
0x261: {  	v2 =	vmul.f32 $1.442695020e+00, v1;
	_ =	sdelay $0x1  }
0x262: {  	(erf) = vpow2.f32 v2;
	_ =	sdelay $0x8  }
0x263: {  	v2 =	vpop (erf)  }
0x264: {  	[tilespmem:s15+$0xFFFFFF30] =	vst v2;
	v1 =	vmul.f32 v2, v1;
	_ =	sdelay $0x1  }
0x265: {  	[tilespmem:s15+$0xFFFFFF70] =	vst v1  }
0x266: {  	v1 =	vld [tilespmem:s7+$0xFFFFFF80]  }
0x267: {  	v2 =	vld [tilespmem:s8+$0xFFFFFF80];
	_ =	sdelay $0x4  }
0x268: {  	v1 =	vadd.f32 v2, v1;
	_ =	sdelay $0x1  }
0x269: {  	v1 =	vmax.f32 v1, $0.0e+00  }
0x26a: {  	v1 =	vadd.f32 $1.000000010e-07, v1;
	_ =	sdelay $0x1  }
0x26b: {  	v2 =	vmul.f32 $1.442695020e+00, v1;
	_ =	sdelay $0x1  }
0x26c: {  	(erf) = vpow2.f32 v2;
	_ =	sdelay $0x8  }
0x26d: {  	v2 =	vpop (erf)  }
0x26e: {  	[tilespmem:s15+$0xFFFFFF40] =	vst v2;
	v1 =	vmul.f32 v2, v1;
	_ =	sdelay $0x1  }
0x26f: {  	[tilespmem:s15+$0xFFFFFF80] =	vst v1  }
0x270: {  	v1 =	vld [tilespmem:s7+$0xFFFFFFD0]  }
0x271: {  	v2 =	vld [tilespmem:s8+$0xFFFFFFD0];
	_ =	sdelay $0x4  }
0x272: {  	v1 =	vadd.f32 v2, v1;
	_ =	sdelay $0x1  }
0x273: {  	v1 =	vmax.f32 v1, $0.0e+00  }
0x274: {  	v1 =	vadd.f32 $1.000000010e-07, v1;
	_ =	sdelay $0x1  }
0x275: {  	v2 =	vmul.f32 $1.442695020e+00, v1;
	_ =	sdelay $0x1  }
0x276: {  	(erf) = vpow2.f32 v2;
	_ =	sdelay $0x8  }
0x277: {  	v2 =	vpop (erf)  }
0x278: {  	[tilespmem:s15+$0xFFFFFF90] =	vst v2;
	v1 =	vmul.f32 v2, v1;
	_ =	sdelay $0x1  }
0x279: {  	[tilespmem:s15+$0xFFFFFFD0] =	vst v1  }
0x27a: {  	v1 =	vld [tilespmem:s7+$0xFFFFFFE0]  }
0x27b: {  	v2 =	vld [tilespmem:s8+$0xFFFFFFE0];
	_ =	sdelay $0x4  }
0x27c: {  	v1 =	vadd.f32 v2, v1;
	_ =	sdelay $0x1  }
0x27d: {  	v1 =	vmax.f32 v1, $0.0e+00  }
0x27e: {  	v1 =	vadd.f32 $1.000000010e-07, v1;
	_ =	sdelay $0x1  }
0x27f: {  	v2 =	vmul.f32 $1.442695020e+00, v1;
	_ =	sdelay $0x1  }
0x280: {  	(erf) = vpow2.f32 v2;
	_ =	sdelay $0x8  }
0x281: {  	v2 =	vpop (erf)  }
0x282: {  	[tilespmem:s15+$0xFFFFFFA0] =	vst v2;
	v1 =	vmul.f32 v2, v1;
	_ =	sdelay $0x1  }
0x283: {  	[tilespmem:s15+$0xFFFFFFE0] =	vst v1  }
0x284: {  	v1 =	vld [tilespmem:s7+$0xFFFFFFF0]  }
0x285: {  	v2 =	vld [tilespmem:s8+$0xFFFFFFF0];
	_ =	sdelay $0x4  }
0x286: {  	v1 =	vadd.f32 v2, v1;
	_ =	sdelay $0x1  }
0x287: {  	v1 =	vmax.f32 v1, $0.0e+00  }
0x288: {  	v1 =	vadd.f32 $1.000000010e-07, v1;
	_ =	sdelay $0x1  }
0x289: {  	v2 =	vmul.f32 $1.442695020e+00, v1;
	_ =	sdelay $0x1  }
0x28a: {  	(erf) = vpow2.f32 v2;
	_ =	sdelay $0x8  }
0x28b: {  	v2 =	vpop (erf)  }
0x28c: {  	[tilespmem:s15+$0xFFFFFFB0] =	vst v2;
	v1 =	vmul.f32 v2, v1;
	_ =	sdelay $0x1  }
0x28d: {  	[tilespmem:s15+$0xFFFFFFF0] =	vst v1  }
0x28e: {  	v1 =	vld [tilespmem:s7+$0x0]  }
0x28f: {  	v2 =	vld [tilespmem:s8+$0x0];
	_ =	sdelay $0x4  }
0x290: {  	v1 =	vadd.f32 v2, v1;
	_ =	sdelay $0x1  }
0x291: {  	v1 =	vmax.f32 v1, $0.0e+00  }
0x292: {  	v1 =	vadd.f32 $1.000000010e-07, v1;
	_ =	sdelay $0x1  }
0x293: {  	v2 =	vmul.f32 $1.442695020e+00, v1;
	_ =	sdelay $0x1  }
.Ltmp2:
0x294: {  	(erf) = vpow2.f32 v2;
	(pc) =	sbr.rel @p0 .LBB2_8-.Ltmp2, $2  }
0x295: {  	_ =	sdelay $0x2  }
0x296: {  	s8 =	sadd.s32 $0x100, s8  }
0x297: {  	_ =	sdelay $0x2  }
0x298: {  	p0 =	sne.s32 s10, $0x10  }
.Ltmp3:
0x299: {  	v2 =	vpop (erf);
	(pc) =	sbr.rel @p0 .LBB2_5-.Ltmp3, $4  }
0x29a: {  	v1 =	vmul.f32 v2, v1  }
0x29b: {  	[tilespmem:s19+$0xFFFFFFC0] =	vst v2  }
0x29c: {  	s2 =	sadd.s32 $0x15C00, s2;
	[tilespmem:s19+$0x0] =	vst v1  }
0x29d: {  	[spmem:s4] =	stream.indirect.scatter.add.f32 [tilespmem:s28], [sflag:$0x6], $0x80, s2, s17, $0xb8;
	[tilespmem:$0x1F400] =	vst v63  }
0x29e: {  	_ =	swait.ge [sflag:s29], $0x1400  }
0x29f: {  	[sflag:s29] =	ssyncset.done $0x0  }
0x2a0: {  	[sflag:s29] =	ssyncadd.s32 $0xFFFFEC00  }
0x2a1: {  	_ =	swait.ge [sflag:s0], $0x1400  }
0x2a2: {  	[sflag:s0] =	ssyncset.done $0x0  }
0x2a3: {  	[sflag:s0] =	ssyncadd.s32 $0xFFFFEC00  }
0x2a4: {  	_ =	swait.ge [sflag:s3], $0x1000  }
0x2a5: {  	[sflag:s3] =	ssyncset.done $0x0  }
0x2a6: {  	p0 =	seq.s32 s16, $0x7;
	s7 =	sshll.u32 s13, $0x5;
	[sflag:s3] =	ssyncadd.s32 $0xFFFFF000  }
0x2a7: {  	s2 =	sshll.u32 @!p0 s16, $0xA;
	s10 =	simm.s32 @!p0 $0x0;
	_ =	swait.ge [sflag:s3], $0x1000  }
0x2a8: {  	s12 =	simm.s32 @!p0 $0x13C00;
	[sflag:s3] =	ssyncset.done $0x0;
	s8 =	rddreg [dreg:$0x1c]  }
0x2a9: {  	s13 =	rddreg [dreg:$0x19];
	[sflag:s3] =	ssyncadd.s32 $0xFFFFF000;
	s2 =	sadd.s32 @!p0 s2, s8  }
0x2aa: {  	s13 =	sadd.s32 s13, s7;
	s7 =	rddreg [dreg:$0x5];
	s8 =	sadd.s32 @!p0 s31, s2  }
0x2ab: {  	[tilespmem:s12], [sflag:$0x1] =	stream.linear.gather @!p0 [hbm4b:s8+s10], $0x1000, $0x38;
	[tilespmem:$0x1F400] =	vst v63  }
0x2ac: {  	s2 =	sadd.s32 @!p0 s7, s2;
	s7 =	simm.s32 @!p0 $0x15C00;
	s15 =	smin.u32 s13, $0x1F3F  }
0x2ad: {  	[tilespmem:s7], [sflag:$0x1] =	stream.linear.gather @!p0 [hbm4b:s2+s10], $0x1000, $0x38;
	[tilespmem:$0x1F400] =	vst v63  }
0x2ae: {  	s18 =	simm.s32 $0x14C00;
	s19 =	simm.s32 $0x17C00;
	s2 =	smul.u32 $0x28, s15  }
0x2af: {  	[tilespmem:s19], [sflag:$0x3] =	stream.indirect.gather [hbm4b:s1+s17], $0x80, s18, s17, $0xb8;
	[tilespmem:$0x1F400] =	vst v63  }
0x2b0: {  	s2 =	sadd.s32 s21, s2  }
0x2b1: {  	s30 =	smov.u32 s31;
	s2 =	sshll.u32 s2, $0x4  }
0x2b2: {  	s31 =	simm.s32 $0x1A400;
	s12 =	simm.s32 $0x0;
	s2 =	sadd.s32 s6, s2  }
0x2b3: {  	[tilespmem:s31], [sflag:$0x3] =	stream.linear.gather [hbm4b:s2+s12], $0x1400, $0x38;
	[tilespmem:$0x1F400] =	vst v63  }
.LBB2_11:
0x2b4: {  	s2 =	sshll.u32 s12, $0x1  }
0x2b5: {  	s10 =	sadd.s32 s13, s2  }
0x2b6: {  	s7 =	sor.u32 $0x1, s10  }
0x2b7: {  	s31 =	sshll.u32 s12, $0x8;
	s7 =	smin.u32 s7, $0x1F3F  }
0x2b8: {  	s8 =	sadd.s32 $0x14C80, s31;
	s7 =	smul.u32 $0x28, s7  }
0x2b9: {  	[tilespmem:s20], [sflag:$0x4] =	stream.indirect.gather [hbm4b:s1+s17], $0x80, s8, s17, $0xb8;
	[tilespmem:$0x1F400] =	vst v63  }
0x2ba: {  	s7 =	sadd.s32 s21, s7  }
0x2bb: {  	s7 =	sshll.u32 s7, $0x4  }
0x2bc: {  	s7 =	sadd.s32 s6, s7  }
0x2bd: {  	[tilespmem:s22], [sflag:$0x4] =	stream.linear.gather [hbm4b:s7+s5], $0x1400, $0x38;
	[tilespmem:$0x1F400] =	vst v63  }
0x2be: {  	_ =	swait.ge [sflag:s23], $0x1400  }
0x2bf: {  	[sflag:s23] =	ssyncset.done $0x0  }
0x2c0: {  	[sflag:s23] =	ssyncadd.s32 $0xFFFFEC00  }
0x2c1: {  	_ =	swait.ge [sflag:s23], $0x1400  }
0x2c2: {  	p0 =	seq.s32 s12, $0x0;
	[sflag:s23] =	ssyncset.done $0x0  }
0x2c3: {  	s7 =	simm.s32 @!p0 $0x5;
	[sflag:s23] =	ssyncadd.s32 $0xFFFFEC00  }
0x2c4: {  	_ =	swait.ge @!p0 [sflag:s7], $0x1400  }
0x2c5: {  	[sflag:s7] =	ssyncset.done @!p0 $0x0  }
0x2c6: {  	[sflag:s7] =	ssyncadd.s32 @!p0 $0xFFFFEC00  }
0x2c7: {  	s15 =	simm.s32 $0x1A480;
	v1 =	vld [tilespmem:s24+$0xFFFFFF80]  }
0x2c8: {  	v2 =	vld [tilespmem:s15+$0xFFFFFF80];
	_ =	sdelay $0x4  }
0x2c9: {  	v1 =	vadd.f32 v2, v1;
	_ =	sdelay $0x1  }
0x2ca: {  	v1 =	vmax.f32 v1, $0.0e+00  }
0x2cb: {  	v1 =	vadd.f32 $1.000000010e-07, v1;
	_ =	sdelay $0x1  }
0x2cc: {  	v2 =	vmul.f32 $1.442695020e+00, v1;
	_ =	sdelay $0x1  }
0x2cd: {  	(erf) = vpow2.f32 v2;
	_ =	sdelay $0x8  }
0x2ce: {  	v2 =	vpop (erf)  }
0x2cf: {  	s18 =	simm.s32 $0x1CC80;
	v1 =	vmul.f32 v2, v1  }
0x2d0: {  	[tilespmem:s18+$0xFFFFFF80] =	vst v2  }
0x2d1: {  	[tilespmem:s18+$0xFFFFFFC0] =	vst v1  }
0x2d2: {  	v1 =	vld [tilespmem:s15+$0xFFFFFF90]  }
0x2d3: {  	v2 =	vld [tilespmem:s24+$0xFFFFFF90];
	_ =	sdelay $0x4  }
0x2d4: {  	v1 =	vadd.f32 v1, v2;
	_ =	sdelay $0x1  }
0x2d5: {  	v1 =	vmax.f32 v1, $0.0e+00  }
0x2d6: {  	v1 =	vadd.f32 $1.000000010e-07, v1;
	_ =	sdelay $0x1  }
0x2d7: {  	v2 =	vmul.f32 $1.442695020e+00, v1;
	_ =	sdelay $0x1  }
0x2d8: {  	(erf) = vpow2.f32 v2;
	_ =	sdelay $0x8  }
0x2d9: {  	v2 =	vpop (erf)  }
0x2da: {  	v1 =	vmul.f32 v2, v1  }
0x2db: {  	[tilespmem:s18+$0xFFFFFF90] =	vst v2  }
0x2dc: {  	[tilespmem:s18+$0xFFFFFFD0] =	vst v1  }
0x2dd: {  	v1 =	vld [tilespmem:s24+$0xFFFFFFA0]  }
0x2de: {  	v2 =	vld [tilespmem:s15+$0xFFFFFFA0];
	_ =	sdelay $0x4  }
0x2df: {  	v1 =	vadd.f32 v2, v1;
	_ =	sdelay $0x1  }
0x2e0: {  	v1 =	vmax.f32 v1, $0.0e+00  }
0x2e1: {  	v1 =	vadd.f32 $1.000000010e-07, v1;
	_ =	sdelay $0x1  }
0x2e2: {  	v2 =	vmul.f32 $1.442695020e+00, v1;
	_ =	sdelay $0x1  }
0x2e3: {  	(erf) = vpow2.f32 v2;
	_ =	sdelay $0x8  }
0x2e4: {  	v2 =	vpop (erf)  }
0x2e5: {  	v1 =	vmul.f32 v2, v1  }
0x2e6: {  	[tilespmem:s18+$0xFFFFFFA0] =	vst v2  }
0x2e7: {  	[tilespmem:s18+$0xFFFFFFE0] =	vst v1  }
0x2e8: {  	v1 =	vld [tilespmem:s24+$0xFFFFFFB0]  }
0x2e9: {  	v2 =	vld [tilespmem:s15+$0xFFFFFFB0];
	_ =	sdelay $0x4  }
0x2ea: {  	v1 =	vadd.f32 v2, v1;
	_ =	sdelay $0x1  }
0x2eb: {  	v1 =	vmax.f32 v1, $0.0e+00  }
0x2ec: {  	v1 =	vadd.f32 $1.000000010e-07, v1;
	_ =	sdelay $0x1  }
0x2ed: {  	v2 =	vmul.f32 $1.442695020e+00, v1;
	_ =	sdelay $0x1  }
0x2ee: {  	(erf) = vpow2.f32 v2;
	_ =	sdelay $0x8  }
0x2ef: {  	v2 =	vpop (erf)  }
0x2f0: {  	v1 =	vmul.f32 v2, v1  }
0x2f1: {  	[tilespmem:s18+$0xFFFFFFB0] =	vst v2  }
0x2f2: {  	[tilespmem:s18+$0xFFFFFFF0] =	vst v1  }
0x2f3: {  	v1 =	vld [tilespmem:s24+$0x0]  }
0x2f4: {  	v2 =	vld [tilespmem:s15+$0x0];
	_ =	sdelay $0x4  }
0x2f5: {  	v1 =	vadd.f32 v2, v1;
	_ =	sdelay $0x1  }
0x2f6: {  	v1 =	vmax.f32 v1, $0.0e+00  }
0x2f7: {  	v1 =	vadd.f32 $1.000000010e-07, v1;
	_ =	sdelay $0x1  }
0x2f8: {  	v2 =	vmul.f32 $1.442695020e+00, v1;
	_ =	sdelay $0x1  }
0x2f9: {  	(erf) = vpow2.f32 v2;
	_ =	sdelay $0x8  }
0x2fa: {  	v2 =	vpop (erf)  }
0x2fb: {  	v1 =	vmul.f32 v2, v1  }
0x2fc: {  	[tilespmem:s18+$0x0] =	vst v2  }
0x2fd: {  	[tilespmem:s18+$0x40] =	vst v1  }
0x2fe: {  	v1 =	vld [tilespmem:s24+$0x10]  }
0x2ff: {  	v2 =	vld [tilespmem:s15+$0x10];
	_ =	sdelay $0x4  }
0x300: {  	v1 =	vadd.f32 v2, v1;
	_ =	sdelay $0x1  }
0x301: {  	v1 =	vmax.f32 v1, $0.0e+00  }
0x302: {  	v1 =	vadd.f32 $1.000000010e-07, v1;
	_ =	sdelay $0x1  }
0x303: {  	v2 =	vmul.f32 $1.442695020e+00, v1;
	_ =	sdelay $0x1  }
0x304: {  	(erf) = vpow2.f32 v2;
	_ =	sdelay $0x8  }
0x305: {  	v2 =	vpop (erf)  }
0x306: {  	v1 =	vmul.f32 v2, v1  }
0x307: {  	[tilespmem:s18+$0x10] =	vst v2  }
0x308: {  	[tilespmem:s18+$0x50] =	vst v1  }
0x309: {  	v1 =	vld [tilespmem:s24+$0x20]  }
0x30a: {  	v2 =	vld [tilespmem:s15+$0x20];
	_ =	sdelay $0x4  }
0x30b: {  	v1 =	vadd.f32 v2, v1;
	_ =	sdelay $0x1  }
0x30c: {  	v1 =	vmax.f32 v1, $0.0e+00  }
0x30d: {  	v1 =	vadd.f32 $1.000000010e-07, v1;
	_ =	sdelay $0x1  }
0x30e: {  	v2 =	vmul.f32 $1.442695020e+00, v1;
	_ =	sdelay $0x1  }
0x30f: {  	(erf) = vpow2.f32 v2;
	_ =	sdelay $0x8  }
0x310: {  	v2 =	vpop (erf)  }
0x311: {  	v1 =	vmul.f32 v2, v1  }
0x312: {  	[tilespmem:s18+$0x20] =	vst v2  }
0x313: {  	[tilespmem:s18+$0x60] =	vst v1  }
0x314: {  	v1 =	vld [tilespmem:s24+$0x30]  }
0x315: {  	v2 =	vld [tilespmem:s15+$0x30];
	_ =	sdelay $0x4  }
0x316: {  	v1 =	vadd.f32 v2, v1;
	_ =	sdelay $0x1  }
0x317: {  	v1 =	vmax.f32 v1, $0.0e+00  }
0x318: {  	v1 =	vadd.f32 $1.000000010e-07, v1;
	_ =	sdelay $0x1  }
0x319: {  	v2 =	vmul.f32 $1.442695020e+00, v1;
	_ =	sdelay $0x1  }
0x31a: {  	(erf) = vpow2.f32 v2;
	_ =	sdelay $0x2  }
0x31b: {  	s19 =	simm.s32 $0x1CC80  }
0x31c: {  	s2 =	sadd.s32 $0x1080, s31;
	s8 =	simm.s32 $0x0;
	s7 =	sadd.s32 $0x100, s24  }
.LBB2_12:
0x31d: {  	s8 =	sadd.s32 $0x2, s8;
	s15 =	sadd.s32 $0x100, s15;
	s18 =	sadd.s32 $0x100, s18  }
0x31e: {  	p1 =	slt.u32 s8, $0x26;
	_ =	sdelay $0x2  }
0x31f: {  	v2 =	vpop (erf)  }
0x320: {  	[tilespmem:s19+$0x30] =	vst v2;
	v1 =	vmul.f32 v2, v1;
	_ =	sdelay $0x1  }
0x321: {  	[tilespmem:s19+$0x70] =	vst v1;
	s19 =	smov.u32 s18  }
0x322: {  	v1 =	vld [tilespmem:s7+$0xFFFFFF80]  }
0x323: {  	v2 =	vld [tilespmem:s15+$0xFFFFFF80];
	_ =	sdelay $0x4  }
0x324: {  	v1 =	vadd.f32 v2, v1;
	_ =	sdelay $0x1  }
0x325: {  	v1 =	vmax.f32 v1, $0.0e+00  }
0x326: {  	v1 =	vadd.f32 $1.000000010e-07, v1;
	_ =	sdelay $0x1  }
0x327: {  	v2 =	vmul.f32 $1.442695020e+00, v1;
	_ =	sdelay $0x1  }
0x328: {  	(erf) = vpow2.f32 v2;
	_ =	sdelay $0x8  }
0x329: {  	v2 =	vpop (erf)  }
0x32a: {  	v1 =	vmul.f32 v2, v1  }
0x32b: {  	[tilespmem:s18+$0xFFFFFF80] =	vst v2  }
0x32c: {  	[tilespmem:s18+$0xFFFFFFC0] =	vst v1  }
0x32d: {  	v1 =	vld [tilespmem:s15+$0xFFFFFF90]  }
0x32e: {  	v2 =	vld [tilespmem:s7+$0xFFFFFF90];
	_ =	sdelay $0x4  }
0x32f: {  	v1 =	vadd.f32 v1, v2;
	_ =	sdelay $0x1  }
0x330: {  	v1 =	vmax.f32 v1, $0.0e+00  }
0x331: {  	v1 =	vadd.f32 $1.000000010e-07, v1;
	_ =	sdelay $0x1  }
0x332: {  	v2 =	vmul.f32 $1.442695020e+00, v1;
	_ =	sdelay $0x1  }
0x333: {  	(erf) = vpow2.f32 v2;
	_ =	sdelay $0x8  }
0x334: {  	v2 =	vpop (erf)  }
0x335: {  	v1 =	vmul.f32 v2, v1  }
0x336: {  	[tilespmem:s18+$0xFFFFFF90] =	vst v2  }
0x337: {  	[tilespmem:s18+$0xFFFFFFD0] =	vst v1  }
0x338: {  	v1 =	vld [tilespmem:s7+$0xFFFFFFA0]  }
0x339: {  	v2 =	vld [tilespmem:s15+$0xFFFFFFA0];
	_ =	sdelay $0x4  }
0x33a: {  	v1 =	vadd.f32 v2, v1;
	_ =	sdelay $0x1  }
0x33b: {  	v1 =	vmax.f32 v1, $0.0e+00  }
0x33c: {  	v1 =	vadd.f32 $1.000000010e-07, v1;
	_ =	sdelay $0x1  }
0x33d: {  	v2 =	vmul.f32 $1.442695020e+00, v1;
	_ =	sdelay $0x1  }
0x33e: {  	(erf) = vpow2.f32 v2;
	_ =	sdelay $0x8  }
0x33f: {  	v2 =	vpop (erf)  }
0x340: {  	[tilespmem:s18+$0xFFFFFFA0] =	vst v2;
	v1 =	vmul.f32 v2, v1;
	_ =	sdelay $0x1  }
0x341: {  	[tilespmem:s18+$0xFFFFFFE0] =	vst v1  }
0x342: {  	v1 =	vld [tilespmem:s7+$0xFFFFFFB0]  }
0x343: {  	v2 =	vld [tilespmem:s15+$0xFFFFFFB0];
	_ =	sdelay $0x4  }
0x344: {  	v1 =	vadd.f32 v2, v1;
	_ =	sdelay $0x1  }
0x345: {  	v1 =	vmax.f32 v1, $0.0e+00  }
0x346: {  	v1 =	vadd.f32 $1.000000010e-07, v1;
	_ =	sdelay $0x1  }
0x347: {  	v2 =	vmul.f32 $1.442695020e+00, v1;
	_ =	sdelay $0x1  }
0x348: {  	(erf) = vpow2.f32 v2;
	_ =	sdelay $0x8  }
0x349: {  	v2 =	vpop (erf)  }
0x34a: {  	[tilespmem:s18+$0xFFFFFFB0] =	vst v2;
	v1 =	vmul.f32 v2, v1;
	_ =	sdelay $0x1  }
0x34b: {  	[tilespmem:s18+$0xFFFFFFF0] =	vst v1  }
0x34c: {  	v1 =	vld [tilespmem:s7+$0x0]  }
0x34d: {  	v2 =	vld [tilespmem:s15+$0x0];
	_ =	sdelay $0x4  }
0x34e: {  	v1 =	vadd.f32 v2, v1;
	_ =	sdelay $0x1  }
0x34f: {  	v1 =	vmax.f32 v1, $0.0e+00  }
0x350: {  	v1 =	vadd.f32 $1.000000010e-07, v1;
	_ =	sdelay $0x1  }
0x351: {  	v2 =	vmul.f32 $1.442695020e+00, v1;
	_ =	sdelay $0x1  }
0x352: {  	(erf) = vpow2.f32 v2;
	_ =	sdelay $0x8  }
0x353: {  	v2 =	vpop (erf)  }
0x354: {  	[tilespmem:s18+$0x0] =	vst v2;
	v1 =	vmul.f32 v2, v1;
	_ =	sdelay $0x1  }
0x355: {  	[tilespmem:s18+$0x40] =	vst v1  }
0x356: {  	v1 =	vld [tilespmem:s7+$0x10]  }
0x357: {  	v2 =	vld [tilespmem:s15+$0x10];
	_ =	sdelay $0x4  }
0x358: {  	v1 =	vadd.f32 v2, v1;
	_ =	sdelay $0x1  }
0x359: {  	v1 =	vmax.f32 v1, $0.0e+00  }
0x35a: {  	v1 =	vadd.f32 $1.000000010e-07, v1;
	_ =	sdelay $0x1  }
0x35b: {  	v2 =	vmul.f32 $1.442695020e+00, v1;
	_ =	sdelay $0x1  }
0x35c: {  	(erf) = vpow2.f32 v2;
	_ =	sdelay $0x8  }
0x35d: {  	v2 =	vpop (erf)  }
0x35e: {  	[tilespmem:s18+$0x10] =	vst v2;
	v1 =	vmul.f32 v2, v1;
	_ =	sdelay $0x1  }
0x35f: {  	[tilespmem:s18+$0x50] =	vst v1  }
0x360: {  	v1 =	vld [tilespmem:s7+$0x20]  }
0x361: {  	v2 =	vld [tilespmem:s15+$0x20];
	_ =	sdelay $0x4  }
0x362: {  	v1 =	vadd.f32 v2, v1;
	_ =	sdelay $0x1  }
0x363: {  	v1 =	vmax.f32 v1, $0.0e+00  }
0x364: {  	v1 =	vadd.f32 $1.000000010e-07, v1;
	_ =	sdelay $0x1  }
0x365: {  	v2 =	vmul.f32 $1.442695020e+00, v1;
	_ =	sdelay $0x1  }
0x366: {  	(erf) = vpow2.f32 v2;
	_ =	sdelay $0x8  }
0x367: {  	v2 =	vpop (erf)  }
0x368: {  	[tilespmem:s18+$0x20] =	vst v2;
	v1 =	vmul.f32 v2, v1;
	_ =	sdelay $0x1  }
0x369: {  	[tilespmem:s18+$0x60] =	vst v1  }
0x36a: {  	v1 =	vld [tilespmem:s7+$0x30]  }
0x36b: {  	v2 =	vld [tilespmem:s15+$0x30];
	_ =	sdelay $0x4  }
0x36c: {  	v1 =	vadd.f32 v2, v1;
	_ =	sdelay $0x1  }
0x36d: {  	v1 =	vmax.f32 v1, $0.0e+00  }
0x36e: {  	v1 =	vadd.f32 $1.000000010e-07, v1;
	_ =	sdelay $0x1  }
0x36f: {  	v2 =	vmul.f32 $1.442695020e+00, v1;
	_ =	sdelay $0x1  }
.Ltmp4:
0x370: {  	(erf) = vpow2.f32 v2;
	(pc) =	sbr.rel @p1 .LBB2_12-.Ltmp4, $2  }
0x371: {  	_ =	sdelay $0x2  }
0x372: {  	s7 =	sadd.s32 $0x100, s7  }
0x373: {  	_ =	sdelay $0x3  }
0x374: {  	v2 =	vpop (erf)  }
0x375: {  	s7 =	sshll.u32 s12, $0xA;
	v1 =	vmul.f32 v2, v1  }
0x376: {  	s8 =	sshrl.u32 s7, $0x2;
	[tilespmem:s19+$0x30] =	vst v2  }
0x377: {  	p1 =	seq.s32 s12, $0xF;
	s8 =	sadd.s32 $0x16C00, s8;
	[tilespmem:s19+$0x70] =	vst v1  }
0x378: {  	[spmem:s4] =	stream.indirect.scatter.add.f32 [tilespmem:s11], [sflag:$0x5], $0x80, s8, s17, $0xb8;
	[tilespmem:$0x1F400] =	vst v63  }
0x379: {  	s7 =	sshrl.u32 @!p1 s7, $0x2;
	s15 =	simm.s32 @!p1 $0x17C00;
	s8 =	smin.u32 @!p1 s10, $0x1F3D  }
0x37a: {  	s7 =	sadd.s32 @!p1 $0x14D00, s7;
	s10 =	simm.s32 @!p1 $0x28;
	s8 =	smul.u32 @!p1 $0x28, s8  }
0x37b: {  	[tilespmem:s15], [sflag:$0x3] =	stream.indirect.gather @!p1 [hbm4b:s1+s10], $0x80, s7, s10, $0xb8;
	[tilespmem:$0x1F400] =	vst v63  }
0x37c: {  	s7 =	sadd.s32 @!p1 s8, s9  }
0x37d: {  	s7 =	sshll.u32 @!p1 s7, $0x4  }
0x37e: {  	s10 =	simm.s32 @!p1 $0x1A400;
	s8 =	simm.s32 @!p1 $0x0;
	s7 =	sadd.s32 @!p1 s6, s7  }
0x37f: {  	[tilespmem:s10], [sflag:$0x3] =	stream.linear.gather @!p1 [hbm4b:s7+s8], $0x1400, $0x38;
	[tilespmem:$0x1F400] =	vst v63  }
0x380: {  	_ =	swait.ge [sflag:s26], $0x1400  }
0x381: {  	[sflag:s26] =	ssyncset.done $0x0  }
0x382: {  	[sflag:s26] =	ssyncadd.s32 $0xFFFFEC00  }
0x383: {  	_ =	swait.ge [sflag:s26], $0x1400  }
0x384: {  	[sflag:s26] =	ssyncset.done $0x0  }
0x385: {  	s7 =	simm.s32 @!p0 $0x6;
	[sflag:s26] =	ssyncadd.s32 $0xFFFFEC00  }
0x386: {  	_ =	swait.ge @!p0 [sflag:s7], $0x1400  }
0x387: {  	[sflag:s7] =	ssyncset.done @!p0 $0x0  }
0x388: {  	[sflag:s7] =	ssyncadd.s32 @!p0 $0xFFFFEC00  }
0x389: {  	s31 =	simm.s32 $0x1B8B0;
	v1 =	vld [tilespmem:s25+$0xFFFFFF50]  }
0x38a: {  	v2 =	vld [tilespmem:s31+$0xFFFFFF50];
	_ =	sdelay $0x4  }
0x38b: {  	v1 =	vadd.f32 v2, v1;
	_ =	sdelay $0x1  }
0x38c: {  	v1 =	vmax.f32 v1, $0.0e+00  }
0x38d: {  	v1 =	vadd.f32 $1.000000010e-07, v1;
	_ =	sdelay $0x1  }
0x38e: {  	v2 =	vmul.f32 $1.442695020e+00, v1;
	_ =	sdelay $0x1  }
0x38f: {  	(erf) = vpow2.f32 v2;
	_ =	sdelay $0x8  }
0x390: {  	v2 =	vpop (erf)  }
0x391: {  	s10 =	simm.s32 $0x1E0F0;
	v1 =	vmul.f32 v2, v1  }
0x392: {  	[tilespmem:s10+$0xFFFFFF10] =	vst v2  }
0x393: {  	[tilespmem:s10+$0xFFFFFF50] =	vst v1  }
0x394: {  	v1 =	vld [tilespmem:s31+$0xFFFFFF60]  }
0x395: {  	v2 =	vld [tilespmem:s25+$0xFFFFFF60];
	_ =	sdelay $0x4  }
0x396: {  	v1 =	vadd.f32 v1, v2;
	_ =	sdelay $0x1  }
0x397: {  	v1 =	vmax.f32 v1, $0.0e+00  }
0x398: {  	v1 =	vadd.f32 $1.000000010e-07, v1;
	_ =	sdelay $0x1  }
0x399: {  	v2 =	vmul.f32 $1.442695020e+00, v1;
	_ =	sdelay $0x1  }
0x39a: {  	(erf) = vpow2.f32 v2;
	_ =	sdelay $0x8  }
0x39b: {  	v2 =	vpop (erf)  }
0x39c: {  	v1 =	vmul.f32 v2, v1  }
0x39d: {  	[tilespmem:s10+$0xFFFFFF20] =	vst v2  }
0x39e: {  	[tilespmem:s10+$0xFFFFFF60] =	vst v1  }
0x39f: {  	v1 =	vld [tilespmem:s25+$0xFFFFFF70]  }
0x3a0: {  	v2 =	vld [tilespmem:s31+$0xFFFFFF70];
	_ =	sdelay $0x4  }
0x3a1: {  	v1 =	vadd.f32 v2, v1;
	_ =	sdelay $0x1  }
0x3a2: {  	v1 =	vmax.f32 v1, $0.0e+00  }
0x3a3: {  	v1 =	vadd.f32 $1.000000010e-07, v1;
	_ =	sdelay $0x1  }
0x3a4: {  	v2 =	vmul.f32 $1.442695020e+00, v1;
	_ =	sdelay $0x1  }
0x3a5: {  	(erf) = vpow2.f32 v2;
	_ =	sdelay $0x8  }
0x3a6: {  	v2 =	vpop (erf)  }
0x3a7: {  	v1 =	vmul.f32 v2, v1  }
0x3a8: {  	[tilespmem:s10+$0xFFFFFF30] =	vst v2  }
0x3a9: {  	[tilespmem:s10+$0xFFFFFF70] =	vst v1  }
0x3aa: {  	v1 =	vld [tilespmem:s25+$0xFFFFFF80]  }
0x3ab: {  	v2 =	vld [tilespmem:s31+$0xFFFFFF80];
	_ =	sdelay $0x4  }
0x3ac: {  	v1 =	vadd.f32 v2, v1;
	_ =	sdelay $0x1  }
0x3ad: {  	v1 =	vmax.f32 v1, $0.0e+00  }
0x3ae: {  	v1 =	vadd.f32 $1.000000010e-07, v1;
	_ =	sdelay $0x1  }
0x3af: {  	v2 =	vmul.f32 $1.442695020e+00, v1;
	_ =	sdelay $0x1  }
0x3b0: {  	(erf) = vpow2.f32 v2;
	_ =	sdelay $0x8  }
0x3b1: {  	v2 =	vpop (erf)  }
0x3b2: {  	v1 =	vmul.f32 v2, v1  }
0x3b3: {  	[tilespmem:s10+$0xFFFFFF40] =	vst v2  }
0x3b4: {  	[tilespmem:s10+$0xFFFFFF80] =	vst v1  }
0x3b5: {  	v1 =	vld [tilespmem:s25+$0xFFFFFFD0]  }
0x3b6: {  	v2 =	vld [tilespmem:s31+$0xFFFFFFD0];
	_ =	sdelay $0x4  }
0x3b7: {  	v1 =	vadd.f32 v2, v1;
	_ =	sdelay $0x1  }
0x3b8: {  	v1 =	vmax.f32 v1, $0.0e+00  }
0x3b9: {  	v1 =	vadd.f32 $1.000000010e-07, v1;
	_ =	sdelay $0x1  }
0x3ba: {  	v2 =	vmul.f32 $1.442695020e+00, v1;
	_ =	sdelay $0x1  }
0x3bb: {  	(erf) = vpow2.f32 v2;
	_ =	sdelay $0x8  }
0x3bc: {  	v2 =	vpop (erf)  }
0x3bd: {  	v1 =	vmul.f32 v2, v1  }
0x3be: {  	[tilespmem:s10+$0xFFFFFF90] =	vst v2  }
0x3bf: {  	[tilespmem:s10+$0xFFFFFFD0] =	vst v1  }
0x3c0: {  	v1 =	vld [tilespmem:s25+$0xFFFFFFE0]  }
0x3c1: {  	v2 =	vld [tilespmem:s31+$0xFFFFFFE0];
	_ =	sdelay $0x4  }
0x3c2: {  	v1 =	vadd.f32 v2, v1;
	_ =	sdelay $0x1  }
0x3c3: {  	v1 =	vmax.f32 v1, $0.0e+00  }
0x3c4: {  	v1 =	vadd.f32 $1.000000010e-07, v1;
	_ =	sdelay $0x1  }
0x3c5: {  	v2 =	vmul.f32 $1.442695020e+00, v1;
	_ =	sdelay $0x1  }
0x3c6: {  	(erf) = vpow2.f32 v2;
	_ =	sdelay $0x8  }
0x3c7: {  	v2 =	vpop (erf)  }
0x3c8: {  	v1 =	vmul.f32 v2, v1  }
0x3c9: {  	[tilespmem:s10+$0xFFFFFFA0] =	vst v2  }
0x3ca: {  	[tilespmem:s10+$0xFFFFFFE0] =	vst v1  }
0x3cb: {  	v1 =	vld [tilespmem:s25+$0xFFFFFFF0]  }
0x3cc: {  	v2 =	vld [tilespmem:s31+$0xFFFFFFF0];
	_ =	sdelay $0x4  }
0x3cd: {  	v1 =	vadd.f32 v2, v1;
	_ =	sdelay $0x1  }
0x3ce: {  	v1 =	vmax.f32 v1, $0.0e+00  }
0x3cf: {  	v1 =	vadd.f32 $1.000000010e-07, v1;
	_ =	sdelay $0x1  }
0x3d0: {  	v2 =	vmul.f32 $1.442695020e+00, v1;
	_ =	sdelay $0x1  }
0x3d1: {  	(erf) = vpow2.f32 v2;
	_ =	sdelay $0x8  }
0x3d2: {  	v2 =	vpop (erf)  }
0x3d3: {  	v1 =	vmul.f32 v2, v1  }
0x3d4: {  	[tilespmem:s10+$0xFFFFFFB0] =	vst v2  }
0x3d5: {  	[tilespmem:s10+$0xFFFFFFF0] =	vst v1  }
0x3d6: {  	v1 =	vld [tilespmem:s25+$0x0]  }
0x3d7: {  	v2 =	vld [tilespmem:s31+$0x0];
	_ =	sdelay $0x4  }
0x3d8: {  	v1 =	vadd.f32 v2, v1;
	_ =	sdelay $0x1  }
0x3d9: {  	v1 =	vmax.f32 v1, $0.0e+00  }
0x3da: {  	v1 =	vadd.f32 $1.000000010e-07, v1;
	_ =	sdelay $0x1  }
0x3db: {  	v2 =	vmul.f32 $1.442695020e+00, v1;
	_ =	sdelay $0x1  }
0x3dc: {  	(erf) = vpow2.f32 v2;
	_ =	sdelay $0x2  }
0x3dd: {  	s12 =	sadd.s32 $0x1, s12;
	s18 =	simm.s32 $0x1E0F0  }
0x3de: {  	s15 =	simm.s32 $0x0;
	s8 =	simm.s32 $0x1B9B0;
	s7 =	smov.u32 s25  }
.LBB2_14:
0x3df: {  	s15 =	sadd.s32 $0x2, s15;
	s7 =	sadd.s32 $0x100, s7;
	s10 =	sadd.s32 $0x100, s10  }
0x3e0: {  	p0 =	slt.u32 s15, $0x26;
	_ =	sdelay $0x2  }
0x3e1: {  	v2 =	vpop (erf)  }
0x3e2: {  	[tilespmem:s18+$0xFFFFFFC0] =	vst v2;
	v1 =	vmul.f32 v2, v1;
	_ =	sdelay $0x1  }
0x3e3: {  	[tilespmem:s18+$0x0] =	vst v1;
	s18 =	smov.u32 s10  }
0x3e4: {  	v1 =	vld [tilespmem:s7+$0xFFFFFF50]  }
0x3e5: {  	v2 =	vld [tilespmem:s8+$0xFFFFFF50];
	_ =	sdelay $0x4  }
0x3e6: {  	v1 =	vadd.f32 v2, v1;
	_ =	sdelay $0x1  }
0x3e7: {  	v1 =	vmax.f32 v1, $0.0e+00  }
0x3e8: {  	v1 =	vadd.f32 $1.000000010e-07, v1;
	_ =	sdelay $0x1  }
0x3e9: {  	v2 =	vmul.f32 $1.442695020e+00, v1;
	_ =	sdelay $0x1  }
0x3ea: {  	(erf) = vpow2.f32 v2;
	_ =	sdelay $0x8  }
0x3eb: {  	v2 =	vpop (erf)  }
0x3ec: {  	v1 =	vmul.f32 v2, v1  }
0x3ed: {  	[tilespmem:s10+$0xFFFFFF10] =	vst v2  }
0x3ee: {  	[tilespmem:s10+$0xFFFFFF50] =	vst v1  }
0x3ef: {  	v1 =	vld [tilespmem:s8+$0xFFFFFF60]  }
0x3f0: {  	v2 =	vld [tilespmem:s7+$0xFFFFFF60];
	_ =	sdelay $0x4  }
0x3f1: {  	v1 =	vadd.f32 v1, v2;
	_ =	sdelay $0x1  }
0x3f2: {  	v1 =	vmax.f32 v1, $0.0e+00  }
0x3f3: {  	v1 =	vadd.f32 $1.000000010e-07, v1;
	_ =	sdelay $0x1  }
0x3f4: {  	v2 =	vmul.f32 $1.442695020e+00, v1;
	_ =	sdelay $0x1  }
0x3f5: {  	(erf) = vpow2.f32 v2;
	_ =	sdelay $0x8  }
0x3f6: {  	v2 =	vpop (erf)  }
0x3f7: {  	v1 =	vmul.f32 v2, v1  }
0x3f8: {  	[tilespmem:s10+$0xFFFFFF20] =	vst v2  }
0x3f9: {  	[tilespmem:s10+$0xFFFFFF60] =	vst v1  }
0x3fa: {  	v1 =	vld [tilespmem:s7+$0xFFFFFF70]  }
0x3fb: {  	v2 =	vld [tilespmem:s8+$0xFFFFFF70];
	_ =	sdelay $0x4  }
0x3fc: {  	v1 =	vadd.f32 v2, v1;
	_ =	sdelay $0x1  }
0x3fd: {  	v1 =	vmax.f32 v1, $0.0e+00  }
0x3fe: {  	v1 =	vadd.f32 $1.000000010e-07, v1;
	_ =	sdelay $0x1  }
0x3ff: {  	v2 =	vmul.f32 $1.442695020e+00, v1;
	_ =	sdelay $0x1  }
0x400: {  	(erf) = vpow2.f32 v2;
	_ =	sdelay $0x8  }
0x401: {  	v2 =	vpop (erf)  }
0x402: {  	[tilespmem:s10+$0xFFFFFF30] =	vst v2;
	v1 =	vmul.f32 v2, v1;
	_ =	sdelay $0x1  }
0x403: {  	[tilespmem:s10+$0xFFFFFF70] =	vst v1  }
0x404: {  	v1 =	vld [tilespmem:s7+$0xFFFFFF80]  }
0x405: {  	v2 =	vld [tilespmem:s8+$0xFFFFFF80];
	_ =	sdelay $0x4  }
0x406: {  	v1 =	vadd.f32 v2, v1;
	_ =	sdelay $0x1  }
0x407: {  	v1 =	vmax.f32 v1, $0.0e+00  }
0x408: {  	v1 =	vadd.f32 $1.000000010e-07, v1;
	_ =	sdelay $0x1  }
0x409: {  	v2 =	vmul.f32 $1.442695020e+00, v1;
	_ =	sdelay $0x1  }
0x40a: {  	(erf) = vpow2.f32 v2;
	_ =	sdelay $0x8  }
0x40b: {  	v2 =	vpop (erf)  }
0x40c: {  	[tilespmem:s10+$0xFFFFFF40] =	vst v2;
	v1 =	vmul.f32 v2, v1;
	_ =	sdelay $0x1  }
0x40d: {  	[tilespmem:s10+$0xFFFFFF80] =	vst v1  }
0x40e: {  	v1 =	vld [tilespmem:s7+$0xFFFFFFD0]  }
0x40f: {  	v2 =	vld [tilespmem:s8+$0xFFFFFFD0];
	_ =	sdelay $0x4  }
0x410: {  	v1 =	vadd.f32 v2, v1;
	_ =	sdelay $0x1  }
0x411: {  	v1 =	vmax.f32 v1, $0.0e+00  }
0x412: {  	v1 =	vadd.f32 $1.000000010e-07, v1;
	_ =	sdelay $0x1  }
0x413: {  	v2 =	vmul.f32 $1.442695020e+00, v1;
	_ =	sdelay $0x1  }
0x414: {  	(erf) = vpow2.f32 v2;
	_ =	sdelay $0x8  }
0x415: {  	v2 =	vpop (erf)  }
0x416: {  	[tilespmem:s10+$0xFFFFFF90] =	vst v2;
	v1 =	vmul.f32 v2, v1;
	_ =	sdelay $0x1  }
0x417: {  	[tilespmem:s10+$0xFFFFFFD0] =	vst v1  }
0x418: {  	v1 =	vld [tilespmem:s7+$0xFFFFFFE0]  }
0x419: {  	v2 =	vld [tilespmem:s8+$0xFFFFFFE0];
	_ =	sdelay $0x4  }
0x41a: {  	v1 =	vadd.f32 v2, v1;
	_ =	sdelay $0x1  }
0x41b: {  	v1 =	vmax.f32 v1, $0.0e+00  }
0x41c: {  	v1 =	vadd.f32 $1.000000010e-07, v1;
	_ =	sdelay $0x1  }
0x41d: {  	v2 =	vmul.f32 $1.442695020e+00, v1;
	_ =	sdelay $0x1  }
0x41e: {  	(erf) = vpow2.f32 v2;
	_ =	sdelay $0x8  }
0x41f: {  	v2 =	vpop (erf)  }
0x420: {  	[tilespmem:s10+$0xFFFFFFA0] =	vst v2;
	v1 =	vmul.f32 v2, v1;
	_ =	sdelay $0x1  }
0x421: {  	[tilespmem:s10+$0xFFFFFFE0] =	vst v1  }
0x422: {  	v1 =	vld [tilespmem:s7+$0xFFFFFFF0]  }
0x423: {  	v2 =	vld [tilespmem:s8+$0xFFFFFFF0];
	_ =	sdelay $0x4  }
0x424: {  	v1 =	vadd.f32 v2, v1;
	_ =	sdelay $0x1  }
0x425: {  	v1 =	vmax.f32 v1, $0.0e+00  }
0x426: {  	v1 =	vadd.f32 $1.000000010e-07, v1;
	_ =	sdelay $0x1  }
0x427: {  	v2 =	vmul.f32 $1.442695020e+00, v1;
	_ =	sdelay $0x1  }
0x428: {  	(erf) = vpow2.f32 v2;
	_ =	sdelay $0x8  }
0x429: {  	v2 =	vpop (erf)  }
0x42a: {  	[tilespmem:s10+$0xFFFFFFB0] =	vst v2;
	v1 =	vmul.f32 v2, v1;
	_ =	sdelay $0x1  }
0x42b: {  	[tilespmem:s10+$0xFFFFFFF0] =	vst v1  }
0x42c: {  	v1 =	vld [tilespmem:s7+$0x0]  }
0x42d: {  	v2 =	vld [tilespmem:s8+$0x0];
	_ =	sdelay $0x4  }
0x42e: {  	v1 =	vadd.f32 v2, v1;
	_ =	sdelay $0x1  }
0x42f: {  	v1 =	vmax.f32 v1, $0.0e+00  }
0x430: {  	v1 =	vadd.f32 $1.000000010e-07, v1;
	_ =	sdelay $0x1  }
0x431: {  	v2 =	vmul.f32 $1.442695020e+00, v1;
	_ =	sdelay $0x1  }
.Ltmp5:
0x432: {  	(erf) = vpow2.f32 v2;
	(pc) =	sbr.rel @p0 .LBB2_14-.Ltmp5, $2  }
0x433: {  	_ =	sdelay $0x2  }
0x434: {  	s8 =	sadd.s32 $0x100, s8  }
0x435: {  	_ =	sdelay $0x2  }
0x436: {  	p0 =	sne.s32 s12, $0x10  }
.Ltmp6:
0x437: {  	v2 =	vpop (erf);
	(pc) =	sbr.rel @p0 .LBB2_11-.Ltmp6, $4  }
0x438: {  	v1 =	vmul.f32 v2, v1  }
0x439: {  	[tilespmem:s18+$0xFFFFFFC0] =	vst v2  }
0x43a: {  	s2 =	sadd.s32 $0x15C00, s2;
	[tilespmem:s18+$0x0] =	vst v1  }
0x43b: {  	[spmem:s4] =	stream.indirect.scatter.add.f32 [tilespmem:s28], [sflag:$0x6], $0x80, s2, s17, $0xb8;
	[tilespmem:$0x1F400] =	vst v63  }
0x43c: {  	s16 =	sadd.s32 $0x1, s16  }
0x43d: {  	_ =	swait.ge [sflag:s29], $0x1400;
	p0 =	sne.s32 s16, $0x8  }
.Ltmp7:
0x43e: {  	[sflag:s29] =	ssyncset.done $0x0;
	(pc) =	sbr.rel @p0 .LBB2_4-.Ltmp7, $4  }
0x43f: {  	[sflag:s29] =	ssyncadd.s32 $0xFFFFEC00  }
0x440: {  	_ =	swait.ge [sflag:s0], $0x1400  }
0x441: {  	[sflag:s0] =	ssyncset.done $0x0  }
0x442: {  	[sflag:s0] =	ssyncadd.s32 $0xFFFFEC00  }
0x443: {  	s2 =	stileid.u32;
	[bflag:$0x0] =	sbarrier.arrive $0xFFFF  }
0x444: {  	s2 =	sshll.u32 s2, $0x6;
	s12 =	rddreg [dreg:$0x6]  }
0x445: {  	s8 =	rddreg [dreg:$0x13];
	s2 =	sor.u32 $0x1C07, s2;
	s7 =	sshrl.u32 s12, $0x3  }
0x446: {  	[hbm:s8], [sflag:s2] =	dma.local [spmem:s7], $0x2780  }
0x447: {  	s8 =	simm.s32 $0x7  }
0x448: {  	_ =	swait.ge [sflag:s8], $0x2780  }
0x449: {  	s19 =	rddreg [dreg:$0x1d]  }
0x44a: {  	s31 =	rddreg [dreg:$0x14];
	s7 =	sadd.s32 $0x1, s19  }
0x44b: {  	p0 =	sne.s32 s7, s31  }
.Ltmp8:
0x44c: {  	_ = 	snop;
	(pc) =	sbr.rel @p0 .LBB2_1-.Ltmp8, $3  }
0x44d: {  	_ =	sdelay $0x1  }
0x44e: {  	[sflag:s8] =	ssyncset.done $0x0  }
0x44f: {  	[sflag:s8] =	ssyncadd.s32 $0xFFFFD880  }
0x450: {  	_ =	sfence.sel $0x180000  }
0x451: {  	[bflag:$0x0] =	sbarrier.arrive $0xFFFF  }
0x452: {  	_ =	strace $0x90000047  }
0x453: {  	s0 =	stileid.u32;
	[bflag:$0x2] =	sbarrier.arrive $0xFFFF  }
0x454: {  	p0 =	sne.s32 s0, $0x0;
	s0 =	rddreg [dreg:$0x4]  }
0x455: {  	s0 =	sadd.s32 @!p0 $0x100000, s0  }
0x456: {  	[sflag:s0] =	ssyncadd.tile.s32 @!p0 $0x1;
	_ =	shalt  }
.Lfunc_end2:
_tile_overlayer_lowered:
.L_overlay_start_2:
0x457: {  	(tag) =	ssettag $0x2  }
0x458: {  	s0 =	rddreg [dreg:$0x0];
	s2 =	stileid.u32  }
0x459: {  	s1 =	rddreg [dreg:$0x1];
	p0 =	sne.s32 s2, $0x0  }
0x45a: {  	s3 =	rddreg [dreg:$0x2];
	[bflag:$0x3] =	sbarrier.arrive $0xFFFF;
	s2 =	simm.s32 @!p0 $0x1C07  }
0x45b: {  	[timem:s3], [sflag:s2] =	dma.local @!p0 [hbm:s0], s1  }
0x45c: {  	s0 =	simm.s32 @!p0 $0x7  }
0x45d: {  	_ =	swait.ge @!p0 [sflag:s0], s1  }
0x45e: {  	s1 =	ssub.s32 @!p0 $0x0, s1;
	[sflag:s0] =	ssyncset.done @!p0 $0x0  }
0x45f: {  	[sflag:s0] =	ssyncadd.s32 @!p0 s1  }
0x460: {  	[bflag:$0x3] =	sbarrier.arrive $0xFFFF  }
0x461: {  	_ =	shalt  }

</sc_bundles>
